<compile_context>
chip_gen: v7x
topology: tpu7x:2x2x1
jax: 0.10.2.dev20260603
libtpu: 0.0.44.dev20260713+nightly
codegen_flags: <defaults>
</compile_context>

<pallas_src>
import jax
import jax.numpy as jnp
from jax import lax
from jax.experimental import pallas as pl
from jax.experimental.pallas import tpu as pltpu
from jax.experimental.pallas import tpu_sc as plsc

DIM = 32
L = 16
NC = 2
NS = 16
NW = NC * NS

NUM_EMB = 1000000
N_TC = NUM_EMB // 128
TC_PER_W = N_TC // NW + 1
PACKED_ROWS = NUM_EMB // 8
TAIL_BASE = N_TC * 128

N_ROWS = 4096
N_COLS = 200
ROWS_PER_W = N_ROWS // NW
R = 8
N_CHUNKS = ROWS_PER_W // R
CR = R * N_COLS


def _cast_body(wt_hbm, tail_hbm, out_hbm, t_v, o_v, isem, osem):
    wid = lax.axis_index("s") * NC + lax.axis_index("c")

    lanes = lax.iota(jnp.int32, L)
    row_half = lanes // 8
    col_base = (lanes % 8) * L
    colvs = [col_base + k for k in range(L)]

    def tcg(t):
        return t * NW + wid

    def fire(t):
        p = t % 2

        @pl.when(tcg(t) < N_TC)
        def _():
            col0 = pl.multiple_of(tcg(t) * 128, 128)
            pltpu.async_copy(
                wt_hbm.at[:, pl.ds(col0, 128)], t_v.at[p], isem.at[p]
            )

    def wait_in(t):
        p = t % 2

        @pl.when(tcg(t) < N_TC)
        def _():
            pltpu.make_async_copy(
                wt_hbm.at[:, pl.ds(0, 128)], t_v.at[p], isem.at[p]
            ).wait()

    def convert(t):
        p = t % 2
        ov = o_v.at[p]

        def lgbody(lg, _):
            c0 = pl.multiple_of(lg * L, L)
            rowv = row_half + 2 * lg
            for k in range(L):
                a = t_v[p, 2 * k, pl.ds(c0, L)]
                b = t_v[p, 2 * k + 1, pl.ds(c0, L)]
                pk = plsc.pack(a, b, format=plsc.PackFormat.INTERLEAVED)
                plsc.store_scatter(
                    ov, [rowv, colvs[k]], plsc.bitcast(pk, jnp.int32)
                )
            return 0

        lax.fori_loop(0, 8, lgbody, 0)

    def out_copy(t):
        p = t % 2
        row0 = pl.multiple_of(tcg(t) * 16, 8)
        return pltpu.make_async_copy(
            o_v.at[p], out_hbm.at[pl.ds(row0, 16)], osem.at[p]
        )

    def step(t, _):
        fire(t + 1)
        wait_in(t)

        @pl.when(tcg(t) >= 2 * NW)
        def _():
            out_copy(t - 2).wait()

        @pl.when(tcg(t) < N_TC)
        def _():
            convert(t)
            out_copy(t).start()

        return 0

    fire(0)
    lax.fori_loop(0, TC_PER_W, step, 0)

    @pl.when(tcg(TC_PER_W - 2) < N_TC)
    def _():
        out_copy(TC_PER_W - 2).wait()

    @pl.when(tcg(TC_PER_W - 1) < N_TC)
    def _():
        out_copy(TC_PER_W - 1).wait()

    @pl.when(wid == 4)
    def _():
        pltpu.sync_copy(tail_hbm, o_v.at[0, pl.ds(0, 8)])
        pltpu.sync_copy(
            o_v.at[0, pl.ds(0, 8)], out_hbm.at[pl.ds(PACKED_ROWS - 8, 8)]
        )


def _gather_body(
    idx_hbm, table_hbm, out_hbm, idx_v, idxt_v, g_v, o_v, gsem, osem
):
    wid = lax.axis_index("s") * NC + lax.axis_index("c")
    row0 = pl.multiple_of(wid * 128, 128)

    lanes = lax.iota(jnp.int32, L)
    lanevs = [lanes + 16 * lg for lg in range(8)]

    pltpu.sync_copy(idx_hbm.at[pl.ds(row0, 128)], idx_v)

    def extract_idx(c):
        p = c % 2
        cv = jnp.full((L,), c, dtype=jnp.int32)
        for lg in range(8):
            idxt_v[p, pl.ds(lg * L, L)] = plsc.load_gather(
                idx_v, [lanevs[lg], cv]
            )

    def fire(c):
        p = c % 2
        pltpu.async_copy(table_hbm.at[idxt_v.at[p]], g_v.at[p], gsem.at[p])

    def drain(c):
        p = c % 2
        pltpu.make_async_copy(
            table_hbm.at[idxt_v.at[p]], g_v.at[p], gsem.at[p]
        ).wait()

    def transpose(c):
        p = c % 2
        gv = g_v.at[p]
        for k in range(16):
            kv = jnp.full((L,), k, dtype=jnp.int32)
            for lg in range(8):
                o_v[p, k // 4, k % 4, pl.ds(lg * L, L)] = plsc.load_gather(
                    gv, [lanevs[lg], kv]
                )

    def out_copy(c):
        p = c % 2
        return tuple(
            pltpu.make_async_copy(
                o_v.at[p, tr], out_hbm.at[c, tr, wid], osem.at[p]
            )
            for tr in range(4)
        )

    def step(c, _):
        @pl.when(c + 1 < N_COLS)
        def _():
            extract_idx(c + 1)
            fire(c + 1)

        drain(c)

        @pl.when(c >= 2)
        def _():
            for cp in out_copy(c - 2):
                cp.wait()

        transpose(c)
        for cp in out_copy(c):
            cp.start()
        return 0

    extract_idx(0)
    fire(0)
    lax.fori_loop(0, N_COLS, step, 0)
    for cp in out_copy(N_COLS - 2):
        cp.wait()
    for cp in out_copy(N_COLS - 1):
        cp.wait()


@jax.jit
def _impl(idx, wt):
    mesh = plsc.VectorSubcoreMesh(core_axis_name="c", subcore_axis_name="s")

    tail16 = jax.lax.bitcast_convert_type(
        wt[:, TAIL_BASE:].T.astype(jnp.bfloat16).reshape(64, 16, 2),
        jnp.int32,
    ).reshape(8, 128)

    packed = pl.kernel(
        _cast_body,
        out_type=jax.ShapeDtypeStruct((PACKED_ROWS, 128), jnp.int32),
        mesh=mesh,
        scratch_types=[
            pltpu.VMEM((2, DIM, 128), jnp.float32),
            pltpu.VMEM((2, 16, 128), jnp.int32),
            pltpu.SemaphoreType.DMA((2,)),
            pltpu.SemaphoreType.DMA((2,)),
        ],
        compiler_params=pltpu.CompilerParams(
            needs_layout_passes=False, use_tc_tiling_on_sc=True
        ),
    )(wt, tail16)

    rows16 = packed.reshape(NUM_EMB, 16)

    out5d = pl.kernel(
        _gather_body,
        out_type=jax.ShapeDtypeStruct((N_COLS, 4, NW, 4, 128), jnp.int32),
        mesh=mesh,
        scratch_types=[
            pltpu.VMEM((128, N_COLS), jnp.int32),
            pltpu.VMEM((2, 128), jnp.int32),
            pltpu.VMEM((2, 128, 16), jnp.int32),
            pltpu.VMEM((2, 4, 4, 128), jnp.int32),
            pltpu.SemaphoreType.DMA((2,)),
            pltpu.SemaphoreType.DMA((2,)),
        ],
        compiler_params=pltpu.CompilerParams(
            needs_layout_passes=False, use_tc_tiling_on_sc=False
        ),
    )(idx, rows16)

    out_pairs = jax.lax.bitcast_convert_type(out5d, jnp.bfloat16)
    out = out_pairs.transpose(2, 4, 0, 1, 3, 5)
    return out.reshape(N_ROWS, N_COLS, DIM)


def kernel(input, embedding_weight):
    return _impl(input.astype(jnp.int32), embedding_weight.T)

# --- scband reference (transcript-rebuilt; emitter-appended) ---
"""Pipeline reference for scband-casted-embedding-69295002353900 (READ-ONLY COPY).

The authoritative reference and input builder live on the scoring server;
editing this copy changes nothing except your own understanding.
"""

import jax, jax.numpy as jnp
import numpy as np

NUM_EMBEDDINGS = 1000000
EMBEDDING_DIM = 32
INIT_STD = 0.02
CAST_TO = jnp.bfloat16


def setup_inputs(seed: int = 0) -> dict:
    key = jax.random.key(seed)
    k_idx, k_w = jax.random.split(key)
    input = jax.random.randint(k_idx, (4096, 200), 0, NUM_EMBEDDINGS).astype(jnp.int64)
    # truncated normal init with stddev=INIT_STD (matches flax trunc_normal_init_)
    embedding_weight = (jax.random.truncated_normal(k_w, -2.0, 2.0, (NUM_EMBEDDINGS, EMBEDDING_DIM), dtype=jnp.float32) * INIT_STD)
    return {"input": input, "embedding_weight": embedding_weight}


def reference(input, embedding_weight):
    # CastedEmbedding.__call__: cast table, then gather rows by index
    return embedding_weight.astype(CAST_TO)[input]

if __name__ == "__main__":
    import jax
    _d = setup_inputs()
    print(jax.jit(kernel)(*tuple(_d.values())))

</pallas_src>

<mosaic_0001>
#map = affine_map<(d0, d1) -> (0, 0)>
module attributes {stable_mosaic.version = 14 : i64} {
  func.func @_cast_body(%arg0: i32, %arg1: i32, %arg2: memref<32x1000000xf32, #tpu.memory_space<hbm>>, %arg3: memref<8x128xi32, #tpu.memory_space<hbm>>, %arg4: memref<125000x128xi32, #tpu.memory_space<hbm>>, %arg5: memref<2x32x128xf32, #tpu.memory_space<vmem>>, %arg6: memref<2x16x128xi32, #tpu.memory_space<vmem>>, %arg7: memref<2x!tpu.dma_semaphore, #tpu.memory_space<semaphore_mem>>, %arg8: memref<2x!tpu.dma_semaphore, #tpu.memory_space<semaphore_mem>>) attributes {dimension_semantics = [#tpu.dimension_semantics<core_parallel>, #tpu.dimension_semantics<subcore_parallel>], iteration_bounds = array<i64: 2, 16>, scalar_prefetch = 0 : i64, scratch_operands = 4 : i64, tpu.core_type = #tpu.core_type<sc_vector_subcore>, window_params = [{transform_indices = #map}, {transform_indices = #map}, {transform_indices = #map}]} {
    %mul3A = arith.constant 2 : i32
    %mul3A_0 = arith.muli %arg1, %mul3A : i32
    %add3A = arith.addi %mul3A_0, %arg0 : i32
    %iota3A = tpu.iota {dimensions = array<i32: 0>} : vector<16xi32>
    %jit3A = arith.constant 8 : i32
    %div3A = vector.broadcast %jit3A : i32 to vector<16xi32>
    %div3A_1 = arith.divsi %iota3A, %div3A : vector<16xi32>
    %sign3A = arith.constant 0 : i32
    %sign3A_2 = vector.broadcast %sign3A : i32 to vector<16xi32>
    %sign3A_3 = arith.cmpi sgt, %iota3A, %sign3A_2 : vector<16xi32>
    %sign3A_4 = arith.extui %sign3A_3 : vector<16xi1> to vector<16xi32>
    %sign3A_5 = arith.constant 0 : i32
    %sign3A_6 = vector.broadcast %sign3A_5 : i32 to vector<16xi32>
    %sign3A_7 = arith.cmpi slt, %iota3A, %sign3A_6 : vector<16xi32>
    %sign3A_8 = arith.extui %sign3A_7 : vector<16xi1> to vector<16xi32>
    %sign3A_9 = arith.subi %sign3A_4, %sign3A_8 : vector<16xi32>
    %sign3A_10 = arith.constant 0 : i32
    %sign3A_11 = arith.cmpi sgt, %jit3A, %sign3A_10 : i32
    %sign3A_12 = arith.extui %sign3A_11 : i1 to i32
    %sign3A_13 = arith.constant 0 : i32
    %sign3A_14 = arith.cmpi slt, %jit3A, %sign3A_13 : i32
    %sign3A_15 = arith.extui %sign3A_14 : i1 to i32
    %sign3A_16 = arith.subi %sign3A_12, %sign3A_15 : i32
    %ne3A = vector.broadcast %sign3A_16 : i32 to vector<16xi32>
    %ne3A_17 = arith.cmpi ne, %sign3A_9, %ne3A : vector<16xi32>
    %rem3A = vector.broadcast %jit3A : i32 to vector<16xi32>
    %rem3A_18 = arith.remsi %iota3A, %rem3A : vector<16xi32>
    %ne3A_19 = arith.constant 0 : i32
    %ne3A_20 = vector.broadcast %ne3A_19 : i32 to vector<16xi32>
    %ne3A_21 = arith.cmpi ne, %rem3A_18, %ne3A_20 : vector<16xi32>
    %and3A = arith.andi %ne3A_17, %ne3A_21 : vector<16xi1>
    %sub3A = arith.constant 1 : i32
    %sub3A_22 = vector.broadcast %sub3A : i32 to vector<16xi32>
    %sub3A_23 = arith.subi %div3A_1, %sub3A_22 : vector<16xi32>
    %select_n3A = arith.select %and3A, %sub3A_23, %div3A_1 : vector<16xi1>, vector<16xi32>
    %jit3A_24 = arith.constant 8 : i32
    %eq3A = arith.constant 0 : i32
    %eq3A_25 = arith.cmpi eq, %jit3A_24, %eq3A : i32
    %jit3A_26 = arith.constant 1 : i32
    %select_n3A_27 = arith.select %eq3A_25, %jit3A_26, %jit3A_24 : i32
    %rem3A_28 = vector.broadcast %select_n3A_27 : i32 to vector<16xi32>
    %rem3A_29 = arith.remsi %iota3A, %rem3A_28 : vector<16xi32>
    %ne3A_30 = arith.constant 0 : i32
    %ne3A_31 = vector.broadcast %ne3A_30 : i32 to vector<16xi32>
    %ne3A_32 = arith.cmpi ne, %rem3A_29, %ne3A_31 : vector<16xi32>
    %lt3A = arith.constant 0 : i32
    %lt3A_33 = vector.broadcast %lt3A : i32 to vector<16xi32>
    %lt3A_34 = arith.cmpi slt, %rem3A_29, %lt3A_33 : vector<16xi32>
    %lt3A_35 = arith.constant 0 : i32
    %lt3A_36 = arith.cmpi slt, %select_n3A_27, %lt3A_35 : i32
    %ne3A_37 = vector.broadcast %lt3A_36 : i1 to vector<16xi1>
    %ne3A_38 = vector.broadcast %ne3A_37 : vector<16xi1> to vector<16xi1>
    %ne3A_39 = arith.xori %lt3A_34, %ne3A_38 : vector<16xi1>
    %and3A_40 = arith.andi %ne3A_39, %ne3A_32 : vector<16xi1>
    %add3A_41 = vector.broadcast %select_n3A_27 : i32 to vector<16xi32>
    %add3A_42 = arith.addi %rem3A_29, %add3A_41 : vector<16xi32>
    %select_n3A_43 = arith.select %and3A_40, %add3A_42, %rem3A_29 : vector<16xi1>, vector<16xi32>
    %mul3A_44 = arith.constant 16 : i32
    %mul3A_45 = vector.broadcast %mul3A_44 : i32 to vector<16xi32>
    %mul3A_46 = arith.muli %select_n3A_43, %mul3A_45 : vector<16xi32>
    %add3A_47 = arith.constant 0 : i32
    %add3A_48 = vector.broadcast %add3A_47 : i32 to vector<16xi32>
    %add3A_49 = arith.addi %mul3A_46, %add3A_48 : vector<16xi32>
    %add3A_50 = arith.constant 1 : i32
    %add3A_51 = vector.broadcast %add3A_50 : i32 to vector<16xi32>
    %add3A_52 = arith.addi %mul3A_46, %add3A_51 : vector<16xi32>
    %add3A_53 = arith.constant 2 : i32
    %add3A_54 = vector.broadcast %add3A_53 : i32 to vector<16xi32>
    %add3A_55 = arith.addi %mul3A_46, %add3A_54 : vector<16xi32>
    %add3A_56 = arith.constant 3 : i32
    %add3A_57 = vector.broadcast %add3A_56 : i32 to vector<16xi32>
    %add3A_58 = arith.addi %mul3A_46, %add3A_57 : vector<16xi32>
    %add3A_59 = arith.constant 4 : i32
    %add3A_60 = vector.broadcast %add3A_59 : i32 to vector<16xi32>
    %add3A_61 = arith.addi %mul3A_46, %add3A_60 : vector<16xi32>
    %add3A_62 = arith.constant 5 : i32
    %add3A_63 = vector.broadcast %add3A_62 : i32 to vector<16xi32>
    %add3A_64 = arith.addi %mul3A_46, %add3A_63 : vector<16xi32>
    %add3A_65 = arith.constant 6 : i32
    %add3A_66 = vector.broadcast %add3A_65 : i32 to vector<16xi32>
    %add3A_67 = arith.addi %mul3A_46, %add3A_66 : vector<16xi32>
    %add3A_68 = arith.constant 7 : i32
    %add3A_69 = vector.broadcast %add3A_68 : i32 to vector<16xi32>
    %add3A_70 = arith.addi %mul3A_46, %add3A_69 : vector<16xi32>
    %add3A_71 = arith.constant 8 : i32
    %add3A_72 = vector.broadcast %add3A_71 : i32 to vector<16xi32>
    %add3A_73 = arith.addi %mul3A_46, %add3A_72 : vector<16xi32>
    %add3A_74 = arith.constant 9 : i32
    %add3A_75 = vector.broadcast %add3A_74 : i32 to vector<16xi32>
    %add3A_76 = arith.addi %mul3A_46, %add3A_75 : vector<16xi32>
    %add3A_77 = arith.constant 10 : i32
    %add3A_78 = vector.broadcast %add3A_77 : i32 to vector<16xi32>
    %add3A_79 = arith.addi %mul3A_46, %add3A_78 : vector<16xi32>
    %add3A_80 = arith.constant 11 : i32
    %add3A_81 = vector.broadcast %add3A_80 : i32 to vector<16xi32>
    %add3A_82 = arith.addi %mul3A_46, %add3A_81 : vector<16xi32>
    %add3A_83 = arith.constant 12 : i32
    %add3A_84 = vector.broadcast %add3A_83 : i32 to vector<16xi32>
    %add3A_85 = arith.addi %mul3A_46, %add3A_84 : vector<16xi32>
    %add3A_86 = arith.constant 13 : i32
    %add3A_87 = vector.broadcast %add3A_86 : i32 to vector<16xi32>
    %add3A_88 = arith.addi %mul3A_46, %add3A_87 : vector<16xi32>
    %add3A_89 = arith.constant 14 : i32
    %add3A_90 = vector.broadcast %add3A_89 : i32 to vector<16xi32>
    %add3A_91 = arith.addi %mul3A_46, %add3A_90 : vector<16xi32>
    %add3A_92 = arith.constant 15 : i32
    %add3A_93 = vector.broadcast %add3A_92 : i32 to vector<16xi32>
    %add3A_94 = arith.addi %mul3A_46, %add3A_93 : vector<16xi32>
    %add3A_95 = arith.constant 0 : i32
    %add3A_96 = arith.addi %add3A_95, %add3A : i32
    %lt3A_97 = arith.constant 7812 : i32
    %lt3A_98 = arith.cmpi slt, %add3A_96, %lt3A_97 : i32
    %convert_element_type3A = arith.extui %lt3A_98 : i1 to i32
    %cond3A = arith.constant 0 : i32
    %cond3A_99 = arith.cmpi ne, %convert_element_type3A, %cond3A : i32
    scf.if %cond3A_99 {
      %add3A_125 = arith.constant 0 : i32
      %add3A_126 = arith.addi %add3A_125, %add3A : i32
      %mul3A_127 = arith.constant 128 : i32
      %mul3A_128 = arith.muli %add3A_126, %mul3A_127 : i32
      %multiple_of3A = tpu.assume_multiple %mul3A_128, 128 : i32
      %dma_start3A = arith.constant 0 : i32
      %dma_start3A_129 = arith.constant 0 : i32
      %dma_start3A_130 = arith.constant 0 : i32
      %dma_start3A_131 = arith.constant 0 : i32
      %dma_start3A_132 = tpu.memref_slice %arg5[%dma_start3A, %dma_start3A_130, %dma_start3A_131] : memref<2x32x128xf32, #tpu.memory_space<vmem>> -> memref<1x32x128xf32, #tpu.memory_space<vmem>>
      %dma_start3A_133 = tpu.memref_squeeze %dma_start3A_132 : memref<1x32x128xf32, #tpu.memory_space<vmem>> -> memref<32x128xf32, #tpu.memory_space<vmem>>
      %dma_start3A_134 = arith.constant 0 : i32
      %dma_start3A_135 = tpu.memref_slice %arg2[%dma_start3A_134, %multiple_of3A] : memref<32x1000000xf32, #tpu.memory_space<hbm>> -> memref<32x128xf32, #tpu.memory_space<hbm>>
      %dma_start3A_136 = tpu.memref_slice %arg7[%dma_start3A_129] : memref<2x!tpu.dma_semaphore, #tpu.memory_space<semaphore_mem>> -> memref<1x!tpu.dma_semaphore, #tpu.memory_space<semaphore_mem>>
      %dma_start3A_137 = tpu.memref_squeeze %dma_start3A_136 : memref<1x!tpu.dma_semaphore, #tpu.memory_space<semaphore_mem>> -> memref<!tpu.dma_semaphore, #tpu.memory_space<semaphore_mem>>
      %dma_start3A_138 = arith.constant 0 : i32
      %dma_start3A_139 = arith.constant 0 : i32
      %dma_start3A_140 = tpu.memref_slice %arg5[%dma_start3A, %dma_start3A_138, %dma_start3A_139] : memref<2x32x128xf32, #tpu.memory_space<vmem>> -> memref<1x32x128xf32, #tpu.memory_space<vmem>>
      %dma_start3A_141 = tpu.memref_squeeze %dma_start3A_140 : memref<1x32x128xf32, #tpu.memory_space<vmem>> -> memref<32x128xf32, #tpu.memory_space<vmem>>
      %dma_start3A_142 = arith.constant 0 : i32
      %dma_start3A_143 = tpu.memref_slice %arg2[%dma_start3A_142, %multiple_of3A] : memref<32x1000000xf32, #tpu.memory_space<hbm>> -> memref<32x128xf32, #tpu.memory_space<hbm>>
      tpu.enqueue_dma source(%dma_start3A_143 : memref<32x128xf32, #tpu.memory_space<hbm>>) target(%dma_start3A_141 : memref<32x128xf32, #tpu.memory_space<vmem>>) target_semaphore(%dma_start3A_137 : memref<!tpu.dma_semaphore, #tpu.memory_space<semaphore_mem>>)
    } else {
    }
    %scan3A = arith.constant 0 : i32
    %scan3A_100 = arith.constant 0 : i32
    %scan3A_101 = arith.constant 245 : i32
    %scan3A_102 = arith.addi %scan3A_100, %scan3A_101 : i32
    %scan3A_103 = arith.constant 1 : i32
    %scan3A_104 = scf.for %scan3A_125 = %scan3A_100 to %scan3A_102 step %scan3A_103 iter_args(%scan3A_126 = %scan3A) -> (i32)  : i32 {
      %add3A_127 = arith.constant 1 : i32
      %add3A_128 = arith.addi %scan3A_125, %add3A_127 : i32
      %jit3A_129 = arith.constant 2 : i32
      %eq3A_130 = arith.constant 0 : i32
      %eq3A_131 = arith.cmpi eq, %jit3A_129, %eq3A_130 : i32
      %jit3A_132 = arith.constant 1 : i32
      %select_n3A_133 = arith.select %eq3A_131, %jit3A_132, %jit3A_129 : i32
      %rem3A_134 = arith.remsi %add3A_128, %select_n3A_133 : i32
      %ne3A_135 = arith.constant 0 : i32
      %ne3A_136 = arith.cmpi ne, %rem3A_134, %ne3A_135 : i32
      %lt3A_137 = arith.constant 0 : i32
      %lt3A_138 = arith.cmpi slt, %rem3A_134, %lt3A_137 : i32
      %lt3A_139 = arith.constant 0 : i32
      %lt3A_140 = arith.cmpi slt, %select_n3A_133, %lt3A_139 : i32
      %ne3A_141 = arith.xori %lt3A_138, %lt3A_140 : i1
      %and3A_142 = arith.andi %ne3A_141, %ne3A_136 : i1
      %add3A_143 = arith.addi %rem3A_134, %select_n3A_133 : i32
      %select_n3A_144 = arith.select %and3A_142, %add3A_143, %rem3A_134 : i32
      %mul3A_145 = arith.constant 32 : i32
      %mul3A_146 = arith.muli %add3A_128, %mul3A_145 : i32
      %add3A_147 = arith.addi %mul3A_146, %add3A : i32
      %lt3A_148 = arith.constant 7812 : i32
      %lt3A_149 = arith.cmpi slt, %add3A_147, %lt3A_148 : i32
      %convert_element_type3A_150 = arith.extui %lt3A_149 : i1 to i32
      %cond3A_151 = arith.constant 0 : i32
      %cond3A_152 = arith.cmpi ne, %convert_element_type3A_150, %cond3A_151 : i32
      scf.if %cond3A_152 {
        %mul3A_193 = arith.constant 32 : i32
        %mul3A_194 = arith.muli %add3A_128, %mul3A_193 : i32
        %add3A_195 = arith.addi %mul3A_194, %add3A : i32
        %mul3A_196 = arith.constant 128 : i32
        %mul3A_197 = arith.muli %add3A_195, %mul3A_196 : i32
        %multiple_of3A = tpu.assume_multiple %mul3A_197, 128 : i32
        %dma_start3A = arith.constant 0 : i32
        %dma_start3A_198 = arith.constant 0 : i32
        %dma_start3A_199 = tpu.memref_slice %arg5[%select_n3A_144, %dma_start3A, %dma_start3A_198] : memref<2x32x128xf32, #tpu.memory_space<vmem>> -> memref<1x32x128xf32, #tpu.memory_space<vmem>>
        %dma_start3A_200 = tpu.memref_squeeze %dma_start3A_199 : memref<1x32x128xf32, #tpu.memory_space<vmem>> -> memref<32x128xf32, #tpu.memory_space<vmem>>
        %dma_start3A_201 = arith.constant 0 : i32
        %dma_start3A_202 = tpu.memref_slice %arg2[%dma_start3A_201, %multiple_of3A] : memref<32x1000000xf32, #tpu.memory_space<hbm>> -> memref<32x128xf32, #tpu.memory_space<hbm>>
        %dma_start3A_203 = tpu.memref_slice %arg7[%select_n3A_144] : memref<2x!tpu.dma_semaphore, #tpu.memory_space<semaphore_mem>> -> memref<1x!tpu.dma_semaphore, #tpu.memory_space<semaphore_mem>>
        %dma_start3A_204 = tpu.memref_squeeze %dma_start3A_203 : memref<1x!tpu.dma_semaphore, #tpu.memory_space<semaphore_mem>> -> memref<!tpu.dma_semaphore, #tpu.memory_space<semaphore_mem>>
        %dma_start3A_205 = arith.constant 0 : i32
        %dma_start3A_206 = arith.constant 0 : i32
        %dma_start3A_207 = tpu.memref_slice %arg5[%select_n3A_144, %dma_start3A_205, %dma_start3A_206] : memref<2x32x128xf32, #tpu.memory_space<vmem>> -> memref<1x32x128xf32, #tpu.memory_space<vmem>>
        %dma_start3A_208 = tpu.memref_squeeze %dma_start3A_207 : memref<1x32x128xf32, #tpu.memory_space<vmem>> -> memref<32x128xf32, #tpu.memory_space<vmem>>
        %dma_start3A_209 = arith.constant 0 : i32
        %dma_start3A_210 = tpu.memref_slice %arg2[%dma_start3A_209, %multiple_of3A] : memref<32x1000000xf32, #tpu.memory_space<hbm>> -> memref<32x128xf32, #tpu.memory_space<hbm>>
        tpu.enqueue_dma source(%dma_start3A_210 : memref<32x128xf32, #tpu.memory_space<hbm>>) target(%dma_start3A_208 : memref<32x128xf32, #tpu.memory_space<vmem>>) target_semaphore(%dma_start3A_204 : memref<!tpu.dma_semaphore, #tpu.memory_space<semaphore_mem>>)
      } else {
      }
      %jit3A_153 = arith.constant 2 : i32
      %eq3A_154 = arith.constant 0 : i32
      %eq3A_155 = arith.cmpi eq, %jit3A_153, %eq3A_154 : i32
      %jit3A_156 = arith.constant 1 : i32
      %select_n3A_157 = arith.select %eq3A_155, %jit3A_156, %jit3A_153 : i32
      %rem3A_158 = arith.remsi %scan3A_125, %select_n3A_157 : i32
      %ne3A_159 = arith.constant 0 : i32
      %ne3A_160 = arith.cmpi ne, %rem3A_158, %ne3A_159 : i32
      %lt3A_161 = arith.constant 0 : i32
      %lt3A_162 = arith.cmpi slt, %rem3A_158, %lt3A_161 : i32
      %lt3A_163 = arith.constant 0 : i32
      %lt3A_164 = arith.cmpi slt, %select_n3A_157, %lt3A_163 : i32
      %ne3A_165 = arith.xori %lt3A_162, %lt3A_164 : i1
      %and3A_166 = arith.andi %ne3A_165, %ne3A_160 : i1
      %add3A_167 = arith.addi %rem3A_158, %select_n3A_157 : i32
      %select_n3A_168 = arith.select %and3A_166, %add3A_167, %rem3A_158 : i32
      %mul3A_169 = arith.constant 32 : i32
      %mul3A_170 = arith.muli %scan3A_125, %mul3A_169 : i32
      %add3A_171 = arith.addi %mul3A_170, %add3A : i32
      %lt3A_172 = arith.constant 7812 : i32
      %lt3A_173 = arith.cmpi slt, %add3A_171, %lt3A_172 : i32
      %convert_element_type3A_174 = arith.extui %lt3A_173 : i1 to i32
      %cond3A_175 = arith.constant 0 : i32
      %cond3A_176 = arith.cmpi ne, %convert_element_type3A_174, %cond3A_175 : i32
      scf.if %cond3A_176 {
        %dma_wait3A = arith.constant 0 : i32
        %dma_wait3A_193 = arith.constant 0 : i32
        %dma_wait3A_194 = tpu.memref_slice %arg5[%select_n3A_168, %dma_wait3A, %dma_wait3A_193] : memref<2x32x128xf32, #tpu.memory_space<vmem>> -> memref<1x32x128xf32, #tpu.memory_space<vmem>>
        %dma_wait3A_195 = tpu.memref_squeeze %dma_wait3A_194 : memref<1x32x128xf32, #tpu.memory_space<vmem>> -> memref<32x128xf32, #tpu.memory_space<vmem>>
        %dma_wait3A_196 = arith.constant 0 : i32
        %dma_wait3A_197 = arith.constant 0 : i32
        %dma_wait3A_198 = tpu.memref_slice %arg2[%dma_wait3A_196, %dma_wait3A_197] : memref<32x1000000xf32, #tpu.memory_space<hbm>> -> memref<32x128xf32, #tpu.memory_space<hbm>>
        %dma_wait3A_199 = tpu.memref_slice %arg7[%select_n3A_168] : memref<2x!tpu.dma_semaphore, #tpu.memory_space<semaphore_mem>> -> memref<1x!tpu.dma_semaphore, #tpu.memory_space<semaphore_mem>>
        %dma_wait3A_200 = tpu.memref_squeeze %dma_wait3A_199 : memref<1x!tpu.dma_semaphore, #tpu.memory_space<semaphore_mem>> -> memref<!tpu.dma_semaphore, #tpu.memory_space<semaphore_mem>>
        %dma_wait3A_201 = arith.constant 0 : i32
        %dma_wait3A_202 = arith.constant 0 : i32
        %dma_wait3A_203 = tpu.memref_slice %arg5[%select_n3A_168, %dma_wait3A_201, %dma_wait3A_202] : memref<2x32x128xf32, #tpu.memory_space<vmem>> -> memref<1x32x128xf32, #tpu.memory_space<vmem>>
        %dma_wait3A_204 = tpu.memref_squeeze %dma_wait3A_203 : memref<1x32x128xf32, #tpu.memory_space<vmem>> -> memref<32x128xf32, #tpu.memory_space<vmem>>
        %dma_wait3A_205 = arith.constant 0 : i32
        %dma_wait3A_206 = arith.constant 0 : i32
        %dma_wait3A_207 = tpu.memref_slice %arg2[%dma_wait3A_205, %dma_wait3A_206] : memref<32x1000000xf32, #tpu.memory_space<hbm>> -> memref<32x128xf32, #tpu.memory_space<hbm>>
        tpu.wait_dma2 semaphore(%dma_wait3A_200 : memref<!tpu.dma_semaphore, #tpu.memory_space<semaphore_mem>>) src(%dma_wait3A_207 : memref<32x128xf32, #tpu.memory_space<hbm>>) dst(%dma_wait3A_204 : memref<32x128xf32, #tpu.memory_space<vmem>>)
      } else {
      }
      %mul3A_177 = arith.constant 32 : i32
      %mul3A_178 = arith.muli %scan3A_125, %mul3A_177 : i32
      %add3A_179 = arith.addi %mul3A_178, %add3A : i32
      %ge3A = arith.constant 64 : i32
      %ge3A_180 = arith.cmpi sge, %add3A_179, %ge3A : i32
      %convert_element_type3A_181 = arith.extui %ge3A_180 : i1 to i32
      %cond3A_182 = arith.constant 0 : i32
      %cond3A_183 = arith.cmpi ne, %convert_element_type3A_181, %cond3A_182 : i32
      scf.if %cond3A_183 {
        %sub3A_193 = arith.constant 2 : i32
        %sub3A_194 = arith.subi %scan3A_125, %sub3A_193 : i32
        %jit3A_195 = arith.constant 2 : i32
        %eq3A_196 = arith.constant 0 : i32
        %eq3A_197 = arith.cmpi eq, %jit3A_195, %eq3A_196 : i32
        %jit3A_198 = arith.constant 1 : i32
        %select_n3A_199 = arith.select %eq3A_197, %jit3A_198, %jit3A_195 : i32
        %rem3A_200 = arith.remsi %sub3A_194, %select_n3A_199 : i32
        %ne3A_201 = arith.constant 0 : i32
        %ne3A_202 = arith.cmpi ne, %rem3A_200, %ne3A_201 : i32
        %lt3A_203 = arith.constant 0 : i32
        %lt3A_204 = arith.cmpi slt, %rem3A_200, %lt3A_203 : i32
        %lt3A_205 = arith.constant 0 : i32
        %lt3A_206 = arith.cmpi slt, %select_n3A_199, %lt3A_205 : i32
        %ne3A_207 = arith.xori %lt3A_204, %lt3A_206 : i1
        %and3A_208 = arith.andi %ne3A_207, %ne3A_202 : i1
        %add3A_209 = arith.addi %rem3A_200, %select_n3A_199 : i32
        %select_n3A_210 = arith.select %and3A_208, %add3A_209, %rem3A_200 : i32
        %mul3A_211 = arith.constant 32 : i32
        %mul3A_212 = arith.muli %sub3A_194, %mul3A_211 : i32
        %add3A_213 = arith.addi %mul3A_212, %add3A : i32
        %mul3A_214 = arith.constant 16 : i32
        %mul3A_215 = arith.muli %add3A_213, %mul3A_214 : i32
        %multiple_of3A = tpu.assume_multiple %mul3A_215, 8 : i32
        %dma_wait3A = arith.constant 0 : i32
        %dma_wait3A_216 = arith.constant 0 : i32
        %dma_wait3A_217 = tpu.memref_slice %arg6[%select_n3A_210, %dma_wait3A, %dma_wait3A_216] : memref<2x16x128xi32, #tpu.memory_space<vmem>> -> memref<1x16x128xi32, #tpu.memory_space<vmem>>
        %dma_wait3A_218 = tpu.memref_squeeze %dma_wait3A_217 : memref<1x16x128xi32, #tpu.memory_space<vmem>> -> memref<16x128xi32, #tpu.memory_space<vmem>>
        %dma_wait3A_219 = arith.constant 0 : i32
        %dma_wait3A_220 = tpu.memref_slice %arg4[%multiple_of3A, %dma_wait3A_219] : memref<125000x128xi32, #tpu.memory_space<hbm>> -> memref<16x128xi32, #tpu.memory_space<hbm>>
        %dma_wait3A_221 = tpu.memref_slice %arg8[%select_n3A_210] : memref<2x!tpu.dma_semaphore, #tpu.memory_space<semaphore_mem>> -> memref<1x!tpu.dma_semaphore, #tpu.memory_space<semaphore_mem>>
        %dma_wait3A_222 = tpu.memref_squeeze %dma_wait3A_221 : memref<1x!tpu.dma_semaphore, #tpu.memory_space<semaphore_mem>> -> memref<!tpu.dma_semaphore, #tpu.memory_space<semaphore_mem>>
        %dma_wait3A_223 = arith.constant 0 : i32
        %dma_wait3A_224 = tpu.memref_slice %arg4[%multiple_of3A, %dma_wait3A_223] : memref<125000x128xi32, #tpu.memory_space<hbm>> -> memref<16x128xi32, #tpu.memory_space<hbm>>
        %dma_wait3A_225 = arith.constant 0 : i32
        %dma_wait3A_226 = arith.constant 0 : i32
        %dma_wait3A_227 = tpu.memref_slice %arg6[%select_n3A_210, %dma_wait3A_225, %dma_wait3A_226] : memref<2x16x128xi32, #tpu.memory_space<vmem>> -> memref<1x16x128xi32, #tpu.memory_space<vmem>>
        %dma_wait3A_228 = tpu.memref_squeeze %dma_wait3A_227 : memref<1x16x128xi32, #tpu.memory_space<vmem>> -> memref<16x128xi32, #tpu.memory_space<vmem>>
        tpu.wait_dma2 semaphore(%dma_wait3A_222 : memref<!tpu.dma_semaphore, #tpu.memory_space<semaphore_mem>>) src(%dma_wait3A_228 : memref<16x128xi32, #tpu.memory_space<vmem>>) dst(%dma_wait3A_224 : memref<16x128xi32, #tpu.memory_space<hbm>>)
      } else {
      }
      %mul3A_184 = arith.constant 32 : i32
      %mul3A_185 = arith.muli %scan3A_125, %mul3A_184 : i32
      %add3A_186 = arith.addi %mul3A_185, %add3A : i32
      %lt3A_187 = arith.constant 7812 : i32
      %lt3A_188 = arith.cmpi slt, %add3A_186, %lt3A_187 : i32
      %convert_element_type3A_189 = arith.extui %lt3A_188 : i1 to i32
      %cond3A_190 = arith.constant 0 : i32
      %cond3A_191 = arith.cmpi ne, %convert_element_type3A_189, %cond3A_190 : i32
      scf.if %cond3A_191 {
        %jit3A_193 = arith.constant 2 : i32
        %eq3A_194 = arith.constant 0 : i32
        %eq3A_195 = arith.cmpi eq, %jit3A_193, %eq3A_194 : i32
        %jit3A_196 = arith.constant 1 : i32
        %select_n3A_197 = arith.select %eq3A_195, %jit3A_196, %jit3A_193 : i32
        %rem3A_198 = arith.remsi %scan3A_125, %select_n3A_197 : i32
        %ne3A_199 = arith.constant 0 : i32
        %ne3A_200 = arith.cmpi ne, %rem3A_198, %ne3A_199 : i32
        %lt3A_201 = arith.constant 0 : i32
        %lt3A_202 = arith.cmpi slt, %rem3A_198, %lt3A_201 : i32
        %lt3A_203 = arith.constant 0 : i32
        %lt3A_204 = arith.cmpi slt, %select_n3A_197, %lt3A_203 : i32
        %ne3A_205 = arith.xori %lt3A_202, %lt3A_204 : i1
        %and3A_206 = arith.andi %ne3A_205, %ne3A_200 : i1
        %add3A_207 = arith.addi %rem3A_198, %select_n3A_197 : i32
        %select_n3A_208 = arith.select %and3A_206, %add3A_207, %rem3A_198 : i32
        %scan3A_209 = arith.constant 0 : i32
        %scan3A_210 = arith.constant 0 : i32
        %scan3A_211 = arith.constant 8 : i32
        %scan3A_212 = arith.addi %scan3A_210, %scan3A_211 : i32
        %scan3A_213 = arith.constant 1 : i32
        %scan3A_214 = scf.for %scan3A_250 = %scan3A_210 to %scan3A_212 step %scan3A_213 iter_args(%scan3A_251 = %scan3A_209) -> (i32)  : i32 {
          %mul3A_252 = arith.constant 16 : i32
          %mul3A_253 = arith.muli %scan3A_250, %mul3A_252 : i32
          %multiple_of3A_254 = tpu.assume_multiple %mul3A_253, 16 : i32
          %mul3A_255 = arith.constant 2 : i32
          %mul3A_256 = arith.muli %mul3A_255, %scan3A_250 : i32
          %add3A_257 = vector.broadcast %mul3A_256 : i32 to vector<16xi32>
          %add3A_258 = arith.addi %select_n3A, %add3A_257 : vector<16xi32>
          %get3A = arith.constant 0 : i32
          %get3A_259 = arith.index_cast %select_n3A_208 : i32 to index
          %get3A_260 = arith.index_cast %get3A : i32 to index
          %get3A_261 = arith.index_cast %multiple_of3A_254 : i32 to index
          %get3A_262 = tpu.vector_load %arg5[%get3A_259, %get3A_260, %get3A_261] {strides = array<i32>} : memref<2x32x128xf32, #tpu.memory_space<vmem>>, vector<16xf32>,
          %get3A_263 = arith.constant 1 : i32
          %get3A_264 = arith.index_cast %select_n3A_208 : i32 to index
          %get3A_265 = arith.index_cast %get3A_263 : i32 to index
          %get3A_266 = arith.index_cast %multiple_of3A_254 : i32 to index
          %get3A_267 = tpu.vector_load %arg5[%get3A_264, %get3A_265, %get3A_266] {strides = array<i32>} : memref<2x32x128xf32, #tpu.memory_space<vmem>>, vector<16xf32>,
          %pack3A = tpu.pack_subelements %get3A_262, %get3A_267 {pack_format = #tpu.pack_format<interleaved>, positions = array<i32: 0, 1>} : vector<16xf32>, vector<16xf32> -> vector<32xbf16>
          %bitcast3A = vector.bitcast %pack3A : vector<32xbf16> to vector<16xi32>
          %scatter3A = arith.constant 0 : i32
          %scatter3A_268 = arith.constant 0 : i32
          %scatter3A_269 = tpu.memref_slice %arg6[%select_n3A_208, %scatter3A, %scatter3A_268] : memref<2x16x128xi32, #tpu.memory_space<vmem>> -> memref<1x16x128xi32, #tpu.memory_space<vmem>>
          %scatter3A_270 = tpu.memref_squeeze %scatter3A_269 : memref<1x16x128xi32, #tpu.memory_space<vmem>> -> memref<16x128xi32, #tpu.memory_space<vmem>>
          tpu.vector_store_idx %scatter3A_270[%add3A_258, %add3A_49], %bitcast3A : memref<16x128xi32, #tpu.memory_space<vmem>>[vector<16xi32>, vector<16xi32>], vector<16xi32>,
          %get3A_271 = arith.constant 2 : i32
          %get3A_272 = arith.index_cast %select_n3A_208 : i32 to index
          %get3A_273 = arith.index_cast %get3A_271 : i32 to index
          %get3A_274 = arith.index_cast %multiple_of3A_254 : i32 to index
          %get3A_275 = tpu.vector_load %arg5[%get3A_272, %get3A_273, %get3A_274] {strides = array<i32>} : memref<2x32x128xf32, #tpu.memory_space<vmem>>, vector<16xf32>,
          %get3A_276 = arith.constant 3 : i32
          %get3A_277 = arith.index_cast %select_n3A_208 : i32 to index
          %get3A_278 = arith.index_cast %get3A_276 : i32 to index
          %get3A_279 = arith.index_cast %multiple_of3A_254 : i32 to index
          %get3A_280 = tpu.vector_load %arg5[%get3A_277, %get3A_278, %get3A_279] {strides = array<i32>} : memref<2x32x128xf32, #tpu.memory_space<vmem>>, vector<16xf32>,
          %pack3A_281 = tpu.pack_subelements %get3A_275, %get3A_280 {pack_format = #tpu.pack_format<interleaved>, positions = array<i32: 0, 1>} : vector<16xf32>, vector<16xf32> -> vector<32xbf16>
          %bitcast3A_282 = vector.bitcast %pack3A_281 : vector<32xbf16> to vector<16xi32>
          %scatter3A_283 = arith.constant 0 : i32
          %scatter3A_284 = arith.constant 0 : i32
          %scatter3A_285 = tpu.memref_slice %arg6[%select_n3A_208, %scatter3A_283, %scatter3A_284] : memref<2x16x128xi32, #tpu.memory_space<vmem>> -> memref<1x16x128xi32, #tpu.memory_space<vmem>>
          %scatter3A_286 = tpu.memref_squeeze %scatter3A_285 : memref<1x16x128xi32, #tpu.memory_space<vmem>> -> memref<16x128xi32, #tpu.memory_space<vmem>>
          tpu.vector_store_idx %scatter3A_286[%add3A_258, %add3A_52], %bitcast3A_282 : memref<16x128xi32, #tpu.memory_space<vmem>>[vector<16xi32>, vector<16xi32>], vector<16xi32>,
          %get3A_287 = arith.constant 4 : i32
          %get3A_288 = arith.index_cast %select_n3A_208 : i32 to index
          %get3A_289 = arith.index_cast %get3A_287 : i32 to index
          %get3A_290 = arith.index_cast %multiple_of3A_254 : i32 to index
          %get3A_291 = tpu.vector_load %arg5[%get3A_288, %get3A_289, %get3A_290] {strides = array<i32>} : memref<2x32x128xf32, #tpu.memory_space<vmem>>, vector<16xf32>,
          %get3A_292 = arith.constant 5 : i32
          %get3A_293 = arith.index_cast %select_n3A_208 : i32 to index
          %get3A_294 = arith.index_cast %get3A_292 : i32 to index
          %get3A_295 = arith.index_cast %multiple_of3A_254 : i32 to index
          %get3A_296 = tpu.vector_load %arg5[%get3A_293, %get3A_294, %get3A_295] {strides = array<i32>} : memref<2x32x128xf32, #tpu.memory_space<vmem>>, vector<16xf32>,
          %pack3A_297 = tpu.pack_subelements %get3A_291, %get3A_296 {pack_format = #tpu.pack_format<interleaved>, positions = array<i32: 0, 1>} : vector<16xf32>, vector<16xf32> -> vector<32xbf16>
          %bitcast3A_298 = vector.bitcast %pack3A_297 : vector<32xbf16> to vector<16xi32>
          %scatter3A_299 = arith.constant 0 : i32
          %scatter3A_300 = arith.constant 0 : i32
          %scatter3A_301 = tpu.memref_slice %arg6[%select_n3A_208, %scatter3A_299, %scatter3A_300] : memref<2x16x128xi32, #tpu.memory_space<vmem>> -> memref<1x16x128xi32, #tpu.memory_space<vmem>>
          %scatter3A_302 = tpu.memref_squeeze %scatter3A_301 : memref<1x16x128xi32, #tpu.memory_space<vmem>> -> memref<16x128xi32, #tpu.memory_space<vmem>>
          tpu.vector_store_idx %scatter3A_302[%add3A_258, %add3A_55], %bitcast3A_298 : memref<16x128xi32, #tpu.memory_space<vmem>>[vector<16xi32>, vector<16xi32>], vector<16xi32>,
          %get3A_303 = arith.constant 6 : i32
          %get3A_304 = arith.index_cast %select_n3A_208 : i32 to index
          %get3A_305 = arith.index_cast %get3A_303 : i32 to index
          %get3A_306 = arith.index_cast %multiple_of3A_254 : i32 to index
          %get3A_307 = tpu.vector_load %arg5[%get3A_304, %get3A_305, %get3A_306] {strides = array<i32>} : memref<2x32x128xf32, #tpu.memory_space<vmem>>, vector<16xf32>,
          %get3A_308 = arith.constant 7 : i32
          %get3A_309 = arith.index_cast %select_n3A_208 : i32 to index
          %get3A_310 = arith.index_cast %get3A_308 : i32 to index
          %get3A_311 = arith.index_cast %multiple_of3A_254 : i32 to index
          %get3A_312 = tpu.vector_load %arg5[%get3A_309, %get3A_310, %get3A_311] {strides = array<i32>} : memref<2x32x128xf32, #tpu.memory_space<vmem>>, vector<16xf32>,
          %pack3A_313 = tpu.pack_subelements %get3A_307, %get3A_312 {pack_format = #tpu.pack_format<interleaved>, positions = array<i32: 0, 1>} : vector<16xf32>, vector<16xf32> -> vector<32xbf16>
          %bitcast3A_314 = vector.bitcast %pack3A_313 : vector<32xbf16> to vector<16xi32>
          %scatter3A_315 = arith.constant 0 : i32
          %scatter3A_316 = arith.constant 0 : i32
          %scatter3A_317 = tpu.memref_slice %arg6[%select_n3A_208, %scatter3A_315, %scatter3A_316] : memref<2x16x128xi32, #tpu.memory_space<vmem>> -> memref<1x16x128xi32, #tpu.memory_space<vmem>>
          %scatter3A_318 = tpu.memref_squeeze %scatter3A_317 : memref<1x16x128xi32, #tpu.memory_space<vmem>> -> memref<16x128xi32, #tpu.memory_space<vmem>>
          tpu.vector_store_idx %scatter3A_318[%add3A_258, %add3A_58], %bitcast3A_314 : memref<16x128xi32, #tpu.memory_space<vmem>>[vector<16xi32>, vector<16xi32>], vector<16xi32>,
          %get3A_319 = arith.constant 8 : i32
          %get3A_320 = arith.index_cast %select_n3A_208 : i32 to index
          %get3A_321 = arith.index_cast %get3A_319 : i32 to index
          %get3A_322 = arith.index_cast %multiple_of3A_254 : i32 to index
          %get3A_323 = tpu.vector_load %arg5[%get3A_320, %get3A_321, %get3A_322] {strides = array<i32>} : memref<2x32x128xf32, #tpu.memory_space<vmem>>, vector<16xf32>,
          %get3A_324 = arith.constant 9 : i32
          %get3A_325 = arith.index_cast %select_n3A_208 : i32 to index
          %get3A_326 = arith.index_cast %get3A_324 : i32 to index
          %get3A_327 = arith.index_cast %multiple_of3A_254 : i32 to index
          %get3A_328 = tpu.vector_load %arg5[%get3A_325, %get3A_326, %get3A_327] {strides = array<i32>} : memref<2x32x128xf32, #tpu.memory_space<vmem>>, vector<16xf32>,
          %pack3A_329 = tpu.pack_subelements %get3A_323, %get3A_328 {pack_format = #tpu.pack_format<interleaved>, positions = array<i32: 0, 1>} : vector<16xf32>, vector<16xf32> -> vector<32xbf16>
          %bitcast3A_330 = vector.bitcast %pack3A_329 : vector<32xbf16> to vector<16xi32>
          %scatter3A_331 = arith.constant 0 : i32
          %scatter3A_332 = arith.constant 0 : i32
          %scatter3A_333 = tpu.memref_slice %arg6[%select_n3A_208, %scatter3A_331, %scatter3A_332] : memref<2x16x128xi32, #tpu.memory_space<vmem>> -> memref<1x16x128xi32, #tpu.memory_space<vmem>>
          %scatter3A_334 = tpu.memref_squeeze %scatter3A_333 : memref<1x16x128xi32, #tpu.memory_space<vmem>> -> memref<16x128xi32, #tpu.memory_space<vmem>>
          tpu.vector_store_idx %scatter3A_334[%add3A_258, %add3A_61], %bitcast3A_330 : memref<16x128xi32, #tpu.memory_space<vmem>>[vector<16xi32>, vector<16xi32>], vector<16xi32>,
          %get3A_335 = arith.constant 10 : i32
          %get3A_336 = arith.index_cast %select_n3A_208 : i32 to index
          %get3A_337 = arith.index_cast %get3A_335 : i32 to index
          %get3A_338 = arith.index_cast %multiple_of3A_254 : i32 to index
          %get3A_339 = tpu.vector_load %arg5[%get3A_336, %get3A_337, %get3A_338] {strides = array<i32>} : memref<2x32x128xf32, #tpu.memory_space<vmem>>, vector<16xf32>,
          %get3A_340 = arith.constant 11 : i32
          %get3A_341 = arith.index_cast %select_n3A_208 : i32 to index
          %get3A_342 = arith.index_cast %get3A_340 : i32 to index
          %get3A_343 = arith.index_cast %multiple_of3A_254 : i32 to index
          %get3A_344 = tpu.vector_load %arg5[%get3A_341, %get3A_342, %get3A_343] {strides = array<i32>} : memref<2x32x128xf32, #tpu.memory_space<vmem>>, vector<16xf32>,
          %pack3A_345 = tpu.pack_subelements %get3A_339, %get3A_344 {pack_format = #tpu.pack_format<interleaved>, positions = array<i32: 0, 1>} : vector<16xf32>, vector<16xf32> -> vector<32xbf16>
          %bitcast3A_346 = vector.bitcast %pack3A_345 : vector<32xbf16> to vector<16xi32>
          %scatter3A_347 = arith.constant 0 : i32
          %scatter3A_348 = arith.constant 0 : i32
          %scatter3A_349 = tpu.memref_slice %arg6[%select_n3A_208, %scatter3A_347, %scatter3A_348] : memref<2x16x128xi32, #tpu.memory_space<vmem>> -> memref<1x16x128xi32, #tpu.memory_space<vmem>>
          %scatter3A_350 = tpu.memref_squeeze %scatter3A_349 : memref<1x16x128xi32, #tpu.memory_space<vmem>> -> memref<16x128xi32, #tpu.memory_space<vmem>>
          tpu.vector_store_idx %scatter3A_350[%add3A_258, %add3A_64], %bitcast3A_346 : memref<16x128xi32, #tpu.memory_space<vmem>>[vector<16xi32>, vector<16xi32>], vector<16xi32>,
          %get3A_351 = arith.constant 12 : i32
          %get3A_352 = arith.index_cast %select_n3A_208 : i32 to index
          %get3A_353 = arith.index_cast %get3A_351 : i32 to index
          %get3A_354 = arith.index_cast %multiple_of3A_254 : i32 to index
          %get3A_355 = tpu.vector_load %arg5[%get3A_352, %get3A_353, %get3A_354] {strides = array<i32>} : memref<2x32x128xf32, #tpu.memory_space<vmem>>, vector<16xf32>,
          %get3A_356 = arith.constant 13 : i32
          %get3A_357 = arith.index_cast %select_n3A_208 : i32 to index
          %get3A_358 = arith.index_cast %get3A_356 : i32 to index
          %get3A_359 = arith.index_cast %multiple_of3A_254 : i32 to index
          %get3A_360 = tpu.vector_load %arg5[%get3A_357, %get3A_358, %get3A_359] {strides = array<i32>} : memref<2x32x128xf32, #tpu.memory_space<vmem>>, vector<16xf32>,
          %pack3A_361 = tpu.pack_subelements %get3A_355, %get3A_360 {pack_format = #tpu.pack_format<interleaved>, positions = array<i32: 0, 1>} : vector<16xf32>, vector<16xf32> -> vector<32xbf16>
          %bitcast3A_362 = vector.bitcast %pack3A_361 : vector<32xbf16> to vector<16xi32>
          %scatter3A_363 = arith.constant 0 : i32
          %scatter3A_364 = arith.constant 0 : i32
          %scatter3A_365 = tpu.memref_slice %arg6[%select_n3A_208, %scatter3A_363, %scatter3A_364] : memref<2x16x128xi32, #tpu.memory_space<vmem>> -> memref<1x16x128xi32, #tpu.memory_space<vmem>>
          %scatter3A_366 = tpu.memref_squeeze %scatter3A_365 : memref<1x16x128xi32, #tpu.memory_space<vmem>> -> memref<16x128xi32, #tpu.memory_space<vmem>>
          tpu.vector_store_idx %scatter3A_366[%add3A_258, %add3A_67], %bitcast3A_362 : memref<16x128xi32, #tpu.memory_space<vmem>>[vector<16xi32>, vector<16xi32>], vector<16xi32>,
          %get3A_367 = arith.constant 14 : i32
          %get3A_368 = arith.index_cast %select_n3A_208 : i32 to index
          %get3A_369 = arith.index_cast %get3A_367 : i32 to index
          %get3A_370 = arith.index_cast %multiple_of3A_254 : i32 to index
          %get3A_371 = tpu.vector_load %arg5[%get3A_368, %get3A_369, %get3A_370] {strides = array<i32>} : memref<2x32x128xf32, #tpu.memory_space<vmem>>, vector<16xf32>,
          %get3A_372 = arith.constant 15 : i32
          %get3A_373 = arith.index_cast %select_n3A_208 : i32 to index
          %get3A_374 = arith.index_cast %get3A_372 : i32 to index
          %get3A_375 = arith.index_cast %multiple_of3A_254 : i32 to index
          %get3A_376 = tpu.vector_load %arg5[%get3A_373, %get3A_374, %get3A_375] {strides = array<i32>} : memref<2x32x128xf32, #tpu.memory_space<vmem>>, vector<16xf32>,
          %pack3A_377 = tpu.pack_subelements %get3A_371, %get3A_376 {pack_format = #tpu.pack_format<interleaved>, positions = array<i32: 0, 1>} : vector<16xf32>, vector<16xf32> -> vector<32xbf16>
          %bitcast3A_378 = vector.bitcast %pack3A_377 : vector<32xbf16> to vector<16xi32>
          %scatter3A_379 = arith.constant 0 : i32
          %scatter3A_380 = arith.constant 0 : i32
          %scatter3A_381 = tpu.memref_slice %arg6[%select_n3A_208, %scatter3A_379, %scatter3A_380] : memref<2x16x128xi32, #tpu.memory_space<vmem>> -> memref<1x16x128xi32, #tpu.memory_space<vmem>>
          %scatter3A_382 = tpu.memref_squeeze %scatter3A_381 : memref<1x16x128xi32, #tpu.memory_space<vmem>> -> memref<16x128xi32, #tpu.memory_space<vmem>>
          tpu.vector_store_idx %scatter3A_382[%add3A_258, %add3A_70], %bitcast3A_378 : memref<16x128xi32, #tpu.memory_space<vmem>>[vector<16xi32>, vector<16xi32>], vector<16xi32>,
          %get3A_383 = arith.constant 16 : i32
          %get3A_384 = arith.index_cast %select_n3A_208 : i32 to index
          %get3A_385 = arith.index_cast %get3A_383 : i32 to index
          %get3A_386 = arith.index_cast %multiple_of3A_254 : i32 to index
          %get3A_387 = tpu.vector_load %arg5[%get3A_384, %get3A_385, %get3A_386] {strides = array<i32>} : memref<2x32x128xf32, #tpu.memory_space<vmem>>, vector<16xf32>,
          %get3A_388 = arith.constant 17 : i32
          %get3A_389 = arith.index_cast %select_n3A_208 : i32 to index
          %get3A_390 = arith.index_cast %get3A_388 : i32 to index
          %get3A_391 = arith.index_cast %multiple_of3A_254 : i32 to index
          %get3A_392 = tpu.vector_load %arg5[%get3A_389, %get3A_390, %get3A_391] {strides = array<i32>} : memref<2x32x128xf32, #tpu.memory_space<vmem>>, vector<16xf32>,
          %pack3A_393 = tpu.pack_subelements %get3A_387, %get3A_392 {pack_format = #tpu.pack_format<interleaved>, positions = array<i32: 0, 1>} : vector<16xf32>, vector<16xf32> -> vector<32xbf16>
          %bitcast3A_394 = vector.bitcast %pack3A_393 : vector<32xbf16> to vector<16xi32>
          %scatter3A_395 = arith.constant 0 : i32
          %scatter3A_396 = arith.constant 0 : i32
          %scatter3A_397 = tpu.memref_slice %arg6[%select_n3A_208, %scatter3A_395, %scatter3A_396] : memref<2x16x128xi32, #tpu.memory_space<vmem>> -> memref<1x16x128xi32, #tpu.memory_space<vmem>>
          %scatter3A_398 = tpu.memref_squeeze %scatter3A_397 : memref<1x16x128xi32, #tpu.memory_space<vmem>> -> memref<16x128xi32, #tpu.memory_space<vmem>>
          tpu.vector_store_idx %scatter3A_398[%add3A_258, %add3A_73], %bitcast3A_394 : memref<16x128xi32, #tpu.memory_space<vmem>>[vector<16xi32>, vector<16xi32>], vector<16xi32>,
          %get3A_399 = arith.constant 18 : i32
          %get3A_400 = arith.index_cast %select_n3A_208 : i32 to index
          %get3A_401 = arith.index_cast %get3A_399 : i32 to index
          %get3A_402 = arith.index_cast %multiple_of3A_254 : i32 to index
          %get3A_403 = tpu.vector_load %arg5[%get3A_400, %get3A_401, %get3A_402] {strides = array<i32>} : memref<2x32x128xf32, #tpu.memory_space<vmem>>, vector<16xf32>,
          %get3A_404 = arith.constant 19 : i32
          %get3A_405 = arith.index_cast %select_n3A_208 : i32 to index
          %get3A_406 = arith.index_cast %get3A_404 : i32 to index
          %get3A_407 = arith.index_cast %multiple_of3A_254 : i32 to index
          %get3A_408 = tpu.vector_load %arg5[%get3A_405, %get3A_406, %get3A_407] {strides = array<i32>} : memref<2x32x128xf32, #tpu.memory_space<vmem>>, vector<16xf32>,
          %pack3A_409 = tpu.pack_subelements %get3A_403, %get3A_408 {pack_format = #tpu.pack_format<interleaved>, positions = array<i32: 0, 1>} : vector<16xf32>, vector<16xf32> -> vector<32xbf16>
          %bitcast3A_410 = vector.bitcast %pack3A_409 : vector<32xbf16> to vector<16xi32>
          %scatter3A_411 = arith.constant 0 : i32
          %scatter3A_412 = arith.constant 0 : i32
          %scatter3A_413 = tpu.memref_slice %arg6[%select_n3A_208, %scatter3A_411, %scatter3A_412] : memref<2x16x128xi32, #tpu.memory_space<vmem>> -> memref<1x16x128xi32, #tpu.memory_space<vmem>>
          %scatter3A_414 = tpu.memref_squeeze %scatter3A_413 : memref<1x16x128xi32, #tpu.memory_space<vmem>> -> memref<16x128xi32, #tpu.memory_space<vmem>>
          tpu.vector_store_idx %scatter3A_414[%add3A_258, %add3A_76], %bitcast3A_410 : memref<16x128xi32, #tpu.memory_space<vmem>>[vector<16xi32>, vector<16xi32>], vector<16xi32>,
          %get3A_415 = arith.constant 20 : i32
          %get3A_416 = arith.index_cast %select_n3A_208 : i32 to index
          %get3A_417 = arith.index_cast %get3A_415 : i32 to index
          %get3A_418 = arith.index_cast %multiple_of3A_254 : i32 to index
          %get3A_419 = tpu.vector_load %arg5[%get3A_416, %get3A_417, %get3A_418] {strides = array<i32>} : memref<2x32x128xf32, #tpu.memory_space<vmem>>, vector<16xf32>,
          %get3A_420 = arith.constant 21 : i32
          %get3A_421 = arith.index_cast %select_n3A_208 : i32 to index
          %get3A_422 = arith.index_cast %get3A_420 : i32 to index
          %get3A_423 = arith.index_cast %multiple_of3A_254 : i32 to index
          %get3A_424 = tpu.vector_load %arg5[%get3A_421, %get3A_422, %get3A_423] {strides = array<i32>} : memref<2x32x128xf32, #tpu.memory_space<vmem>>, vector<16xf32>,
          %pack3A_425 = tpu.pack_subelements %get3A_419, %get3A_424 {pack_format = #tpu.pack_format<interleaved>, positions = array<i32: 0, 1>} : vector<16xf32>, vector<16xf32> -> vector<32xbf16>
          %bitcast3A_426 = vector.bitcast %pack3A_425 : vector<32xbf16> to vector<16xi32>
          %scatter3A_427 = arith.constant 0 : i32
          %scatter3A_428 = arith.constant 0 : i32
          %scatter3A_429 = tpu.memref_slice %arg6[%select_n3A_208, %scatter3A_427, %scatter3A_428] : memref<2x16x128xi32, #tpu.memory_space<vmem>> -> memref<1x16x128xi32, #tpu.memory_space<vmem>>
          %scatter3A_430 = tpu.memref_squeeze %scatter3A_429 : memref<1x16x128xi32, #tpu.memory_space<vmem>> -> memref<16x128xi32, #tpu.memory_space<vmem>>
          tpu.vector_store_idx %scatter3A_430[%add3A_258, %add3A_79], %bitcast3A_426 : memref<16x128xi32, #tpu.memory_space<vmem>>[vector<16xi32>, vector<16xi32>], vector<16xi32>,
          %get3A_431 = arith.constant 22 : i32
          %get3A_432 = arith.index_cast %select_n3A_208 : i32 to index
          %get3A_433 = arith.index_cast %get3A_431 : i32 to index
          %get3A_434 = arith.index_cast %multiple_of3A_254 : i32 to index
          %get3A_435 = tpu.vector_load %arg5[%get3A_432, %get3A_433, %get3A_434] {strides = array<i32>} : memref<2x32x128xf32, #tpu.memory_space<vmem>>, vector<16xf32>,
          %get3A_436 = arith.constant 23 : i32
          %get3A_437 = arith.index_cast %select_n3A_208 : i32 to index
          %get3A_438 = arith.index_cast %get3A_436 : i32 to index
          %get3A_439 = arith.index_cast %multiple_of3A_254 : i32 to index
          %get3A_440 = tpu.vector_load %arg5[%get3A_437, %get3A_438, %get3A_439] {strides = array<i32>} : memref<2x32x128xf32, #tpu.memory_space<vmem>>, vector<16xf32>,
          %pack3A_441 = tpu.pack_subelements %get3A_435, %get3A_440 {pack_format = #tpu.pack_format<interleaved>, positions = array<i32: 0, 1>} : vector<16xf32>, vector<16xf32> -> vector<32xbf16>
          %bitcast3A_442 = vector.bitcast %pack3A_441 : vector<32xbf16> to vector<16xi32>
          %scatter3A_443 = arith.constant 0 : i32
          %scatter3A_444 = arith.constant 0 : i32
          %scatter3A_445 = tpu.memref_slice %arg6[%select_n3A_208, %scatter3A_443, %scatter3A_444] : memref<2x16x128xi32, #tpu.memory_space<vmem>> -> memref<1x16x128xi32, #tpu.memory_space<vmem>>
          %scatter3A_446 = tpu.memref_squeeze %scatter3A_445 : memref<1x16x128xi32, #tpu.memory_space<vmem>> -> memref<16x128xi32, #tpu.memory_space<vmem>>
          tpu.vector_store_idx %scatter3A_446[%add3A_258, %add3A_82], %bitcast3A_442 : memref<16x128xi32, #tpu.memory_space<vmem>>[vector<16xi32>, vector<16xi32>], vector<16xi32>,
          %get3A_447 = arith.constant 24 : i32
          %get3A_448 = arith.index_cast %select_n3A_208 : i32 to index
          %get3A_449 = arith.index_cast %get3A_447 : i32 to index
          %get3A_450 = arith.index_cast %multiple_of3A_254 : i32 to index
          %get3A_451 = tpu.vector_load %arg5[%get3A_448, %get3A_449, %get3A_450] {strides = array<i32>} : memref<2x32x128xf32, #tpu.memory_space<vmem>>, vector<16xf32>,
          %get3A_452 = arith.constant 25 : i32
          %get3A_453 = arith.index_cast %select_n3A_208 : i32 to index
          %get3A_454 = arith.index_cast %get3A_452 : i32 to index
          %get3A_455 = arith.index_cast %multiple_of3A_254 : i32 to index
          %get3A_456 = tpu.vector_load %arg5[%get3A_453, %get3A_454, %get3A_455] {strides = array<i32>} : memref<2x32x128xf32, #tpu.memory_space<vmem>>, vector<16xf32>,
          %pack3A_457 = tpu.pack_subelements %get3A_451, %get3A_456 {pack_format = #tpu.pack_format<interleaved>, positions = array<i32: 0, 1>} : vector<16xf32>, vector<16xf32> -> vector<32xbf16>
          %bitcast3A_458 = vector.bitcast %pack3A_457 : vector<32xbf16> to vector<16xi32>
          %scatter3A_459 = arith.constant 0 : i32
          %scatter3A_460 = arith.constant 0 : i32
          %scatter3A_461 = tpu.memref_slice %arg6[%select_n3A_208, %scatter3A_459, %scatter3A_460] : memref<2x16x128xi32, #tpu.memory_space<vmem>> -> memref<1x16x128xi32, #tpu.memory_space<vmem>>
          %scatter3A_462 = tpu.memref_squeeze %scatter3A_461 : memref<1x16x128xi32, #tpu.memory_space<vmem>> -> memref<16x128xi32, #tpu.memory_space<vmem>>
          tpu.vector_store_idx %scatter3A_462[%add3A_258, %add3A_85], %bitcast3A_458 : memref<16x128xi32, #tpu.memory_space<vmem>>[vector<16xi32>, vector<16xi32>], vector<16xi32>,
          %get3A_463 = arith.constant 26 : i32
          %get3A_464 = arith.index_cast %select_n3A_208 : i32 to index
          %get3A_465 = arith.index_cast %get3A_463 : i32 to index
          %get3A_466 = arith.index_cast %multiple_of3A_254 : i32 to index
          %get3A_467 = tpu.vector_load %arg5[%get3A_464, %get3A_465, %get3A_466] {strides = array<i32>} : memref<2x32x128xf32, #tpu.memory_space<vmem>>, vector<16xf32>,
          %get3A_468 = arith.constant 27 : i32
          %get3A_469 = arith.index_cast %select_n3A_208 : i32 to index
          %get3A_470 = arith.index_cast %get3A_468 : i32 to index
          %get3A_471 = arith.index_cast %multiple_of3A_254 : i32 to index
          %get3A_472 = tpu.vector_load %arg5[%get3A_469, %get3A_470, %get3A_471] {strides = array<i32>} : memref<2x32x128xf32, #tpu.memory_space<vmem>>, vector<16xf32>,
          %pack3A_473 = tpu.pack_subelements %get3A_467, %get3A_472 {pack_format = #tpu.pack_format<interleaved>, positions = array<i32: 0, 1>} : vector<16xf32>, vector<16xf32> -> vector<32xbf16>
          %bitcast3A_474 = vector.bitcast %pack3A_473 : vector<32xbf16> to vector<16xi32>
          %scatter3A_475 = arith.constant 0 : i32
          %scatter3A_476 = arith.constant 0 : i32
          %scatter3A_477 = tpu.memref_slice %arg6[%select_n3A_208, %scatter3A_475, %scatter3A_476] : memref<2x16x128xi32, #tpu.memory_space<vmem>> -> memref<1x16x128xi32, #tpu.memory_space<vmem>>
          %scatter3A_478 = tpu.memref_squeeze %scatter3A_477 : memref<1x16x128xi32, #tpu.memory_space<vmem>> -> memref<16x128xi32, #tpu.memory_space<vmem>>
          tpu.vector_store_idx %scatter3A_478[%add3A_258, %add3A_88], %bitcast3A_474 : memref<16x128xi32, #tpu.memory_space<vmem>>[vector<16xi32>, vector<16xi32>], vector<16xi32>,
          %get3A_479 = arith.constant 28 : i32
          %get3A_480 = arith.index_cast %select_n3A_208 : i32 to index
          %get3A_481 = arith.index_cast %get3A_479 : i32 to index
          %get3A_482 = arith.index_cast %multiple_of3A_254 : i32 to index
          %get3A_483 = tpu.vector_load %arg5[%get3A_480, %get3A_481, %get3A_482] {strides = array<i32>} : memref<2x32x128xf32, #tpu.memory_space<vmem>>, vector<16xf32>,
          %get3A_484 = arith.constant 29 : i32
          %get3A_485 = arith.index_cast %select_n3A_208 : i32 to index
          %get3A_486 = arith.index_cast %get3A_484 : i32 to index
          %get3A_487 = arith.index_cast %multiple_of3A_254 : i32 to index
          %get3A_488 = tpu.vector_load %arg5[%get3A_485, %get3A_486, %get3A_487] {strides = array<i32>} : memref<2x32x128xf32, #tpu.memory_space<vmem>>, vector<16xf32>,
          %pack3A_489 = tpu.pack_subelements %get3A_483, %get3A_488 {pack_format = #tpu.pack_format<interleaved>, positions = array<i32: 0, 1>} : vector<16xf32>, vector<16xf32> -> vector<32xbf16>
          %bitcast3A_490 = vector.bitcast %pack3A_489 : vector<32xbf16> to vector<16xi32>
          %scatter3A_491 = arith.constant 0 : i32
          %scatter3A_492 = arith.constant 0 : i32
          %scatter3A_493 = tpu.memref_slice %arg6[%select_n3A_208, %scatter3A_491, %scatter3A_492] : memref<2x16x128xi32, #tpu.memory_space<vmem>> -> memref<1x16x128xi32, #tpu.memory_space<vmem>>
          %scatter3A_494 = tpu.memref_squeeze %scatter3A_493 : memref<1x16x128xi32, #tpu.memory_space<vmem>> -> memref<16x128xi32, #tpu.memory_space<vmem>>
          tpu.vector_store_idx %scatter3A_494[%add3A_258, %add3A_91], %bitcast3A_490 : memref<16x128xi32, #tpu.memory_space<vmem>>[vector<16xi32>, vector<16xi32>], vector<16xi32>,
          %get3A_495 = arith.constant 30 : i32
          %get3A_496 = arith.index_cast %select_n3A_208 : i32 to index
          %get3A_497 = arith.index_cast %get3A_495 : i32 to index
          %get3A_498 = arith.index_cast %multiple_of3A_254 : i32 to index
          %get3A_499 = tpu.vector_load %arg5[%get3A_496, %get3A_497, %get3A_498] {strides = array<i32>} : memref<2x32x128xf32, #tpu.memory_space<vmem>>, vector<16xf32>,
          %get3A_500 = arith.constant 31 : i32
          %get3A_501 = arith.index_cast %select_n3A_208 : i32 to index
          %get3A_502 = arith.index_cast %get3A_500 : i32 to index
          %get3A_503 = arith.index_cast %multiple_of3A_254 : i32 to index
          %get3A_504 = tpu.vector_load %arg5[%get3A_501, %get3A_502, %get3A_503] {strides = array<i32>} : memref<2x32x128xf32, #tpu.memory_space<vmem>>, vector<16xf32>,
          %pack3A_505 = tpu.pack_subelements %get3A_499, %get3A_504 {pack_format = #tpu.pack_format<interleaved>, positions = array<i32: 0, 1>} : vector<16xf32>, vector<16xf32> -> vector<32xbf16>
          %bitcast3A_506 = vector.bitcast %pack3A_505 : vector<32xbf16> to vector<16xi32>
          %scatter3A_507 = arith.constant 0 : i32
          %scatter3A_508 = arith.constant 0 : i32
          %scatter3A_509 = tpu.memref_slice %arg6[%select_n3A_208, %scatter3A_507, %scatter3A_508] : memref<2x16x128xi32, #tpu.memory_space<vmem>> -> memref<1x16x128xi32, #tpu.memory_space<vmem>>
          %scatter3A_510 = tpu.memref_squeeze %scatter3A_509 : memref<1x16x128xi32, #tpu.memory_space<vmem>> -> memref<16x128xi32, #tpu.memory_space<vmem>>
          tpu.vector_store_idx %scatter3A_510[%add3A_258, %add3A_94], %bitcast3A_506 : memref<16x128xi32, #tpu.memory_space<vmem>>[vector<16xi32>, vector<16xi32>], vector<16xi32>,
          %scan3A_511 = arith.constant 0 : i32
          scf.yield %scan3A_511 : i32
        }
        %scan3A_215 = arith.constant 8 : i32
        %jit3A_216 = arith.constant 2 : i32
        %eq3A_217 = arith.constant 0 : i32
        %eq3A_218 = arith.cmpi eq, %jit3A_216, %eq3A_217 : i32
        %jit3A_219 = arith.constant 1 : i32
        %select_n3A_220 = arith.select %eq3A_218, %jit3A_219, %jit3A_216 : i32
        %rem3A_221 = arith.remsi %scan3A_125, %select_n3A_220 : i32
        %ne3A_222 = arith.constant 0 : i32
        %ne3A_223 = arith.cmpi ne, %rem3A_221, %ne3A_222 : i32
        %lt3A_224 = arith.constant 0 : i32
        %lt3A_225 = arith.cmpi slt, %rem3A_221, %lt3A_224 : i32
        %lt3A_226 = arith.constant 0 : i32
        %lt3A_227 = arith.cmpi slt, %select_n3A_220, %lt3A_226 : i32
        %ne3A_228 = arith.xori %lt3A_225, %lt3A_227 : i1
        %and3A_229 = arith.andi %ne3A_228, %ne3A_223 : i1
        %add3A_230 = arith.addi %rem3A_221, %select_n3A_220 : i32
        %select_n3A_231 = arith.select %and3A_229, %add3A_230, %rem3A_221 : i32
        %mul3A_232 = arith.constant 32 : i32
        %mul3A_233 = arith.muli %scan3A_125, %mul3A_232 : i32
        %add3A_234 = arith.addi %mul3A_233, %add3A : i32
        %mul3A_235 = arith.constant 16 : i32
        %mul3A_236 = arith.muli %add3A_234, %mul3A_235 : i32
        %multiple_of3A = tpu.assume_multiple %mul3A_236, 8 : i32
        %dma_start3A = arith.constant 0 : i32
        %dma_start3A_237 = arith.constant 0 : i32
        %dma_start3A_238 = tpu.memref_slice %arg6[%select_n3A_231, %dma_start3A, %dma_start3A_237] : memref<2x16x128xi32, #tpu.memory_space<vmem>> -> memref<1x16x128xi32, #tpu.memory_space<vmem>>
        %dma_start3A_239 = tpu.memref_squeeze %dma_start3A_238 : memref<1x16x128xi32, #tpu.memory_space<vmem>> -> memref<16x128xi32, #tpu.memory_space<vmem>>
        %dma_start3A_240 = arith.constant 0 : i32
        %dma_start3A_241 = tpu.memref_slice %arg4[%multiple_of3A, %dma_start3A_240] : memref<125000x128xi32, #tpu.memory_space<hbm>> -> memref<16x128xi32, #tpu.memory_space<hbm>>
        %dma_start3A_242 = tpu.memref_slice %arg8[%select_n3A_231] : memref<2x!tpu.dma_semaphore, #tpu.memory_space<semaphore_mem>> -> memref<1x!tpu.dma_semaphore, #tpu.memory_space<semaphore_mem>>
        %dma_start3A_243 = tpu.memref_squeeze %dma_start3A_242 : memref<1x!tpu.dma_semaphore, #tpu.memory_space<semaphore_mem>> -> memref<!tpu.dma_semaphore, #tpu.memory_space<semaphore_mem>>
        %dma_start3A_244 = arith.constant 0 : i32
        %dma_start3A_245 = tpu.memref_slice %arg4[%multiple_of3A, %dma_start3A_244] : memref<125000x128xi32, #tpu.memory_space<hbm>> -> memref<16x128xi32, #tpu.memory_space<hbm>>
        %dma_start3A_246 = arith.constant 0 : i32
        %dma_start3A_247 = arith.constant 0 : i32
        %dma_start3A_248 = tpu.memref_slice %arg6[%select_n3A_231, %dma_start3A_246, %dma_start3A_247] : memref<2x16x128xi32, #tpu.memory_space<vmem>> -> memref<1x16x128xi32, #tpu.memory_space<vmem>>
        %dma_start3A_249 = tpu.memref_squeeze %dma_start3A_248 : memref<1x16x128xi32, #tpu.memory_space<vmem>> -> memref<16x128xi32, #tpu.memory_space<vmem>>
        tpu.enqueue_dma source(%dma_start3A_249 : memref<16x128xi32, #tpu.memory_space<vmem>>) target(%dma_start3A_245 : memref<16x128xi32, #tpu.memory_space<hbm>>) target_semaphore(%dma_start3A_243 : memref<!tpu.dma_semaphore, #tpu.memory_space<semaphore_mem>>)
      } else {
      }
      %scan3A_192 = arith.constant 0 : i32
      scf.yield %scan3A_192 : i32
    }
    %scan3A_105 = arith.constant 245 : i32
    %add3A_106 = arith.constant 7776 : i32
    %add3A_107 = arith.addi %add3A_106, %add3A : i32
    %lt3A_108 = arith.constant 7812 : i32
    %lt3A_109 = arith.cmpi slt, %add3A_107, %lt3A_108 : i32
    %convert_element_type3A_110 = arith.extui %lt3A_109 : i1 to i32
    %cond3A_111 = arith.constant 0 : i32
    %cond3A_112 = arith.cmpi ne, %convert_element_type3A_110, %cond3A_111 : i32
    scf.if %cond3A_112 {
      %add3A_125 = arith.constant 7776 : i32
      %add3A_126 = arith.addi %add3A_125, %add3A : i32
      %mul3A_127 = arith.constant 16 : i32
      %mul3A_128 = arith.muli %add3A_126, %mul3A_127 : i32
      %multiple_of3A = tpu.assume_multiple %mul3A_128, 8 : i32
      %dma_wait3A = arith.constant 1 : i32
      %dma_wait3A_129 = arith.constant 1 : i32
      %dma_wait3A_130 = arith.constant 0 : i32
      %dma_wait3A_131 = arith.constant 0 : i32
      %dma_wait3A_132 = tpu.memref_slice %arg6[%dma_wait3A, %dma_wait3A_130, %dma_wait3A_131] : memref<2x16x128xi32, #tpu.memory_space<vmem>> -> memref<1x16x128xi32, #tpu.memory_space<vmem>>
      %dma_wait3A_133 = tpu.memref_squeeze %dma_wait3A_132 : memref<1x16x128xi32, #tpu.memory_space<vmem>> -> memref<16x128xi32, #tpu.memory_space<vmem>>
      %dma_wait3A_134 = arith.constant 0 : i32
      %dma_wait3A_135 = tpu.memref_slice %arg4[%multiple_of3A, %dma_wait3A_134] : memref<125000x128xi32, #tpu.memory_space<hbm>> -> memref<16x128xi32, #tpu.memory_space<hbm>>
      %dma_wait3A_136 = tpu.memref_slice %arg8[%dma_wait3A_129] : memref<2x!tpu.dma_semaphore, #tpu.memory_space<semaphore_mem>> -> memref<1x!tpu.dma_semaphore, #tpu.memory_space<semaphore_mem>>
      %dma_wait3A_137 = tpu.memref_squeeze %dma_wait3A_136 : memref<1x!tpu.dma_semaphore, #tpu.memory_space<semaphore_mem>> -> memref<!tpu.dma_semaphore, #tpu.memory_space<semaphore_mem>>
      %dma_wait3A_138 = arith.constant 0 : i32
      %dma_wait3A_139 = tpu.memref_slice %arg4[%multiple_of3A, %dma_wait3A_138] : memref<125000x128xi32, #tpu.memory_space<hbm>> -> memref<16x128xi32, #tpu.memory_space<hbm>>
      %dma_wait3A_140 = arith.constant 0 : i32
      %dma_wait3A_141 = arith.constant 0 : i32
      %dma_wait3A_142 = tpu.memref_slice %arg6[%dma_wait3A, %dma_wait3A_140, %dma_wait3A_141] : memref<2x16x128xi32, #tpu.memory_space<vmem>> -> memref<1x16x128xi32, #tpu.memory_space<vmem>>
      %dma_wait3A_143 = tpu.memref_squeeze %dma_wait3A_142 : memref<1x16x128xi32, #tpu.memory_space<vmem>> -> memref<16x128xi32, #tpu.memory_space<vmem>>
      tpu.wait_dma2 semaphore(%dma_wait3A_137 : memref<!tpu.dma_semaphore, #tpu.memory_space<semaphore_mem>>) src(%dma_wait3A_143 : memref<16x128xi32, #tpu.memory_space<vmem>>) dst(%dma_wait3A_139 : memref<16x128xi32, #tpu.memory_space<hbm>>)
    } else {
    }
    %add3A_113 = arith.constant 7808 : i32
    %add3A_114 = arith.addi %add3A_113, %add3A : i32
    %lt3A_115 = arith.constant 7812 : i32
    %lt3A_116 = arith.cmpi slt, %add3A_114, %lt3A_115 : i32
    %convert_element_type3A_117 = arith.extui %lt3A_116 : i1 to i32
    %cond3A_118 = arith.constant 0 : i32
    %cond3A_119 = arith.cmpi ne, %convert_element_type3A_117, %cond3A_118 : i32
    scf.if %cond3A_119 {
      %add3A_125 = arith.constant 7808 : i32
      %add3A_126 = arith.addi %add3A_125, %add3A : i32
      %mul3A_127 = arith.constant 16 : i32
      %mul3A_128 = arith.muli %add3A_126, %mul3A_127 : i32
      %multiple_of3A = tpu.assume_multiple %mul3A_128, 8 : i32
      %dma_wait3A = arith.constant 0 : i32
      %dma_wait3A_129 = arith.constant 0 : i32
      %dma_wait3A_130 = arith.constant 0 : i32
      %dma_wait3A_131 = arith.constant 0 : i32
      %dma_wait3A_132 = tpu.memref_slice %arg6[%dma_wait3A, %dma_wait3A_130, %dma_wait3A_131] : memref<2x16x128xi32, #tpu.memory_space<vmem>> -> memref<1x16x128xi32, #tpu.memory_space<vmem>>
      %dma_wait3A_133 = tpu.memref_squeeze %dma_wait3A_132 : memref<1x16x128xi32, #tpu.memory_space<vmem>> -> memref<16x128xi32, #tpu.memory_space<vmem>>
      %dma_wait3A_134 = arith.constant 0 : i32
      %dma_wait3A_135 = tpu.memref_slice %arg4[%multiple_of3A, %dma_wait3A_134] : memref<125000x128xi32, #tpu.memory_space<hbm>> -> memref<16x128xi32, #tpu.memory_space<hbm>>
      %dma_wait3A_136 = tpu.memref_slice %arg8[%dma_wait3A_129] : memref<2x!tpu.dma_semaphore, #tpu.memory_space<semaphore_mem>> -> memref<1x!tpu.dma_semaphore, #tpu.memory_space<semaphore_mem>>
      %dma_wait3A_137 = tpu.memref_squeeze %dma_wait3A_136 : memref<1x!tpu.dma_semaphore, #tpu.memory_space<semaphore_mem>> -> memref<!tpu.dma_semaphore, #tpu.memory_space<semaphore_mem>>
      %dma_wait3A_138 = arith.constant 0 : i32
      %dma_wait3A_139 = tpu.memref_slice %arg4[%multiple_of3A, %dma_wait3A_138] : memref<125000x128xi32, #tpu.memory_space<hbm>> -> memref<16x128xi32, #tpu.memory_space<hbm>>
      %dma_wait3A_140 = arith.constant 0 : i32
      %dma_wait3A_141 = arith.constant 0 : i32
      %dma_wait3A_142 = tpu.memref_slice %arg6[%dma_wait3A, %dma_wait3A_140, %dma_wait3A_141] : memref<2x16x128xi32, #tpu.memory_space<vmem>> -> memref<1x16x128xi32, #tpu.memory_space<vmem>>
      %dma_wait3A_143 = tpu.memref_squeeze %dma_wait3A_142 : memref<1x16x128xi32, #tpu.memory_space<vmem>> -> memref<16x128xi32, #tpu.memory_space<vmem>>
      tpu.wait_dma2 semaphore(%dma_wait3A_137 : memref<!tpu.dma_semaphore, #tpu.memory_space<semaphore_mem>>) src(%dma_wait3A_143 : memref<16x128xi32, #tpu.memory_space<vmem>>) dst(%dma_wait3A_139 : memref<16x128xi32, #tpu.memory_space<hbm>>)
    } else {
    }
    %eq3A_120 = arith.constant 4 : i32
    %eq3A_121 = arith.cmpi eq, %add3A, %eq3A_120 : i32
    %convert_element_type3A_122 = arith.extui %eq3A_121 : i1 to i32
    %cond3A_123 = arith.constant 0 : i32
    %cond3A_124 = arith.cmpi ne, %convert_element_type3A_122, %cond3A_123 : i32
    scf.if %cond3A_124 {
      %run_scoped3A = arith.constant 0 : i32
      "tpu.region"() ({
        %run_scoped3A_126 = tpu.sem_alloc : memref<!tpu.dma_semaphore, #tpu.memory_space<semaphore_mem>>
        %dma_start3A = arith.constant 0 : i32
        %dma_start3A_127 = arith.constant 0 : i32
        %dma_start3A_128 = tpu.memref_slice %arg6[%run_scoped3A, %dma_start3A, %dma_start3A_127] : memref<2x16x128xi32, #tpu.memory_space<vmem>> -> memref<1x8x128xi32, #tpu.memory_space<vmem>>
        %dma_start3A_129 = tpu.memref_squeeze %dma_start3A_128 : memref<1x8x128xi32, #tpu.memory_space<vmem>> -> memref<8x128xi32, #tpu.memory_space<vmem>>
        %dma_start3A_130 = arith.constant 0 : i32
        %dma_start3A_131 = arith.constant 0 : i32
        %dma_start3A_132 = tpu.memref_slice %arg6[%run_scoped3A, %dma_start3A_130, %dma_start3A_131] : memref<2x16x128xi32, #tpu.memory_space<vmem>> -> memref<1x8x128xi32, #tpu.memory_space<vmem>>
        %dma_start3A_133 = tpu.memref_squeeze %dma_start3A_132 : memref<1x8x128xi32, #tpu.memory_space<vmem>> -> memref<8x128xi32, #tpu.memory_space<vmem>>
        tpu.enqueue_dma source(%arg3 : memref<8x128xi32, #tpu.memory_space<hbm>>) target(%dma_start3A_133 : memref<8x128xi32, #tpu.memory_space<vmem>>) target_semaphore(%run_scoped3A_126 : memref<!tpu.dma_semaphore, #tpu.memory_space<semaphore_mem>>)
        %dma_wait3A = arith.constant 0 : i32
        %dma_wait3A_134 = arith.constant 0 : i32
        %dma_wait3A_135 = tpu.memref_slice %arg6[%run_scoped3A, %dma_wait3A, %dma_wait3A_134] : memref<2x16x128xi32, #tpu.memory_space<vmem>> -> memref<1x8x128xi32, #tpu.memory_space<vmem>>
        %dma_wait3A_136 = tpu.memref_squeeze %dma_wait3A_135 : memref<1x8x128xi32, #tpu.memory_space<vmem>> -> memref<8x128xi32, #tpu.memory_space<vmem>>
        %dma_wait3A_137 = arith.constant 0 : i32
        %dma_wait3A_138 = arith.constant 0 : i32
        %dma_wait3A_139 = tpu.memref_slice %arg6[%run_scoped3A, %dma_wait3A_137, %dma_wait3A_138] : memref<2x16x128xi32, #tpu.memory_space<vmem>> -> memref<1x8x128xi32, #tpu.memory_space<vmem>>
        %dma_wait3A_140 = tpu.memref_squeeze %dma_wait3A_139 : memref<1x8x128xi32, #tpu.memory_space<vmem>> -> memref<8x128xi32, #tpu.memory_space<vmem>>
        tpu.wait_dma2 semaphore(%run_scoped3A_126 : memref<!tpu.dma_semaphore, #tpu.memory_space<semaphore_mem>>) src(%arg3 : memref<8x128xi32, #tpu.memory_space<hbm>>) dst(%dma_wait3A_140 : memref<8x128xi32, #tpu.memory_space<vmem>>)
        tpu.yield
      }) : () -> ()
      %run_scoped3A_125 = arith.constant 0 : i32
      "tpu.region"() ({
        %run_scoped3A_126 = tpu.sem_alloc : memref<!tpu.dma_semaphore, #tpu.memory_space<semaphore_mem>>
        %dma_start3A = arith.constant 0 : i32
        %dma_start3A_127 = arith.constant 0 : i32
        %dma_start3A_128 = tpu.memref_slice %arg6[%run_scoped3A_125, %dma_start3A, %dma_start3A_127] : memref<2x16x128xi32, #tpu.memory_space<vmem>> -> memref<1x8x128xi32, #tpu.memory_space<vmem>>
        %dma_start3A_129 = tpu.memref_squeeze %dma_start3A_128 : memref<1x8x128xi32, #tpu.memory_space<vmem>> -> memref<8x128xi32, #tpu.memory_space<vmem>>
        %dma_start3A_130 = arith.constant 124992 : i32
        %dma_start3A_131 = arith.constant 0 : i32
        %dma_start3A_132 = tpu.memref_slice %arg4[%dma_start3A_130, %dma_start3A_131] : memref<125000x128xi32, #tpu.memory_space<hbm>> -> memref<8x128xi32, #tpu.memory_space<hbm>>
        %dma_start3A_133 = arith.constant 124992 : i32
        %dma_start3A_134 = arith.constant 0 : i32
        %dma_start3A_135 = tpu.memref_slice %arg4[%dma_start3A_133, %dma_start3A_134] : memref<125000x128xi32, #tpu.memory_space<hbm>> -> memref<8x128xi32, #tpu.memory_space<hbm>>
        %dma_start3A_136 = arith.constant 0 : i32
        %dma_start3A_137 = arith.constant 0 : i32
        %dma_start3A_138 = tpu.memref_slice %arg6[%run_scoped3A_125, %dma_start3A_136, %dma_start3A_137] : memref<2x16x128xi32, #tpu.memory_space<vmem>> -> memref<1x8x128xi32, #tpu.memory_space<vmem>>
        %dma_start3A_139 = tpu.memref_squeeze %dma_start3A_138 : memref<1x8x128xi32, #tpu.memory_space<vmem>> -> memref<8x128xi32, #tpu.memory_space<vmem>>
        tpu.enqueue_dma source(%dma_start3A_139 : memref<8x128xi32, #tpu.memory_space<vmem>>) target(%dma_start3A_135 : memref<8x128xi32, #tpu.memory_space<hbm>>) target_semaphore(%run_scoped3A_126 : memref<!tpu.dma_semaphore, #tpu.memory_space<semaphore_mem>>)
        %dma_wait3A = arith.constant 0 : i32
        %dma_wait3A_140 = arith.constant 0 : i32
        %dma_wait3A_141 = tpu.memref_slice %arg6[%run_scoped3A_125, %dma_wait3A, %dma_wait3A_140] : memref<2x16x128xi32, #tpu.memory_space<vmem>> -> memref<1x8x128xi32, #tpu.memory_space<vmem>>
        %dma_wait3A_142 = tpu.memref_squeeze %dma_wait3A_141 : memref<1x8x128xi32, #tpu.memory_space<vmem>> -> memref<8x128xi32, #tpu.memory_space<vmem>>
        %dma_wait3A_143 = arith.constant 124992 : i32
        %dma_wait3A_144 = arith.constant 0 : i32
        %dma_wait3A_145 = tpu.memref_slice %arg4[%dma_wait3A_143, %dma_wait3A_144] : memref<125000x128xi32, #tpu.memory_space<hbm>> -> memref<8x128xi32, #tpu.memory_space<hbm>>
        %dma_wait3A_146 = arith.constant 124992 : i32
        %dma_wait3A_147 = arith.constant 0 : i32
        %dma_wait3A_148 = tpu.memref_slice %arg4[%dma_wait3A_146, %dma_wait3A_147] : memref<125000x128xi32, #tpu.memory_space<hbm>> -> memref<8x128xi32, #tpu.memory_space<hbm>>
        %dma_wait3A_149 = arith.constant 0 : i32
        %dma_wait3A_150 = arith.constant 0 : i32
        %dma_wait3A_151 = tpu.memref_slice %arg6[%run_scoped3A_125, %dma_wait3A_149, %dma_wait3A_150] : memref<2x16x128xi32, #tpu.memory_space<vmem>> -> memref<1x8x128xi32, #tpu.memory_space<vmem>>
        %dma_wait3A_152 = tpu.memref_squeeze %dma_wait3A_151 : memref<1x8x128xi32, #tpu.memory_space<vmem>> -> memref<8x128xi32, #tpu.memory_space<vmem>>
        tpu.wait_dma2 semaphore(%run_scoped3A_126 : memref<!tpu.dma_semaphore, #tpu.memory_space<semaphore_mem>>) src(%dma_wait3A_152 : memref<8x128xi32, #tpu.memory_space<vmem>>) dst(%dma_wait3A_148 : memref<8x128xi32, #tpu.memory_space<hbm>>)
        tpu.yield
      }) : () -> ()
    } else {
    }
    return
  }
}

#map = affine_map<(d0, d1) -> (0, 0)>
#map1 = affine_map<(d0, d1) -> (0, 0, 0, 0, 0)>
module attributes {stable_mosaic.version = 14 : i64} {
  func.func @_gather_body(%arg0: i32, %arg1: i32, %arg2: memref<4096x200xi32, #tpu.memory_space<hbm>>, %arg3: memref<1000000x16xi32, #tpu.memory_space<hbm>>, %arg4: memref<200x4x32x4x128xi32, #tpu.memory_space<hbm>>, %arg5: memref<128x200xi32, #tpu.memory_space<vmem>>, %arg6: memref<2x128xi32, #tpu.memory_space<vmem>>, %arg7: memref<2x128x16xi32, #tpu.memory_space<vmem>>, %arg8: memref<2x4x4x128xi32, #tpu.memory_space<vmem>>, %arg9: memref<2x!tpu.dma_semaphore, #tpu.memory_space<semaphore_mem>>, %arg10: memref<2x!tpu.dma_semaphore, #tpu.memory_space<semaphore_mem>>) attributes {dimension_semantics = [#tpu.dimension_semantics<core_parallel>, #tpu.dimension_semantics<subcore_parallel>], iteration_bounds = array<i64: 2, 16>, scalar_prefetch = 0 : i64, scratch_operands = 6 : i64, tpu.core_type = #tpu.core_type<sc_vector_subcore>, window_params = [{transform_indices = #map}, {transform_indices = #map}, {transform_indices = #map1}]} {
    %mul3A = arith.constant 2 : i32
    %mul3A_0 = arith.muli %arg1, %mul3A : i32
    %add3A = arith.addi %mul3A_0, %arg0 : i32
    %mul3A_1 = arith.constant 128 : i32
    %mul3A_2 = arith.muli %add3A, %mul3A_1 : i32
    %multiple_of3A = tpu.assume_multiple %mul3A_2, 128 : i32
    %iota3A = tpu.iota {dimensions = array<i32: 0>} : vector<16xi32>
    %add3A_3 = arith.constant 0 : i32
    %add3A_4 = vector.broadcast %add3A_3 : i32 to vector<16xi32>
    %add3A_5 = arith.addi %iota3A, %add3A_4 : vector<16xi32>
    %add3A_6 = arith.constant 16 : i32
    %add3A_7 = vector.broadcast %add3A_6 : i32 to vector<16xi32>
    %add3A_8 = arith.addi %iota3A, %add3A_7 : vector<16xi32>
    %add3A_9 = arith.constant 32 : i32
    %add3A_10 = vector.broadcast %add3A_9 : i32 to vector<16xi32>
    %add3A_11 = arith.addi %iota3A, %add3A_10 : vector<16xi32>
    %add3A_12 = arith.constant 48 : i32
    %add3A_13 = vector.broadcast %add3A_12 : i32 to vector<16xi32>
    %add3A_14 = arith.addi %iota3A, %add3A_13 : vector<16xi32>
    %add3A_15 = arith.constant 64 : i32
    %add3A_16 = vector.broadcast %add3A_15 : i32 to vector<16xi32>
    %add3A_17 = arith.addi %iota3A, %add3A_16 : vector<16xi32>
    %add3A_18 = arith.constant 80 : i32
    %add3A_19 = vector.broadcast %add3A_18 : i32 to vector<16xi32>
    %add3A_20 = arith.addi %iota3A, %add3A_19 : vector<16xi32>
    %add3A_21 = arith.constant 96 : i32
    %add3A_22 = vector.broadcast %add3A_21 : i32 to vector<16xi32>
    %add3A_23 = arith.addi %iota3A, %add3A_22 : vector<16xi32>
    %add3A_24 = arith.constant 112 : i32
    %add3A_25 = vector.broadcast %add3A_24 : i32 to vector<16xi32>
    %add3A_26 = arith.addi %iota3A, %add3A_25 : vector<16xi32>
    "tpu.region"() ({
      %run_scoped3A = tpu.sem_alloc : memref<!tpu.dma_semaphore, #tpu.memory_space<semaphore_mem>>
      %dma_start3A_269 = arith.constant 0 : i32
      %dma_start3A_270 = tpu.memref_slice %arg2[%multiple_of3A, %dma_start3A_269] : memref<4096x200xi32, #tpu.memory_space<hbm>> -> memref<128x200xi32, #tpu.memory_space<hbm>>
      %dma_start3A_271 = arith.constant 0 : i32
      %dma_start3A_272 = tpu.memref_slice %arg2[%multiple_of3A, %dma_start3A_271] : memref<4096x200xi32, #tpu.memory_space<hbm>> -> memref<128x200xi32, #tpu.memory_space<hbm>>
      tpu.enqueue_dma source(%dma_start3A_272 : memref<128x200xi32, #tpu.memory_space<hbm>>) target(%arg5 : memref<128x200xi32, #tpu.memory_space<vmem>>) target_semaphore(%run_scoped3A : memref<!tpu.dma_semaphore, #tpu.memory_space<semaphore_mem>>)
      %dma_wait3A_273 = arith.constant 0 : i32
      %dma_wait3A_274 = tpu.memref_slice %arg2[%multiple_of3A, %dma_wait3A_273] : memref<4096x200xi32, #tpu.memory_space<hbm>> -> memref<128x200xi32, #tpu.memory_space<hbm>>
      %dma_wait3A_275 = arith.constant 0 : i32
      %dma_wait3A_276 = tpu.memref_slice %arg2[%multiple_of3A, %dma_wait3A_275] : memref<4096x200xi32, #tpu.memory_space<hbm>> -> memref<128x200xi32, #tpu.memory_space<hbm>>
      tpu.wait_dma2 semaphore(%run_scoped3A : memref<!tpu.dma_semaphore, #tpu.memory_space<semaphore_mem>>) src(%dma_wait3A_276 : memref<128x200xi32, #tpu.memory_space<hbm>>) dst(%arg5 : memref<128x200xi32, #tpu.memory_space<vmem>>)
      tpu.yield
    }) : () -> ()
    %broadcast_in_dim3A = arith.constant 0 : i32
    %broadcast_in_dim3A_27 = vector.broadcast %broadcast_in_dim3A : i32 to vector<16xi32>
    %gather3A = tpu.vector_load_idx %arg5[%add3A_5, %broadcast_in_dim3A_27] : memref<128x200xi32, #tpu.memory_space<vmem>>[vector<16xi32>, vector<16xi32>], vector<16xi32>,
    %swap3A = arith.constant 0 : i32
    %swap3A_28 = arith.index_cast %swap3A : i32 to index
    %swap3A_29 = arith.constant 0 : index
    %swap3A_30 = tpu.vector_load %arg6[%swap3A_28, %swap3A_29] {strides = array<i32>} : memref<2x128xi32, #tpu.memory_space<vmem>>, vector<16xi32>,
    tpu.vector_store %arg6[%swap3A_28, %swap3A_29], %gather3A {strides = array<i32>} : memref<2x128xi32, #tpu.memory_space<vmem>>, vector<16xi32>,
    %gather3A_31 = tpu.vector_load_idx %arg5[%add3A_8, %broadcast_in_dim3A_27] : memref<128x200xi32, #tpu.memory_space<vmem>>[vector<16xi32>, vector<16xi32>], vector<16xi32>,
    %swap3A_32 = arith.constant 0 : i32
    %swap3A_33 = arith.index_cast %swap3A_32 : i32 to index
    %swap3A_34 = arith.constant 16 : index
    %swap3A_35 = tpu.vector_load %arg6[%swap3A_33, %swap3A_34] {strides = array<i32>} : memref<2x128xi32, #tpu.memory_space<vmem>>, vector<16xi32>,
    tpu.vector_store %arg6[%swap3A_33, %swap3A_34], %gather3A_31 {strides = array<i32>} : memref<2x128xi32, #tpu.memory_space<vmem>>, vector<16xi32>,
    %gather3A_36 = tpu.vector_load_idx %arg5[%add3A_11, %broadcast_in_dim3A_27] : memref<128x200xi32, #tpu.memory_space<vmem>>[vector<16xi32>, vector<16xi32>], vector<16xi32>,
    %swap3A_37 = arith.constant 0 : i32
    %swap3A_38 = arith.index_cast %swap3A_37 : i32 to index
    %swap3A_39 = arith.constant 32 : index
    %swap3A_40 = tpu.vector_load %arg6[%swap3A_38, %swap3A_39] {strides = array<i32>} : memref<2x128xi32, #tpu.memory_space<vmem>>, vector<16xi32>,
    tpu.vector_store %arg6[%swap3A_38, %swap3A_39], %gather3A_36 {strides = array<i32>} : memref<2x128xi32, #tpu.memory_space<vmem>>, vector<16xi32>,
    %gather3A_41 = tpu.vector_load_idx %arg5[%add3A_14, %broadcast_in_dim3A_27] : memref<128x200xi32, #tpu.memory_space<vmem>>[vector<16xi32>, vector<16xi32>], vector<16xi32>,
    %swap3A_42 = arith.constant 0 : i32
    %swap3A_43 = arith.index_cast %swap3A_42 : i32 to index
    %swap3A_44 = arith.constant 48 : index
    %swap3A_45 = tpu.vector_load %arg6[%swap3A_43, %swap3A_44] {strides = array<i32>} : memref<2x128xi32, #tpu.memory_space<vmem>>, vector<16xi32>,
    tpu.vector_store %arg6[%swap3A_43, %swap3A_44], %gather3A_41 {strides = array<i32>} : memref<2x128xi32, #tpu.memory_space<vmem>>, vector<16xi32>,
    %gather3A_46 = tpu.vector_load_idx %arg5[%add3A_17, %broadcast_in_dim3A_27] : memref<128x200xi32, #tpu.memory_space<vmem>>[vector<16xi32>, vector<16xi32>], vector<16xi32>,
    %swap3A_47 = arith.constant 0 : i32
    %swap3A_48 = arith.index_cast %swap3A_47 : i32 to index
    %swap3A_49 = arith.constant 64 : index
    %swap3A_50 = tpu.vector_load %arg6[%swap3A_48, %swap3A_49] {strides = array<i32>} : memref<2x128xi32, #tpu.memory_space<vmem>>, vector<16xi32>,
    tpu.vector_store %arg6[%swap3A_48, %swap3A_49], %gather3A_46 {strides = array<i32>} : memref<2x128xi32, #tpu.memory_space<vmem>>, vector<16xi32>,
    %gather3A_51 = tpu.vector_load_idx %arg5[%add3A_20, %broadcast_in_dim3A_27] : memref<128x200xi32, #tpu.memory_space<vmem>>[vector<16xi32>, vector<16xi32>], vector<16xi32>,
    %swap3A_52 = arith.constant 0 : i32
    %swap3A_53 = arith.index_cast %swap3A_52 : i32 to index
    %swap3A_54 = arith.constant 80 : index
    %swap3A_55 = tpu.vector_load %arg6[%swap3A_53, %swap3A_54] {strides = array<i32>} : memref<2x128xi32, #tpu.memory_space<vmem>>, vector<16xi32>,
    tpu.vector_store %arg6[%swap3A_53, %swap3A_54], %gather3A_51 {strides = array<i32>} : memref<2x128xi32, #tpu.memory_space<vmem>>, vector<16xi32>,
    %gather3A_56 = tpu.vector_load_idx %arg5[%add3A_23, %broadcast_in_dim3A_27] : memref<128x200xi32, #tpu.memory_space<vmem>>[vector<16xi32>, vector<16xi32>], vector<16xi32>,
    %swap3A_57 = arith.constant 0 : i32
    %swap3A_58 = arith.index_cast %swap3A_57 : i32 to index
    %swap3A_59 = arith.constant 96 : index
    %swap3A_60 = tpu.vector_load %arg6[%swap3A_58, %swap3A_59] {strides = array<i32>} : memref<2x128xi32, #tpu.memory_space<vmem>>, vector<16xi32>,
    tpu.vector_store %arg6[%swap3A_58, %swap3A_59], %gather3A_56 {strides = array<i32>} : memref<2x128xi32, #tpu.memory_space<vmem>>, vector<16xi32>,
    %gather3A_61 = tpu.vector_load_idx %arg5[%add3A_26, %broadcast_in_dim3A_27] : memref<128x200xi32, #tpu.memory_space<vmem>>[vector<16xi32>, vector<16xi32>], vector<16xi32>,
    %swap3A_62 = arith.constant 0 : i32
    %swap3A_63 = arith.index_cast %swap3A_62 : i32 to index
    %swap3A_64 = arith.constant 112 : index
    %swap3A_65 = tpu.vector_load %arg6[%swap3A_63, %swap3A_64] {strides = array<i32>} : memref<2x128xi32, #tpu.memory_space<vmem>>, vector<16xi32>,
    tpu.vector_store %arg6[%swap3A_63, %swap3A_64], %gather3A_61 {strides = array<i32>} : memref<2x128xi32, #tpu.memory_space<vmem>>, vector<16xi32>,
    %dma_start3A = arith.constant 0 : i32
    %dma_start3A_66 = arith.constant 0 : i32
    %dma_start3A_67 = arith.constant 0 : i32
    %dma_start3A_68 = arith.constant 0 : i32
    %dma_start3A_69 = arith.constant 0 : i32
    %dma_start3A_70 = tpu.memref_slice %arg7[%dma_start3A_66, %dma_start3A_68, %dma_start3A_69] : memref<2x128x16xi32, #tpu.memory_space<vmem>> -> memref<1x128x16xi32, #tpu.memory_space<vmem>>
    %dma_start3A_71 = tpu.memref_squeeze %dma_start3A_70 : memref<1x128x16xi32, #tpu.memory_space<vmem>> -> memref<128x16xi32, #tpu.memory_space<vmem>>
    %dma_start3A_72 = arith.constant 0 : i32
    %dma_start3A_73 = tpu.memref_slice %arg6[%dma_start3A, %dma_start3A_72] : memref<2x128xi32, #tpu.memory_space<vmem>> -> memref<1x128xi32, #tpu.memory_space<vmem>>
    %dma_start3A_74 = tpu.memref_squeeze %dma_start3A_73 : memref<1x128xi32, #tpu.memory_space<vmem>> -> memref<128xi32, #tpu.memory_space<vmem>>
    %dma_start3A_75 = arith.constant 0 : i32
    %dma_start3A_76 = arith.constant 0 : i32
    %dma_start3A_77 = tpu.memref_slice %arg3[%dma_start3A_75, %dma_start3A_76] : memref<1000000x16xi32, #tpu.memory_space<hbm>> -> memref<1000000x16xi32, #tpu.memory_space<hbm>>
    %dma_start3A_78 = tpu.memref_slice %arg9[%dma_start3A_67] : memref<2x!tpu.dma_semaphore, #tpu.memory_space<semaphore_mem>> -> memref<1x!tpu.dma_semaphore, #tpu.memory_space<semaphore_mem>>
    %dma_start3A_79 = tpu.memref_squeeze %dma_start3A_78 : memref<1x!tpu.dma_semaphore, #tpu.memory_space<semaphore_mem>> -> memref<!tpu.dma_semaphore, #tpu.memory_space<semaphore_mem>>
    tpu.enqueue_indirect_dma source(%dma_start3A_77 : memref<1000000x16xi32, #tpu.memory_space<hbm>>) target(%dma_start3A_71 : memref<128x16xi32, #tpu.memory_space<vmem>>) offsets(%dma_start3A_74 : memref<128xi32, #tpu.memory_space<vmem>>) semaphore(%dma_start3A_79 : memref<!tpu.dma_semaphore, #tpu.memory_space<semaphore_mem>>)
    %scan3A = arith.constant 0 : i32
    %scan3A_80 = arith.constant 0 : i32
    %scan3A_81 = arith.constant 200 : i32
    %scan3A_82 = arith.addi %scan3A_80, %scan3A_81 : i32
    %scan3A_83 = arith.constant 1 : i32
    %scan3A_84 = scf.for %scan3A_269 = %scan3A_80 to %scan3A_82 step %scan3A_83 iter_args(%scan3A_270 = %scan3A) -> (i32)  : i32 {
      %add3A_271 = arith.constant 1 : i32
      %add3A_272 = arith.addi %scan3A_269, %add3A_271 : i32
      %lt3A = arith.constant 200 : i32
      %lt3A_273 = arith.cmpi slt, %add3A_272, %lt3A : i32
      %convert_element_type3A = arith.extui %lt3A_273 : i1 to i32
      %cond3A = arith.constant 0 : i32
      %cond3A_274 = arith.cmpi ne, %convert_element_type3A, %cond3A : i32
      scf.if %cond3A_274 {
        %add3A_1982 = arith.constant 1 : i32
        %add3A_1983 = arith.addi %scan3A_269, %add3A_1982 : i32
        %jit3A_1984 = arith.constant 2 : i32
        %eq3A_1985 = arith.constant 0 : i32
        %eq3A_1986 = arith.cmpi eq, %jit3A_1984, %eq3A_1985 : i32
        %jit3A_1987 = arith.constant 1 : i32
        %select_n3A_1988 = arith.select %eq3A_1986, %jit3A_1987, %jit3A_1984 : i32
        %rem3A_1989 = arith.remsi %add3A_1983, %select_n3A_1988 : i32
        %ne3A_1990 = arith.constant 0 : i32
        %ne3A_1991 = arith.cmpi ne, %rem3A_1989, %ne3A_1990 : i32
        %lt3A_1992 = arith.constant 0 : i32
        %lt3A_1993 = arith.cmpi slt, %rem3A_1989, %lt3A_1992 : i32
        %lt3A_1994 = arith.constant 0 : i32
        %lt3A_1995 = arith.cmpi slt, %select_n3A_1988, %lt3A_1994 : i32
        %ne3A_1996 = arith.xori %lt3A_1993, %lt3A_1995 : i1
        %and3A_1997 = arith.andi %ne3A_1996, %ne3A_1991 : i1
        %add3A_1998 = arith.addi %rem3A_1989, %select_n3A_1988 : i32
        %select_n3A_1999 = arith.select %and3A_1997, %add3A_1998, %rem3A_1989 : i32
        %broadcast_in_dim3A_2000 = vector.broadcast %add3A_1983 : i32 to vector<16xi32>
        %gather3A_2001 = tpu.vector_load_idx %arg5[%add3A_5, %broadcast_in_dim3A_2000] : memref<128x200xi32, #tpu.memory_space<vmem>>[vector<16xi32>, vector<16xi32>], vector<16xi32>,
        %swap3A_2002 = arith.index_cast %select_n3A_1999 : i32 to index
        %swap3A_2003 = arith.constant 0 : index
        %swap3A_2004 = tpu.vector_load %arg6[%swap3A_2002, %swap3A_2003] {strides = array<i32>} : memref<2x128xi32, #tpu.memory_space<vmem>>, vector<16xi32>,
        tpu.vector_store %arg6[%swap3A_2002, %swap3A_2003], %gather3A_2001 {strides = array<i32>} : memref<2x128xi32, #tpu.memory_space<vmem>>, vector<16xi32>,
        %gather3A_2005 = tpu.vector_load_idx %arg5[%add3A_8, %broadcast_in_dim3A_2000] : memref<128x200xi32, #tpu.memory_space<vmem>>[vector<16xi32>, vector<16xi32>], vector<16xi32>,
        %swap3A_2006 = arith.index_cast %select_n3A_1999 : i32 to index
        %swap3A_2007 = arith.constant 16 : index
        %swap3A_2008 = tpu.vector_load %arg6[%swap3A_2006, %swap3A_2007] {strides = array<i32>} : memref<2x128xi32, #tpu.memory_space<vmem>>, vector<16xi32>,
        tpu.vector_store %arg6[%swap3A_2006, %swap3A_2007], %gather3A_2005 {strides = array<i32>} : memref<2x128xi32, #tpu.memory_space<vmem>>, vector<16xi32>,
        %gather3A_2009 = tpu.vector_load_idx %arg5[%add3A_11, %broadcast_in_dim3A_2000] : memref<128x200xi32, #tpu.memory_space<vmem>>[vector<16xi32>, vector<16xi32>], vector<16xi32>,
        %swap3A_2010 = arith.index_cast %select_n3A_1999 : i32 to index
        %swap3A_2011 = arith.constant 32 : index
        %swap3A_2012 = tpu.vector_load %arg6[%swap3A_2010, %swap3A_2011] {strides = array<i32>} : memref<2x128xi32, #tpu.memory_space<vmem>>, vector<16xi32>,
        tpu.vector_store %arg6[%swap3A_2010, %swap3A_2011], %gather3A_2009 {strides = array<i32>} : memref<2x128xi32, #tpu.memory_space<vmem>>, vector<16xi32>,
        %gather3A_2013 = tpu.vector_load_idx %arg5[%add3A_14, %broadcast_in_dim3A_2000] : memref<128x200xi32, #tpu.memory_space<vmem>>[vector<16xi32>, vector<16xi32>], vector<16xi32>,
        %swap3A_2014 = arith.index_cast %select_n3A_1999 : i32 to index
        %swap3A_2015 = arith.constant 48 : index
        %swap3A_2016 = tpu.vector_load %arg6[%swap3A_2014, %swap3A_2015] {strides = array<i32>} : memref<2x128xi32, #tpu.memory_space<vmem>>, vector<16xi32>,
        tpu.vector_store %arg6[%swap3A_2014, %swap3A_2015], %gather3A_2013 {strides = array<i32>} : memref<2x128xi32, #tpu.memory_space<vmem>>, vector<16xi32>,
        %gather3A_2017 = tpu.vector_load_idx %arg5[%add3A_17, %broadcast_in_dim3A_2000] : memref<128x200xi32, #tpu.memory_space<vmem>>[vector<16xi32>, vector<16xi32>], vector<16xi32>,
        %swap3A_2018 = arith.index_cast %select_n3A_1999 : i32 to index
        %swap3A_2019 = arith.constant 64 : index
        %swap3A_2020 = tpu.vector_load %arg6[%swap3A_2018, %swap3A_2019] {strides = array<i32>} : memref<2x128xi32, #tpu.memory_space<vmem>>, vector<16xi32>,
        tpu.vector_store %arg6[%swap3A_2018, %swap3A_2019], %gather3A_2017 {strides = array<i32>} : memref<2x128xi32, #tpu.memory_space<vmem>>, vector<16xi32>,
        %gather3A_2021 = tpu.vector_load_idx %arg5[%add3A_20, %broadcast_in_dim3A_2000] : memref<128x200xi32, #tpu.memory_space<vmem>>[vector<16xi32>, vector<16xi32>], vector<16xi32>,
        %swap3A_2022 = arith.index_cast %select_n3A_1999 : i32 to index
        %swap3A_2023 = arith.constant 80 : index
        %swap3A_2024 = tpu.vector_load %arg6[%swap3A_2022, %swap3A_2023] {strides = array<i32>} : memref<2x128xi32, #tpu.memory_space<vmem>>, vector<16xi32>,
        tpu.vector_store %arg6[%swap3A_2022, %swap3A_2023], %gather3A_2021 {strides = array<i32>} : memref<2x128xi32, #tpu.memory_space<vmem>>, vector<16xi32>,
        %gather3A_2025 = tpu.vector_load_idx %arg5[%add3A_23, %broadcast_in_dim3A_2000] : memref<128x200xi32, #tpu.memory_space<vmem>>[vector<16xi32>, vector<16xi32>], vector<16xi32>,
        %swap3A_2026 = arith.index_cast %select_n3A_1999 : i32 to index
        %swap3A_2027 = arith.constant 96 : index
        %swap3A_2028 = tpu.vector_load %arg6[%swap3A_2026, %swap3A_2027] {strides = array<i32>} : memref<2x128xi32, #tpu.memory_space<vmem>>, vector<16xi32>,
        tpu.vector_store %arg6[%swap3A_2026, %swap3A_2027], %gather3A_2025 {strides = array<i32>} : memref<2x128xi32, #tpu.memory_space<vmem>>, vector<16xi32>,
        %gather3A_2029 = tpu.vector_load_idx %arg5[%add3A_26, %broadcast_in_dim3A_2000] : memref<128x200xi32, #tpu.memory_space<vmem>>[vector<16xi32>, vector<16xi32>], vector<16xi32>,
        %swap3A_2030 = arith.index_cast %select_n3A_1999 : i32 to index
        %swap3A_2031 = arith.constant 112 : index
        %swap3A_2032 = tpu.vector_load %arg6[%swap3A_2030, %swap3A_2031] {strides = array<i32>} : memref<2x128xi32, #tpu.memory_space<vmem>>, vector<16xi32>,
        tpu.vector_store %arg6[%swap3A_2030, %swap3A_2031], %gather3A_2029 {strides = array<i32>} : memref<2x128xi32, #tpu.memory_space<vmem>>, vector<16xi32>,
        %add3A_2033 = arith.constant 1 : i32
        %add3A_2034 = arith.addi %scan3A_269, %add3A_2033 : i32
        %jit3A_2035 = arith.constant 2 : i32
        %eq3A_2036 = arith.constant 0 : i32
        %eq3A_2037 = arith.cmpi eq, %jit3A_2035, %eq3A_2036 : i32
        %jit3A_2038 = arith.constant 1 : i32
        %select_n3A_2039 = arith.select %eq3A_2037, %jit3A_2038, %jit3A_2035 : i32
        %rem3A_2040 = arith.remsi %add3A_2034, %select_n3A_2039 : i32
        %ne3A_2041 = arith.constant 0 : i32
        %ne3A_2042 = arith.cmpi ne, %rem3A_2040, %ne3A_2041 : i32
        %lt3A_2043 = arith.constant 0 : i32
        %lt3A_2044 = arith.cmpi slt, %rem3A_2040, %lt3A_2043 : i32
        %lt3A_2045 = arith.constant 0 : i32
        %lt3A_2046 = arith.cmpi slt, %select_n3A_2039, %lt3A_2045 : i32
        %ne3A_2047 = arith.xori %lt3A_2044, %lt3A_2046 : i1
        %and3A_2048 = arith.andi %ne3A_2047, %ne3A_2042 : i1
        %add3A_2049 = arith.addi %rem3A_2040, %select_n3A_2039 : i32
        %select_n3A_2050 = arith.select %and3A_2048, %add3A_2049, %rem3A_2040 : i32
        %dma_start3A_2051 = arith.constant 0 : i32
        %dma_start3A_2052 = arith.constant 0 : i32
        %dma_start3A_2053 = tpu.memref_slice %arg7[%select_n3A_2050, %dma_start3A_2051, %dma_start3A_2052] : memref<2x128x16xi32, #tpu.memory_space<vmem>> -> memref<1x128x16xi32, #tpu.memory_space<vmem>>
        %dma_start3A_2054 = tpu.memref_squeeze %dma_start3A_2053 : memref<1x128x16xi32, #tpu.memory_space<vmem>> -> memref<128x16xi32, #tpu.memory_space<vmem>>
        %dma_start3A_2055 = arith.constant 0 : i32
        %dma_start3A_2056 = tpu.memref_slice %arg6[%select_n3A_2050, %dma_start3A_2055] : memref<2x128xi32, #tpu.memory_space<vmem>> -> memref<1x128xi32, #tpu.memory_space<vmem>>
        %dma_start3A_2057 = tpu.memref_squeeze %dma_start3A_2056 : memref<1x128xi32, #tpu.memory_space<vmem>> -> memref<128xi32, #tpu.memory_space<vmem>>
        %dma_start3A_2058 = arith.constant 0 : i32
        %dma_start3A_2059 = arith.constant 0 : i32
        %dma_start3A_2060 = tpu.memref_slice %arg3[%dma_start3A_2058, %dma_start3A_2059] : memref<1000000x16xi32, #tpu.memory_space<hbm>> -> memref<1000000x16xi32, #tpu.memory_space<hbm>>
        %dma_start3A_2061 = tpu.memref_slice %arg9[%select_n3A_2050] : memref<2x!tpu.dma_semaphore, #tpu.memory_space<semaphore_mem>> -> memref<1x!tpu.dma_semaphore, #tpu.memory_space<semaphore_mem>>
        %dma_start3A_2062 = tpu.memref_squeeze %dma_start3A_2061 : memref<1x!tpu.dma_semaphore, #tpu.memory_space<semaphore_mem>> -> memref<!tpu.dma_semaphore, #tpu.memory_space<semaphore_mem>>
        tpu.enqueue_indirect_dma source(%dma_start3A_2060 : memref<1000000x16xi32, #tpu.memory_space<hbm>>) target(%dma_start3A_2054 : memref<128x16xi32, #tpu.memory_space<vmem>>) offsets(%dma_start3A_2057 : memref<128xi32, #tpu.memory_space<vmem>>) semaphore(%dma_start3A_2062 : memref<!tpu.dma_semaphore, #tpu.memory_space<semaphore_mem>>)
      } else {
      }
      %jit3A = arith.constant 2 : i32
      %eq3A = arith.constant 0 : i32
      %eq3A_275 = arith.cmpi eq, %jit3A, %eq3A : i32
      %jit3A_276 = arith.constant 1 : i32
      %select_n3A = arith.select %eq3A_275, %jit3A_276, %jit3A : i32
      %rem3A = arith.remsi %scan3A_269, %select_n3A : i32
      %ne3A = arith.constant 0 : i32
      %ne3A_277 = arith.cmpi ne, %rem3A, %ne3A : i32
      %lt3A_278 = arith.constant 0 : i32
      %lt3A_279 = arith.cmpi slt, %rem3A, %lt3A_278 : i32
      %lt3A_280 = arith.constant 0 : i32
      %lt3A_281 = arith.cmpi slt, %select_n3A, %lt3A_280 : i32
      %ne3A_282 = arith.xori %lt3A_279, %lt3A_281 : i1
      %and3A = arith.andi %ne3A_282, %ne3A_277 : i1
      %add3A_283 = arith.addi %rem3A, %select_n3A : i32
      %select_n3A_284 = arith.select %and3A, %add3A_283, %rem3A : i32
      %dma_wait3A_285 = arith.constant 0 : i32
      %dma_wait3A_286 = arith.constant 0 : i32
      %dma_wait3A_287 = tpu.memref_slice %arg7[%select_n3A_284, %dma_wait3A_285, %dma_wait3A_286] : memref<2x128x16xi32, #tpu.memory_space<vmem>> -> memref<1x128x16xi32, #tpu.memory_space<vmem>>
      %dma_wait3A_288 = tpu.memref_squeeze %dma_wait3A_287 : memref<1x128x16xi32, #tpu.memory_space<vmem>> -> memref<128x16xi32, #tpu.memory_space<vmem>>
      %dma_wait3A_289 = arith.constant 0 : i32
      %dma_wait3A_290 = tpu.memref_slice %arg6[%select_n3A_284, %dma_wait3A_289] : memref<2x128xi32, #tpu.memory_space<vmem>> -> memref<1x128xi32, #tpu.memory_space<vmem>>
      %dma_wait3A_291 = tpu.memref_squeeze %dma_wait3A_290 : memref<1x128xi32, #tpu.memory_space<vmem>> -> memref<128xi32, #tpu.memory_space<vmem>>
      %dma_wait3A_292 = arith.constant 0 : i32
      %dma_wait3A_293 = arith.constant 0 : i32
      %dma_wait3A_294 = tpu.memref_slice %arg3[%dma_wait3A_292, %dma_wait3A_293] : memref<1000000x16xi32, #tpu.memory_space<hbm>> -> memref<1000000x16xi32, #tpu.memory_space<hbm>>
      %dma_wait3A_295 = tpu.memref_slice %arg9[%select_n3A_284] : memref<2x!tpu.dma_semaphore, #tpu.memory_space<semaphore_mem>> -> memref<1x!tpu.dma_semaphore, #tpu.memory_space<semaphore_mem>>
      %dma_wait3A_296 = tpu.memref_squeeze %dma_wait3A_295 : memref<1x!tpu.dma_semaphore, #tpu.memory_space<semaphore_mem>> -> memref<!tpu.dma_semaphore, #tpu.memory_space<semaphore_mem>>
      tpu.wait_indirect_dma semaphore(%dma_wait3A_296 : memref<!tpu.dma_semaphore, #tpu.memory_space<semaphore_mem>>) src(%dma_wait3A_294 : memref<1000000x16xi32, #tpu.memory_space<hbm>>) dst(%dma_wait3A_288 : memref<128x16xi32, #tpu.memory_space<vmem>>)
      %ge3A = arith.constant 2 : i32
      %ge3A_297 = arith.cmpi sge, %scan3A_269, %ge3A : i32
      %convert_element_type3A_298 = arith.extui %ge3A_297 : i1 to i32
      %cond3A_299 = arith.constant 0 : i32
      %cond3A_300 = arith.cmpi ne, %convert_element_type3A_298, %cond3A_299 : i32
      scf.if %cond3A_300 {
        %sub3A = arith.constant 2 : i32
        %sub3A_1982 = arith.subi %scan3A_269, %sub3A : i32
        %jit3A_1983 = arith.constant 2 : i32
        %eq3A_1984 = arith.constant 0 : i32
        %eq3A_1985 = arith.cmpi eq, %jit3A_1983, %eq3A_1984 : i32
        %jit3A_1986 = arith.constant 1 : i32
        %select_n3A_1987 = arith.select %eq3A_1985, %jit3A_1986, %jit3A_1983 : i32
        %rem3A_1988 = arith.remsi %sub3A_1982, %select_n3A_1987 : i32
        %ne3A_1989 = arith.constant 0 : i32
        %ne3A_1990 = arith.cmpi ne, %rem3A_1988, %ne3A_1989 : i32
        %lt3A_1991 = arith.constant 0 : i32
        %lt3A_1992 = arith.cmpi slt, %rem3A_1988, %lt3A_1991 : i32
        %lt3A_1993 = arith.constant 0 : i32
        %lt3A_1994 = arith.cmpi slt, %select_n3A_1987, %lt3A_1993 : i32
        %ne3A_1995 = arith.xori %lt3A_1992, %lt3A_1994 : i1
        %and3A_1996 = arith.andi %ne3A_1995, %ne3A_1990 : i1
        %add3A_1997 = arith.addi %rem3A_1988, %select_n3A_1987 : i32
        %select_n3A_1998 = arith.select %and3A_1996, %add3A_1997, %rem3A_1988 : i32
        %dma_wait3A_1999 = arith.constant 0 : i32
        %dma_wait3A_2000 = arith.constant 0 : i32
        %dma_wait3A_2001 = arith.constant 0 : i32
        %dma_wait3A_2002 = arith.constant 0 : i32
        %dma_wait3A_2003 = tpu.memref_slice %arg8[%select_n3A_1998, %dma_wait3A_1999, %dma_wait3A_2001, %dma_wait3A_2002] : memref<2x4x4x128xi32, #tpu.memory_space<vmem>> -> memref<1x1x4x128xi32, #tpu.memory_space<vmem>>
        %dma_wait3A_2004 = tpu.memref_squeeze %dma_wait3A_2003 : memref<1x1x4x128xi32, #tpu.memory_space<vmem>> -> memref<4x128xi32, #tpu.memory_space<vmem>>
        %dma_wait3A_2005 = arith.constant 0 : i32
        %dma_wait3A_2006 = arith.constant 0 : i32
        %dma_wait3A_2007 = tpu.memref_slice %arg4[%sub3A_1982, %dma_wait3A_2000, %add3A, %dma_wait3A_2005, %dma_wait3A_2006] : memref<200x4x32x4x128xi32, #tpu.memory_space<hbm>> -> memref<1x1x1x4x128xi32, #tpu.memory_space<hbm>>
        %dma_wait3A_2008 = tpu.memref_squeeze %dma_wait3A_2007 : memref<1x1x1x4x128xi32, #tpu.memory_space<hbm>> -> memref<4x128xi32, #tpu.memory_space<hbm>>
        %dma_wait3A_2009 = tpu.memref_slice %arg10[%select_n3A_1998] : memref<2x!tpu.dma_semaphore, #tpu.memory_space<semaphore_mem>> -> memref<1x!tpu.dma_semaphore, #tpu.memory_space<semaphore_mem>>
        %dma_wait3A_2010 = tpu.memref_squeeze %dma_wait3A_2009 : memref<1x!tpu.dma_semaphore, #tpu.memory_space<semaphore_mem>> -> memref<!tpu.dma_semaphore, #tpu.memory_space<semaphore_mem>>
        %dma_wait3A_2011 = arith.constant 0 : i32
        %dma_wait3A_2012 = arith.constant 0 : i32
        %dma_wait3A_2013 = tpu.memref_slice %arg4[%sub3A_1982, %dma_wait3A_2000, %add3A, %dma_wait3A_2011, %dma_wait3A_2012] : memref<200x4x32x4x128xi32, #tpu.memory_space<hbm>> -> memref<1x1x1x4x128xi32, #tpu.memory_space<hbm>>
        %dma_wait3A_2014 = tpu.memref_squeeze %dma_wait3A_2013 : memref<1x1x1x4x128xi32, #tpu.memory_space<hbm>> -> memref<4x128xi32, #tpu.memory_space<hbm>>
        %dma_wait3A_2015 = arith.constant 0 : i32
        %dma_wait3A_2016 = arith.constant 0 : i32
        %dma_wait3A_2017 = tpu.memref_slice %arg8[%select_n3A_1998, %dma_wait3A_1999, %dma_wait3A_2015, %dma_wait3A_2016] : memref<2x4x4x128xi32, #tpu.memory_space<vmem>> -> memref<1x1x4x128xi32, #tpu.memory_space<vmem>>
        %dma_wait3A_2018 = tpu.memref_squeeze %dma_wait3A_2017 : memref<1x1x4x128xi32, #tpu.memory_space<vmem>> -> memref<4x128xi32, #tpu.memory_space<vmem>>
        tpu.wait_dma2 semaphore(%dma_wait3A_2010 : memref<!tpu.dma_semaphore, #tpu.memory_space<semaphore_mem>>) src(%dma_wait3A_2018 : memref<4x128xi32, #tpu.memory_space<vmem>>) dst(%dma_wait3A_2014 : memref<4x128xi32, #tpu.memory_space<hbm>>)
        %dma_wait3A_2019 = arith.constant 1 : i32
        %dma_wait3A_2020 = arith.constant 1 : i32
        %dma_wait3A_2021 = arith.constant 0 : i32
        %dma_wait3A_2022 = arith.constant 0 : i32
        %dma_wait3A_2023 = tpu.memref_slice %arg8[%select_n3A_1998, %dma_wait3A_2019, %dma_wait3A_2021, %dma_wait3A_2022] : memref<2x4x4x128xi32, #tpu.memory_space<vmem>> -> memref<1x1x4x128xi32, #tpu.memory_space<vmem>>
        %dma_wait3A_2024 = tpu.memref_squeeze %dma_wait3A_2023 : memref<1x1x4x128xi32, #tpu.memory_space<vmem>> -> memref<4x128xi32, #tpu.memory_space<vmem>>
        %dma_wait3A_2025 = arith.constant 0 : i32
        %dma_wait3A_2026 = arith.constant 0 : i32
        %dma_wait3A_2027 = tpu.memref_slice %arg4[%sub3A_1982, %dma_wait3A_2020, %add3A, %dma_wait3A_2025, %dma_wait3A_2026] : memref<200x4x32x4x128xi32, #tpu.memory_space<hbm>> -> memref<1x1x1x4x128xi32, #tpu.memory_space<hbm>>
        %dma_wait3A_2028 = tpu.memref_squeeze %dma_wait3A_2027 : memref<1x1x1x4x128xi32, #tpu.memory_space<hbm>> -> memref<4x128xi32, #tpu.memory_space<hbm>>
        %dma_wait3A_2029 = tpu.memref_slice %arg10[%select_n3A_1998] : memref<2x!tpu.dma_semaphore, #tpu.memory_space<semaphore_mem>> -> memref<1x!tpu.dma_semaphore, #tpu.memory_space<semaphore_mem>>
        %dma_wait3A_2030 = tpu.memref_squeeze %dma_wait3A_2029 : memref<1x!tpu.dma_semaphore, #tpu.memory_space<semaphore_mem>> -> memref<!tpu.dma_semaphore, #tpu.memory_space<semaphore_mem>>
        %dma_wait3A_2031 = arith.constant 0 : i32
        %dma_wait3A_2032 = arith.constant 0 : i32
        %dma_wait3A_2033 = tpu.memref_slice %arg4[%sub3A_1982, %dma_wait3A_2020, %add3A, %dma_wait3A_2031, %dma_wait3A_2032] : memref<200x4x32x4x128xi32, #tpu.memory_space<hbm>> -> memref<1x1x1x4x128xi32, #tpu.memory_space<hbm>>
        %dma_wait3A_2034 = tpu.memref_squeeze %dma_wait3A_2033 : memref<1x1x1x4x128xi32, #tpu.memory_space<hbm>> -> memref<4x128xi32, #tpu.memory_space<hbm>>
        %dma_wait3A_2035 = arith.constant 0 : i32
        %dma_wait3A_2036 = arith.constant 0 : i32
        %dma_wait3A_2037 = tpu.memref_slice %arg8[%select_n3A_1998, %dma_wait3A_2019, %dma_wait3A_2035, %dma_wait3A_2036] : memref<2x4x4x128xi32, #tpu.memory_space<vmem>> -> memref<1x1x4x128xi32, #tpu.memory_space<vmem>>
        %dma_wait3A_2038 = tpu.memref_squeeze %dma_wait3A_2037 : memref<1x1x4x128xi32, #tpu.memory_space<vmem>> -> memref<4x128xi32, #tpu.memory_space<vmem>>
        tpu.wait_dma2 semaphore(%dma_wait3A_2030 : memref<!tpu.dma_semaphore, #tpu.memory_space<semaphore_mem>>) src(%dma_wait3A_2038 : memref<4x128xi32, #tpu.memory_space<vmem>>) dst(%dma_wait3A_2034 : memref<4x128xi32, #tpu.memory_space<hbm>>)
        %dma_wait3A_2039 = arith.constant 2 : i32
        %dma_wait3A_2040 = arith.constant 2 : i32
        %dma_wait3A_2041 = arith.constant 0 : i32
        %dma_wait3A_2042 = arith.constant 0 : i32
        %dma_wait3A_2043 = tpu.memref_slice %arg8[%select_n3A_1998, %dma_wait3A_2039, %dma_wait3A_2041, %dma_wait3A_2042] : memref<2x4x4x128xi32, #tpu.memory_space<vmem>> -> memref<1x1x4x128xi32, #tpu.memory_space<vmem>>
        %dma_wait3A_2044 = tpu.memref_squeeze %dma_wait3A_2043 : memref<1x1x4x128xi32, #tpu.memory_space<vmem>> -> memref<4x128xi32, #tpu.memory_space<vmem>>
        %dma_wait3A_2045 = arith.constant 0 : i32
        %dma_wait3A_2046 = arith.constant 0 : i32
        %dma_wait3A_2047 = tpu.memref_slice %arg4[%sub3A_1982, %dma_wait3A_2040, %add3A, %dma_wait3A_2045, %dma_wait3A_2046] : memref<200x4x32x4x128xi32, #tpu.memory_space<hbm>> -> memref<1x1x1x4x128xi32, #tpu.memory_space<hbm>>
        %dma_wait3A_2048 = tpu.memref_squeeze %dma_wait3A_2047 : memref<1x1x1x4x128xi32, #tpu.memory_space<hbm>> -> memref<4x128xi32, #tpu.memory_space<hbm>>
        %dma_wait3A_2049 = tpu.memref_slice %arg10[%select_n3A_1998] : memref<2x!tpu.dma_semaphore, #tpu.memory_space<semaphore_mem>> -> memref<1x!tpu.dma_semaphore, #tpu.memory_space<semaphore_mem>>
        %dma_wait3A_2050 = tpu.memref_squeeze %dma_wait3A_2049 : memref<1x!tpu.dma_semaphore, #tpu.memory_space<semaphore_mem>> -> memref<!tpu.dma_semaphore, #tpu.memory_space<semaphore_mem>>
        %dma_wait3A_2051 = arith.constant 0 : i32
        %dma_wait3A_2052 = arith.constant 0 : i32
        %dma_wait3A_2053 = tpu.memref_slice %arg4[%sub3A_1982, %dma_wait3A_2040, %add3A, %dma_wait3A_2051, %dma_wait3A_2052] : memref<200x4x32x4x128xi32, #tpu.memory_space<hbm>> -> memref<1x1x1x4x128xi32, #tpu.memory_space<hbm>>
        %dma_wait3A_2054 = tpu.memref_squeeze %dma_wait3A_2053 : memref<1x1x1x4x128xi32, #tpu.memory_space<hbm>> -> memref<4x128xi32, #tpu.memory_space<hbm>>
        %dma_wait3A_2055 = arith.constant 0 : i32
        %dma_wait3A_2056 = arith.constant 0 : i32
        %dma_wait3A_2057 = tpu.memref_slice %arg8[%select_n3A_1998, %dma_wait3A_2039, %dma_wait3A_2055, %dma_wait3A_2056] : memref<2x4x4x128xi32, #tpu.memory_space<vmem>> -> memref<1x1x4x128xi32, #tpu.memory_space<vmem>>
        %dma_wait3A_2058 = tpu.memref_squeeze %dma_wait3A_2057 : memref<1x1x4x128xi32, #tpu.memory_space<vmem>> -> memref<4x128xi32, #tpu.memory_space<vmem>>
        tpu.wait_dma2 semaphore(%dma_wait3A_2050 : memref<!tpu.dma_semaphore, #tpu.memory_space<semaphore_mem>>) src(%dma_wait3A_2058 : memref<4x128xi32, #tpu.memory_space<vmem>>) dst(%dma_wait3A_2054 : memref<4x128xi32, #tpu.memory_space<hbm>>)
        %dma_wait3A_2059 = arith.constant 3 : i32
        %dma_wait3A_2060 = arith.constant 3 : i32
        %dma_wait3A_2061 = arith.constant 0 : i32
        %dma_wait3A_2062 = arith.constant 0 : i32
        %dma_wait3A_2063 = tpu.memref_slice %arg8[%select_n3A_1998, %dma_wait3A_2059, %dma_wait3A_2061, %dma_wait3A_2062] : memref<2x4x4x128xi32, #tpu.memory_space<vmem>> -> memref<1x1x4x128xi32, #tpu.memory_space<vmem>>
        %dma_wait3A_2064 = tpu.memref_squeeze %dma_wait3A_2063 : memref<1x1x4x128xi32, #tpu.memory_space<vmem>> -> memref<4x128xi32, #tpu.memory_space<vmem>>
        %dma_wait3A_2065 = arith.constant 0 : i32
        %dma_wait3A_2066 = arith.constant 0 : i32
        %dma_wait3A_2067 = tpu.memref_slice %arg4[%sub3A_1982, %dma_wait3A_2060, %add3A, %dma_wait3A_2065, %dma_wait3A_2066] : memref<200x4x32x4x128xi32, #tpu.memory_space<hbm>> -> memref<1x1x1x4x128xi32, #tpu.memory_space<hbm>>
        %dma_wait3A_2068 = tpu.memref_squeeze %dma_wait3A_2067 : memref<1x1x1x4x128xi32, #tpu.memory_space<hbm>> -> memref<4x128xi32, #tpu.memory_space<hbm>>
        %dma_wait3A_2069 = tpu.memref_slice %arg10[%select_n3A_1998] : memref<2x!tpu.dma_semaphore, #tpu.memory_space<semaphore_mem>> -> memref<1x!tpu.dma_semaphore, #tpu.memory_space<semaphore_mem>>
        %dma_wait3A_2070 = tpu.memref_squeeze %dma_wait3A_2069 : memref<1x!tpu.dma_semaphore, #tpu.memory_space<semaphore_mem>> -> memref<!tpu.dma_semaphore, #tpu.memory_space<semaphore_mem>>
        %dma_wait3A_2071 = arith.constant 0 : i32
        %dma_wait3A_2072 = arith.constant 0 : i32
        %dma_wait3A_2073 = tpu.memref_slice %arg4[%sub3A_1982, %dma_wait3A_2060, %add3A, %dma_wait3A_2071, %dma_wait3A_2072] : memref<200x4x32x4x128xi32, #tpu.memory_space<hbm>> -> memref<1x1x1x4x128xi32, #tpu.memory_space<hbm>>
        %dma_wait3A_2074 = tpu.memref_squeeze %dma_wait3A_2073 : memref<1x1x1x4x128xi32, #tpu.memory_space<hbm>> -> memref<4x128xi32, #tpu.memory_space<hbm>>
        %dma_wait3A_2075 = arith.constant 0 : i32
        %dma_wait3A_2076 = arith.constant 0 : i32
        %dma_wait3A_2077 = tpu.memref_slice %arg8[%select_n3A_1998, %dma_wait3A_2059, %dma_wait3A_2075, %dma_wait3A_2076] : memref<2x4x4x128xi32, #tpu.memory_space<vmem>> -> memref<1x1x4x128xi32, #tpu.memory_space<vmem>>
        %dma_wait3A_2078 = tpu.memref_squeeze %dma_wait3A_2077 : memref<1x1x4x128xi32, #tpu.memory_space<vmem>> -> memref<4x128xi32, #tpu.memory_space<vmem>>
        tpu.wait_dma2 semaphore(%dma_wait3A_2070 : memref<!tpu.dma_semaphore, #tpu.memory_space<semaphore_mem>>) src(%dma_wait3A_2078 : memref<4x128xi32, #tpu.memory_space<vmem>>) dst(%dma_wait3A_2074 : memref<4x128xi32, #tpu.memory_space<hbm>>)
      } else {
      }
      %jit3A_301 = arith.constant 2 : i32
      %eq3A_302 = arith.constant 0 : i32
      %eq3A_303 = arith.cmpi eq, %jit3A_301, %eq3A_302 : i32
      %jit3A_304 = arith.constant 1 : i32
      %select_n3A_305 = arith.select %eq3A_303, %jit3A_304, %jit3A_301 : i32
      %rem3A_306 = arith.remsi %scan3A_269, %select_n3A_305 : i32
      %ne3A_307 = arith.constant 0 : i32
      %ne3A_308 = arith.cmpi ne, %rem3A_306, %ne3A_307 : i32
      %lt3A_309 = arith.constant 0 : i32
      %lt3A_310 = arith.cmpi slt, %rem3A_306, %lt3A_309 : i32
      %lt3A_311 = arith.constant 0 : i32
      %lt3A_312 = arith.cmpi slt, %select_n3A_305, %lt3A_311 : i32
      %ne3A_313 = arith.xori %lt3A_310, %lt3A_312 : i1
      %and3A_314 = arith.andi %ne3A_313, %ne3A_308 : i1
      %add3A_315 = arith.addi %rem3A_306, %select_n3A_305 : i32
      %select_n3A_316 = arith.select %and3A_314, %add3A_315, %rem3A_306 : i32
      %broadcast_in_dim3A_317 = arith.constant 0 : i32
      %broadcast_in_dim3A_318 = vector.broadcast %broadcast_in_dim3A_317 : i32 to vector<16xi32>
      %gather3A_319 = arith.constant 0 : i32
      %gather3A_320 = arith.constant 0 : i32
      %gather3A_321 = tpu.memref_slice %arg7[%select_n3A_316, %gather3A_319, %gather3A_320] : memref<2x128x16xi32, #tpu.memory_space<vmem>> -> memref<1x128x16xi32, #tpu.memory_space<vmem>>
      %gather3A_322 = tpu.memref_squeeze %gather3A_321 : memref<1x128x16xi32, #tpu.memory_space<vmem>> -> memref<128x16xi32, #tpu.memory_space<vmem>>
      %gather3A_323 = tpu.vector_load_idx %gather3A_322[%add3A_5, %broadcast_in_dim3A_318] : memref<128x16xi32, #tpu.memory_space<vmem>>[vector<16xi32>, vector<16xi32>], vector<16xi32>,
      %swap3A_324 = arith.constant 0 : i32
      %swap3A_325 = arith.constant 0 : i32
      %swap3A_326 = arith.index_cast %select_n3A_316 : i32 to index
      %swap3A_327 = arith.index_cast %swap3A_324 : i32 to index
      %swap3A_328 = arith.index_cast %swap3A_325 : i32 to index
      %swap3A_329 = arith.constant 0 : index
      %swap3A_330 = tpu.vector_load %arg8[%swap3A_326, %swap3A_327, %swap3A_328, %swap3A_329] {strides = array<i32>} : memref<2x4x4x128xi32, #tpu.memory_space<vmem>>, vector<16xi32>,
      tpu.vector_store %arg8[%swap3A_326, %swap3A_327, %swap3A_328, %swap3A_329], %gather3A_323 {strides = array<i32>} : memref<2x4x4x128xi32, #tpu.memory_space<vmem>>, vector<16xi32>,
      %gather3A_331 = arith.constant 0 : i32
      %gather3A_332 = arith.constant 0 : i32
      %gather3A_333 = tpu.memref_slice %arg7[%select_n3A_316, %gather3A_331, %gather3A_332] : memref<2x128x16xi32, #tpu.memory_space<vmem>> -> memref<1x128x16xi32, #tpu.memory_space<vmem>>
      %gather3A_334 = tpu.memref_squeeze %gather3A_333 : memref<1x128x16xi32, #tpu.memory_space<vmem>> -> memref<128x16xi32, #tpu.memory_space<vmem>>
      %gather3A_335 = tpu.vector_load_idx %gather3A_334[%add3A_8, %broadcast_in_dim3A_318] : memref<128x16xi32, #tpu.memory_space<vmem>>[vector<16xi32>, vector<16xi32>], vector<16xi32>,
      %swap3A_336 = arith.constant 0 : i32
      %swap3A_337 = arith.constant 0 : i32
      %swap3A_338 = arith.index_cast %select_n3A_316 : i32 to index
      %swap3A_339 = arith.index_cast %swap3A_336 : i32 to index
      %swap3A_340 = arith.index_cast %swap3A_337 : i32 to index
      %swap3A_341 = arith.constant 16 : index
      %swap3A_342 = tpu.vector_load %arg8[%swap3A_338, %swap3A_339, %swap3A_340, %swap3A_341] {strides = array<i32>} : memref<2x4x4x128xi32, #tpu.memory_space<vmem>>, vector<16xi32>,
      tpu.vector_store %arg8[%swap3A_338, %swap3A_339, %swap3A_340, %swap3A_341], %gather3A_335 {strides = array<i32>} : memref<2x4x4x128xi32, #tpu.memory_space<vmem>>, vector<16xi32>,
      %gather3A_343 = arith.constant 0 : i32
      %gather3A_344 = arith.constant 0 : i32
      %gather3A_345 = tpu.memref_slice %arg7[%select_n3A_316, %gather3A_343, %gather3A_344] : memref<2x128x16xi32, #tpu.memory_space<vmem>> -> memref<1x128x16xi32, #tpu.memory_space<vmem>>
      %gather3A_346 = tpu.memref_squeeze %gather3A_345 : memref<1x128x16xi32, #tpu.memory_space<vmem>> -> memref<128x16xi32, #tpu.memory_space<vmem>>
      %gather3A_347 = tpu.vector_load_idx %gather3A_346[%add3A_11, %broadcast_in_dim3A_318] : memref<128x16xi32, #tpu.memory_space<vmem>>[vector<16xi32>, vector<16xi32>], vector<16xi32>,
      %swap3A_348 = arith.constant 0 : i32
      %swap3A_349 = arith.constant 0 : i32
      %swap3A_350 = arith.index_cast %select_n3A_316 : i32 to index
      %swap3A_351 = arith.index_cast %swap3A_348 : i32 to index
      %swap3A_352 = arith.index_cast %swap3A_349 : i32 to index
      %swap3A_353 = arith.constant 32 : index
      %swap3A_354 = tpu.vector_load %arg8[%swap3A_350, %swap3A_351, %swap3A_352, %swap3A_353] {strides = array<i32>} : memref<2x4x4x128xi32, #tpu.memory_space<vmem>>, vector<16xi32>,
      tpu.vector_store %arg8[%swap3A_350, %swap3A_351, %swap3A_352, %swap3A_353], %gather3A_347 {strides = array<i32>} : memref<2x4x4x128xi32, #tpu.memory_space<vmem>>, vector<16xi32>,
      %gather3A_355 = arith.constant 0 : i32
      %gather3A_356 = arith.constant 0 : i32
      %gather3A_357 = tpu.memref_slice %arg7[%select_n3A_316, %gather3A_355, %gather3A_356] : memref<2x128x16xi32, #tpu.memory_space<vmem>> -> memref<1x128x16xi32, #tpu.memory_space<vmem>>
      %gather3A_358 = tpu.memref_squeeze %gather3A_357 : memref<1x128x16xi32, #tpu.memory_space<vmem>> -> memref<128x16xi32, #tpu.memory_space<vmem>>
      %gather3A_359 = tpu.vector_load_idx %gather3A_358[%add3A_14, %broadcast_in_dim3A_318] : memref<128x16xi32, #tpu.memory_space<vmem>>[vector<16xi32>, vector<16xi32>], vector<16xi32>,
      %swap3A_360 = arith.constant 0 : i32
      %swap3A_361 = arith.constant 0 : i32
      %swap3A_362 = arith.index_cast %select_n3A_316 : i32 to index
      %swap3A_363 = arith.index_cast %swap3A_360 : i32 to index
      %swap3A_364 = arith.index_cast %swap3A_361 : i32 to index
      %swap3A_365 = arith.constant 48 : index
      %swap3A_366 = tpu.vector_load %arg8[%swap3A_362, %swap3A_363, %swap3A_364, %swap3A_365] {strides = array<i32>} : memref<2x4x4x128xi32, #tpu.memory_space<vmem>>, vector<16xi32>,
      tpu.vector_store %arg8[%swap3A_362, %swap3A_363, %swap3A_364, %swap3A_365], %gather3A_359 {strides = array<i32>} : memref<2x4x4x128xi32, #tpu.memory_space<vmem>>, vector<16xi32>,
      %gather3A_367 = arith.constant 0 : i32
      %gather3A_368 = arith.constant 0 : i32
      %gather3A_369 = tpu.memref_slice %arg7[%select_n3A_316, %gather3A_367, %gather3A_368] : memref<2x128x16xi32, #tpu.memory_space<vmem>> -> memref<1x128x16xi32, #tpu.memory_space<vmem>>
      %gather3A_370 = tpu.memref_squeeze %gather3A_369 : memref<1x128x16xi32, #tpu.memory_space<vmem>> -> memref<128x16xi32, #tpu.memory_space<vmem>>
      %gather3A_371 = tpu.vector_load_idx %gather3A_370[%add3A_17, %broadcast_in_dim3A_318] : memref<128x16xi32, #tpu.memory_space<vmem>>[vector<16xi32>, vector<16xi32>], vector<16xi32>,
      %swap3A_372 = arith.constant 0 : i32
      %swap3A_373 = arith.constant 0 : i32
      %swap3A_374 = arith.index_cast %select_n3A_316 : i32 to index
      %swap3A_375 = arith.index_cast %swap3A_372 : i32 to index
      %swap3A_376 = arith.index_cast %swap3A_373 : i32 to index
      %swap3A_377 = arith.constant 64 : index
      %swap3A_378 = tpu.vector_load %arg8[%swap3A_374, %swap3A_375, %swap3A_376, %swap3A_377] {strides = array<i32>} : memref<2x4x4x128xi32, #tpu.memory_space<vmem>>, vector<16xi32>,
      tpu.vector_store %arg8[%swap3A_374, %swap3A_375, %swap3A_376, %swap3A_377], %gather3A_371 {strides = array<i32>} : memref<2x4x4x128xi32, #tpu.memory_space<vmem>>, vector<16xi32>,
      %gather3A_379 = arith.constant 0 : i32
      %gather3A_380 = arith.constant 0 : i32
      %gather3A_381 = tpu.memref_slice %arg7[%select_n3A_316, %gather3A_379, %gather3A_380] : memref<2x128x16xi32, #tpu.memory_space<vmem>> -> memref<1x128x16xi32, #tpu.memory_space<vmem>>
      %gather3A_382 = tpu.memref_squeeze %gather3A_381 : memref<1x128x16xi32, #tpu.memory_space<vmem>> -> memref<128x16xi32, #tpu.memory_space<vmem>>
      %gather3A_383 = tpu.vector_load_idx %gather3A_382[%add3A_20, %broadcast_in_dim3A_318] : memref<128x16xi32, #tpu.memory_space<vmem>>[vector<16xi32>, vector<16xi32>], vector<16xi32>,
      %swap3A_384 = arith.constant 0 : i32
      %swap3A_385 = arith.constant 0 : i32
      %swap3A_386 = arith.index_cast %select_n3A_316 : i32 to index
      %swap3A_387 = arith.index_cast %swap3A_384 : i32 to index
      %swap3A_388 = arith.index_cast %swap3A_385 : i32 to index
      %swap3A_389 = arith.constant 80 : index
      %swap3A_390 = tpu.vector_load %arg8[%swap3A_386, %swap3A_387, %swap3A_388, %swap3A_389] {strides = array<i32>} : memref<2x4x4x128xi32, #tpu.memory_space<vmem>>, vector<16xi32>,
      tpu.vector_store %arg8[%swap3A_386, %swap3A_387, %swap3A_388, %swap3A_389], %gather3A_383 {strides = array<i32>} : memref<2x4x4x128xi32, #tpu.memory_space<vmem>>, vector<16xi32>,
      %gather3A_391 = arith.constant 0 : i32
      %gather3A_392 = arith.constant 0 : i32
      %gather3A_393 = tpu.memref_slice %arg7[%select_n3A_316, %gather3A_391, %gather3A_392] : memref<2x128x16xi32, #tpu.memory_space<vmem>> -> memref<1x128x16xi32, #tpu.memory_space<vmem>>
      %gather3A_394 = tpu.memref_squeeze %gather3A_393 : memref<1x128x16xi32, #tpu.memory_space<vmem>> -> memref<128x16xi32, #tpu.memory_space<vmem>>
      %gather3A_395 = tpu.vector_load_idx %gather3A_394[%add3A_23, %broadcast_in_dim3A_318] : memref<128x16xi32, #tpu.memory_space<vmem>>[vector<16xi32>, vector<16xi32>], vector<16xi32>,
      %swap3A_396 = arith.constant 0 : i32
      %swap3A_397 = arith.constant 0 : i32
      %swap3A_398 = arith.index_cast %select_n3A_316 : i32 to index
      %swap3A_399 = arith.index_cast %swap3A_396 : i32 to index
      %swap3A_400 = arith.index_cast %swap3A_397 : i32 to index
      %swap3A_401 = arith.constant 96 : index
      %swap3A_402 = tpu.vector_load %arg8[%swap3A_398, %swap3A_399, %swap3A_400, %swap3A_401] {strides = array<i32>} : memref<2x4x4x128xi32, #tpu.memory_space<vmem>>, vector<16xi32>,
      tpu.vector_store %arg8[%swap3A_398, %swap3A_399, %swap3A_400, %swap3A_401], %gather3A_395 {strides = array<i32>} : memref<2x4x4x128xi32, #tpu.memory_space<vmem>>, vector<16xi32>,
      %gather3A_403 = arith.constant 0 : i32
      %gather3A_404 = arith.constant 0 : i32
      %gather3A_405 = tpu.memref_slice %arg7[%select_n3A_316, %gather3A_403, %gather3A_404] : memref<2x128x16xi32, #tpu.memory_space<vmem>> -> memref<1x128x16xi32, #tpu.memory_space<vmem>>
      %gather3A_406 = tpu.memref_squeeze %gather3A_405 : memref<1x128x16xi32, #tpu.memory_space<vmem>> -> memref<128x16xi32, #tpu.memory_space<vmem>>
      %gather3A_407 = tpu.vector_load_idx %gather3A_406[%add3A_26, %broadcast_in_dim3A_318] : memref<128x16xi32, #tpu.memory_space<vmem>>[vector<16xi32>, vector<16xi32>], vector<16xi32>,
      %swap3A_408 = arith.constant 0 : i32
      %swap3A_409 = arith.constant 0 : i32
      %swap3A_410 = arith.index_cast %select_n3A_316 : i32 to index
      %swap3A_411 = arith.index_cast %swap3A_408 : i32 to index
      %swap3A_412 = arith.index_cast %swap3A_409 : i32 to index
      %swap3A_413 = arith.constant 112 : index
      %swap3A_414 = tpu.vector_load %arg8[%swap3A_410, %swap3A_411, %swap3A_412, %swap3A_413] {strides = array<i32>} : memref<2x4x4x128xi32, #tpu.memory_space<vmem>>, vector<16xi32>,
      tpu.vector_store %arg8[%swap3A_410, %swap3A_411, %swap3A_412, %swap3A_413], %gather3A_407 {strides = array<i32>} : memref<2x4x4x128xi32, #tpu.memory_space<vmem>>, vector<16xi32>,
      %broadcast_in_dim3A_415 = arith.constant 1 : i32
      %broadcast_in_dim3A_416 = vector.broadcast %broadcast_in_dim3A_415 : i32 to vector<16xi32>
      %gather3A_417 = arith.constant 0 : i32
      %gather3A_418 = arith.constant 0 : i32
      %gather3A_419 = tpu.memref_slice %arg7[%select_n3A_316, %gather3A_417, %gather3A_418] : memref<2x128x16xi32, #tpu.memory_space<vmem>> -> memref<1x128x16xi32, #tpu.memory_space<vmem>>
      %gather3A_420 = tpu.memref_squeeze %gather3A_419 : memref<1x128x16xi32, #tpu.memory_space<vmem>> -> memref<128x16xi32, #tpu.memory_space<vmem>>
      %gather3A_421 = tpu.vector_load_idx %gather3A_420[%add3A_5, %broadcast_in_dim3A_416] : memref<128x16xi32, #tpu.memory_space<vmem>>[vector<16xi32>, vector<16xi32>], vector<16xi32>,
      %swap3A_422 = arith.constant 0 : i32
      %swap3A_423 = arith.constant 1 : i32
      %swap3A_424 = arith.index_cast %select_n3A_316 : i32 to index
      %swap3A_425 = arith.index_cast %swap3A_422 : i32 to index
      %swap3A_426 = arith.index_cast %swap3A_423 : i32 to index
      %swap3A_427 = arith.constant 0 : index
      %swap3A_428 = tpu.vector_load %arg8[%swap3A_424, %swap3A_425, %swap3A_426, %swap3A_427] {strides = array<i32>} : memref<2x4x4x128xi32, #tpu.memory_space<vmem>>, vector<16xi32>,
      tpu.vector_store %arg8[%swap3A_424, %swap3A_425, %swap3A_426, %swap3A_427], %gather3A_421 {strides = array<i32>} : memref<2x4x4x128xi32, #tpu.memory_space<vmem>>, vector<16xi32>,
      %gather3A_429 = arith.constant 0 : i32
      %gather3A_430 = arith.constant 0 : i32
      %gather3A_431 = tpu.memref_slice %arg7[%select_n3A_316, %gather3A_429, %gather3A_430] : memref<2x128x16xi32, #tpu.memory_space<vmem>> -> memref<1x128x16xi32, #tpu.memory_space<vmem>>
      %gather3A_432 = tpu.memref_squeeze %gather3A_431 : memref<1x128x16xi32, #tpu.memory_space<vmem>> -> memref<128x16xi32, #tpu.memory_space<vmem>>
      %gather3A_433 = tpu.vector_load_idx %gather3A_432[%add3A_8, %broadcast_in_dim3A_416] : memref<128x16xi32, #tpu.memory_space<vmem>>[vector<16xi32>, vector<16xi32>], vector<16xi32>,
      %swap3A_434 = arith.constant 0 : i32
      %swap3A_435 = arith.constant 1 : i32
      %swap3A_436 = arith.index_cast %select_n3A_316 : i32 to index
      %swap3A_437 = arith.index_cast %swap3A_434 : i32 to index
      %swap3A_438 = arith.index_cast %swap3A_435 : i32 to index
      %swap3A_439 = arith.constant 16 : index
      %swap3A_440 = tpu.vector_load %arg8[%swap3A_436, %swap3A_437, %swap3A_438, %swap3A_439] {strides = array<i32>} : memref<2x4x4x128xi32, #tpu.memory_space<vmem>>, vector<16xi32>,
      tpu.vector_store %arg8[%swap3A_436, %swap3A_437, %swap3A_438, %swap3A_439], %gather3A_433 {strides = array<i32>} : memref<2x4x4x128xi32, #tpu.memory_space<vmem>>, vector<16xi32>,
      %gather3A_441 = arith.constant 0 : i32
      %gather3A_442 = arith.constant 0 : i32
      %gather3A_443 = tpu.memref_slice %arg7[%select_n3A_316, %gather3A_441, %gather3A_442] : memref<2x128x16xi32, #tpu.memory_space<vmem>> -> memref<1x128x16xi32, #tpu.memory_space<vmem>>
      %gather3A_444 = tpu.memref_squeeze %gather3A_443 : memref<1x128x16xi32, #tpu.memory_space<vmem>> -> memref<128x16xi32, #tpu.memory_space<vmem>>
      %gather3A_445 = tpu.vector_load_idx %gather3A_444[%add3A_11, %broadcast_in_dim3A_416] : memref<128x16xi32, #tpu.memory_space<vmem>>[vector<16xi32>, vector<16xi32>], vector<16xi32>,
      %swap3A_446 = arith.constant 0 : i32
      %swap3A_447 = arith.constant 1 : i32
      %swap3A_448 = arith.index_cast %select_n3A_316 : i32 to index
      %swap3A_449 = arith.index_cast %swap3A_446 : i32 to index
      %swap3A_450 = arith.index_cast %swap3A_447 : i32 to index
      %swap3A_451 = arith.constant 32 : index
      %swap3A_452 = tpu.vector_load %arg8[%swap3A_448, %swap3A_449, %swap3A_450, %swap3A_451] {strides = array<i32>} : memref<2x4x4x128xi32, #tpu.memory_space<vmem>>, vector<16xi32>,
      tpu.vector_store %arg8[%swap3A_448, %swap3A_449, %swap3A_450, %swap3A_451], %gather3A_445 {strides = array<i32>} : memref<2x4x4x128xi32, #tpu.memory_space<vmem>>, vector<16xi32>,
      %gather3A_453 = arith.constant 0 : i32
      %gather3A_454 = arith.constant 0 : i32
      %gather3A_455 = tpu.memref_slice %arg7[%select_n3A_316, %gather3A_453, %gather3A_454] : memref<2x128x16xi32, #tpu.memory_space<vmem>> -> memref<1x128x16xi32, #tpu.memory_space<vmem>>
      %gather3A_456 = tpu.memref_squeeze %gather3A_455 : memref<1x128x16xi32, #tpu.memory_space<vmem>> -> memref<128x16xi32, #tpu.memory_space<vmem>>
      %gather3A_457 = tpu.vector_load_idx %gather3A_456[%add3A_14, %broadcast_in_dim3A_416] : memref<128x16xi32, #tpu.memory_space<vmem>>[vector<16xi32>, vector<16xi32>], vector<16xi32>,
      %swap3A_458 = arith.constant 0 : i32
      %swap3A_459 = arith.constant 1 : i32
      %swap3A_460 = arith.index_cast %select_n3A_316 : i32 to index
      %swap3A_461 = arith.index_cast %swap3A_458 : i32 to index
      %swap3A_462 = arith.index_cast %swap3A_459 : i32 to index
      %swap3A_463 = arith.constant 48 : index
      %swap3A_464 = tpu.vector_load %arg8[%swap3A_460, %swap3A_461, %swap3A_462, %swap3A_463] {strides = array<i32>} : memref<2x4x4x128xi32, #tpu.memory_space<vmem>>, vector<16xi32>,
      tpu.vector_store %arg8[%swap3A_460, %swap3A_461, %swap3A_462, %swap3A_463], %gather3A_457 {strides = array<i32>} : memref<2x4x4x128xi32, #tpu.memory_space<vmem>>, vector<16xi32>,
      %gather3A_465 = arith.constant 0 : i32
      %gather3A_466 = arith.constant 0 : i32
      %gather3A_467 = tpu.memref_slice %arg7[%select_n3A_316, %gather3A_465, %gather3A_466] : memref<2x128x16xi32, #tpu.memory_space<vmem>> -> memref<1x128x16xi32, #tpu.memory_space<vmem>>
      %gather3A_468 = tpu.memref_squeeze %gather3A_467 : memref<1x128x16xi32, #tpu.memory_space<vmem>> -> memref<128x16xi32, #tpu.memory_space<vmem>>
      %gather3A_469 = tpu.vector_load_idx %gather3A_468[%add3A_17, %broadcast_in_dim3A_416] : memref<128x16xi32, #tpu.memory_space<vmem>>[vector<16xi32>, vector<16xi32>], vector<16xi32>,
      %swap3A_470 = arith.constant 0 : i32
      %swap3A_471 = arith.constant 1 : i32
      %swap3A_472 = arith.index_cast %select_n3A_316 : i32 to index
      %swap3A_473 = arith.index_cast %swap3A_470 : i32 to index
      %swap3A_474 = arith.index_cast %swap3A_471 : i32 to index
      %swap3A_475 = arith.constant 64 : index
      %swap3A_476 = tpu.vector_load %arg8[%swap3A_472, %swap3A_473, %swap3A_474, %swap3A_475] {strides = array<i32>} : memref<2x4x4x128xi32, #tpu.memory_space<vmem>>, vector<16xi32>,
      tpu.vector_store %arg8[%swap3A_472, %swap3A_473, %swap3A_474, %swap3A_475], %gather3A_469 {strides = array<i32>} : memref<2x4x4x128xi32, #tpu.memory_space<vmem>>, vector<16xi32>,
      %gather3A_477 = arith.constant 0 : i32
      %gather3A_478 = arith.constant 0 : i32
      %gather3A_479 = tpu.memref_slice %arg7[%select_n3A_316, %gather3A_477, %gather3A_478] : memref<2x128x16xi32, #tpu.memory_space<vmem>> -> memref<1x128x16xi32, #tpu.memory_space<vmem>>
      %gather3A_480 = tpu.memref_squeeze %gather3A_479 : memref<1x128x16xi32, #tpu.memory_space<vmem>> -> memref<128x16xi32, #tpu.memory_space<vmem>>
      %gather3A_481 = tpu.vector_load_idx %gather3A_480[%add3A_20, %broadcast_in_dim3A_416] : memref<128x16xi32, #tpu.memory_space<vmem>>[vector<16xi32>, vector<16xi32>], vector<16xi32>,
      %swap3A_482 = arith.constant 0 : i32
      %swap3A_483 = arith.constant 1 : i32
      %swap3A_484 = arith.index_cast %select_n3A_316 : i32 to index
      %swap3A_485 = arith.index_cast %swap3A_482 : i32 to index
      %swap3A_486 = arith.index_cast %swap3A_483 : i32 to index
      %swap3A_487 = arith.constant 80 : index
      %swap3A_488 = tpu.vector_load %arg8[%swap3A_484, %swap3A_485, %swap3A_486, %swap3A_487] {strides = array<i32>} : memref<2x4x4x128xi32, #tpu.memory_space<vmem>>, vector<16xi32>,
      tpu.vector_store %arg8[%swap3A_484, %swap3A_485, %swap3A_486, %swap3A_487], %gather3A_481 {strides = array<i32>} : memref<2x4x4x128xi32, #tpu.memory_space<vmem>>, vector<16xi32>,
      %gather3A_489 = arith.constant 0 : i32
      %gather3A_490 = arith.constant 0 : i32
      %gather3A_491 = tpu.memref_slice %arg7[%select_n3A_316, %gather3A_489, %gather3A_490] : memref<2x128x16xi32, #tpu.memory_space<vmem>> -> memref<1x128x16xi32, #tpu.memory_space<vmem>>
      %gather3A_492 = tpu.memref_squeeze %gather3A_491 : memref<1x128x16xi32, #tpu.memory_space<vmem>> -> memref<128x16xi32, #tpu.memory_space<vmem>>
      %gather3A_493 = tpu.vector_load_idx %gather3A_492[%add3A_23, %broadcast_in_dim3A_416] : memref<128x16xi32, #tpu.memory_space<vmem>>[vector<16xi32>, vector<16xi32>], vector<16xi32>,
      %swap3A_494 = arith.constant 0 : i32
      %swap3A_495 = arith.constant 1 : i32
      %swap3A_496 = arith.index_cast %select_n3A_316 : i32 to index
      %swap3A_497 = arith.index_cast %swap3A_494 : i32 to index
      %swap3A_498 = arith.index_cast %swap3A_495 : i32 to index
      %swap3A_499 = arith.constant 96 : index
      %swap3A_500 = tpu.vector_load %arg8[%swap3A_496, %swap3A_497, %swap3A_498, %swap3A_499] {strides = array<i32>} : memref<2x4x4x128xi32, #tpu.memory_space<vmem>>, vector<16xi32>,
      tpu.vector_store %arg8[%swap3A_496, %swap3A_497, %swap3A_498, %swap3A_499], %gather3A_493 {strides = array<i32>} : memref<2x4x4x128xi32, #tpu.memory_space<vmem>>, vector<16xi32>,
      %gather3A_501 = arith.constant 0 : i32
      %gather3A_502 = arith.constant 0 : i32
      %gather3A_503 = tpu.memref_slice %arg7[%select_n3A_316, %gather3A_501, %gather3A_502] : memref<2x128x16xi32, #tpu.memory_space<vmem>> -> memref<1x128x16xi32, #tpu.memory_space<vmem>>
      %gather3A_504 = tpu.memref_squeeze %gather3A_503 : memref<1x128x16xi32, #tpu.memory_space<vmem>> -> memref<128x16xi32, #tpu.memory_space<vmem>>
      %gather3A_505 = tpu.vector_load_idx %gather3A_504[%add3A_26, %broadcast_in_dim3A_416] : memref<128x16xi32, #tpu.memory_space<vmem>>[vector<16xi32>, vector<16xi32>], vector<16xi32>,
      %swap3A_506 = arith.constant 0 : i32
      %swap3A_507 = arith.constant 1 : i32
      %swap3A_508 = arith.index_cast %select_n3A_316 : i32 to index
      %swap3A_509 = arith.index_cast %swap3A_506 : i32 to index
      %swap3A_510 = arith.index_cast %swap3A_507 : i32 to index
      %swap3A_511 = arith.constant 112 : index
      %swap3A_512 = tpu.vector_load %arg8[%swap3A_508, %swap3A_509, %swap3A_510, %swap3A_511] {strides = array<i32>} : memref<2x4x4x128xi32, #tpu.memory_space<vmem>>, vector<16xi32>,
      tpu.vector_store %arg8[%swap3A_508, %swap3A_509, %swap3A_510, %swap3A_511], %gather3A_505 {strides = array<i32>} : memref<2x4x4x128xi32, #tpu.memory_space<vmem>>, vector<16xi32>,
      %broadcast_in_dim3A_513 = arith.constant 2 : i32
      %broadcast_in_dim3A_514 = vector.broadcast %broadcast_in_dim3A_513 : i32 to vector<16xi32>
      %gather3A_515 = arith.constant 0 : i32
      %gather3A_516 = arith.constant 0 : i32
      %gather3A_517 = tpu.memref_slice %arg7[%select_n3A_316, %gather3A_515, %gather3A_516] : memref<2x128x16xi32, #tpu.memory_space<vmem>> -> memref<1x128x16xi32, #tpu.memory_space<vmem>>
      %gather3A_518 = tpu.memref_squeeze %gather3A_517 : memref<1x128x16xi32, #tpu.memory_space<vmem>> -> memref<128x16xi32, #tpu.memory_space<vmem>>
      %gather3A_519 = tpu.vector_load_idx %gather3A_518[%add3A_5, %broadcast_in_dim3A_514] : memref<128x16xi32, #tpu.memory_space<vmem>>[vector<16xi32>, vector<16xi32>], vector<16xi32>,
      %swap3A_520 = arith.constant 0 : i32
      %swap3A_521 = arith.constant 2 : i32
      %swap3A_522 = arith.index_cast %select_n3A_316 : i32 to index
      %swap3A_523 = arith.index_cast %swap3A_520 : i32 to index
      %swap3A_524 = arith.index_cast %swap3A_521 : i32 to index
      %swap3A_525 = arith.constant 0 : index
      %swap3A_526 = tpu.vector_load %arg8[%swap3A_522, %swap3A_523, %swap3A_524, %swap3A_525] {strides = array<i32>} : memref<2x4x4x128xi32, #tpu.memory_space<vmem>>, vector<16xi32>,
      tpu.vector_store %arg8[%swap3A_522, %swap3A_523, %swap3A_524, %swap3A_525], %gather3A_519 {strides = array<i32>} : memref<2x4x4x128xi32, #tpu.memory_space<vmem>>, vector<16xi32>,
      %gather3A_527 = arith.constant 0 : i32
      %gather3A_528 = arith.constant 0 : i32
      %gather3A_529 = tpu.memref_slice %arg7[%select_n3A_316, %gather3A_527, %gather3A_528] : memref<2x128x16xi32, #tpu.memory_space<vmem>> -> memref<1x128x16xi32, #tpu.memory_space<vmem>>
      %gather3A_530 = tpu.memref_squeeze %gather3A_529 : memref<1x128x16xi32, #tpu.memory_space<vmem>> -> memref<128x16xi32, #tpu.memory_space<vmem>>
      %gather3A_531 = tpu.vector_load_idx %gather3A_530[%add3A_8, %broadcast_in_dim3A_514] : memref<128x16xi32, #tpu.memory_space<vmem>>[vector<16xi32>, vector<16xi32>], vector<16xi32>,
      %swap3A_532 = arith.constant 0 : i32
      %swap3A_533 = arith.constant 2 : i32
      %swap3A_534 = arith.index_cast %select_n3A_316 : i32 to index
      %swap3A_535 = arith.index_cast %swap3A_532 : i32 to index
      %swap3A_536 = arith.index_cast %swap3A_533 : i32 to index
      %swap3A_537 = arith.constant 16 : index
      %swap3A_538 = tpu.vector_load %arg8[%swap3A_534, %swap3A_535, %swap3A_536, %swap3A_537] {strides = array<i32>} : memref<2x4x4x128xi32, #tpu.memory_space<vmem>>, vector<16xi32>,
      tpu.vector_store %arg8[%swap3A_534, %swap3A_535, %swap3A_536, %swap3A_537], %gather3A_531 {strides = array<i32>} : memref<2x4x4x128xi32, #tpu.memory_space<vmem>>, vector<16xi32>,
      %gather3A_539 = arith.constant 0 : i32
      %gather3A_540 = arith.constant 0 : i32
      %gather3A_541 = tpu.memref_slice %arg7[%select_n3A_316, %gather3A_539, %gather3A_540] : memref<2x128x16xi32, #tpu.memory_space<vmem>> -> memref<1x128x16xi32, #tpu.memory_space<vmem>>
      %gather3A_542 = tpu.memref_squeeze %gather3A_541 : memref<1x128x16xi32, #tpu.memory_space<vmem>> -> memref<128x16xi32, #tpu.memory_space<vmem>>
      %gather3A_543 = tpu.vector_load_idx %gather3A_542[%add3A_11, %broadcast_in_dim3A_514] : memref<128x16xi32, #tpu.memory_space<vmem>>[vector<16xi32>, vector<16xi32>], vector<16xi32>,
      %swap3A_544 = arith.constant 0 : i32
      %swap3A_545 = arith.constant 2 : i32
      %swap3A_546 = arith.index_cast %select_n3A_316 : i32 to index
      %swap3A_547 = arith.index_cast %swap3A_544 : i32 to index
      %swap3A_548 = arith.index_cast %swap3A_545 : i32 to index
      %swap3A_549 = arith.constant 32 : index
      %swap3A_550 = tpu.vector_load %arg8[%swap3A_546, %swap3A_547, %swap3A_548, %swap3A_549] {strides = array<i32>} : memref<2x4x4x128xi32, #tpu.memory_space<vmem>>, vector<16xi32>,
      tpu.vector_store %arg8[%swap3A_546, %swap3A_547, %swap3A_548, %swap3A_549], %gather3A_543 {strides = array<i32>} : memref<2x4x4x128xi32, #tpu.memory_space<vmem>>, vector<16xi32>,
      %gather3A_551 = arith.constant 0 : i32
      %gather3A_552 = arith.constant 0 : i32
      %gather3A_553 = tpu.memref_slice %arg7[%select_n3A_316, %gather3A_551, %gather3A_552] : memref<2x128x16xi32, #tpu.memory_space<vmem>> -> memref<1x128x16xi32, #tpu.memory_space<vmem>>
      %gather3A_554 = tpu.memref_squeeze %gather3A_553 : memref<1x128x16xi32, #tpu.memory_space<vmem>> -> memref<128x16xi32, #tpu.memory_space<vmem>>
      %gather3A_555 = tpu.vector_load_idx %gather3A_554[%add3A_14, %broadcast_in_dim3A_514] : memref<128x16xi32, #tpu.memory_space<vmem>>[vector<16xi32>, vector<16xi32>], vector<16xi32>,
      %swap3A_556 = arith.constant 0 : i32
      %swap3A_557 = arith.constant 2 : i32
      %swap3A_558 = arith.index_cast %select_n3A_316 : i32 to index
      %swap3A_559 = arith.index_cast %swap3A_556 : i32 to index
      %swap3A_560 = arith.index_cast %swap3A_557 : i32 to index
      %swap3A_561 = arith.constant 48 : index
      %swap3A_562 = tpu.vector_load %arg8[%swap3A_558, %swap3A_559, %swap3A_560, %swap3A_561] {strides = array<i32>} : memref<2x4x4x128xi32, #tpu.memory_space<vmem>>, vector<16xi32>,
      tpu.vector_store %arg8[%swap3A_558, %swap3A_559, %swap3A_560, %swap3A_561], %gather3A_555 {strides = array<i32>} : memref<2x4x4x128xi32, #tpu.memory_space<vmem>>, vector<16xi32>,
      %gather3A_563 = arith.constant 0 : i32
      %gather3A_564 = arith.constant 0 : i32
      %gather3A_565 = tpu.memref_slice %arg7[%select_n3A_316, %gather3A_563, %gather3A_564] : memref<2x128x16xi32, #tpu.memory_space<vmem>> -> memref<1x128x16xi32, #tpu.memory_space<vmem>>
      %gather3A_566 = tpu.memref_squeeze %gather3A_565 : memref<1x128x16xi32, #tpu.memory_space<vmem>> -> memref<128x16xi32, #tpu.memory_space<vmem>>
      %gather3A_567 = tpu.vector_load_idx %gather3A_566[%add3A_17, %broadcast_in_dim3A_514] : memref<128x16xi32, #tpu.memory_space<vmem>>[vector<16xi32>, vector<16xi32>], vector<16xi32>,
      %swap3A_568 = arith.constant 0 : i32
      %swap3A_569 = arith.constant 2 : i32
      %swap3A_570 = arith.index_cast %select_n3A_316 : i32 to index
      %swap3A_571 = arith.index_cast %swap3A_568 : i32 to index
      %swap3A_572 = arith.index_cast %swap3A_569 : i32 to index
      %swap3A_573 = arith.constant 64 : index
      %swap3A_574 = tpu.vector_load %arg8[%swap3A_570, %swap3A_571, %swap3A_572, %swap3A_573] {strides = array<i32>} : memref<2x4x4x128xi32, #tpu.memory_space<vmem>>, vector<16xi32>,
      tpu.vector_store %arg8[%swap3A_570, %swap3A_571, %swap3A_572, %swap3A_573], %gather3A_567 {strides = array<i32>} : memref<2x4x4x128xi32, #tpu.memory_space<vmem>>, vector<16xi32>,
      %gather3A_575 = arith.constant 0 : i32
      %gather3A_576 = arith.constant 0 : i32
      %gather3A_577 = tpu.memref_slice %arg7[%select_n3A_316, %gather3A_575, %gather3A_576] : memref<2x128x16xi32, #tpu.memory_space<vmem>> -> memref<1x128x16xi32, #tpu.memory_space<vmem>>
      %gather3A_578 = tpu.memref_squeeze %gather3A_577 : memref<1x128x16xi32, #tpu.memory_space<vmem>> -> memref<128x16xi32, #tpu.memory_space<vmem>>
      %gather3A_579 = tpu.vector_load_idx %gather3A_578[%add3A_20, %broadcast_in_dim3A_514] : memref<128x16xi32, #tpu.memory_space<vmem>>[vector<16xi32>, vector<16xi32>], vector<16xi32>,
      %swap3A_580 = arith.constant 0 : i32
      %swap3A_581 = arith.constant 2 : i32
      %swap3A_582 = arith.index_cast %select_n3A_316 : i32 to index
      %swap3A_583 = arith.index_cast %swap3A_580 : i32 to index
      %swap3A_584 = arith.index_cast %swap3A_581 : i32 to index
      %swap3A_585 = arith.constant 80 : index
      %swap3A_586 = tpu.vector_load %arg8[%swap3A_582, %swap3A_583, %swap3A_584, %swap3A_585] {strides = array<i32>} : memref<2x4x4x128xi32, #tpu.memory_space<vmem>>, vector<16xi32>,
      tpu.vector_store %arg8[%swap3A_582, %swap3A_583, %swap3A_584, %swap3A_585], %gather3A_579 {strides = array<i32>} : memref<2x4x4x128xi32, #tpu.memory_space<vmem>>, vector<16xi32>,
      %gather3A_587 = arith.constant 0 : i32
      %gather3A_588 = arith.constant 0 : i32
      %gather3A_589 = tpu.memref_slice %arg7[%select_n3A_316, %gather3A_587, %gather3A_588] : memref<2x128x16xi32, #tpu.memory_space<vmem>> -> memref<1x128x16xi32, #tpu.memory_space<vmem>>
      %gather3A_590 = tpu.memref_squeeze %gather3A_589 : memref<1x128x16xi32, #tpu.memory_space<vmem>> -> memref<128x16xi32, #tpu.memory_space<vmem>>
      %gather3A_591 = tpu.vector_load_idx %gather3A_590[%add3A_23, %broadcast_in_dim3A_514] : memref<128x16xi32, #tpu.memory_space<vmem>>[vector<16xi32>, vector<16xi32>], vector<16xi32>,
      %swap3A_592 = arith.constant 0 : i32
      %swap3A_593 = arith.constant 2 : i32
      %swap3A_594 = arith.index_cast %select_n3A_316 : i32 to index
      %swap3A_595 = arith.index_cast %swap3A_592 : i32 to index
      %swap3A_596 = arith.index_cast %swap3A_593 : i32 to index
      %swap3A_597 = arith.constant 96 : index
      %swap3A_598 = tpu.vector_load %arg8[%swap3A_594, %swap3A_595, %swap3A_596, %swap3A_597] {strides = array<i32>} : memref<2x4x4x128xi32, #tpu.memory_space<vmem>>, vector<16xi32>,
      tpu.vector_store %arg8[%swap3A_594, %swap3A_595, %swap3A_596, %swap3A_597], %gather3A_591 {strides = array<i32>} : memref<2x4x4x128xi32, #tpu.memory_space<vmem>>, vector<16xi32>,
      %gather3A_599 = arith.constant 0 : i32
      %gather3A_600 = arith.constant 0 : i32
      %gather3A_601 = tpu.memref_slice %arg7[%select_n3A_316, %gather3A_599, %gather3A_600] : memref<2x128x16xi32, #tpu.memory_space<vmem>> -> memref<1x128x16xi32, #tpu.memory_space<vmem>>
      %gather3A_602 = tpu.memref_squeeze %gather3A_601 : memref<1x128x16xi32, #tpu.memory_space<vmem>> -> memref<128x16xi32, #tpu.memory_space<vmem>>
      %gather3A_603 = tpu.vector_load_idx %gather3A_602[%add3A_26, %broadcast_in_dim3A_514] : memref<128x16xi32, #tpu.memory_space<vmem>>[vector<16xi32>, vector<16xi32>], vector<16xi32>,
      %swap3A_604 = arith.constant 0 : i32
      %swap3A_605 = arith.constant 2 : i32
      %swap3A_606 = arith.index_cast %select_n3A_316 : i32 to index
      %swap3A_607 = arith.index_cast %swap3A_604 : i32 to index
      %swap3A_608 = arith.index_cast %swap3A_605 : i32 to index
      %swap3A_609 = arith.constant 112 : index
      %swap3A_610 = tpu.vector_load %arg8[%swap3A_606, %swap3A_607, %swap3A_608, %swap3A_609] {strides = array<i32>} : memref<2x4x4x128xi32, #tpu.memory_space<vmem>>, vector<16xi32>,
      tpu.vector_store %arg8[%swap3A_606, %swap3A_607, %swap3A_608, %swap3A_609], %gather3A_603 {strides = array<i32>} : memref<2x4x4x128xi32, #tpu.memory_space<vmem>>, vector<16xi32>,
      %broadcast_in_dim3A_611 = arith.constant 3 : i32
      %broadcast_in_dim3A_612 = vector.broadcast %broadcast_in_dim3A_611 : i32 to vector<16xi32>
      %gather3A_613 = arith.constant 0 : i32
      %gather3A_614 = arith.constant 0 : i32
      %gather3A_615 = tpu.memref_slice %arg7[%select_n3A_316, %gather3A_613, %gather3A_614] : memref<2x128x16xi32, #tpu.memory_space<vmem>> -> memref<1x128x16xi32, #tpu.memory_space<vmem>>
      %gather3A_616 = tpu.memref_squeeze %gather3A_615 : memref<1x128x16xi32, #tpu.memory_space<vmem>> -> memref<128x16xi32, #tpu.memory_space<vmem>>
      %gather3A_617 = tpu.vector_load_idx %gather3A_616[%add3A_5, %broadcast_in_dim3A_612] : memref<128x16xi32, #tpu.memory_space<vmem>>[vector<16xi32>, vector<16xi32>], vector<16xi32>,
      %swap3A_618 = arith.constant 0 : i32
      %swap3A_619 = arith.constant 3 : i32
      %swap3A_620 = arith.index_cast %select_n3A_316 : i32 to index
      %swap3A_621 = arith.index_cast %swap3A_618 : i32 to index
      %swap3A_622 = arith.index_cast %swap3A_619 : i32 to index
      %swap3A_623 = arith.constant 0 : index
      %swap3A_624 = tpu.vector_load %arg8[%swap3A_620, %swap3A_621, %swap3A_622, %swap3A_623] {strides = array<i32>} : memref<2x4x4x128xi32, #tpu.memory_space<vmem>>, vector<16xi32>,
      tpu.vector_store %arg8[%swap3A_620, %swap3A_621, %swap3A_622, %swap3A_623], %gather3A_617 {strides = array<i32>} : memref<2x4x4x128xi32, #tpu.memory_space<vmem>>, vector<16xi32>,
      %gather3A_625 = arith.constant 0 : i32
      %gather3A_626 = arith.constant 0 : i32
      %gather3A_627 = tpu.memref_slice %arg7[%select_n3A_316, %gather3A_625, %gather3A_626] : memref<2x128x16xi32, #tpu.memory_space<vmem>> -> memref<1x128x16xi32, #tpu.memory_space<vmem>>
      %gather3A_628 = tpu.memref_squeeze %gather3A_627 : memref<1x128x16xi32, #tpu.memory_space<vmem>> -> memref<128x16xi32, #tpu.memory_space<vmem>>
      %gather3A_629 = tpu.vector_load_idx %gather3A_628[%add3A_8, %broadcast_in_dim3A_612] : memref<128x16xi32, #tpu.memory_space<vmem>>[vector<16xi32>, vector<16xi32>], vector<16xi32>,
      %swap3A_630 = arith.constant 0 : i32
      %swap3A_631 = arith.constant 3 : i32
      %swap3A_632 = arith.index_cast %select_n3A_316 : i32 to index
      %swap3A_633 = arith.index_cast %swap3A_630 : i32 to index
      %swap3A_634 = arith.index_cast %swap3A_631 : i32 to index
      %swap3A_635 = arith.constant 16 : index
      %swap3A_636 = tpu.vector_load %arg8[%swap3A_632, %swap3A_633, %swap3A_634, %swap3A_635] {strides = array<i32>} : memref<2x4x4x128xi32, #tpu.memory_space<vmem>>, vector<16xi32>,
      tpu.vector_store %arg8[%swap3A_632, %swap3A_633, %swap3A_634, %swap3A_635], %gather3A_629 {strides = array<i32>} : memref<2x4x4x128xi32, #tpu.memory_space<vmem>>, vector<16xi32>,
      %gather3A_637 = arith.constant 0 : i32
      %gather3A_638 = arith.constant 0 : i32
      %gather3A_639 = tpu.memref_slice %arg7[%select_n3A_316, %gather3A_637, %gather3A_638] : memref<2x128x16xi32, #tpu.memory_space<vmem>> -> memref<1x128x16xi32, #tpu.memory_space<vmem>>
      %gather3A_640 = tpu.memref_squeeze %gather3A_639 : memref<1x128x16xi32, #tpu.memory_space<vmem>> -> memref<128x16xi32, #tpu.memory_space<vmem>>
      %gather3A_641 = tpu.vector_load_idx %gather3A_640[%add3A_11, %broadcast_in_dim3A_612] : memref<128x16xi32, #tpu.memory_space<vmem>>[vector<16xi32>, vector<16xi32>], vector<16xi32>,
      %swap3A_642 = arith.constant 0 : i32
      %swap3A_643 = arith.constant 3 : i32
      %swap3A_644 = arith.index_cast %select_n3A_316 : i32 to index
      %swap3A_645 = arith.index_cast %swap3A_642 : i32 to index
      %swap3A_646 = arith.index_cast %swap3A_643 : i32 to index
      %swap3A_647 = arith.constant 32 : index
      %swap3A_648 = tpu.vector_load %arg8[%swap3A_644, %swap3A_645, %swap3A_646, %swap3A_647] {strides = array<i32>} : memref<2x4x4x128xi32, #tpu.memory_space<vmem>>, vector<16xi32>,
      tpu.vector_store %arg8[%swap3A_644, %swap3A_645, %swap3A_646, %swap3A_647], %gather3A_641 {strides = array<i32>} : memref<2x4x4x128xi32, #tpu.memory_space<vmem>>, vector<16xi32>,
      %gather3A_649 = arith.constant 0 : i32
      %gather3A_650 = arith.constant 0 : i32
      %gather3A_651 = tpu.memref_slice %arg7[%select_n3A_316, %gather3A_649, %gather3A_650] : memref<2x128x16xi32, #tpu.memory_space<vmem>> -> memref<1x128x16xi32, #tpu.memory_space<vmem>>
      %gather3A_652 = tpu.memref_squeeze %gather3A_651 : memref<1x128x16xi32, #tpu.memory_space<vmem>> -> memref<128x16xi32, #tpu.memory_space<vmem>>
      %gather3A_653 = tpu.vector_load_idx %gather3A_652[%add3A_14, %broadcast_in_dim3A_612] : memref<128x16xi32, #tpu.memory_space<vmem>>[vector<16xi32>, vector<16xi32>], vector<16xi32>,
      %swap3A_654 = arith.constant 0 : i32
      %swap3A_655 = arith.constant 3 : i32
      %swap3A_656 = arith.index_cast %select_n3A_316 : i32 to index
      %swap3A_657 = arith.index_cast %swap3A_654 : i32 to index
      %swap3A_658 = arith.index_cast %swap3A_655 : i32 to index
      %swap3A_659 = arith.constant 48 : index
      %swap3A_660 = tpu.vector_load %arg8[%swap3A_656, %swap3A_657, %swap3A_658, %swap3A_659] {strides = array<i32>} : memref<2x4x4x128xi32, #tpu.memory_space<vmem>>, vector<16xi32>,
      tpu.vector_store %arg8[%swap3A_656, %swap3A_657, %swap3A_658, %swap3A_659], %gather3A_653 {strides = array<i32>} : memref<2x4x4x128xi32, #tpu.memory_space<vmem>>, vector<16xi32>,
      %gather3A_661 = arith.constant 0 : i32
      %gather3A_662 = arith.constant 0 : i32
      %gather3A_663 = tpu.memref_slice %arg7[%select_n3A_316, %gather3A_661, %gather3A_662] : memref<2x128x16xi32, #tpu.memory_space<vmem>> -> memref<1x128x16xi32, #tpu.memory_space<vmem>>
      %gather3A_664 = tpu.memref_squeeze %gather3A_663 : memref<1x128x16xi32, #tpu.memory_space<vmem>> -> memref<128x16xi32, #tpu.memory_space<vmem>>
      %gather3A_665 = tpu.vector_load_idx %gather3A_664[%add3A_17, %broadcast_in_dim3A_612] : memref<128x16xi32, #tpu.memory_space<vmem>>[vector<16xi32>, vector<16xi32>], vector<16xi32>,
      %swap3A_666 = arith.constant 0 : i32
      %swap3A_667 = arith.constant 3 : i32
      %swap3A_668 = arith.index_cast %select_n3A_316 : i32 to index
      %swap3A_669 = arith.index_cast %swap3A_666 : i32 to index
      %swap3A_670 = arith.index_cast %swap3A_667 : i32 to index
      %swap3A_671 = arith.constant 64 : index
      %swap3A_672 = tpu.vector_load %arg8[%swap3A_668, %swap3A_669, %swap3A_670, %swap3A_671] {strides = array<i32>} : memref<2x4x4x128xi32, #tpu.memory_space<vmem>>, vector<16xi32>,
      tpu.vector_store %arg8[%swap3A_668, %swap3A_669, %swap3A_670, %swap3A_671], %gather3A_665 {strides = array<i32>} : memref<2x4x4x128xi32, #tpu.memory_space<vmem>>, vector<16xi32>,
      %gather3A_673 = arith.constant 0 : i32
      %gather3A_674 = arith.constant 0 : i32
      %gather3A_675 = tpu.memref_slice %arg7[%select_n3A_316, %gather3A_673, %gather3A_674] : memref<2x128x16xi32, #tpu.memory_space<vmem>> -> memref<1x128x16xi32, #tpu.memory_space<vmem>>
      %gather3A_676 = tpu.memref_squeeze %gather3A_675 : memref<1x128x16xi32, #tpu.memory_space<vmem>> -> memref<128x16xi32, #tpu.memory_space<vmem>>
      %gather3A_677 = tpu.vector_load_idx %gather3A_676[%add3A_20, %broadcast_in_dim3A_612] : memref<128x16xi32, #tpu.memory_space<vmem>>[vector<16xi32>, vector<16xi32>], vector<16xi32>,
      %swap3A_678 = arith.constant 0 : i32
      %swap3A_679 = arith.constant 3 : i32
      %swap3A_680 = arith.index_cast %select_n3A_316 : i32 to index
      %swap3A_681 = arith.index_cast %swap3A_678 : i32 to index
      %swap3A_682 = arith.index_cast %swap3A_679 : i32 to index
      %swap3A_683 = arith.constant 80 : index
      %swap3A_684 = tpu.vector_load %arg8[%swap3A_680, %swap3A_681, %swap3A_682, %swap3A_683] {strides = array<i32>} : memref<2x4x4x128xi32, #tpu.memory_space<vmem>>, vector<16xi32>,
      tpu.vector_store %arg8[%swap3A_680, %swap3A_681, %swap3A_682, %swap3A_683], %gather3A_677 {strides = array<i32>} : memref<2x4x4x128xi32, #tpu.memory_space<vmem>>, vector<16xi32>,
      %gather3A_685 = arith.constant 0 : i32
      %gather3A_686 = arith.constant 0 : i32
      %gather3A_687 = tpu.memref_slice %arg7[%select_n3A_316, %gather3A_685, %gather3A_686] : memref<2x128x16xi32, #tpu.memory_space<vmem>> -> memref<1x128x16xi32, #tpu.memory_space<vmem>>
      %gather3A_688 = tpu.memref_squeeze %gather3A_687 : memref<1x128x16xi32, #tpu.memory_space<vmem>> -> memref<128x16xi32, #tpu.memory_space<vmem>>
      %gather3A_689 = tpu.vector_load_idx %gather3A_688[%add3A_23, %broadcast_in_dim3A_612] : memref<128x16xi32, #tpu.memory_space<vmem>>[vector<16xi32>, vector<16xi32>], vector<16xi32>,
      %swap3A_690 = arith.constant 0 : i32
      %swap3A_691 = arith.constant 3 : i32
      %swap3A_692 = arith.index_cast %select_n3A_316 : i32 to index
      %swap3A_693 = arith.index_cast %swap3A_690 : i32 to index
      %swap3A_694 = arith.index_cast %swap3A_691 : i32 to index
      %swap3A_695 = arith.constant 96 : index
      %swap3A_696 = tpu.vector_load %arg8[%swap3A_692, %swap3A_693, %swap3A_694, %swap3A_695] {strides = array<i32>} : memref<2x4x4x128xi32, #tpu.memory_space<vmem>>, vector<16xi32>,
      tpu.vector_store %arg8[%swap3A_692, %swap3A_693, %swap3A_694, %swap3A_695], %gather3A_689 {strides = array<i32>} : memref<2x4x4x128xi32, #tpu.memory_space<vmem>>, vector<16xi32>,
      %gather3A_697 = arith.constant 0 : i32
      %gather3A_698 = arith.constant 0 : i32
      %gather3A_699 = tpu.memref_slice %arg7[%select_n3A_316, %gather3A_697, %gather3A_698] : memref<2x128x16xi32, #tpu.memory_space<vmem>> -> memref<1x128x16xi32, #tpu.memory_space<vmem>>
      %gather3A_700 = tpu.memref_squeeze %gather3A_699 : memref<1x128x16xi32, #tpu.memory_space<vmem>> -> memref<128x16xi32, #tpu.memory_space<vmem>>
      %gather3A_701 = tpu.vector_load_idx %gather3A_700[%add3A_26, %broadcast_in_dim3A_612] : memref<128x16xi32, #tpu.memory_space<vmem>>[vector<16xi32>, vector<16xi32>], vector<16xi32>,
      %swap3A_702 = arith.constant 0 : i32
      %swap3A_703 = arith.constant 3 : i32
      %swap3A_704 = arith.index_cast %select_n3A_316 : i32 to index
      %swap3A_705 = arith.index_cast %swap3A_702 : i32 to index
      %swap3A_706 = arith.index_cast %swap3A_703 : i32 to index
      %swap3A_707 = arith.constant 112 : index
      %swap3A_708 = tpu.vector_load %arg8[%swap3A_704, %swap3A_705, %swap3A_706, %swap3A_707] {strides = array<i32>} : memref<2x4x4x128xi32, #tpu.memory_space<vmem>>, vector<16xi32>,
      tpu.vector_store %arg8[%swap3A_704, %swap3A_705, %swap3A_706, %swap3A_707], %gather3A_701 {strides = array<i32>} : memref<2x4x4x128xi32, #tpu.memory_space<vmem>>, vector<16xi32>,
      %broadcast_in_dim3A_709 = arith.constant 4 : i32
      %broadcast_in_dim3A_710 = vector.broadcast %broadcast_in_dim3A_709 : i32 to vector<16xi32>
      %gather3A_711 = arith.constant 0 : i32
      %gather3A_712 = arith.constant 0 : i32
      %gather3A_713 = tpu.memref_slice %arg7[%select_n3A_316, %gather3A_711, %gather3A_712] : memref<2x128x16xi32, #tpu.memory_space<vmem>> -> memref<1x128x16xi32, #tpu.memory_space<vmem>>
      %gather3A_714 = tpu.memref_squeeze %gather3A_713 : memref<1x128x16xi32, #tpu.memory_space<vmem>> -> memref<128x16xi32, #tpu.memory_space<vmem>>
      %gather3A_715 = tpu.vector_load_idx %gather3A_714[%add3A_5, %broadcast_in_dim3A_710] : memref<128x16xi32, #tpu.memory_space<vmem>>[vector<16xi32>, vector<16xi32>], vector<16xi32>,
      %swap3A_716 = arith.constant 1 : i32
      %swap3A_717 = arith.constant 0 : i32
      %swap3A_718 = arith.index_cast %select_n3A_316 : i32 to index
      %swap3A_719 = arith.index_cast %swap3A_716 : i32 to index
      %swap3A_720 = arith.index_cast %swap3A_717 : i32 to index
      %swap3A_721 = arith.constant 0 : index
      %swap3A_722 = tpu.vector_load %arg8[%swap3A_718, %swap3A_719, %swap3A_720, %swap3A_721] {strides = array<i32>} : memref<2x4x4x128xi32, #tpu.memory_space<vmem>>, vector<16xi32>,
      tpu.vector_store %arg8[%swap3A_718, %swap3A_719, %swap3A_720, %swap3A_721], %gather3A_715 {strides = array<i32>} : memref<2x4x4x128xi32, #tpu.memory_space<vmem>>, vector<16xi32>,
      %gather3A_723 = arith.constant 0 : i32
      %gather3A_724 = arith.constant 0 : i32
      %gather3A_725 = tpu.memref_slice %arg7[%select_n3A_316, %gather3A_723, %gather3A_724] : memref<2x128x16xi32, #tpu.memory_space<vmem>> -> memref<1x128x16xi32, #tpu.memory_space<vmem>>
      %gather3A_726 = tpu.memref_squeeze %gather3A_725 : memref<1x128x16xi32, #tpu.memory_space<vmem>> -> memref<128x16xi32, #tpu.memory_space<vmem>>
      %gather3A_727 = tpu.vector_load_idx %gather3A_726[%add3A_8, %broadcast_in_dim3A_710] : memref<128x16xi32, #tpu.memory_space<vmem>>[vector<16xi32>, vector<16xi32>], vector<16xi32>,
      %swap3A_728 = arith.constant 1 : i32
      %swap3A_729 = arith.constant 0 : i32
      %swap3A_730 = arith.index_cast %select_n3A_316 : i32 to index
      %swap3A_731 = arith.index_cast %swap3A_728 : i32 to index
      %swap3A_732 = arith.index_cast %swap3A_729 : i32 to index
      %swap3A_733 = arith.constant 16 : index
      %swap3A_734 = tpu.vector_load %arg8[%swap3A_730, %swap3A_731, %swap3A_732, %swap3A_733] {strides = array<i32>} : memref<2x4x4x128xi32, #tpu.memory_space<vmem>>, vector<16xi32>,
      tpu.vector_store %arg8[%swap3A_730, %swap3A_731, %swap3A_732, %swap3A_733], %gather3A_727 {strides = array<i32>} : memref<2x4x4x128xi32, #tpu.memory_space<vmem>>, vector<16xi32>,
      %gather3A_735 = arith.constant 0 : i32
      %gather3A_736 = arith.constant 0 : i32
      %gather3A_737 = tpu.memref_slice %arg7[%select_n3A_316, %gather3A_735, %gather3A_736] : memref<2x128x16xi32, #tpu.memory_space<vmem>> -> memref<1x128x16xi32, #tpu.memory_space<vmem>>
      %gather3A_738 = tpu.memref_squeeze %gather3A_737 : memref<1x128x16xi32, #tpu.memory_space<vmem>> -> memref<128x16xi32, #tpu.memory_space<vmem>>
      %gather3A_739 = tpu.vector_load_idx %gather3A_738[%add3A_11, %broadcast_in_dim3A_710] : memref<128x16xi32, #tpu.memory_space<vmem>>[vector<16xi32>, vector<16xi32>], vector<16xi32>,
      %swap3A_740 = arith.constant 1 : i32
      %swap3A_741 = arith.constant 0 : i32
      %swap3A_742 = arith.index_cast %select_n3A_316 : i32 to index
      %swap3A_743 = arith.index_cast %swap3A_740 : i32 to index
      %swap3A_744 = arith.index_cast %swap3A_741 : i32 to index
      %swap3A_745 = arith.constant 32 : index
      %swap3A_746 = tpu.vector_load %arg8[%swap3A_742, %swap3A_743, %swap3A_744, %swap3A_745] {strides = array<i32>} : memref<2x4x4x128xi32, #tpu.memory_space<vmem>>, vector<16xi32>,
      tpu.vector_store %arg8[%swap3A_742, %swap3A_743, %swap3A_744, %swap3A_745], %gather3A_739 {strides = array<i32>} : memref<2x4x4x128xi32, #tpu.memory_space<vmem>>, vector<16xi32>,
      %gather3A_747 = arith.constant 0 : i32
      %gather3A_748 = arith.constant 0 : i32
      %gather3A_749 = tpu.memref_slice %arg7[%select_n3A_316, %gather3A_747, %gather3A_748] : memref<2x128x16xi32, #tpu.memory_space<vmem>> -> memref<1x128x16xi32, #tpu.memory_space<vmem>>
      %gather3A_750 = tpu.memref_squeeze %gather3A_749 : memref<1x128x16xi32, #tpu.memory_space<vmem>> -> memref<128x16xi32, #tpu.memory_space<vmem>>
      %gather3A_751 = tpu.vector_load_idx %gather3A_750[%add3A_14, %broadcast_in_dim3A_710] : memref<128x16xi32, #tpu.memory_space<vmem>>[vector<16xi32>, vector<16xi32>], vector<16xi32>,
      %swap3A_752 = arith.constant 1 : i32
      %swap3A_753 = arith.constant 0 : i32
      %swap3A_754 = arith.index_cast %select_n3A_316 : i32 to index
      %swap3A_755 = arith.index_cast %swap3A_752 : i32 to index
      %swap3A_756 = arith.index_cast %swap3A_753 : i32 to index
      %swap3A_757 = arith.constant 48 : index
      %swap3A_758 = tpu.vector_load %arg8[%swap3A_754, %swap3A_755, %swap3A_756, %swap3A_757] {strides = array<i32>} : memref<2x4x4x128xi32, #tpu.memory_space<vmem>>, vector<16xi32>,
      tpu.vector_store %arg8[%swap3A_754, %swap3A_755, %swap3A_756, %swap3A_757], %gather3A_751 {strides = array<i32>} : memref<2x4x4x128xi32, #tpu.memory_space<vmem>>, vector<16xi32>,
      %gather3A_759 = arith.constant 0 : i32
      %gather3A_760 = arith.constant 0 : i32
      %gather3A_761 = tpu.memref_slice %arg7[%select_n3A_316, %gather3A_759, %gather3A_760] : memref<2x128x16xi32, #tpu.memory_space<vmem>> -> memref<1x128x16xi32, #tpu.memory_space<vmem>>
      %gather3A_762 = tpu.memref_squeeze %gather3A_761 : memref<1x128x16xi32, #tpu.memory_space<vmem>> -> memref<128x16xi32, #tpu.memory_space<vmem>>
      %gather3A_763 = tpu.vector_load_idx %gather3A_762[%add3A_17, %broadcast_in_dim3A_710] : memref<128x16xi32, #tpu.memory_space<vmem>>[vector<16xi32>, vector<16xi32>], vector<16xi32>,
      %swap3A_764 = arith.constant 1 : i32
      %swap3A_765 = arith.constant 0 : i32
      %swap3A_766 = arith.index_cast %select_n3A_316 : i32 to index
      %swap3A_767 = arith.index_cast %swap3A_764 : i32 to index
      %swap3A_768 = arith.index_cast %swap3A_765 : i32 to index
      %swap3A_769 = arith.constant 64 : index
      %swap3A_770 = tpu.vector_load %arg8[%swap3A_766, %swap3A_767, %swap3A_768, %swap3A_769] {strides = array<i32>} : memref<2x4x4x128xi32, #tpu.memory_space<vmem>>, vector<16xi32>,
      tpu.vector_store %arg8[%swap3A_766, %swap3A_767, %swap3A_768, %swap3A_769], %gather3A_763 {strides = array<i32>} : memref<2x4x4x128xi32, #tpu.memory_space<vmem>>, vector<16xi32>,
      %gather3A_771 = arith.constant 0 : i32
      %gather3A_772 = arith.constant 0 : i32
      %gather3A_773 = tpu.memref_slice %arg7[%select_n3A_316, %gather3A_771, %gather3A_772] : memref<2x128x16xi32, #tpu.memory_space<vmem>> -> memref<1x128x16xi32, #tpu.memory_space<vmem>>
      %gather3A_774 = tpu.memref_squeeze %gather3A_773 : memref<1x128x16xi32, #tpu.memory_space<vmem>> -> memref<128x16xi32, #tpu.memory_space<vmem>>
      %gather3A_775 = tpu.vector_load_idx %gather3A_774[%add3A_20, %broadcast_in_dim3A_710] : memref<128x16xi32, #tpu.memory_space<vmem>>[vector<16xi32>, vector<16xi32>], vector<16xi32>,
      %swap3A_776 = arith.constant 1 : i32
      %swap3A_777 = arith.constant 0 : i32
      %swap3A_778 = arith.index_cast %select_n3A_316 : i32 to index
      %swap3A_779 = arith.index_cast %swap3A_776 : i32 to index
      %swap3A_780 = arith.index_cast %swap3A_777 : i32 to index
      %swap3A_781 = arith.constant 80 : index
      %swap3A_782 = tpu.vector_load %arg8[%swap3A_778, %swap3A_779, %swap3A_780, %swap3A_781] {strides = array<i32>} : memref<2x4x4x128xi32, #tpu.memory_space<vmem>>, vector<16xi32>,
      tpu.vector_store %arg8[%swap3A_778, %swap3A_779, %swap3A_780, %swap3A_781], %gather3A_775 {strides = array<i32>} : memref<2x4x4x128xi32, #tpu.memory_space<vmem>>, vector<16xi32>,
      %gather3A_783 = arith.constant 0 : i32
      %gather3A_784 = arith.constant 0 : i32
      %gather3A_785 = tpu.memref_slice %arg7[%select_n3A_316, %gather3A_783, %gather3A_784] : memref<2x128x16xi32, #tpu.memory_space<vmem>> -> memref<1x128x16xi32, #tpu.memory_space<vmem>>
      %gather3A_786 = tpu.memref_squeeze %gather3A_785 : memref<1x128x16xi32, #tpu.memory_space<vmem>> -> memref<128x16xi32, #tpu.memory_space<vmem>>
      %gather3A_787 = tpu.vector_load_idx %gather3A_786[%add3A_23, %broadcast_in_dim3A_710] : memref<128x16xi32, #tpu.memory_space<vmem>>[vector<16xi32>, vector<16xi32>], vector<16xi32>,
      %swap3A_788 = arith.constant 1 : i32
      %swap3A_789 = arith.constant 0 : i32
      %swap3A_790 = arith.index_cast %select_n3A_316 : i32 to index
      %swap3A_791 = arith.index_cast %swap3A_788 : i32 to index
      %swap3A_792 = arith.index_cast %swap3A_789 : i32 to index
      %swap3A_793 = arith.constant 96 : index
      %swap3A_794 = tpu.vector_load %arg8[%swap3A_790, %swap3A_791, %swap3A_792, %swap3A_793] {strides = array<i32>} : memref<2x4x4x128xi32, #tpu.memory_space<vmem>>, vector<16xi32>,
      tpu.vector_store %arg8[%swap3A_790, %swap3A_791, %swap3A_792, %swap3A_793], %gather3A_787 {strides = array<i32>} : memref<2x4x4x128xi32, #tpu.memory_space<vmem>>, vector<16xi32>,
      %gather3A_795 = arith.constant 0 : i32
      %gather3A_796 = arith.constant 0 : i32
      %gather3A_797 = tpu.memref_slice %arg7[%select_n3A_316, %gather3A_795, %gather3A_796] : memref<2x128x16xi32, #tpu.memory_space<vmem>> -> memref<1x128x16xi32, #tpu.memory_space<vmem>>
      %gather3A_798 = tpu.memref_squeeze %gather3A_797 : memref<1x128x16xi32, #tpu.memory_space<vmem>> -> memref<128x16xi32, #tpu.memory_space<vmem>>
      %gather3A_799 = tpu.vector_load_idx %gather3A_798[%add3A_26, %broadcast_in_dim3A_710] : memref<128x16xi32, #tpu.memory_space<vmem>>[vector<16xi32>, vector<16xi32>], vector<16xi32>,
      %swap3A_800 = arith.constant 1 : i32
      %swap3A_801 = arith.constant 0 : i32
      %swap3A_802 = arith.index_cast %select_n3A_316 : i32 to index
      %swap3A_803 = arith.index_cast %swap3A_800 : i32 to index
      %swap3A_804 = arith.index_cast %swap3A_801 : i32 to index
      %swap3A_805 = arith.constant 112 : index
      %swap3A_806 = tpu.vector_load %arg8[%swap3A_802, %swap3A_803, %swap3A_804, %swap3A_805] {strides = array<i32>} : memref<2x4x4x128xi32, #tpu.memory_space<vmem>>, vector<16xi32>,
      tpu.vector_store %arg8[%swap3A_802, %swap3A_803, %swap3A_804, %swap3A_805], %gather3A_799 {strides = array<i32>} : memref<2x4x4x128xi32, #tpu.memory_space<vmem>>, vector<16xi32>,
      %broadcast_in_dim3A_807 = arith.constant 5 : i32
      %broadcast_in_dim3A_808 = vector.broadcast %broadcast_in_dim3A_807 : i32 to vector<16xi32>
      %gather3A_809 = arith.constant 0 : i32
      %gather3A_810 = arith.constant 0 : i32
      %gather3A_811 = tpu.memref_slice %arg7[%select_n3A_316, %gather3A_809, %gather3A_810] : memref<2x128x16xi32, #tpu.memory_space<vmem>> -> memref<1x128x16xi32, #tpu.memory_space<vmem>>
      %gather3A_812 = tpu.memref_squeeze %gather3A_811 : memref<1x128x16xi32, #tpu.memory_space<vmem>> -> memref<128x16xi32, #tpu.memory_space<vmem>>
      %gather3A_813 = tpu.vector_load_idx %gather3A_812[%add3A_5, %broadcast_in_dim3A_808] : memref<128x16xi32, #tpu.memory_space<vmem>>[vector<16xi32>, vector<16xi32>], vector<16xi32>,
      %swap3A_814 = arith.constant 1 : i32
      %swap3A_815 = arith.constant 1 : i32
      %swap3A_816 = arith.index_cast %select_n3A_316 : i32 to index
      %swap3A_817 = arith.index_cast %swap3A_814 : i32 to index
      %swap3A_818 = arith.index_cast %swap3A_815 : i32 to index
      %swap3A_819 = arith.constant 0 : index
      %swap3A_820 = tpu.vector_load %arg8[%swap3A_816, %swap3A_817, %swap3A_818, %swap3A_819] {strides = array<i32>} : memref<2x4x4x128xi32, #tpu.memory_space<vmem>>, vector<16xi32>,
      tpu.vector_store %arg8[%swap3A_816, %swap3A_817, %swap3A_818, %swap3A_819], %gather3A_813 {strides = array<i32>} : memref<2x4x4x128xi32, #tpu.memory_space<vmem>>, vector<16xi32>,
      %gather3A_821 = arith.constant 0 : i32
      %gather3A_822 = arith.constant 0 : i32
      %gather3A_823 = tpu.memref_slice %arg7[%select_n3A_316, %gather3A_821, %gather3A_822] : memref<2x128x16xi32, #tpu.memory_space<vmem>> -> memref<1x128x16xi32, #tpu.memory_space<vmem>>
      %gather3A_824 = tpu.memref_squeeze %gather3A_823 : memref<1x128x16xi32, #tpu.memory_space<vmem>> -> memref<128x16xi32, #tpu.memory_space<vmem>>
      %gather3A_825 = tpu.vector_load_idx %gather3A_824[%add3A_8, %broadcast_in_dim3A_808] : memref<128x16xi32, #tpu.memory_space<vmem>>[vector<16xi32>, vector<16xi32>], vector<16xi32>,
      %swap3A_826 = arith.constant 1 : i32
      %swap3A_827 = arith.constant 1 : i32
      %swap3A_828 = arith.index_cast %select_n3A_316 : i32 to index
      %swap3A_829 = arith.index_cast %swap3A_826 : i32 to index
      %swap3A_830 = arith.index_cast %swap3A_827 : i32 to index
      %swap3A_831 = arith.constant 16 : index
      %swap3A_832 = tpu.vector_load %arg8[%swap3A_828, %swap3A_829, %swap3A_830, %swap3A_831] {strides = array<i32>} : memref<2x4x4x128xi32, #tpu.memory_space<vmem>>, vector<16xi32>,
      tpu.vector_store %arg8[%swap3A_828, %swap3A_829, %swap3A_830, %swap3A_831], %gather3A_825 {strides = array<i32>} : memref<2x4x4x128xi32, #tpu.memory_space<vmem>>, vector<16xi32>,
      %gather3A_833 = arith.constant 0 : i32
      %gather3A_834 = arith.constant 0 : i32
      %gather3A_835 = tpu.memref_slice %arg7[%select_n3A_316, %gather3A_833, %gather3A_834] : memref<2x128x16xi32, #tpu.memory_space<vmem>> -> memref<1x128x16xi32, #tpu.memory_space<vmem>>
      %gather3A_836 = tpu.memref_squeeze %gather3A_835 : memref<1x128x16xi32, #tpu.memory_space<vmem>> -> memref<128x16xi32, #tpu.memory_space<vmem>>
      %gather3A_837 = tpu.vector_load_idx %gather3A_836[%add3A_11, %broadcast_in_dim3A_808] : memref<128x16xi32, #tpu.memory_space<vmem>>[vector<16xi32>, vector<16xi32>], vector<16xi32>,
      %swap3A_838 = arith.constant 1 : i32
      %swap3A_839 = arith.constant 1 : i32
      %swap3A_840 = arith.index_cast %select_n3A_316 : i32 to index
      %swap3A_841 = arith.index_cast %swap3A_838 : i32 to index
      %swap3A_842 = arith.index_cast %swap3A_839 : i32 to index
      %swap3A_843 = arith.constant 32 : index
      %swap3A_844 = tpu.vector_load %arg8[%swap3A_840, %swap3A_841, %swap3A_842, %swap3A_843] {strides = array<i32>} : memref<2x4x4x128xi32, #tpu.memory_space<vmem>>, vector<16xi32>,
      tpu.vector_store %arg8[%swap3A_840, %swap3A_841, %swap3A_842, %swap3A_843], %gather3A_837 {strides = array<i32>} : memref<2x4x4x128xi32, #tpu.memory_space<vmem>>, vector<16xi32>,
      %gather3A_845 = arith.constant 0 : i32
      %gather3A_846 = arith.constant 0 : i32
      %gather3A_847 = tpu.memref_slice %arg7[%select_n3A_316, %gather3A_845, %gather3A_846] : memref<2x128x16xi32, #tpu.memory_space<vmem>> -> memref<1x128x16xi32, #tpu.memory_space<vmem>>
      %gather3A_848 = tpu.memref_squeeze %gather3A_847 : memref<1x128x16xi32, #tpu.memory_space<vmem>> -> memref<128x16xi32, #tpu.memory_space<vmem>>
      %gather3A_849 = tpu.vector_load_idx %gather3A_848[%add3A_14, %broadcast_in_dim3A_808] : memref<128x16xi32, #tpu.memory_space<vmem>>[vector<16xi32>, vector<16xi32>], vector<16xi32>,
      %swap3A_850 = arith.constant 1 : i32
      %swap3A_851 = arith.constant 1 : i32
      %swap3A_852 = arith.index_cast %select_n3A_316 : i32 to index
      %swap3A_853 = arith.index_cast %swap3A_850 : i32 to index
      %swap3A_854 = arith.index_cast %swap3A_851 : i32 to index
      %swap3A_855 = arith.constant 48 : index
      %swap3A_856 = tpu.vector_load %arg8[%swap3A_852, %swap3A_853, %swap3A_854, %swap3A_855] {strides = array<i32>} : memref<2x4x4x128xi32, #tpu.memory_space<vmem>>, vector<16xi32>,
      tpu.vector_store %arg8[%swap3A_852, %swap3A_853, %swap3A_854, %swap3A_855], %gather3A_849 {strides = array<i32>} : memref<2x4x4x128xi32, #tpu.memory_space<vmem>>, vector<16xi32>,
      %gather3A_857 = arith.constant 0 : i32
      %gather3A_858 = arith.constant 0 : i32
      %gather3A_859 = tpu.memref_slice %arg7[%select_n3A_316, %gather3A_857, %gather3A_858] : memref<2x128x16xi32, #tpu.memory_space<vmem>> -> memref<1x128x16xi32, #tpu.memory_space<vmem>>
      %gather3A_860 = tpu.memref_squeeze %gather3A_859 : memref<1x128x16xi32, #tpu.memory_space<vmem>> -> memref<128x16xi32, #tpu.memory_space<vmem>>
      %gather3A_861 = tpu.vector_load_idx %gather3A_860[%add3A_17, %broadcast_in_dim3A_808] : memref<128x16xi32, #tpu.memory_space<vmem>>[vector<16xi32>, vector<16xi32>], vector<16xi32>,
      %swap3A_862 = arith.constant 1 : i32
      %swap3A_863 = arith.constant 1 : i32
      %swap3A_864 = arith.index_cast %select_n3A_316 : i32 to index
      %swap3A_865 = arith.index_cast %swap3A_862 : i32 to index
      %swap3A_866 = arith.index_cast %swap3A_863 : i32 to index
      %swap3A_867 = arith.constant 64 : index
      %swap3A_868 = tpu.vector_load %arg8[%swap3A_864, %swap3A_865, %swap3A_866, %swap3A_867] {strides = array<i32>} : memref<2x4x4x128xi32, #tpu.memory_space<vmem>>, vector<16xi32>,
      tpu.vector_store %arg8[%swap3A_864, %swap3A_865, %swap3A_866, %swap3A_867], %gather3A_861 {strides = array<i32>} : memref<2x4x4x128xi32, #tpu.memory_space<vmem>>, vector<16xi32>,
      %gather3A_869 = arith.constant 0 : i32
      %gather3A_870 = arith.constant 0 : i32
      %gather3A_871 = tpu.memref_slice %arg7[%select_n3A_316, %gather3A_869, %gather3A_870] : memref<2x128x16xi32, #tpu.memory_space<vmem>> -> memref<1x128x16xi32, #tpu.memory_space<vmem>>
      %gather3A_872 = tpu.memref_squeeze %gather3A_871 : memref<1x128x16xi32, #tpu.memory_space<vmem>> -> memref<128x16xi32, #tpu.memory_space<vmem>>
      %gather3A_873 = tpu.vector_load_idx %gather3A_872[%add3A_20, %broadcast_in_dim3A_808] : memref<128x16xi32, #tpu.memory_space<vmem>>[vector<16xi32>, vector<16xi32>], vector<16xi32>,
      %swap3A_874 = arith.constant 1 : i32
      %swap3A_875 = arith.constant 1 : i32
      %swap3A_876 = arith.index_cast %select_n3A_316 : i32 to index
      %swap3A_877 = arith.index_cast %swap3A_874 : i32 to index
      %swap3A_878 = arith.index_cast %swap3A_875 : i32 to index
      %swap3A_879 = arith.constant 80 : index
      %swap3A_880 = tpu.vector_load %arg8[%swap3A_876, %swap3A_877, %swap3A_878, %swap3A_879] {strides = array<i32>} : memref<2x4x4x128xi32, #tpu.memory_space<vmem>>, vector<16xi32>,
      tpu.vector_store %arg8[%swap3A_876, %swap3A_877, %swap3A_878, %swap3A_879], %gather3A_873 {strides = array<i32>} : memref<2x4x4x128xi32, #tpu.memory_space<vmem>>, vector<16xi32>,
      %gather3A_881 = arith.constant 0 : i32
      %gather3A_882 = arith.constant 0 : i32
      %gather3A_883 = tpu.memref_slice %arg7[%select_n3A_316, %gather3A_881, %gather3A_882] : memref<2x128x16xi32, #tpu.memory_space<vmem>> -> memref<1x128x16xi32, #tpu.memory_space<vmem>>
      %gather3A_884 = tpu.memref_squeeze %gather3A_883 : memref<1x128x16xi32, #tpu.memory_space<vmem>> -> memref<128x16xi32, #tpu.memory_space<vmem>>
      %gather3A_885 = tpu.vector_load_idx %gather3A_884[%add3A_23, %broadcast_in_dim3A_808] : memref<128x16xi32, #tpu.memory_space<vmem>>[vector<16xi32>, vector<16xi32>], vector<16xi32>,
      %swap3A_886 = arith.constant 1 : i32
      %swap3A_887 = arith.constant 1 : i32
      %swap3A_888 = arith.index_cast %select_n3A_316 : i32 to index
      %swap3A_889 = arith.index_cast %swap3A_886 : i32 to index
      %swap3A_890 = arith.index_cast %swap3A_887 : i32 to index
      %swap3A_891 = arith.constant 96 : index
      %swap3A_892 = tpu.vector_load %arg8[%swap3A_888, %swap3A_889, %swap3A_890, %swap3A_891] {strides = array<i32>} : memref<2x4x4x128xi32, #tpu.memory_space<vmem>>, vector<16xi32>,
      tpu.vector_store %arg8[%swap3A_888, %swap3A_889, %swap3A_890, %swap3A_891], %gather3A_885 {strides = array<i32>} : memref<2x4x4x128xi32, #tpu.memory_space<vmem>>, vector<16xi32>,
      %gather3A_893 = arith.constant 0 : i32
      %gather3A_894 = arith.constant 0 : i32
      %gather3A_895 = tpu.memref_slice %arg7[%select_n3A_316, %gather3A_893, %gather3A_894] : memref<2x128x16xi32, #tpu.memory_space<vmem>> -> memref<1x128x16xi32, #tpu.memory_space<vmem>>
      %gather3A_896 = tpu.memref_squeeze %gather3A_895 : memref<1x128x16xi32, #tpu.memory_space<vmem>> -> memref<128x16xi32, #tpu.memory_space<vmem>>
      %gather3A_897 = tpu.vector_load_idx %gather3A_896[%add3A_26, %broadcast_in_dim3A_808] : memref<128x16xi32, #tpu.memory_space<vmem>>[vector<16xi32>, vector<16xi32>], vector<16xi32>,
      %swap3A_898 = arith.constant 1 : i32
      %swap3A_899 = arith.constant 1 : i32
      %swap3A_900 = arith.index_cast %select_n3A_316 : i32 to index
      %swap3A_901 = arith.index_cast %swap3A_898 : i32 to index
      %swap3A_902 = arith.index_cast %swap3A_899 : i32 to index
      %swap3A_903 = arith.constant 112 : index
      %swap3A_904 = tpu.vector_load %arg8[%swap3A_900, %swap3A_901, %swap3A_902, %swap3A_903] {strides = array<i32>} : memref<2x4x4x128xi32, #tpu.memory_space<vmem>>, vector<16xi32>,
      tpu.vector_store %arg8[%swap3A_900, %swap3A_901, %swap3A_902, %swap3A_903], %gather3A_897 {strides = array<i32>} : memref<2x4x4x128xi32, #tpu.memory_space<vmem>>, vector<16xi32>,
      %broadcast_in_dim3A_905 = arith.constant 6 : i32
      %broadcast_in_dim3A_906 = vector.broadcast %broadcast_in_dim3A_905 : i32 to vector<16xi32>
      %gather3A_907 = arith.constant 0 : i32
      %gather3A_908 = arith.constant 0 : i32
      %gather3A_909 = tpu.memref_slice %arg7[%select_n3A_316, %gather3A_907, %gather3A_908] : memref<2x128x16xi32, #tpu.memory_space<vmem>> -> memref<1x128x16xi32, #tpu.memory_space<vmem>>
      %gather3A_910 = tpu.memref_squeeze %gather3A_909 : memref<1x128x16xi32, #tpu.memory_space<vmem>> -> memref<128x16xi32, #tpu.memory_space<vmem>>
      %gather3A_911 = tpu.vector_load_idx %gather3A_910[%add3A_5, %broadcast_in_dim3A_906] : memref<128x16xi32, #tpu.memory_space<vmem>>[vector<16xi32>, vector<16xi32>], vector<16xi32>,
      %swap3A_912 = arith.constant 1 : i32
      %swap3A_913 = arith.constant 2 : i32
      %swap3A_914 = arith.index_cast %select_n3A_316 : i32 to index
      %swap3A_915 = arith.index_cast %swap3A_912 : i32 to index
      %swap3A_916 = arith.index_cast %swap3A_913 : i32 to index
      %swap3A_917 = arith.constant 0 : index
      %swap3A_918 = tpu.vector_load %arg8[%swap3A_914, %swap3A_915, %swap3A_916, %swap3A_917] {strides = array<i32>} : memref<2x4x4x128xi32, #tpu.memory_space<vmem>>, vector<16xi32>,
      tpu.vector_store %arg8[%swap3A_914, %swap3A_915, %swap3A_916, %swap3A_917], %gather3A_911 {strides = array<i32>} : memref<2x4x4x128xi32, #tpu.memory_space<vmem>>, vector<16xi32>,
      %gather3A_919 = arith.constant 0 : i32
      %gather3A_920 = arith.constant 0 : i32
      %gather3A_921 = tpu.memref_slice %arg7[%select_n3A_316, %gather3A_919, %gather3A_920] : memref<2x128x16xi32, #tpu.memory_space<vmem>> -> memref<1x128x16xi32, #tpu.memory_space<vmem>>
      %gather3A_922 = tpu.memref_squeeze %gather3A_921 : memref<1x128x16xi32, #tpu.memory_space<vmem>> -> memref<128x16xi32, #tpu.memory_space<vmem>>
      %gather3A_923 = tpu.vector_load_idx %gather3A_922[%add3A_8, %broadcast_in_dim3A_906] : memref<128x16xi32, #tpu.memory_space<vmem>>[vector<16xi32>, vector<16xi32>], vector<16xi32>,
      %swap3A_924 = arith.constant 1 : i32
      %swap3A_925 = arith.constant 2 : i32
      %swap3A_926 = arith.index_cast %select_n3A_316 : i32 to index
      %swap3A_927 = arith.index_cast %swap3A_924 : i32 to index
      %swap3A_928 = arith.index_cast %swap3A_925 : i32 to index
      %swap3A_929 = arith.constant 16 : index
      %swap3A_930 = tpu.vector_load %arg8[%swap3A_926, %swap3A_927, %swap3A_928, %swap3A_929] {strides = array<i32>} : memref<2x4x4x128xi32, #tpu.memory_space<vmem>>, vector<16xi32>,
      tpu.vector_store %arg8[%swap3A_926, %swap3A_927, %swap3A_928, %swap3A_929], %gather3A_923 {strides = array<i32>} : memref<2x4x4x128xi32, #tpu.memory_space<vmem>>, vector<16xi32>,
      %gather3A_931 = arith.constant 0 : i32
      %gather3A_932 = arith.constant 0 : i32
      %gather3A_933 = tpu.memref_slice %arg7[%select_n3A_316, %gather3A_931, %gather3A_932] : memref<2x128x16xi32, #tpu.memory_space<vmem>> -> memref<1x128x16xi32, #tpu.memory_space<vmem>>
      %gather3A_934 = tpu.memref_squeeze %gather3A_933 : memref<1x128x16xi32, #tpu.memory_space<vmem>> -> memref<128x16xi32, #tpu.memory_space<vmem>>
      %gather3A_935 = tpu.vector_load_idx %gather3A_934[%add3A_11, %broadcast_in_dim3A_906] : memref<128x16xi32, #tpu.memory_space<vmem>>[vector<16xi32>, vector<16xi32>], vector<16xi32>,
      %swap3A_936 = arith.constant 1 : i32
      %swap3A_937 = arith.constant 2 : i32
      %swap3A_938 = arith.index_cast %select_n3A_316 : i32 to index
      %swap3A_939 = arith.index_cast %swap3A_936 : i32 to index
      %swap3A_940 = arith.index_cast %swap3A_937 : i32 to index
      %swap3A_941 = arith.constant 32 : index
      %swap3A_942 = tpu.vector_load %arg8[%swap3A_938, %swap3A_939, %swap3A_940, %swap3A_941] {strides = array<i32>} : memref<2x4x4x128xi32, #tpu.memory_space<vmem>>, vector<16xi32>,
      tpu.vector_store %arg8[%swap3A_938, %swap3A_939, %swap3A_940, %swap3A_941], %gather3A_935 {strides = array<i32>} : memref<2x4x4x128xi32, #tpu.memory_space<vmem>>, vector<16xi32>,
      %gather3A_943 = arith.constant 0 : i32
      %gather3A_944 = arith.constant 0 : i32
      %gather3A_945 = tpu.memref_slice %arg7[%select_n3A_316, %gather3A_943, %gather3A_944] : memref<2x128x16xi32, #tpu.memory_space<vmem>> -> memref<1x128x16xi32, #tpu.memory_space<vmem>>
      %gather3A_946 = tpu.memref_squeeze %gather3A_945 : memref<1x128x16xi32, #tpu.memory_space<vmem>> -> memref<128x16xi32, #tpu.memory_space<vmem>>
      %gather3A_947 = tpu.vector_load_idx %gather3A_946[%add3A_14, %broadcast_in_dim3A_906] : memref<128x16xi32, #tpu.memory_space<vmem>>[vector<16xi32>, vector<16xi32>], vector<16xi32>,
      %swap3A_948 = arith.constant 1 : i32
      %swap3A_949 = arith.constant 2 : i32
      %swap3A_950 = arith.index_cast %select_n3A_316 : i32 to index
      %swap3A_951 = arith.index_cast %swap3A_948 : i32 to index
      %swap3A_952 = arith.index_cast %swap3A_949 : i32 to index
      %swap3A_953 = arith.constant 48 : index
      %swap3A_954 = tpu.vector_load %arg8[%swap3A_950, %swap3A_951, %swap3A_952, %swap3A_953] {strides = array<i32>} : memref<2x4x4x128xi32, #tpu.memory_space<vmem>>, vector<16xi32>,
      tpu.vector_store %arg8[%swap3A_950, %swap3A_951, %swap3A_952, %swap3A_953], %gather3A_947 {strides = array<i32>} : memref<2x4x4x128xi32, #tpu.memory_space<vmem>>, vector<16xi32>,
      %gather3A_955 = arith.constant 0 : i32
      %gather3A_956 = arith.constant 0 : i32
      %gather3A_957 = tpu.memref_slice %arg7[%select_n3A_316, %gather3A_955, %gather3A_956] : memref<2x128x16xi32, #tpu.memory_space<vmem>> -> memref<1x128x16xi32, #tpu.memory_space<vmem>>
      %gather3A_958 = tpu.memref_squeeze %gather3A_957 : memref<1x128x16xi32, #tpu.memory_space<vmem>> -> memref<128x16xi32, #tpu.memory_space<vmem>>
      %gather3A_959 = tpu.vector_load_idx %gather3A_958[%add3A_17, %broadcast_in_dim3A_906] : memref<128x16xi32, #tpu.memory_space<vmem>>[vector<16xi32>, vector<16xi32>], vector<16xi32>,
      %swap3A_960 = arith.constant 1 : i32
      %swap3A_961 = arith.constant 2 : i32
      %swap3A_962 = arith.index_cast %select_n3A_316 : i32 to index
      %swap3A_963 = arith.index_cast %swap3A_960 : i32 to index
      %swap3A_964 = arith.index_cast %swap3A_961 : i32 to index
      %swap3A_965 = arith.constant 64 : index
      %swap3A_966 = tpu.vector_load %arg8[%swap3A_962, %swap3A_963, %swap3A_964, %swap3A_965] {strides = array<i32>} : memref<2x4x4x128xi32, #tpu.memory_space<vmem>>, vector<16xi32>,
      tpu.vector_store %arg8[%swap3A_962, %swap3A_963, %swap3A_964, %swap3A_965], %gather3A_959 {strides = array<i32>} : memref<2x4x4x128xi32, #tpu.memory_space<vmem>>, vector<16xi32>,
      %gather3A_967 = arith.constant 0 : i32
      %gather3A_968 = arith.constant 0 : i32
      %gather3A_969 = tpu.memref_slice %arg7[%select_n3A_316, %gather3A_967, %gather3A_968] : memref<2x128x16xi32, #tpu.memory_space<vmem>> -> memref<1x128x16xi32, #tpu.memory_space<vmem>>
      %gather3A_970 = tpu.memref_squeeze %gather3A_969 : memref<1x128x16xi32, #tpu.memory_space<vmem>> -> memref<128x16xi32, #tpu.memory_space<vmem>>
      %gather3A_971 = tpu.vector_load_idx %gather3A_970[%add3A_20, %broadcast_in_dim3A_906] : memref<128x16xi32, #tpu.memory_space<vmem>>[vector<16xi32>, vector<16xi32>], vector<16xi32>,
      %swap3A_972 = arith.constant 1 : i32
      %swap3A_973 = arith.constant 2 : i32
      %swap3A_974 = arith.index_cast %select_n3A_316 : i32 to index
      %swap3A_975 = arith.index_cast %swap3A_972 : i32 to index
      %swap3A_976 = arith.index_cast %swap3A_973 : i32 to index
      %swap3A_977 = arith.constant 80 : index
      %swap3A_978 = tpu.vector_load %arg8[%swap3A_974, %swap3A_975, %swap3A_976, %swap3A_977] {strides = array<i32>} : memref<2x4x4x128xi32, #tpu.memory_space<vmem>>, vector<16xi32>,
      tpu.vector_store %arg8[%swap3A_974, %swap3A_975, %swap3A_976, %swap3A_977], %gather3A_971 {strides = array<i32>} : memref<2x4x4x128xi32, #tpu.memory_space<vmem>>, vector<16xi32>,
      %gather3A_979 = arith.constant 0 : i32
      %gather3A_980 = arith.constant 0 : i32
      %gather3A_981 = tpu.memref_slice %arg7[%select_n3A_316, %gather3A_979, %gather3A_980] : memref<2x128x16xi32, #tpu.memory_space<vmem>> -> memref<1x128x16xi32, #tpu.memory_space<vmem>>
      %gather3A_982 = tpu.memref_squeeze %gather3A_981 : memref<1x128x16xi32, #tpu.memory_space<vmem>> -> memref<128x16xi32, #tpu.memory_space<vmem>>
      %gather3A_983 = tpu.vector_load_idx %gather3A_982[%add3A_23, %broadcast_in_dim3A_906] : memref<128x16xi32, #tpu.memory_space<vmem>>[vector<16xi32>, vector<16xi32>], vector<16xi32>,
      %swap3A_984 = arith.constant 1 : i32
      %swap3A_985 = arith.constant 2 : i32
      %swap3A_986 = arith.index_cast %select_n3A_316 : i32 to index
      %swap3A_987 = arith.index_cast %swap3A_984 : i32 to index
      %swap3A_988 = arith.index_cast %swap3A_985 : i32 to index
      %swap3A_989 = arith.constant 96 : index
      %swap3A_990 = tpu.vector_load %arg8[%swap3A_986, %swap3A_987, %swap3A_988, %swap3A_989] {strides = array<i32>} : memref<2x4x4x128xi32, #tpu.memory_space<vmem>>, vector<16xi32>,
      tpu.vector_store %arg8[%swap3A_986, %swap3A_987, %swap3A_988, %swap3A_989], %gather3A_983 {strides = array<i32>} : memref<2x4x4x128xi32, #tpu.memory_space<vmem>>, vector<16xi32>,
      %gather3A_991 = arith.constant 0 : i32
      %gather3A_992 = arith.constant 0 : i32
      %gather3A_993 = tpu.memref_slice %arg7[%select_n3A_316, %gather3A_991, %gather3A_992] : memref<2x128x16xi32, #tpu.memory_space<vmem>> -> memref<1x128x16xi32, #tpu.memory_space<vmem>>
      %gather3A_994 = tpu.memref_squeeze %gather3A_993 : memref<1x128x16xi32, #tpu.memory_space<vmem>> -> memref<128x16xi32, #tpu.memory_space<vmem>>
      %gather3A_995 = tpu.vector_load_idx %gather3A_994[%add3A_26, %broadcast_in_dim3A_906] : memref<128x16xi32, #tpu.memory_space<vmem>>[vector<16xi32>, vector<16xi32>], vector<16xi32>,
      %swap3A_996 = arith.constant 1 : i32
      %swap3A_997 = arith.constant 2 : i32
      %swap3A_998 = arith.index_cast %select_n3A_316 : i32 to index
      %swap3A_999 = arith.index_cast %swap3A_996 : i32 to index
      %swap3A_1000 = arith.index_cast %swap3A_997 : i32 to index
      %swap3A_1001 = arith.constant 112 : index
      %swap3A_1002 = tpu.vector_load %arg8[%swap3A_998, %swap3A_999, %swap3A_1000, %swap3A_1001] {strides = array<i32>} : memref<2x4x4x128xi32, #tpu.memory_space<vmem>>, vector<16xi32>,
      tpu.vector_store %arg8[%swap3A_998, %swap3A_999, %swap3A_1000, %swap3A_1001], %gather3A_995 {strides = array<i32>} : memref<2x4x4x128xi32, #tpu.memory_space<vmem>>, vector<16xi32>,
      %broadcast_in_dim3A_1003 = arith.constant 7 : i32
      %broadcast_in_dim3A_1004 = vector.broadcast %broadcast_in_dim3A_1003 : i32 to vector<16xi32>
      %gather3A_1005 = arith.constant 0 : i32
      %gather3A_1006 = arith.constant 0 : i32
      %gather3A_1007 = tpu.memref_slice %arg7[%select_n3A_316, %gather3A_1005, %gather3A_1006] : memref<2x128x16xi32, #tpu.memory_space<vmem>> -> memref<1x128x16xi32, #tpu.memory_space<vmem>>
      %gather3A_1008 = tpu.memref_squeeze %gather3A_1007 : memref<1x128x16xi32, #tpu.memory_space<vmem>> -> memref<128x16xi32, #tpu.memory_space<vmem>>
      %gather3A_1009 = tpu.vector_load_idx %gather3A_1008[%add3A_5, %broadcast_in_dim3A_1004] : memref<128x16xi32, #tpu.memory_space<vmem>>[vector<16xi32>, vector<16xi32>], vector<16xi32>,
      %swap3A_1010 = arith.constant 1 : i32
      %swap3A_1011 = arith.constant 3 : i32
      %swap3A_1012 = arith.index_cast %select_n3A_316 : i32 to index
      %swap3A_1013 = arith.index_cast %swap3A_1010 : i32 to index
      %swap3A_1014 = arith.index_cast %swap3A_1011 : i32 to index
      %swap3A_1015 = arith.constant 0 : index
      %swap3A_1016 = tpu.vector_load %arg8[%swap3A_1012, %swap3A_1013, %swap3A_1014, %swap3A_1015] {strides = array<i32>} : memref<2x4x4x128xi32, #tpu.memory_space<vmem>>, vector<16xi32>,
      tpu.vector_store %arg8[%swap3A_1012, %swap3A_1013, %swap3A_1014, %swap3A_1015], %gather3A_1009 {strides = array<i32>} : memref<2x4x4x128xi32, #tpu.memory_space<vmem>>, vector<16xi32>,
      %gather3A_1017 = arith.constant 0 : i32
      %gather3A_1018 = arith.constant 0 : i32
      %gather3A_1019 = tpu.memref_slice %arg7[%select_n3A_316, %gather3A_1017, %gather3A_1018] : memref<2x128x16xi32, #tpu.memory_space<vmem>> -> memref<1x128x16xi32, #tpu.memory_space<vmem>>
      %gather3A_1020 = tpu.memref_squeeze %gather3A_1019 : memref<1x128x16xi32, #tpu.memory_space<vmem>> -> memref<128x16xi32, #tpu.memory_space<vmem>>
      %gather3A_1021 = tpu.vector_load_idx %gather3A_1020[%add3A_8, %broadcast_in_dim3A_1004] : memref<128x16xi32, #tpu.memory_space<vmem>>[vector<16xi32>, vector<16xi32>], vector<16xi32>,
      %swap3A_1022 = arith.constant 1 : i32
      %swap3A_1023 = arith.constant 3 : i32
      %swap3A_1024 = arith.index_cast %select_n3A_316 : i32 to index
      %swap3A_1025 = arith.index_cast %swap3A_1022 : i32 to index
      %swap3A_1026 = arith.index_cast %swap3A_1023 : i32 to index
      %swap3A_1027 = arith.constant 16 : index
      %swap3A_1028 = tpu.vector_load %arg8[%swap3A_1024, %swap3A_1025, %swap3A_1026, %swap3A_1027] {strides = array<i32>} : memref<2x4x4x128xi32, #tpu.memory_space<vmem>>, vector<16xi32>,
      tpu.vector_store %arg8[%swap3A_1024, %swap3A_1025, %swap3A_1026, %swap3A_1027], %gather3A_1021 {strides = array<i32>} : memref<2x4x4x128xi32, #tpu.memory_space<vmem>>, vector<16xi32>,
      %gather3A_1029 = arith.constant 0 : i32
      %gather3A_1030 = arith.constant 0 : i32
      %gather3A_1031 = tpu.memref_slice %arg7[%select_n3A_316, %gather3A_1029, %gather3A_1030] : memref<2x128x16xi32, #tpu.memory_space<vmem>> -> memref<1x128x16xi32, #tpu.memory_space<vmem>>
      %gather3A_1032 = tpu.memref_squeeze %gather3A_1031 : memref<1x128x16xi32, #tpu.memory_space<vmem>> -> memref<128x16xi32, #tpu.memory_space<vmem>>
      %gather3A_1033 = tpu.vector_load_idx %gather3A_1032[%add3A_11, %broadcast_in_dim3A_1004] : memref<128x16xi32, #tpu.memory_space<vmem>>[vector<16xi32>, vector<16xi32>], vector<16xi32>,
      %swap3A_1034 = arith.constant 1 : i32
      %swap3A_1035 = arith.constant 3 : i32
      %swap3A_1036 = arith.index_cast %select_n3A_316 : i32 to index
      %swap3A_1037 = arith.index_cast %swap3A_1034 : i32 to index
      %swap3A_1038 = arith.index_cast %swap3A_1035 : i32 to index
      %swap3A_1039 = arith.constant 32 : index
      %swap3A_1040 = tpu.vector_load %arg8[%swap3A_1036, %swap3A_1037, %swap3A_1038, %swap3A_1039] {strides = array<i32>} : memref<2x4x4x128xi32, #tpu.memory_space<vmem>>, vector<16xi32>,
      tpu.vector_store %arg8[%swap3A_1036, %swap3A_1037, %swap3A_1038, %swap3A_1039], %gather3A_1033 {strides = array<i32>} : memref<2x4x4x128xi32, #tpu.memory_space<vmem>>, vector<16xi32>,
      %gather3A_1041 = arith.constant 0 : i32
      %gather3A_1042 = arith.constant 0 : i32
      %gather3A_1043 = tpu.memref_slice %arg7[%select_n3A_316, %gather3A_1041, %gather3A_1042] : memref<2x128x16xi32, #tpu.memory_space<vmem>> -> memref<1x128x16xi32, #tpu.memory_space<vmem>>
      %gather3A_1044 = tpu.memref_squeeze %gather3A_1043 : memref<1x128x16xi32, #tpu.memory_space<vmem>> -> memref<128x16xi32, #tpu.memory_space<vmem>>
      %gather3A_1045 = tpu.vector_load_idx %gather3A_1044[%add3A_14, %broadcast_in_dim3A_1004] : memref<128x16xi32, #tpu.memory_space<vmem>>[vector<16xi32>, vector<16xi32>], vector<16xi32>,
      %swap3A_1046 = arith.constant 1 : i32
      %swap3A_1047 = arith.constant 3 : i32
      %swap3A_1048 = arith.index_cast %select_n3A_316 : i32 to index
      %swap3A_1049 = arith.index_cast %swap3A_1046 : i32 to index
      %swap3A_1050 = arith.index_cast %swap3A_1047 : i32 to index
      %swap3A_1051 = arith.constant 48 : index
      %swap3A_1052 = tpu.vector_load %arg8[%swap3A_1048, %swap3A_1049, %swap3A_1050, %swap3A_1051] {strides = array<i32>} : memref<2x4x4x128xi32, #tpu.memory_space<vmem>>, vector<16xi32>,
      tpu.vector_store %arg8[%swap3A_1048, %swap3A_1049, %swap3A_1050, %swap3A_1051], %gather3A_1045 {strides = array<i32>} : memref<2x4x4x128xi32, #tpu.memory_space<vmem>>, vector<16xi32>,
      %gather3A_1053 = arith.constant 0 : i32
      %gather3A_1054 = arith.constant 0 : i32
      %gather3A_1055 = tpu.memref_slice %arg7[%select_n3A_316, %gather3A_1053, %gather3A_1054] : memref<2x128x16xi32, #tpu.memory_space<vmem>> -> memref<1x128x16xi32, #tpu.memory_space<vmem>>
      %gather3A_1056 = tpu.memref_squeeze %gather3A_1055 : memref<1x128x16xi32, #tpu.memory_space<vmem>> -> memref<128x16xi32, #tpu.memory_space<vmem>>
      %gather3A_1057 = tpu.vector_load_idx %gather3A_1056[%add3A_17, %broadcast_in_dim3A_1004] : memref<128x16xi32, #tpu.memory_space<vmem>>[vector<16xi32>, vector<16xi32>], vector<16xi32>,
      %swap3A_1058 = arith.constant 1 : i32
      %swap3A_1059 = arith.constant 3 : i32
      %swap3A_1060 = arith.index_cast %select_n3A_316 : i32 to index
      %swap3A_1061 = arith.index_cast %swap3A_1058 : i32 to index
      %swap3A_1062 = arith.index_cast %swap3A_1059 : i32 to index
      %swap3A_1063 = arith.constant 64 : index
      %swap3A_1064 = tpu.vector_load %arg8[%swap3A_1060, %swap3A_1061, %swap3A_1062, %swap3A_1063] {strides = array<i32>} : memref<2x4x4x128xi32, #tpu.memory_space<vmem>>, vector<16xi32>,
      tpu.vector_store %arg8[%swap3A_1060, %swap3A_1061, %swap3A_1062, %swap3A_1063], %gather3A_1057 {strides = array<i32>} : memref<2x4x4x128xi32, #tpu.memory_space<vmem>>, vector<16xi32>,
      %gather3A_1065 = arith.constant 0 : i32
      %gather3A_1066 = arith.constant 0 : i32
      %gather3A_1067 = tpu.memref_slice %arg7[%select_n3A_316, %gather3A_1065, %gather3A_1066] : memref<2x128x16xi32, #tpu.memory_space<vmem>> -> memref<1x128x16xi32, #tpu.memory_space<vmem>>
      %gather3A_1068 = tpu.memref_squeeze %gather3A_1067 : memref<1x128x16xi32, #tpu.memory_space<vmem>> -> memref<128x16xi32, #tpu.memory_space<vmem>>
      %gather3A_1069 = tpu.vector_load_idx %gather3A_1068[%add3A_20, %broadcast_in_dim3A_1004] : memref<128x16xi32, #tpu.memory_space<vmem>>[vector<16xi32>, vector<16xi32>], vector<16xi32>,
      %swap3A_1070 = arith.constant 1 : i32
      %swap3A_1071 = arith.constant 3 : i32
      %swap3A_1072 = arith.index_cast %select_n3A_316 : i32 to index
      %swap3A_1073 = arith.index_cast %swap3A_1070 : i32 to index
      %swap3A_1074 = arith.index_cast %swap3A_1071 : i32 to index
      %swap3A_1075 = arith.constant 80 : index
      %swap3A_1076 = tpu.vector_load %arg8[%swap3A_1072, %swap3A_1073, %swap3A_1074, %swap3A_1075] {strides = array<i32>} : memref<2x4x4x128xi32, #tpu.memory_space<vmem>>, vector<16xi32>,
      tpu.vector_store %arg8[%swap3A_1072, %swap3A_1073, %swap3A_1074, %swap3A_1075], %gather3A_1069 {strides = array<i32>} : memref<2x4x4x128xi32, #tpu.memory_space<vmem>>, vector<16xi32>,
      %gather3A_1077 = arith.constant 0 : i32
      %gather3A_1078 = arith.constant 0 : i32
      %gather3A_1079 = tpu.memref_slice %arg7[%select_n3A_316, %gather3A_1077, %gather3A_1078] : memref<2x128x16xi32, #tpu.memory_space<vmem>> -> memref<1x128x16xi32, #tpu.memory_space<vmem>>
      %gather3A_1080 = tpu.memref_squeeze %gather3A_1079 : memref<1x128x16xi32, #tpu.memory_space<vmem>> -> memref<128x16xi32, #tpu.memory_space<vmem>>
      %gather3A_1081 = tpu.vector_load_idx %gather3A_1080[%add3A_23, %broadcast_in_dim3A_1004] : memref<128x16xi32, #tpu.memory_space<vmem>>[vector<16xi32>, vector<16xi32>], vector<16xi32>,
      %swap3A_1082 = arith.constant 1 : i32
      %swap3A_1083 = arith.constant 3 : i32
      %swap3A_1084 = arith.index_cast %select_n3A_316 : i32 to index
      %swap3A_1085 = arith.index_cast %swap3A_1082 : i32 to index
      %swap3A_1086 = arith.index_cast %swap3A_1083 : i32 to index
      %swap3A_1087 = arith.constant 96 : index
      %swap3A_1088 = tpu.vector_load %arg8[%swap3A_1084, %swap3A_1085, %swap3A_1086, %swap3A_1087] {strides = array<i32>} : memref<2x4x4x128xi32, #tpu.memory_space<vmem>>, vector<16xi32>,
      tpu.vector_store %arg8[%swap3A_1084, %swap3A_1085, %swap3A_1086, %swap3A_1087], %gather3A_1081 {strides = array<i32>} : memref<2x4x4x128xi32, #tpu.memory_space<vmem>>, vector<16xi32>,
      %gather3A_1089 = arith.constant 0 : i32
      %gather3A_1090 = arith.constant 0 : i32
      %gather3A_1091 = tpu.memref_slice %arg7[%select_n3A_316, %gather3A_1089, %gather3A_1090] : memref<2x128x16xi32, #tpu.memory_space<vmem>> -> memref<1x128x16xi32, #tpu.memory_space<vmem>>
      %gather3A_1092 = tpu.memref_squeeze %gather3A_1091 : memref<1x128x16xi32, #tpu.memory_space<vmem>> -> memref<128x16xi32, #tpu.memory_space<vmem>>
      %gather3A_1093 = tpu.vector_load_idx %gather3A_1092[%add3A_26, %broadcast_in_dim3A_1004] : memref<128x16xi32, #tpu.memory_space<vmem>>[vector<16xi32>, vector<16xi32>], vector<16xi32>,
      %swap3A_1094 = arith.constant 1 : i32
      %swap3A_1095 = arith.constant 3 : i32
      %swap3A_1096 = arith.index_cast %select_n3A_316 : i32 to index
      %swap3A_1097 = arith.index_cast %swap3A_1094 : i32 to index
      %swap3A_1098 = arith.index_cast %swap3A_1095 : i32 to index
      %swap3A_1099 = arith.constant 112 : index
      %swap3A_1100 = tpu.vector_load %arg8[%swap3A_1096, %swap3A_1097, %swap3A_1098, %swap3A_1099] {strides = array<i32>} : memref<2x4x4x128xi32, #tpu.memory_space<vmem>>, vector<16xi32>,
      tpu.vector_store %arg8[%swap3A_1096, %swap3A_1097, %swap3A_1098, %swap3A_1099], %gather3A_1093 {strides = array<i32>} : memref<2x4x4x128xi32, #tpu.memory_space<vmem>>, vector<16xi32>,
      %broadcast_in_dim3A_1101 = arith.constant 8 : i32
      %broadcast_in_dim3A_1102 = vector.broadcast %broadcast_in_dim3A_1101 : i32 to vector<16xi32>
      %gather3A_1103 = arith.constant 0 : i32
      %gather3A_1104 = arith.constant 0 : i32
      %gather3A_1105 = tpu.memref_slice %arg7[%select_n3A_316, %gather3A_1103, %gather3A_1104] : memref<2x128x16xi32, #tpu.memory_space<vmem>> -> memref<1x128x16xi32, #tpu.memory_space<vmem>>
      %gather3A_1106 = tpu.memref_squeeze %gather3A_1105 : memref<1x128x16xi32, #tpu.memory_space<vmem>> -> memref<128x16xi32, #tpu.memory_space<vmem>>
      %gather3A_1107 = tpu.vector_load_idx %gather3A_1106[%add3A_5, %broadcast_in_dim3A_1102] : memref<128x16xi32, #tpu.memory_space<vmem>>[vector<16xi32>, vector<16xi32>], vector<16xi32>,
      %swap3A_1108 = arith.constant 2 : i32
      %swap3A_1109 = arith.constant 0 : i32
      %swap3A_1110 = arith.index_cast %select_n3A_316 : i32 to index
      %swap3A_1111 = arith.index_cast %swap3A_1108 : i32 to index
      %swap3A_1112 = arith.index_cast %swap3A_1109 : i32 to index
      %swap3A_1113 = arith.constant 0 : index
      %swap3A_1114 = tpu.vector_load %arg8[%swap3A_1110, %swap3A_1111, %swap3A_1112, %swap3A_1113] {strides = array<i32>} : memref<2x4x4x128xi32, #tpu.memory_space<vmem>>, vector<16xi32>,
      tpu.vector_store %arg8[%swap3A_1110, %swap3A_1111, %swap3A_1112, %swap3A_1113], %gather3A_1107 {strides = array<i32>} : memref<2x4x4x128xi32, #tpu.memory_space<vmem>>, vector<16xi32>,
      %gather3A_1115 = arith.constant 0 : i32
      %gather3A_1116 = arith.constant 0 : i32
      %gather3A_1117 = tpu.memref_slice %arg7[%select_n3A_316, %gather3A_1115, %gather3A_1116] : memref<2x128x16xi32, #tpu.memory_space<vmem>> -> memref<1x128x16xi32, #tpu.memory_space<vmem>>
      %gather3A_1118 = tpu.memref_squeeze %gather3A_1117 : memref<1x128x16xi32, #tpu.memory_space<vmem>> -> memref<128x16xi32, #tpu.memory_space<vmem>>
      %gather3A_1119 = tpu.vector_load_idx %gather3A_1118[%add3A_8, %broadcast_in_dim3A_1102] : memref<128x16xi32, #tpu.memory_space<vmem>>[vector<16xi32>, vector<16xi32>], vector<16xi32>,
      %swap3A_1120 = arith.constant 2 : i32
      %swap3A_1121 = arith.constant 0 : i32
      %swap3A_1122 = arith.index_cast %select_n3A_316 : i32 to index
      %swap3A_1123 = arith.index_cast %swap3A_1120 : i32 to index
      %swap3A_1124 = arith.index_cast %swap3A_1121 : i32 to index
      %swap3A_1125 = arith.constant 16 : index
      %swap3A_1126 = tpu.vector_load %arg8[%swap3A_1122, %swap3A_1123, %swap3A_1124, %swap3A_1125] {strides = array<i32>} : memref<2x4x4x128xi32, #tpu.memory_space<vmem>>, vector<16xi32>,
      tpu.vector_store %arg8[%swap3A_1122, %swap3A_1123, %swap3A_1124, %swap3A_1125], %gather3A_1119 {strides = array<i32>} : memref<2x4x4x128xi32, #tpu.memory_space<vmem>>, vector<16xi32>,
      %gather3A_1127 = arith.constant 0 : i32
      %gather3A_1128 = arith.constant 0 : i32
      %gather3A_1129 = tpu.memref_slice %arg7[%select_n3A_316, %gather3A_1127, %gather3A_1128] : memref<2x128x16xi32, #tpu.memory_space<vmem>> -> memref<1x128x16xi32, #tpu.memory_space<vmem>>
      %gather3A_1130 = tpu.memref_squeeze %gather3A_1129 : memref<1x128x16xi32, #tpu.memory_space<vmem>> -> memref<128x16xi32, #tpu.memory_space<vmem>>
      %gather3A_1131 = tpu.vector_load_idx %gather3A_1130[%add3A_11, %broadcast_in_dim3A_1102] : memref<128x16xi32, #tpu.memory_space<vmem>>[vector<16xi32>, vector<16xi32>], vector<16xi32>,
      %swap3A_1132 = arith.constant 2 : i32
      %swap3A_1133 = arith.constant 0 : i32
      %swap3A_1134 = arith.index_cast %select_n3A_316 : i32 to index
      %swap3A_1135 = arith.index_cast %swap3A_1132 : i32 to index
      %swap3A_1136 = arith.index_cast %swap3A_1133 : i32 to index
      %swap3A_1137 = arith.constant 32 : index
      %swap3A_1138 = tpu.vector_load %arg8[%swap3A_1134, %swap3A_1135, %swap3A_1136, %swap3A_1137] {strides = array<i32>} : memref<2x4x4x128xi32, #tpu.memory_space<vmem>>, vector<16xi32>,
      tpu.vector_store %arg8[%swap3A_1134, %swap3A_1135, %swap3A_1136, %swap3A_1137], %gather3A_1131 {strides = array<i32>} : memref<2x4x4x128xi32, #tpu.memory_space<vmem>>, vector<16xi32>,
      %gather3A_1139 = arith.constant 0 : i32
      %gather3A_1140 = arith.constant 0 : i32
      %gather3A_1141 = tpu.memref_slice %arg7[%select_n3A_316, %gather3A_1139, %gather3A_1140] : memref<2x128x16xi32, #tpu.memory_space<vmem>> -> memref<1x128x16xi32, #tpu.memory_space<vmem>>
      %gather3A_1142 = tpu.memref_squeeze %gather3A_1141 : memref<1x128x16xi32, #tpu.memory_space<vmem>> -> memref<128x16xi32, #tpu.memory_space<vmem>>
      %gather3A_1143 = tpu.vector_load_idx %gather3A_1142[%add3A_14, %broadcast_in_dim3A_1102] : memref<128x16xi32, #tpu.memory_space<vmem>>[vector<16xi32>, vector<16xi32>], vector<16xi32>,
      %swap3A_1144 = arith.constant 2 : i32
      %swap3A_1145 = arith.constant 0 : i32
      %swap3A_1146 = arith.index_cast %select_n3A_316 : i32 to index
      %swap3A_1147 = arith.index_cast %swap3A_1144 : i32 to index
      %swap3A_1148 = arith.index_cast %swap3A_1145 : i32 to index
      %swap3A_1149 = arith.constant 48 : index
      %swap3A_1150 = tpu.vector_load %arg8[%swap3A_1146, %swap3A_1147, %swap3A_1148, %swap3A_1149] {strides = array<i32>} : memref<2x4x4x128xi32, #tpu.memory_space<vmem>>, vector<16xi32>,
      tpu.vector_store %arg8[%swap3A_1146, %swap3A_1147, %swap3A_1148, %swap3A_1149], %gather3A_1143 {strides = array<i32>} : memref<2x4x4x128xi32, #tpu.memory_space<vmem>>, vector<16xi32>,
      %gather3A_1151 = arith.constant 0 : i32
      %gather3A_1152 = arith.constant 0 : i32
      %gather3A_1153 = tpu.memref_slice %arg7[%select_n3A_316, %gather3A_1151, %gather3A_1152] : memref<2x128x16xi32, #tpu.memory_space<vmem>> -> memref<1x128x16xi32, #tpu.memory_space<vmem>>
      %gather3A_1154 = tpu.memref_squeeze %gather3A_1153 : memref<1x128x16xi32, #tpu.memory_space<vmem>> -> memref<128x16xi32, #tpu.memory_space<vmem>>
      %gather3A_1155 = tpu.vector_load_idx %gather3A_1154[%add3A_17, %broadcast_in_dim3A_1102] : memref<128x16xi32, #tpu.memory_space<vmem>>[vector<16xi32>, vector<16xi32>], vector<16xi32>,
      %swap3A_1156 = arith.constant 2 : i32
      %swap3A_1157 = arith.constant 0 : i32
      %swap3A_1158 = arith.index_cast %select_n3A_316 : i32 to index
      %swap3A_1159 = arith.index_cast %swap3A_1156 : i32 to index
      %swap3A_1160 = arith.index_cast %swap3A_1157 : i32 to index
      %swap3A_1161 = arith.constant 64 : index
      %swap3A_1162 = tpu.vector_load %arg8[%swap3A_1158, %swap3A_1159, %swap3A_1160, %swap3A_1161] {strides = array<i32>} : memref<2x4x4x128xi32, #tpu.memory_space<vmem>>, vector<16xi32>,
      tpu.vector_store %arg8[%swap3A_1158, %swap3A_1159, %swap3A_1160, %swap3A_1161], %gather3A_1155 {strides = array<i32>} : memref<2x4x4x128xi32, #tpu.memory_space<vmem>>, vector<16xi32>,
      %gather3A_1163 = arith.constant 0 : i32
      %gather3A_1164 = arith.constant 0 : i32
      %gather3A_1165 = tpu.memref_slice %arg7[%select_n3A_316, %gather3A_1163, %gather3A_1164] : memref<2x128x16xi32, #tpu.memory_space<vmem>> -> memref<1x128x16xi32, #tpu.memory_space<vmem>>
      %gather3A_1166 = tpu.memref_squeeze %gather3A_1165 : memref<1x128x16xi32, #tpu.memory_space<vmem>> -> memref<128x16xi32, #tpu.memory_space<vmem>>
      %gather3A_1167 = tpu.vector_load_idx %gather3A_1166[%add3A_20, %broadcast_in_dim3A_1102] : memref<128x16xi32, #tpu.memory_space<vmem>>[vector<16xi32>, vector<16xi32>], vector<16xi32>,
      %swap3A_1168 = arith.constant 2 : i32
      %swap3A_1169 = arith.constant 0 : i32
      %swap3A_1170 = arith.index_cast %select_n3A_316 : i32 to index
      %swap3A_1171 = arith.index_cast %swap3A_1168 : i32 to index
      %swap3A_1172 = arith.index_cast %swap3A_1169 : i32 to index
      %swap3A_1173 = arith.constant 80 : index
      %swap3A_1174 = tpu.vector_load %arg8[%swap3A_1170, %swap3A_1171, %swap3A_1172, %swap3A_1173] {strides = array<i32>} : memref<2x4x4x128xi32, #tpu.memory_space<vmem>>, vector<16xi32>,
      tpu.vector_store %arg8[%swap3A_1170, %swap3A_1171, %swap3A_1172, %swap3A_1173], %gather3A_1167 {strides = array<i32>} : memref<2x4x4x128xi32, #tpu.memory_space<vmem>>, vector<16xi32>,
      %gather3A_1175 = arith.constant 0 : i32
      %gather3A_1176 = arith.constant 0 : i32
      %gather3A_1177 = tpu.memref_slice %arg7[%select_n3A_316, %gather3A_1175, %gather3A_1176] : memref<2x128x16xi32, #tpu.memory_space<vmem>> -> memref<1x128x16xi32, #tpu.memory_space<vmem>>
      %gather3A_1178 = tpu.memref_squeeze %gather3A_1177 : memref<1x128x16xi32, #tpu.memory_space<vmem>> -> memref<128x16xi32, #tpu.memory_space<vmem>>
      %gather3A_1179 = tpu.vector_load_idx %gather3A_1178[%add3A_23, %broadcast_in_dim3A_1102] : memref<128x16xi32, #tpu.memory_space<vmem>>[vector<16xi32>, vector<16xi32>], vector<16xi32>,
      %swap3A_1180 = arith.constant 2 : i32
      %swap3A_1181 = arith.constant 0 : i32
      %swap3A_1182 = arith.index_cast %select_n3A_316 : i32 to index
      %swap3A_1183 = arith.index_cast %swap3A_1180 : i32 to index
      %swap3A_1184 = arith.index_cast %swap3A_1181 : i32 to index
      %swap3A_1185 = arith.constant 96 : index
      %swap3A_1186 = tpu.vector_load %arg8[%swap3A_1182, %swap3A_1183, %swap3A_1184, %swap3A_1185] {strides = array<i32>} : memref<2x4x4x128xi32, #tpu.memory_space<vmem>>, vector<16xi32>,
      tpu.vector_store %arg8[%swap3A_1182, %swap3A_1183, %swap3A_1184, %swap3A_1185], %gather3A_1179 {strides = array<i32>} : memref<2x4x4x128xi32, #tpu.memory_space<vmem>>, vector<16xi32>,
      %gather3A_1187 = arith.constant 0 : i32
      %gather3A_1188 = arith.constant 0 : i32
      %gather3A_1189 = tpu.memref_slice %arg7[%select_n3A_316, %gather3A_1187, %gather3A_1188] : memref<2x128x16xi32, #tpu.memory_space<vmem>> -> memref<1x128x16xi32, #tpu.memory_space<vmem>>
      %gather3A_1190 = tpu.memref_squeeze %gather3A_1189 : memref<1x128x16xi32, #tpu.memory_space<vmem>> -> memref<128x16xi32, #tpu.memory_space<vmem>>
      %gather3A_1191 = tpu.vector_load_idx %gather3A_1190[%add3A_26, %broadcast_in_dim3A_1102] : memref<128x16xi32, #tpu.memory_space<vmem>>[vector<16xi32>, vector<16xi32>], vector<16xi32>,
      %swap3A_1192 = arith.constant 2 : i32
      %swap3A_1193 = arith.constant 0 : i32
      %swap3A_1194 = arith.index_cast %select_n3A_316 : i32 to index
      %swap3A_1195 = arith.index_cast %swap3A_1192 : i32 to index
      %swap3A_1196 = arith.index_cast %swap3A_1193 : i32 to index
      %swap3A_1197 = arith.constant 112 : index
      %swap3A_1198 = tpu.vector_load %arg8[%swap3A_1194, %swap3A_1195, %swap3A_1196, %swap3A_1197] {strides = array<i32>} : memref<2x4x4x128xi32, #tpu.memory_space<vmem>>, vector<16xi32>,
      tpu.vector_store %arg8[%swap3A_1194, %swap3A_1195, %swap3A_1196, %swap3A_1197], %gather3A_1191 {strides = array<i32>} : memref<2x4x4x128xi32, #tpu.memory_space<vmem>>, vector<16xi32>,
      %broadcast_in_dim3A_1199 = arith.constant 9 : i32
      %broadcast_in_dim3A_1200 = vector.broadcast %broadcast_in_dim3A_1199 : i32 to vector<16xi32>
      %gather3A_1201 = arith.constant 0 : i32
      %gather3A_1202 = arith.constant 0 : i32
      %gather3A_1203 = tpu.memref_slice %arg7[%select_n3A_316, %gather3A_1201, %gather3A_1202] : memref<2x128x16xi32, #tpu.memory_space<vmem>> -> memref<1x128x16xi32, #tpu.memory_space<vmem>>
      %gather3A_1204 = tpu.memref_squeeze %gather3A_1203 : memref<1x128x16xi32, #tpu.memory_space<vmem>> -> memref<128x16xi32, #tpu.memory_space<vmem>>
      %gather3A_1205 = tpu.vector_load_idx %gather3A_1204[%add3A_5, %broadcast_in_dim3A_1200] : memref<128x16xi32, #tpu.memory_space<vmem>>[vector<16xi32>, vector<16xi32>], vector<16xi32>,
      %swap3A_1206 = arith.constant 2 : i32
      %swap3A_1207 = arith.constant 1 : i32
      %swap3A_1208 = arith.index_cast %select_n3A_316 : i32 to index
      %swap3A_1209 = arith.index_cast %swap3A_1206 : i32 to index
      %swap3A_1210 = arith.index_cast %swap3A_1207 : i32 to index
      %swap3A_1211 = arith.constant 0 : index
      %swap3A_1212 = tpu.vector_load %arg8[%swap3A_1208, %swap3A_1209, %swap3A_1210, %swap3A_1211] {strides = array<i32>} : memref<2x4x4x128xi32, #tpu.memory_space<vmem>>, vector<16xi32>,
      tpu.vector_store %arg8[%swap3A_1208, %swap3A_1209, %swap3A_1210, %swap3A_1211], %gather3A_1205 {strides = array<i32>} : memref<2x4x4x128xi32, #tpu.memory_space<vmem>>, vector<16xi32>,
      %gather3A_1213 = arith.constant 0 : i32
      %gather3A_1214 = arith.constant 0 : i32
      %gather3A_1215 = tpu.memref_slice %arg7[%select_n3A_316, %gather3A_1213, %gather3A_1214] : memref<2x128x16xi32, #tpu.memory_space<vmem>> -> memref<1x128x16xi32, #tpu.memory_space<vmem>>
      %gather3A_1216 = tpu.memref_squeeze %gather3A_1215 : memref<1x128x16xi32, #tpu.memory_space<vmem>> -> memref<128x16xi32, #tpu.memory_space<vmem>>
      %gather3A_1217 = tpu.vector_load_idx %gather3A_1216[%add3A_8, %broadcast_in_dim3A_1200] : memref<128x16xi32, #tpu.memory_space<vmem>>[vector<16xi32>, vector<16xi32>], vector<16xi32>,
      %swap3A_1218 = arith.constant 2 : i32
      %swap3A_1219 = arith.constant 1 : i32
      %swap3A_1220 = arith.index_cast %select_n3A_316 : i32 to index
      %swap3A_1221 = arith.index_cast %swap3A_1218 : i32 to index
      %swap3A_1222 = arith.index_cast %swap3A_1219 : i32 to index
      %swap3A_1223 = arith.constant 16 : index
      %swap3A_1224 = tpu.vector_load %arg8[%swap3A_1220, %swap3A_1221, %swap3A_1222, %swap3A_1223] {strides = array<i32>} : memref<2x4x4x128xi32, #tpu.memory_space<vmem>>, vector<16xi32>,
      tpu.vector_store %arg8[%swap3A_1220, %swap3A_1221, %swap3A_1222, %swap3A_1223], %gather3A_1217 {strides = array<i32>} : memref<2x4x4x128xi32, #tpu.memory_space<vmem>>, vector<16xi32>,
      %gather3A_1225 = arith.constant 0 : i32
      %gather3A_1226 = arith.constant 0 : i32
      %gather3A_1227 = tpu.memref_slice %arg7[%select_n3A_316, %gather3A_1225, %gather3A_1226] : memref<2x128x16xi32, #tpu.memory_space<vmem>> -> memref<1x128x16xi32, #tpu.memory_space<vmem>>
      %gather3A_1228 = tpu.memref_squeeze %gather3A_1227 : memref<1x128x16xi32, #tpu.memory_space<vmem>> -> memref<128x16xi32, #tpu.memory_space<vmem>>
      %gather3A_1229 = tpu.vector_load_idx %gather3A_1228[%add3A_11, %broadcast_in_dim3A_1200] : memref<128x16xi32, #tpu.memory_space<vmem>>[vector<16xi32>, vector<16xi32>], vector<16xi32>,
      %swap3A_1230 = arith.constant 2 : i32
      %swap3A_1231 = arith.constant 1 : i32
      %swap3A_1232 = arith.index_cast %select_n3A_316 : i32 to index
      %swap3A_1233 = arith.index_cast %swap3A_1230 : i32 to index
      %swap3A_1234 = arith.index_cast %swap3A_1231 : i32 to index
      %swap3A_1235 = arith.constant 32 : index
      %swap3A_1236 = tpu.vector_load %arg8[%swap3A_1232, %swap3A_1233, %swap3A_1234, %swap3A_1235] {strides = array<i32>} : memref<2x4x4x128xi32, #tpu.memory_space<vmem>>, vector<16xi32>,
      tpu.vector_store %arg8[%swap3A_1232, %swap3A_1233, %swap3A_1234, %swap3A_1235], %gather3A_1229 {strides = array<i32>} : memref<2x4x4x128xi32, #tpu.memory_space<vmem>>, vector<16xi32>,
      %gather3A_1237 = arith.constant 0 : i32
      %gather3A_1238 = arith.constant 0 : i32
      %gather3A_1239 = tpu.memref_slice %arg7[%select_n3A_316, %gather3A_1237, %gather3A_1238] : memref<2x128x16xi32, #tpu.memory_space<vmem>> -> memref<1x128x16xi32, #tpu.memory_space<vmem>>
      %gather3A_1240 = tpu.memref_squeeze %gather3A_1239 : memref<1x128x16xi32, #tpu.memory_space<vmem>> -> memref<128x16xi32, #tpu.memory_space<vmem>>
      %gather3A_1241 = tpu.vector_load_idx %gather3A_1240[%add3A_14, %broadcast_in_dim3A_1200] : memref<128x16xi32, #tpu.memory_space<vmem>>[vector<16xi32>, vector<16xi32>], vector<16xi32>,
      %swap3A_1242 = arith.constant 2 : i32
      %swap3A_1243 = arith.constant 1 : i32
      %swap3A_1244 = arith.index_cast %select_n3A_316 : i32 to index
      %swap3A_1245 = arith.index_cast %swap3A_1242 : i32 to index
      %swap3A_1246 = arith.index_cast %swap3A_1243 : i32 to index
      %swap3A_1247 = arith.constant 48 : index
      %swap3A_1248 = tpu.vector_load %arg8[%swap3A_1244, %swap3A_1245, %swap3A_1246, %swap3A_1247] {strides = array<i32>} : memref<2x4x4x128xi32, #tpu.memory_space<vmem>>, vector<16xi32>,
      tpu.vector_store %arg8[%swap3A_1244, %swap3A_1245, %swap3A_1246, %swap3A_1247], %gather3A_1241 {strides = array<i32>} : memref<2x4x4x128xi32, #tpu.memory_space<vmem>>, vector<16xi32>,
      %gather3A_1249 = arith.constant 0 : i32
      %gather3A_1250 = arith.constant 0 : i32
      %gather3A_1251 = tpu.memref_slice %arg7[%select_n3A_316, %gather3A_1249, %gather3A_1250] : memref<2x128x16xi32, #tpu.memory_space<vmem>> -> memref<1x128x16xi32, #tpu.memory_space<vmem>>
      %gather3A_1252 = tpu.memref_squeeze %gather3A_1251 : memref<1x128x16xi32, #tpu.memory_space<vmem>> -> memref<128x16xi32, #tpu.memory_space<vmem>>
      %gather3A_1253 = tpu.vector_load_idx %gather3A_1252[%add3A_17, %broadcast_in_dim3A_1200] : memref<128x16xi32, #tpu.memory_space<vmem>>[vector<16xi32>, vector<16xi32>], vector<16xi32>,
      %swap3A_1254 = arith.constant 2 : i32
      %swap3A_1255 = arith.constant 1 : i32
      %swap3A_1256 = arith.index_cast %select_n3A_316 : i32 to index
      %swap3A_1257 = arith.index_cast %swap3A_1254 : i32 to index
      %swap3A_1258 = arith.index_cast %swap3A_1255 : i32 to index
      %swap3A_1259 = arith.constant 64 : index
      %swap3A_1260 = tpu.vector_load %arg8[%swap3A_1256, %swap3A_1257, %swap3A_1258, %swap3A_1259] {strides = array<i32>} : memref<2x4x4x128xi32, #tpu.memory_space<vmem>>, vector<16xi32>,
      tpu.vector_store %arg8[%swap3A_1256, %swap3A_1257, %swap3A_1258, %swap3A_1259], %gather3A_1253 {strides = array<i32>} : memref<2x4x4x128xi32, #tpu.memory_space<vmem>>, vector<16xi32>,
      %gather3A_1261 = arith.constant 0 : i32
      %gather3A_1262 = arith.constant 0 : i32
      %gather3A_1263 = tpu.memref_slice %arg7[%select_n3A_316, %gather3A_1261, %gather3A_1262] : memref<2x128x16xi32, #tpu.memory_space<vmem>> -> memref<1x128x16xi32, #tpu.memory_space<vmem>>
      %gather3A_1264 = tpu.memref_squeeze %gather3A_1263 : memref<1x128x16xi32, #tpu.memory_space<vmem>> -> memref<128x16xi32, #tpu.memory_space<vmem>>
      %gather3A_1265 = tpu.vector_load_idx %gather3A_1264[%add3A_20, %broadcast_in_dim3A_1200] : memref<128x16xi32, #tpu.memory_space<vmem>>[vector<16xi32>, vector<16xi32>], vector<16xi32>,
      %swap3A_1266 = arith.constant 2 : i32
      %swap3A_1267 = arith.constant 1 : i32
      %swap3A_1268 = arith.index_cast %select_n3A_316 : i32 to index
      %swap3A_1269 = arith.index_cast %swap3A_1266 : i32 to index
      %swap3A_1270 = arith.index_cast %swap3A_1267 : i32 to index
      %swap3A_1271 = arith.constant 80 : index
      %swap3A_1272 = tpu.vector_load %arg8[%swap3A_1268, %swap3A_1269, %swap3A_1270, %swap3A_1271] {strides = array<i32>} : memref<2x4x4x128xi32, #tpu.memory_space<vmem>>, vector<16xi32>,
      tpu.vector_store %arg8[%swap3A_1268, %swap3A_1269, %swap3A_1270, %swap3A_1271], %gather3A_1265 {strides = array<i32>} : memref<2x4x4x128xi32, #tpu.memory_space<vmem>>, vector<16xi32>,
      %gather3A_1273 = arith.constant 0 : i32
      %gather3A_1274 = arith.constant 0 : i32
      %gather3A_1275 = tpu.memref_slice %arg7[%select_n3A_316, %gather3A_1273, %gather3A_1274] : memref<2x128x16xi32, #tpu.memory_space<vmem>> -> memref<1x128x16xi32, #tpu.memory_space<vmem>>
      %gather3A_1276 = tpu.memref_squeeze %gather3A_1275 : memref<1x128x16xi32, #tpu.memory_space<vmem>> -> memref<128x16xi32, #tpu.memory_space<vmem>>
      %gather3A_1277 = tpu.vector_load_idx %gather3A_1276[%add3A_23, %broadcast_in_dim3A_1200] : memref<128x16xi32, #tpu.memory_space<vmem>>[vector<16xi32>, vector<16xi32>], vector<16xi32>,
      %swap3A_1278 = arith.constant 2 : i32
      %swap3A_1279 = arith.constant 1 : i32
      %swap3A_1280 = arith.index_cast %select_n3A_316 : i32 to index
      %swap3A_1281 = arith.index_cast %swap3A_1278 : i32 to index
      %swap3A_1282 = arith.index_cast %swap3A_1279 : i32 to index
      %swap3A_1283 = arith.constant 96 : index
      %swap3A_1284 = tpu.vector_load %arg8[%swap3A_1280, %swap3A_1281, %swap3A_1282, %swap3A_1283] {strides = array<i32>} : memref<2x4x4x128xi32, #tpu.memory_space<vmem>>, vector<16xi32>,
      tpu.vector_store %arg8[%swap3A_1280, %swap3A_1281, %swap3A_1282, %swap3A_1283], %gather3A_1277 {strides = array<i32>} : memref<2x4x4x128xi32, #tpu.memory_space<vmem>>, vector<16xi32>,
      %gather3A_1285 = arith.constant 0 : i32
      %gather3A_1286 = arith.constant 0 : i32
      %gather3A_1287 = tpu.memref_slice %arg7[%select_n3A_316, %gather3A_1285, %gather3A_1286] : memref<2x128x16xi32, #tpu.memory_space<vmem>> -> memref<1x128x16xi32, #tpu.memory_space<vmem>>
      %gather3A_1288 = tpu.memref_squeeze %gather3A_1287 : memref<1x128x16xi32, #tpu.memory_space<vmem>> -> memref<128x16xi32, #tpu.memory_space<vmem>>
      %gather3A_1289 = tpu.vector_load_idx %gather3A_1288[%add3A_26, %broadcast_in_dim3A_1200] : memref<128x16xi32, #tpu.memory_space<vmem>>[vector<16xi32>, vector<16xi32>], vector<16xi32>,
      %swap3A_1290 = arith.constant 2 : i32
      %swap3A_1291 = arith.constant 1 : i32
      %swap3A_1292 = arith.index_cast %select_n3A_316 : i32 to index
      %swap3A_1293 = arith.index_cast %swap3A_1290 : i32 to index
      %swap3A_1294 = arith.index_cast %swap3A_1291 : i32 to index
      %swap3A_1295 = arith.constant 112 : index
      %swap3A_1296 = tpu.vector_load %arg8[%swap3A_1292, %swap3A_1293, %swap3A_1294, %swap3A_1295] {strides = array<i32>} : memref<2x4x4x128xi32, #tpu.memory_space<vmem>>, vector<16xi32>,
      tpu.vector_store %arg8[%swap3A_1292, %swap3A_1293, %swap3A_1294, %swap3A_1295], %gather3A_1289 {strides = array<i32>} : memref<2x4x4x128xi32, #tpu.memory_space<vmem>>, vector<16xi32>,
      %broadcast_in_dim3A_1297 = arith.constant 10 : i32
      %broadcast_in_dim3A_1298 = vector.broadcast %broadcast_in_dim3A_1297 : i32 to vector<16xi32>
      %gather3A_1299 = arith.constant 0 : i32
      %gather3A_1300 = arith.constant 0 : i32
      %gather3A_1301 = tpu.memref_slice %arg7[%select_n3A_316, %gather3A_1299, %gather3A_1300] : memref<2x128x16xi32, #tpu.memory_space<vmem>> -> memref<1x128x16xi32, #tpu.memory_space<vmem>>
      %gather3A_1302 = tpu.memref_squeeze %gather3A_1301 : memref<1x128x16xi32, #tpu.memory_space<vmem>> -> memref<128x16xi32, #tpu.memory_space<vmem>>
      %gather3A_1303 = tpu.vector_load_idx %gather3A_1302[%add3A_5, %broadcast_in_dim3A_1298] : memref<128x16xi32, #tpu.memory_space<vmem>>[vector<16xi32>, vector<16xi32>], vector<16xi32>,
      %swap3A_1304 = arith.constant 2 : i32
      %swap3A_1305 = arith.constant 2 : i32
      %swap3A_1306 = arith.index_cast %select_n3A_316 : i32 to index
      %swap3A_1307 = arith.index_cast %swap3A_1304 : i32 to index
      %swap3A_1308 = arith.index_cast %swap3A_1305 : i32 to index
      %swap3A_1309 = arith.constant 0 : index
      %swap3A_1310 = tpu.vector_load %arg8[%swap3A_1306, %swap3A_1307, %swap3A_1308, %swap3A_1309] {strides = array<i32>} : memref<2x4x4x128xi32, #tpu.memory_space<vmem>>, vector<16xi32>,
      tpu.vector_store %arg8[%swap3A_1306, %swap3A_1307, %swap3A_1308, %swap3A_1309], %gather3A_1303 {strides = array<i32>} : memref<2x4x4x128xi32, #tpu.memory_space<vmem>>, vector<16xi32>,
      %gather3A_1311 = arith.constant 0 : i32
      %gather3A_1312 = arith.constant 0 : i32
      %gather3A_1313 = tpu.memref_slice %arg7[%select_n3A_316, %gather3A_1311, %gather3A_1312] : memref<2x128x16xi32, #tpu.memory_space<vmem>> -> memref<1x128x16xi32, #tpu.memory_space<vmem>>
      %gather3A_1314 = tpu.memref_squeeze %gather3A_1313 : memref<1x128x16xi32, #tpu.memory_space<vmem>> -> memref<128x16xi32, #tpu.memory_space<vmem>>
      %gather3A_1315 = tpu.vector_load_idx %gather3A_1314[%add3A_8, %broadcast_in_dim3A_1298] : memref<128x16xi32, #tpu.memory_space<vmem>>[vector<16xi32>, vector<16xi32>], vector<16xi32>,
      %swap3A_1316 = arith.constant 2 : i32
      %swap3A_1317 = arith.constant 2 : i32
      %swap3A_1318 = arith.index_cast %select_n3A_316 : i32 to index
      %swap3A_1319 = arith.index_cast %swap3A_1316 : i32 to index
      %swap3A_1320 = arith.index_cast %swap3A_1317 : i32 to index
      %swap3A_1321 = arith.constant 16 : index
      %swap3A_1322 = tpu.vector_load %arg8[%swap3A_1318, %swap3A_1319, %swap3A_1320, %swap3A_1321] {strides = array<i32>} : memref<2x4x4x128xi32, #tpu.memory_space<vmem>>, vector<16xi32>,
      tpu.vector_store %arg8[%swap3A_1318, %swap3A_1319, %swap3A_1320, %swap3A_1321], %gather3A_1315 {strides = array<i32>} : memref<2x4x4x128xi32, #tpu.memory_space<vmem>>, vector<16xi32>,
      %gather3A_1323 = arith.constant 0 : i32
      %gather3A_1324 = arith.constant 0 : i32
      %gather3A_1325 = tpu.memref_slice %arg7[%select_n3A_316, %gather3A_1323, %gather3A_1324] : memref<2x128x16xi32, #tpu.memory_space<vmem>> -> memref<1x128x16xi32, #tpu.memory_space<vmem>>
      %gather3A_1326 = tpu.memref_squeeze %gather3A_1325 : memref<1x128x16xi32, #tpu.memory_space<vmem>> -> memref<128x16xi32, #tpu.memory_space<vmem>>
      %gather3A_1327 = tpu.vector_load_idx %gather3A_1326[%add3A_11, %broadcast_in_dim3A_1298] : memref<128x16xi32, #tpu.memory_space<vmem>>[vector<16xi32>, vector<16xi32>], vector<16xi32>,
      %swap3A_1328 = arith.constant 2 : i32
      %swap3A_1329 = arith.constant 2 : i32
      %swap3A_1330 = arith.index_cast %select_n3A_316 : i32 to index
      %swap3A_1331 = arith.index_cast %swap3A_1328 : i32 to index
      %swap3A_1332 = arith.index_cast %swap3A_1329 : i32 to index
      %swap3A_1333 = arith.constant 32 : index
      %swap3A_1334 = tpu.vector_load %arg8[%swap3A_1330, %swap3A_1331, %swap3A_1332, %swap3A_1333] {strides = array<i32>} : memref<2x4x4x128xi32, #tpu.memory_space<vmem>>, vector<16xi32>,
      tpu.vector_store %arg8[%swap3A_1330, %swap3A_1331, %swap3A_1332, %swap3A_1333], %gather3A_1327 {strides = array<i32>} : memref<2x4x4x128xi32, #tpu.memory_space<vmem>>, vector<16xi32>,
      %gather3A_1335 = arith.constant 0 : i32
      %gather3A_1336 = arith.constant 0 : i32
      %gather3A_1337 = tpu.memref_slice %arg7[%select_n3A_316, %gather3A_1335, %gather3A_1336] : memref<2x128x16xi32, #tpu.memory_space<vmem>> -> memref<1x128x16xi32, #tpu.memory_space<vmem>>
      %gather3A_1338 = tpu.memref_squeeze %gather3A_1337 : memref<1x128x16xi32, #tpu.memory_space<vmem>> -> memref<128x16xi32, #tpu.memory_space<vmem>>
      %gather3A_1339 = tpu.vector_load_idx %gather3A_1338[%add3A_14, %broadcast_in_dim3A_1298] : memref<128x16xi32, #tpu.memory_space<vmem>>[vector<16xi32>, vector<16xi32>], vector<16xi32>,
      %swap3A_1340 = arith.constant 2 : i32
      %swap3A_1341 = arith.constant 2 : i32
      %swap3A_1342 = arith.index_cast %select_n3A_316 : i32 to index
      %swap3A_1343 = arith.index_cast %swap3A_1340 : i32 to index
      %swap3A_1344 = arith.index_cast %swap3A_1341 : i32 to index
      %swap3A_1345 = arith.constant 48 : index
      %swap3A_1346 = tpu.vector_load %arg8[%swap3A_1342, %swap3A_1343, %swap3A_1344, %swap3A_1345] {strides = array<i32>} : memref<2x4x4x128xi32, #tpu.memory_space<vmem>>, vector<16xi32>,
      tpu.vector_store %arg8[%swap3A_1342, %swap3A_1343, %swap3A_1344, %swap3A_1345], %gather3A_1339 {strides = array<i32>} : memref<2x4x4x128xi32, #tpu.memory_space<vmem>>, vector<16xi32>,
      %gather3A_1347 = arith.constant 0 : i32
      %gather3A_1348 = arith.constant 0 : i32
      %gather3A_1349 = tpu.memref_slice %arg7[%select_n3A_316, %gather3A_1347, %gather3A_1348] : memref<2x128x16xi32, #tpu.memory_space<vmem>> -> memref<1x128x16xi32, #tpu.memory_space<vmem>>
      %gather3A_1350 = tpu.memref_squeeze %gather3A_1349 : memref<1x128x16xi32, #tpu.memory_space<vmem>> -> memref<128x16xi32, #tpu.memory_space<vmem>>
      %gather3A_1351 = tpu.vector_load_idx %gather3A_1350[%add3A_17, %broadcast_in_dim3A_1298] : memref<128x16xi32, #tpu.memory_space<vmem>>[vector<16xi32>, vector<16xi32>], vector<16xi32>,
      %swap3A_1352 = arith.constant 2 : i32
      %swap3A_1353 = arith.constant 2 : i32
      %swap3A_1354 = arith.index_cast %select_n3A_316 : i32 to index
      %swap3A_1355 = arith.index_cast %swap3A_1352 : i32 to index
      %swap3A_1356 = arith.index_cast %swap3A_1353 : i32 to index
      %swap3A_1357 = arith.constant 64 : index
      %swap3A_1358 = tpu.vector_load %arg8[%swap3A_1354, %swap3A_1355, %swap3A_1356, %swap3A_1357] {strides = array<i32>} : memref<2x4x4x128xi32, #tpu.memory_space<vmem>>, vector<16xi32>,
      tpu.vector_store %arg8[%swap3A_1354, %swap3A_1355, %swap3A_1356, %swap3A_1357], %gather3A_1351 {strides = array<i32>} : memref<2x4x4x128xi32, #tpu.memory_space<vmem>>, vector<16xi32>,
      %gather3A_1359 = arith.constant 0 : i32
      %gather3A_1360 = arith.constant 0 : i32
      %gather3A_1361 = tpu.memref_slice %arg7[%select_n3A_316, %gather3A_1359, %gather3A_1360] : memref<2x128x16xi32, #tpu.memory_space<vmem>> -> memref<1x128x16xi32, #tpu.memory_space<vmem>>
      %gather3A_1362 = tpu.memref_squeeze %gather3A_1361 : memref<1x128x16xi32, #tpu.memory_space<vmem>> -> memref<128x16xi32, #tpu.memory_space<vmem>>
      %gather3A_1363 = tpu.vector_load_idx %gather3A_1362[%add3A_20, %broadcast_in_dim3A_1298] : memref<128x16xi32, #tpu.memory_space<vmem>>[vector<16xi32>, vector<16xi32>], vector<16xi32>,
      %swap3A_1364 = arith.constant 2 : i32
      %swap3A_1365 = arith.constant 2 : i32
      %swap3A_1366 = arith.index_cast %select_n3A_316 : i32 to index
      %swap3A_1367 = arith.index_cast %swap3A_1364 : i32 to index
      %swap3A_1368 = arith.index_cast %swap3A_1365 : i32 to index
      %swap3A_1369 = arith.constant 80 : index
      %swap3A_1370 = tpu.vector_load %arg8[%swap3A_1366, %swap3A_1367, %swap3A_1368, %swap3A_1369] {strides = array<i32>} : memref<2x4x4x128xi32, #tpu.memory_space<vmem>>, vector<16xi32>,
      tpu.vector_store %arg8[%swap3A_1366, %swap3A_1367, %swap3A_1368, %swap3A_1369], %gather3A_1363 {strides = array<i32>} : memref<2x4x4x128xi32, #tpu.memory_space<vmem>>, vector<16xi32>,
      %gather3A_1371 = arith.constant 0 : i32
      %gather3A_1372 = arith.constant 0 : i32
      %gather3A_1373 = tpu.memref_slice %arg7[%select_n3A_316, %gather3A_1371, %gather3A_1372] : memref<2x128x16xi32, #tpu.memory_space<vmem>> -> memref<1x128x16xi32, #tpu.memory_space<vmem>>
      %gather3A_1374 = tpu.memref_squeeze %gather3A_1373 : memref<1x128x16xi32, #tpu.memory_space<vmem>> -> memref<128x16xi32, #tpu.memory_space<vmem>>
      %gather3A_1375 = tpu.vector_load_idx %gather3A_1374[%add3A_23, %broadcast_in_dim3A_1298] : memref<128x16xi32, #tpu.memory_space<vmem>>[vector<16xi32>, vector<16xi32>], vector<16xi32>,
      %swap3A_1376 = arith.constant 2 : i32
      %swap3A_1377 = arith.constant 2 : i32
      %swap3A_1378 = arith.index_cast %select_n3A_316 : i32 to index
      %swap3A_1379 = arith.index_cast %swap3A_1376 : i32 to index
      %swap3A_1380 = arith.index_cast %swap3A_1377 : i32 to index
      %swap3A_1381 = arith.constant 96 : index
      %swap3A_1382 = tpu.vector_load %arg8[%swap3A_1378, %swap3A_1379, %swap3A_1380, %swap3A_1381] {strides = array<i32>} : memref<2x4x4x128xi32, #tpu.memory_space<vmem>>, vector<16xi32>,
      tpu.vector_store %arg8[%swap3A_1378, %swap3A_1379, %swap3A_1380, %swap3A_1381], %gather3A_1375 {strides = array<i32>} : memref<2x4x4x128xi32, #tpu.memory_space<vmem>>, vector<16xi32>,
      %gather3A_1383 = arith.constant 0 : i32
      %gather3A_1384 = arith.constant 0 : i32
      %gather3A_1385 = tpu.memref_slice %arg7[%select_n3A_316, %gather3A_1383, %gather3A_1384] : memref<2x128x16xi32, #tpu.memory_space<vmem>> -> memref<1x128x16xi32, #tpu.memory_space<vmem>>
      %gather3A_1386 = tpu.memref_squeeze %gather3A_1385 : memref<1x128x16xi32, #tpu.memory_space<vmem>> -> memref<128x16xi32, #tpu.memory_space<vmem>>
      %gather3A_1387 = tpu.vector_load_idx %gather3A_1386[%add3A_26, %broadcast_in_dim3A_1298] : memref<128x16xi32, #tpu.memory_space<vmem>>[vector<16xi32>, vector<16xi32>], vector<16xi32>,
      %swap3A_1388 = arith.constant 2 : i32
      %swap3A_1389 = arith.constant 2 : i32
      %swap3A_1390 = arith.index_cast %select_n3A_316 : i32 to index
      %swap3A_1391 = arith.index_cast %swap3A_1388 : i32 to index
      %swap3A_1392 = arith.index_cast %swap3A_1389 : i32 to index
      %swap3A_1393 = arith.constant 112 : index
      %swap3A_1394 = tpu.vector_load %arg8[%swap3A_1390, %swap3A_1391, %swap3A_1392, %swap3A_1393] {strides = array<i32>} : memref<2x4x4x128xi32, #tpu.memory_space<vmem>>, vector<16xi32>,
      tpu.vector_store %arg8[%swap3A_1390, %swap3A_1391, %swap3A_1392, %swap3A_1393], %gather3A_1387 {strides = array<i32>} : memref<2x4x4x128xi32, #tpu.memory_space<vmem>>, vector<16xi32>,
      %broadcast_in_dim3A_1395 = arith.constant 11 : i32
      %broadcast_in_dim3A_1396 = vector.broadcast %broadcast_in_dim3A_1395 : i32 to vector<16xi32>
      %gather3A_1397 = arith.constant 0 : i32
      %gather3A_1398 = arith.constant 0 : i32
      %gather3A_1399 = tpu.memref_slice %arg7[%select_n3A_316, %gather3A_1397, %gather3A_1398] : memref<2x128x16xi32, #tpu.memory_space<vmem>> -> memref<1x128x16xi32, #tpu.memory_space<vmem>>
      %gather3A_1400 = tpu.memref_squeeze %gather3A_1399 : memref<1x128x16xi32, #tpu.memory_space<vmem>> -> memref<128x16xi32, #tpu.memory_space<vmem>>
      %gather3A_1401 = tpu.vector_load_idx %gather3A_1400[%add3A_5, %broadcast_in_dim3A_1396] : memref<128x16xi32, #tpu.memory_space<vmem>>[vector<16xi32>, vector<16xi32>], vector<16xi32>,
      %swap3A_1402 = arith.constant 2 : i32
      %swap3A_1403 = arith.constant 3 : i32
      %swap3A_1404 = arith.index_cast %select_n3A_316 : i32 to index
      %swap3A_1405 = arith.index_cast %swap3A_1402 : i32 to index
      %swap3A_1406 = arith.index_cast %swap3A_1403 : i32 to index
      %swap3A_1407 = arith.constant 0 : index
      %swap3A_1408 = tpu.vector_load %arg8[%swap3A_1404, %swap3A_1405, %swap3A_1406, %swap3A_1407] {strides = array<i32>} : memref<2x4x4x128xi32, #tpu.memory_space<vmem>>, vector<16xi32>,
      tpu.vector_store %arg8[%swap3A_1404, %swap3A_1405, %swap3A_1406, %swap3A_1407], %gather3A_1401 {strides = array<i32>} : memref<2x4x4x128xi32, #tpu.memory_space<vmem>>, vector<16xi32>,
      %gather3A_1409 = arith.constant 0 : i32
      %gather3A_1410 = arith.constant 0 : i32
      %gather3A_1411 = tpu.memref_slice %arg7[%select_n3A_316, %gather3A_1409, %gather3A_1410] : memref<2x128x16xi32, #tpu.memory_space<vmem>> -> memref<1x128x16xi32, #tpu.memory_space<vmem>>
      %gather3A_1412 = tpu.memref_squeeze %gather3A_1411 : memref<1x128x16xi32, #tpu.memory_space<vmem>> -> memref<128x16xi32, #tpu.memory_space<vmem>>
      %gather3A_1413 = tpu.vector_load_idx %gather3A_1412[%add3A_8, %broadcast_in_dim3A_1396] : memref<128x16xi32, #tpu.memory_space<vmem>>[vector<16xi32>, vector<16xi32>], vector<16xi32>,
      %swap3A_1414 = arith.constant 2 : i32
      %swap3A_1415 = arith.constant 3 : i32
      %swap3A_1416 = arith.index_cast %select_n3A_316 : i32 to index
      %swap3A_1417 = arith.index_cast %swap3A_1414 : i32 to index
      %swap3A_1418 = arith.index_cast %swap3A_1415 : i32 to index
      %swap3A_1419 = arith.constant 16 : index
      %swap3A_1420 = tpu.vector_load %arg8[%swap3A_1416, %swap3A_1417, %swap3A_1418, %swap3A_1419] {strides = array<i32>} : memref<2x4x4x128xi32, #tpu.memory_space<vmem>>, vector<16xi32>,
      tpu.vector_store %arg8[%swap3A_1416, %swap3A_1417, %swap3A_1418, %swap3A_1419], %gather3A_1413 {strides = array<i32>} : memref<2x4x4x128xi32, #tpu.memory_space<vmem>>, vector<16xi32>,
      %gather3A_1421 = arith.constant 0 : i32
      %gather3A_1422 = arith.constant 0 : i32
      %gather3A_1423 = tpu.memref_slice %arg7[%select_n3A_316, %gather3A_1421, %gather3A_1422] : memref<2x128x16xi32, #tpu.memory_space<vmem>> -> memref<1x128x16xi32, #tpu.memory_space<vmem>>
      %gather3A_1424 = tpu.memref_squeeze %gather3A_1423 : memref<1x128x16xi32, #tpu.memory_space<vmem>> -> memref<128x16xi32, #tpu.memory_space<vmem>>
      %gather3A_1425 = tpu.vector_load_idx %gather3A_1424[%add3A_11, %broadcast_in_dim3A_1396] : memref<128x16xi32, #tpu.memory_space<vmem>>[vector<16xi32>, vector<16xi32>], vector<16xi32>,
      %swap3A_1426 = arith.constant 2 : i32
      %swap3A_1427 = arith.constant 3 : i32
      %swap3A_1428 = arith.index_cast %select_n3A_316 : i32 to index
      %swap3A_1429 = arith.index_cast %swap3A_1426 : i32 to index
      %swap3A_1430 = arith.index_cast %swap3A_1427 : i32 to index
      %swap3A_1431 = arith.constant 32 : index
      %swap3A_1432 = tpu.vector_load %arg8[%swap3A_1428, %swap3A_1429, %swap3A_1430, %swap3A_1431] {strides = array<i32>} : memref<2x4x4x128xi32, #tpu.memory_space<vmem>>, vector<16xi32>,
      tpu.vector_store %arg8[%swap3A_1428, %swap3A_1429, %swap3A_1430, %swap3A_1431], %gather3A_1425 {strides = array<i32>} : memref<2x4x4x128xi32, #tpu.memory_space<vmem>>, vector<16xi32>,
      %gather3A_1433 = arith.constant 0 : i32
      %gather3A_1434 = arith.constant 0 : i32
      %gather3A_1435 = tpu.memref_slice %arg7[%select_n3A_316, %gather3A_1433, %gather3A_1434] : memref<2x128x16xi32, #tpu.memory_space<vmem>> -> memref<1x128x16xi32, #tpu.memory_space<vmem>>
      %gather3A_1436 = tpu.memref_squeeze %gather3A_1435 : memref<1x128x16xi32, #tpu.memory_space<vmem>> -> memref<128x16xi32, #tpu.memory_space<vmem>>
      %gather3A_1437 = tpu.vector_load_idx %gather3A_1436[%add3A_14, %broadcast_in_dim3A_1396] : memref<128x16xi32, #tpu.memory_space<vmem>>[vector<16xi32>, vector<16xi32>], vector<16xi32>,
      %swap3A_1438 = arith.constant 2 : i32
      %swap3A_1439 = arith.constant 3 : i32
      %swap3A_1440 = arith.index_cast %select_n3A_316 : i32 to index
      %swap3A_1441 = arith.index_cast %swap3A_1438 : i32 to index
      %swap3A_1442 = arith.index_cast %swap3A_1439 : i32 to index
      %swap3A_1443 = arith.constant 48 : index
      %swap3A_1444 = tpu.vector_load %arg8[%swap3A_1440, %swap3A_1441, %swap3A_1442, %swap3A_1443] {strides = array<i32>} : memref<2x4x4x128xi32, #tpu.memory_space<vmem>>, vector<16xi32>,
      tpu.vector_store %arg8[%swap3A_1440, %swap3A_1441, %swap3A_1442, %swap3A_1443], %gather3A_1437 {strides = array<i32>} : memref<2x4x4x128xi32, #tpu.memory_space<vmem>>, vector<16xi32>,
      %gather3A_1445 = arith.constant 0 : i32
      %gather3A_1446 = arith.constant 0 : i32
      %gather3A_1447 = tpu.memref_slice %arg7[%select_n3A_316, %gather3A_1445, %gather3A_1446] : memref<2x128x16xi32, #tpu.memory_space<vmem>> -> memref<1x128x16xi32, #tpu.memory_space<vmem>>
      %gather3A_1448 = tpu.memref_squeeze %gather3A_1447 : memref<1x128x16xi32, #tpu.memory_space<vmem>> -> memref<128x16xi32, #tpu.memory_space<vmem>>
      %gather3A_1449 = tpu.vector_load_idx %gather3A_1448[%add3A_17, %broadcast_in_dim3A_1396] : memref<128x16xi32, #tpu.memory_space<vmem>>[vector<16xi32>, vector<16xi32>], vector<16xi32>,
      %swap3A_1450 = arith.constant 2 : i32
      %swap3A_1451 = arith.constant 3 : i32
      %swap3A_1452 = arith.index_cast %select_n3A_316 : i32 to index
      %swap3A_1453 = arith.index_cast %swap3A_1450 : i32 to index
      %swap3A_1454 = arith.index_cast %swap3A_1451 : i32 to index
      %swap3A_1455 = arith.constant 64 : index
      %swap3A_1456 = tpu.vector_load %arg8[%swap3A_1452, %swap3A_1453, %swap3A_1454, %swap3A_1455] {strides = array<i32>} : memref<2x4x4x128xi32, #tpu.memory_space<vmem>>, vector<16xi32>,
      tpu.vector_store %arg8[%swap3A_1452, %swap3A_1453, %swap3A_1454, %swap3A_1455], %gather3A_1449 {strides = array<i32>} : memref<2x4x4x128xi32, #tpu.memory_space<vmem>>, vector<16xi32>,
      %gather3A_1457 = arith.constant 0 : i32
      %gather3A_1458 = arith.constant 0 : i32
      %gather3A_1459 = tpu.memref_slice %arg7[%select_n3A_316, %gather3A_1457, %gather3A_1458] : memref<2x128x16xi32, #tpu.memory_space<vmem>> -> memref<1x128x16xi32, #tpu.memory_space<vmem>>
      %gather3A_1460 = tpu.memref_squeeze %gather3A_1459 : memref<1x128x16xi32, #tpu.memory_space<vmem>> -> memref<128x16xi32, #tpu.memory_space<vmem>>
      %gather3A_1461 = tpu.vector_load_idx %gather3A_1460[%add3A_20, %broadcast_in_dim3A_1396] : memref<128x16xi32, #tpu.memory_space<vmem>>[vector<16xi32>, vector<16xi32>], vector<16xi32>,
      %swap3A_1462 = arith.constant 2 : i32
      %swap3A_1463 = arith.constant 3 : i32
      %swap3A_1464 = arith.index_cast %select_n3A_316 : i32 to index
      %swap3A_1465 = arith.index_cast %swap3A_1462 : i32 to index
      %swap3A_1466 = arith.index_cast %swap3A_1463 : i32 to index
      %swap3A_1467 = arith.constant 80 : index
      %swap3A_1468 = tpu.vector_load %arg8[%swap3A_1464, %swap3A_1465, %swap3A_1466, %swap3A_1467] {strides = array<i32>} : memref<2x4x4x128xi32, #tpu.memory_space<vmem>>, vector<16xi32>,
      tpu.vector_store %arg8[%swap3A_1464, %swap3A_1465, %swap3A_1466, %swap3A_1467], %gather3A_1461 {strides = array<i32>} : memref<2x4x4x128xi32, #tpu.memory_space<vmem>>, vector<16xi32>,
      %gather3A_1469 = arith.constant 0 : i32
      %gather3A_1470 = arith.constant 0 : i32
      %gather3A_1471 = tpu.memref_slice %arg7[%select_n3A_316, %gather3A_1469, %gather3A_1470] : memref<2x128x16xi32, #tpu.memory_space<vmem>> -> memref<1x128x16xi32, #tpu.memory_space<vmem>>
      %gather3A_1472 = tpu.memref_squeeze %gather3A_1471 : memref<1x128x16xi32, #tpu.memory_space<vmem>> -> memref<128x16xi32, #tpu.memory_space<vmem>>
      %gather3A_1473 = tpu.vector_load_idx %gather3A_1472[%add3A_23, %broadcast_in_dim3A_1396] : memref<128x16xi32, #tpu.memory_space<vmem>>[vector<16xi32>, vector<16xi32>], vector<16xi32>,
      %swap3A_1474 = arith.constant 2 : i32
      %swap3A_1475 = arith.constant 3 : i32
      %swap3A_1476 = arith.index_cast %select_n3A_316 : i32 to index
      %swap3A_1477 = arith.index_cast %swap3A_1474 : i32 to index
      %swap3A_1478 = arith.index_cast %swap3A_1475 : i32 to index
      %swap3A_1479 = arith.constant 96 : index
      %swap3A_1480 = tpu.vector_load %arg8[%swap3A_1476, %swap3A_1477, %swap3A_1478, %swap3A_1479] {strides = array<i32>} : memref<2x4x4x128xi32, #tpu.memory_space<vmem>>, vector<16xi32>,
      tpu.vector_store %arg8[%swap3A_1476, %swap3A_1477, %swap3A_1478, %swap3A_1479], %gather3A_1473 {strides = array<i32>} : memref<2x4x4x128xi32, #tpu.memory_space<vmem>>, vector<16xi32>,
      %gather3A_1481 = arith.constant 0 : i32
      %gather3A_1482 = arith.constant 0 : i32
      %gather3A_1483 = tpu.memref_slice %arg7[%select_n3A_316, %gather3A_1481, %gather3A_1482] : memref<2x128x16xi32, #tpu.memory_space<vmem>> -> memref<1x128x16xi32, #tpu.memory_space<vmem>>
      %gather3A_1484 = tpu.memref_squeeze %gather3A_1483 : memref<1x128x16xi32, #tpu.memory_space<vmem>> -> memref<128x16xi32, #tpu.memory_space<vmem>>
      %gather3A_1485 = tpu.vector_load_idx %gather3A_1484[%add3A_26, %broadcast_in_dim3A_1396] : memref<128x16xi32, #tpu.memory_space<vmem>>[vector<16xi32>, vector<16xi32>], vector<16xi32>,
      %swap3A_1486 = arith.constant 2 : i32
      %swap3A_1487 = arith.constant 3 : i32
      %swap3A_1488 = arith.index_cast %select_n3A_316 : i32 to index
      %swap3A_1489 = arith.index_cast %swap3A_1486 : i32 to index
      %swap3A_1490 = arith.index_cast %swap3A_1487 : i32 to index
      %swap3A_1491 = arith.constant 112 : index
      %swap3A_1492 = tpu.vector_load %arg8[%swap3A_1488, %swap3A_1489, %swap3A_1490, %swap3A_1491] {strides = array<i32>} : memref<2x4x4x128xi32, #tpu.memory_space<vmem>>, vector<16xi32>,
      tpu.vector_store %arg8[%swap3A_1488, %swap3A_1489, %swap3A_1490, %swap3A_1491], %gather3A_1485 {strides = array<i32>} : memref<2x4x4x128xi32, #tpu.memory_space<vmem>>, vector<16xi32>,
      %broadcast_in_dim3A_1493 = arith.constant 12 : i32
      %broadcast_in_dim3A_1494 = vector.broadcast %broadcast_in_dim3A_1493 : i32 to vector<16xi32>
      %gather3A_1495 = arith.constant 0 : i32
      %gather3A_1496 = arith.constant 0 : i32
      %gather3A_1497 = tpu.memref_slice %arg7[%select_n3A_316, %gather3A_1495, %gather3A_1496] : memref<2x128x16xi32, #tpu.memory_space<vmem>> -> memref<1x128x16xi32, #tpu.memory_space<vmem>>
      %gather3A_1498 = tpu.memref_squeeze %gather3A_1497 : memref<1x128x16xi32, #tpu.memory_space<vmem>> -> memref<128x16xi32, #tpu.memory_space<vmem>>
      %gather3A_1499 = tpu.vector_load_idx %gather3A_1498[%add3A_5, %broadcast_in_dim3A_1494] : memref<128x16xi32, #tpu.memory_space<vmem>>[vector<16xi32>, vector<16xi32>], vector<16xi32>,
      %swap3A_1500 = arith.constant 3 : i32
      %swap3A_1501 = arith.constant 0 : i32
      %swap3A_1502 = arith.index_cast %select_n3A_316 : i32 to index
      %swap3A_1503 = arith.index_cast %swap3A_1500 : i32 to index
      %swap3A_1504 = arith.index_cast %swap3A_1501 : i32 to index
      %swap3A_1505 = arith.constant 0 : index
      %swap3A_1506 = tpu.vector_load %arg8[%swap3A_1502, %swap3A_1503, %swap3A_1504, %swap3A_1505] {strides = array<i32>} : memref<2x4x4x128xi32, #tpu.memory_space<vmem>>, vector<16xi32>,
      tpu.vector_store %arg8[%swap3A_1502, %swap3A_1503, %swap3A_1504, %swap3A_1505], %gather3A_1499 {strides = array<i32>} : memref<2x4x4x128xi32, #tpu.memory_space<vmem>>, vector<16xi32>,
      %gather3A_1507 = arith.constant 0 : i32
      %gather3A_1508 = arith.constant 0 : i32
      %gather3A_1509 = tpu.memref_slice %arg7[%select_n3A_316, %gather3A_1507, %gather3A_1508] : memref<2x128x16xi32, #tpu.memory_space<vmem>> -> memref<1x128x16xi32, #tpu.memory_space<vmem>>
      %gather3A_1510 = tpu.memref_squeeze %gather3A_1509 : memref<1x128x16xi32, #tpu.memory_space<vmem>> -> memref<128x16xi32, #tpu.memory_space<vmem>>
      %gather3A_1511 = tpu.vector_load_idx %gather3A_1510[%add3A_8, %broadcast_in_dim3A_1494] : memref<128x16xi32, #tpu.memory_space<vmem>>[vector<16xi32>, vector<16xi32>], vector<16xi32>,
      %swap3A_1512 = arith.constant 3 : i32
      %swap3A_1513 = arith.constant 0 : i32
      %swap3A_1514 = arith.index_cast %select_n3A_316 : i32 to index
      %swap3A_1515 = arith.index_cast %swap3A_1512 : i32 to index
      %swap3A_1516 = arith.index_cast %swap3A_1513 : i32 to index
      %swap3A_1517 = arith.constant 16 : index
      %swap3A_1518 = tpu.vector_load %arg8[%swap3A_1514, %swap3A_1515, %swap3A_1516, %swap3A_1517] {strides = array<i32>} : memref<2x4x4x128xi32, #tpu.memory_space<vmem>>, vector<16xi32>,
      tpu.vector_store %arg8[%swap3A_1514, %swap3A_1515, %swap3A_1516, %swap3A_1517], %gather3A_1511 {strides = array<i32>} : memref<2x4x4x128xi32, #tpu.memory_space<vmem>>, vector<16xi32>,
      %gather3A_1519 = arith.constant 0 : i32
      %gather3A_1520 = arith.constant 0 : i32
      %gather3A_1521 = tpu.memref_slice %arg7[%select_n3A_316, %gather3A_1519, %gather3A_1520] : memref<2x128x16xi32, #tpu.memory_space<vmem>> -> memref<1x128x16xi32, #tpu.memory_space<vmem>>
      %gather3A_1522 = tpu.memref_squeeze %gather3A_1521 : memref<1x128x16xi32, #tpu.memory_space<vmem>> -> memref<128x16xi32, #tpu.memory_space<vmem>>
      %gather3A_1523 = tpu.vector_load_idx %gather3A_1522[%add3A_11, %broadcast_in_dim3A_1494] : memref<128x16xi32, #tpu.memory_space<vmem>>[vector<16xi32>, vector<16xi32>], vector<16xi32>,
      %swap3A_1524 = arith.constant 3 : i32
      %swap3A_1525 = arith.constant 0 : i32
      %swap3A_1526 = arith.index_cast %select_n3A_316 : i32 to index
      %swap3A_1527 = arith.index_cast %swap3A_1524 : i32 to index
      %swap3A_1528 = arith.index_cast %swap3A_1525 : i32 to index
      %swap3A_1529 = arith.constant 32 : index
      %swap3A_1530 = tpu.vector_load %arg8[%swap3A_1526, %swap3A_1527, %swap3A_1528, %swap3A_1529] {strides = array<i32>} : memref<2x4x4x128xi32, #tpu.memory_space<vmem>>, vector<16xi32>,
      tpu.vector_store %arg8[%swap3A_1526, %swap3A_1527, %swap3A_1528, %swap3A_1529], %gather3A_1523 {strides = array<i32>} : memref<2x4x4x128xi32, #tpu.memory_space<vmem>>, vector<16xi32>,
      %gather3A_1531 = arith.constant 0 : i32
      %gather3A_1532 = arith.constant 0 : i32
      %gather3A_1533 = tpu.memref_slice %arg7[%select_n3A_316, %gather3A_1531, %gather3A_1532] : memref<2x128x16xi32, #tpu.memory_space<vmem>> -> memref<1x128x16xi32, #tpu.memory_space<vmem>>
      %gather3A_1534 = tpu.memref_squeeze %gather3A_1533 : memref<1x128x16xi32, #tpu.memory_space<vmem>> -> memref<128x16xi32, #tpu.memory_space<vmem>>
      %gather3A_1535 = tpu.vector_load_idx %gather3A_1534[%add3A_14, %broadcast_in_dim3A_1494] : memref<128x16xi32, #tpu.memory_space<vmem>>[vector<16xi32>, vector<16xi32>], vector<16xi32>,
      %swap3A_1536 = arith.constant 3 : i32
      %swap3A_1537 = arith.constant 0 : i32
      %swap3A_1538 = arith.index_cast %select_n3A_316 : i32 to index
      %swap3A_1539 = arith.index_cast %swap3A_1536 : i32 to index
      %swap3A_1540 = arith.index_cast %swap3A_1537 : i32 to index
      %swap3A_1541 = arith.constant 48 : index
      %swap3A_1542 = tpu.vector_load %arg8[%swap3A_1538, %swap3A_1539, %swap3A_1540, %swap3A_1541] {strides = array<i32>} : memref<2x4x4x128xi32, #tpu.memory_space<vmem>>, vector<16xi32>,
      tpu.vector_store %arg8[%swap3A_1538, %swap3A_1539, %swap3A_1540, %swap3A_1541], %gather3A_1535 {strides = array<i32>} : memref<2x4x4x128xi32, #tpu.memory_space<vmem>>, vector<16xi32>,
      %gather3A_1543 = arith.constant 0 : i32
      %gather3A_1544 = arith.constant 0 : i32
      %gather3A_1545 = tpu.memref_slice %arg7[%select_n3A_316, %gather3A_1543, %gather3A_1544] : memref<2x128x16xi32, #tpu.memory_space<vmem>> -> memref<1x128x16xi32, #tpu.memory_space<vmem>>
      %gather3A_1546 = tpu.memref_squeeze %gather3A_1545 : memref<1x128x16xi32, #tpu.memory_space<vmem>> -> memref<128x16xi32, #tpu.memory_space<vmem>>
      %gather3A_1547 = tpu.vector_load_idx %gather3A_1546[%add3A_17, %broadcast_in_dim3A_1494] : memref<128x16xi32, #tpu.memory_space<vmem>>[vector<16xi32>, vector<16xi32>], vector<16xi32>,
      %swap3A_1548 = arith.constant 3 : i32
      %swap3A_1549 = arith.constant 0 : i32
      %swap3A_1550 = arith.index_cast %select_n3A_316 : i32 to index
      %swap3A_1551 = arith.index_cast %swap3A_1548 : i32 to index
      %swap3A_1552 = arith.index_cast %swap3A_1549 : i32 to index
      %swap3A_1553 = arith.constant 64 : index
      %swap3A_1554 = tpu.vector_load %arg8[%swap3A_1550, %swap3A_1551, %swap3A_1552, %swap3A_1553] {strides = array<i32>} : memref<2x4x4x128xi32, #tpu.memory_space<vmem>>, vector<16xi32>,
      tpu.vector_store %arg8[%swap3A_1550, %swap3A_1551, %swap3A_1552, %swap3A_1553], %gather3A_1547 {strides = array<i32>} : memref<2x4x4x128xi32, #tpu.memory_space<vmem>>, vector<16xi32>,
      %gather3A_1555 = arith.constant 0 : i32
      %gather3A_1556 = arith.constant 0 : i32
      %gather3A_1557 = tpu.memref_slice %arg7[%select_n3A_316, %gather3A_1555, %gather3A_1556] : memref<2x128x16xi32, #tpu.memory_space<vmem>> -> memref<1x128x16xi32, #tpu.memory_space<vmem>>
      %gather3A_1558 = tpu.memref_squeeze %gather3A_1557 : memref<1x128x16xi32, #tpu.memory_space<vmem>> -> memref<128x16xi32, #tpu.memory_space<vmem>>
      %gather3A_1559 = tpu.vector_load_idx %gather3A_1558[%add3A_20, %broadcast_in_dim3A_1494] : memref<128x16xi32, #tpu.memory_space<vmem>>[vector<16xi32>, vector<16xi32>], vector<16xi32>,
      %swap3A_1560 = arith.constant 3 : i32
      %swap3A_1561 = arith.constant 0 : i32
      %swap3A_1562 = arith.index_cast %select_n3A_316 : i32 to index
      %swap3A_1563 = arith.index_cast %swap3A_1560 : i32 to index
      %swap3A_1564 = arith.index_cast %swap3A_1561 : i32 to index
      %swap3A_1565 = arith.constant 80 : index
      %swap3A_1566 = tpu.vector_load %arg8[%swap3A_1562, %swap3A_1563, %swap3A_1564, %swap3A_1565] {strides = array<i32>} : memref<2x4x4x128xi32, #tpu.memory_space<vmem>>, vector<16xi32>,
      tpu.vector_store %arg8[%swap3A_1562, %swap3A_1563, %swap3A_1564, %swap3A_1565], %gather3A_1559 {strides = array<i32>} : memref<2x4x4x128xi32, #tpu.memory_space<vmem>>, vector<16xi32>,
      %gather3A_1567 = arith.constant 0 : i32
      %gather3A_1568 = arith.constant 0 : i32
      %gather3A_1569 = tpu.memref_slice %arg7[%select_n3A_316, %gather3A_1567, %gather3A_1568] : memref<2x128x16xi32, #tpu.memory_space<vmem>> -> memref<1x128x16xi32, #tpu.memory_space<vmem>>
      %gather3A_1570 = tpu.memref_squeeze %gather3A_1569 : memref<1x128x16xi32, #tpu.memory_space<vmem>> -> memref<128x16xi32, #tpu.memory_space<vmem>>
      %gather3A_1571 = tpu.vector_load_idx %gather3A_1570[%add3A_23, %broadcast_in_dim3A_1494] : memref<128x16xi32, #tpu.memory_space<vmem>>[vector<16xi32>, vector<16xi32>], vector<16xi32>,
      %swap3A_1572 = arith.constant 3 : i32
      %swap3A_1573 = arith.constant 0 : i32
      %swap3A_1574 = arith.index_cast %select_n3A_316 : i32 to index
      %swap3A_1575 = arith.index_cast %swap3A_1572 : i32 to index
      %swap3A_1576 = arith.index_cast %swap3A_1573 : i32 to index
      %swap3A_1577 = arith.constant 96 : index
      %swap3A_1578 = tpu.vector_load %arg8[%swap3A_1574, %swap3A_1575, %swap3A_1576, %swap3A_1577] {strides = array<i32>} : memref<2x4x4x128xi32, #tpu.memory_space<vmem>>, vector<16xi32>,
      tpu.vector_store %arg8[%swap3A_1574, %swap3A_1575, %swap3A_1576, %swap3A_1577], %gather3A_1571 {strides = array<i32>} : memref<2x4x4x128xi32, #tpu.memory_space<vmem>>, vector<16xi32>,
      %gather3A_1579 = arith.constant 0 : i32
      %gather3A_1580 = arith.constant 0 : i32
      %gather3A_1581 = tpu.memref_slice %arg7[%select_n3A_316, %gather3A_1579, %gather3A_1580] : memref<2x128x16xi32, #tpu.memory_space<vmem>> -> memref<1x128x16xi32, #tpu.memory_space<vmem>>
      %gather3A_1582 = tpu.memref_squeeze %gather3A_1581 : memref<1x128x16xi32, #tpu.memory_space<vmem>> -> memref<128x16xi32, #tpu.memory_space<vmem>>
      %gather3A_1583 = tpu.vector_load_idx %gather3A_1582[%add3A_26, %broadcast_in_dim3A_1494] : memref<128x16xi32, #tpu.memory_space<vmem>>[vector<16xi32>, vector<16xi32>], vector<16xi32>,
      %swap3A_1584 = arith.constant 3 : i32
      %swap3A_1585 = arith.constant 0 : i32
      %swap3A_1586 = arith.index_cast %select_n3A_316 : i32 to index
      %swap3A_1587 = arith.index_cast %swap3A_1584 : i32 to index
      %swap3A_1588 = arith.index_cast %swap3A_1585 : i32 to index
      %swap3A_1589 = arith.constant 112 : index
      %swap3A_1590 = tpu.vector_load %arg8[%swap3A_1586, %swap3A_1587, %swap3A_1588, %swap3A_1589] {strides = array<i32>} : memref<2x4x4x128xi32, #tpu.memory_space<vmem>>, vector<16xi32>,
      tpu.vector_store %arg8[%swap3A_1586, %swap3A_1587, %swap3A_1588, %swap3A_1589], %gather3A_1583 {strides = array<i32>} : memref<2x4x4x128xi32, #tpu.memory_space<vmem>>, vector<16xi32>,
      %broadcast_in_dim3A_1591 = arith.constant 13 : i32
      %broadcast_in_dim3A_1592 = vector.broadcast %broadcast_in_dim3A_1591 : i32 to vector<16xi32>
      %gather3A_1593 = arith.constant 0 : i32
      %gather3A_1594 = arith.constant 0 : i32
      %gather3A_1595 = tpu.memref_slice %arg7[%select_n3A_316, %gather3A_1593, %gather3A_1594] : memref<2x128x16xi32, #tpu.memory_space<vmem>> -> memref<1x128x16xi32, #tpu.memory_space<vmem>>
      %gather3A_1596 = tpu.memref_squeeze %gather3A_1595 : memref<1x128x16xi32, #tpu.memory_space<vmem>> -> memref<128x16xi32, #tpu.memory_space<vmem>>
      %gather3A_1597 = tpu.vector_load_idx %gather3A_1596[%add3A_5, %broadcast_in_dim3A_1592] : memref<128x16xi32, #tpu.memory_space<vmem>>[vector<16xi32>, vector<16xi32>], vector<16xi32>,
      %swap3A_1598 = arith.constant 3 : i32
      %swap3A_1599 = arith.constant 1 : i32
      %swap3A_1600 = arith.index_cast %select_n3A_316 : i32 to index
      %swap3A_1601 = arith.index_cast %swap3A_1598 : i32 to index
      %swap3A_1602 = arith.index_cast %swap3A_1599 : i32 to index
      %swap3A_1603 = arith.constant 0 : index
      %swap3A_1604 = tpu.vector_load %arg8[%swap3A_1600, %swap3A_1601, %swap3A_1602, %swap3A_1603] {strides = array<i32>} : memref<2x4x4x128xi32, #tpu.memory_space<vmem>>, vector<16xi32>,
      tpu.vector_store %arg8[%swap3A_1600, %swap3A_1601, %swap3A_1602, %swap3A_1603], %gather3A_1597 {strides = array<i32>} : memref<2x4x4x128xi32, #tpu.memory_space<vmem>>, vector<16xi32>,
      %gather3A_1605 = arith.constant 0 : i32
      %gather3A_1606 = arith.constant 0 : i32
      %gather3A_1607 = tpu.memref_slice %arg7[%select_n3A_316, %gather3A_1605, %gather3A_1606] : memref<2x128x16xi32, #tpu.memory_space<vmem>> -> memref<1x128x16xi32, #tpu.memory_space<vmem>>
      %gather3A_1608 = tpu.memref_squeeze %gather3A_1607 : memref<1x128x16xi32, #tpu.memory_space<vmem>> -> memref<128x16xi32, #tpu.memory_space<vmem>>
      %gather3A_1609 = tpu.vector_load_idx %gather3A_1608[%add3A_8, %broadcast_in_dim3A_1592] : memref<128x16xi32, #tpu.memory_space<vmem>>[vector<16xi32>, vector<16xi32>], vector<16xi32>,
      %swap3A_1610 = arith.constant 3 : i32
      %swap3A_1611 = arith.constant 1 : i32
      %swap3A_1612 = arith.index_cast %select_n3A_316 : i32 to index
      %swap3A_1613 = arith.index_cast %swap3A_1610 : i32 to index
      %swap3A_1614 = arith.index_cast %swap3A_1611 : i32 to index
      %swap3A_1615 = arith.constant 16 : index
      %swap3A_1616 = tpu.vector_load %arg8[%swap3A_1612, %swap3A_1613, %swap3A_1614, %swap3A_1615] {strides = array<i32>} : memref<2x4x4x128xi32, #tpu.memory_space<vmem>>, vector<16xi32>,
      tpu.vector_store %arg8[%swap3A_1612, %swap3A_1613, %swap3A_1614, %swap3A_1615], %gather3A_1609 {strides = array<i32>} : memref<2x4x4x128xi32, #tpu.memory_space<vmem>>, vector<16xi32>,
      %gather3A_1617 = arith.constant 0 : i32
      %gather3A_1618 = arith.constant 0 : i32
      %gather3A_1619 = tpu.memref_slice %arg7[%select_n3A_316, %gather3A_1617, %gather3A_1618] : memref<2x128x16xi32, #tpu.memory_space<vmem>> -> memref<1x128x16xi32, #tpu.memory_space<vmem>>
      %gather3A_1620 = tpu.memref_squeeze %gather3A_1619 : memref<1x128x16xi32, #tpu.memory_space<vmem>> -> memref<128x16xi32, #tpu.memory_space<vmem>>
      %gather3A_1621 = tpu.vector_load_idx %gather3A_1620[%add3A_11, %broadcast_in_dim3A_1592] : memref<128x16xi32, #tpu.memory_space<vmem>>[vector<16xi32>, vector<16xi32>], vector<16xi32>,
      %swap3A_1622 = arith.constant 3 : i32
      %swap3A_1623 = arith.constant 1 : i32
      %swap3A_1624 = arith.index_cast %select_n3A_316 : i32 to index
      %swap3A_1625 = arith.index_cast %swap3A_1622 : i32 to index
      %swap3A_1626 = arith.index_cast %swap3A_1623 : i32 to index
      %swap3A_1627 = arith.constant 32 : index
      %swap3A_1628 = tpu.vector_load %arg8[%swap3A_1624, %swap3A_1625, %swap3A_1626, %swap3A_1627] {strides = array<i32>} : memref<2x4x4x128xi32, #tpu.memory_space<vmem>>, vector<16xi32>,
      tpu.vector_store %arg8[%swap3A_1624, %swap3A_1625, %swap3A_1626, %swap3A_1627], %gather3A_1621 {strides = array<i32>} : memref<2x4x4x128xi32, #tpu.memory_space<vmem>>, vector<16xi32>,
      %gather3A_1629 = arith.constant 0 : i32
      %gather3A_1630 = arith.constant 0 : i32
      %gather3A_1631 = tpu.memref_slice %arg7[%select_n3A_316, %gather3A_1629, %gather3A_1630] : memref<2x128x16xi32, #tpu.memory_space<vmem>> -> memref<1x128x16xi32, #tpu.memory_space<vmem>>
      %gather3A_1632 = tpu.memref_squeeze %gather3A_1631 : memref<1x128x16xi32, #tpu.memory_space<vmem>> -> memref<128x16xi32, #tpu.memory_space<vmem>>
      %gather3A_1633 = tpu.vector_load_idx %gather3A_1632[%add3A_14, %broadcast_in_dim3A_1592] : memref<128x16xi32, #tpu.memory_space<vmem>>[vector<16xi32>, vector<16xi32>], vector<16xi32>,
      %swap3A_1634 = arith.constant 3 : i32
      %swap3A_1635 = arith.constant 1 : i32
      %swap3A_1636 = arith.index_cast %select_n3A_316 : i32 to index
      %swap3A_1637 = arith.index_cast %swap3A_1634 : i32 to index
      %swap3A_1638 = arith.index_cast %swap3A_1635 : i32 to index
      %swap3A_1639 = arith.constant 48 : index
      %swap3A_1640 = tpu.vector_load %arg8[%swap3A_1636, %swap3A_1637, %swap3A_1638, %swap3A_1639] {strides = array<i32>} : memref<2x4x4x128xi32, #tpu.memory_space<vmem>>, vector<16xi32>,
      tpu.vector_store %arg8[%swap3A_1636, %swap3A_1637, %swap3A_1638, %swap3A_1639], %gather3A_1633 {strides = array<i32>} : memref<2x4x4x128xi32, #tpu.memory_space<vmem>>, vector<16xi32>,
      %gather3A_1641 = arith.constant 0 : i32
      %gather3A_1642 = arith.constant 0 : i32
      %gather3A_1643 = tpu.memref_slice %arg7[%select_n3A_316, %gather3A_1641, %gather3A_1642] : memref<2x128x16xi32, #tpu.memory_space<vmem>> -> memref<1x128x16xi32, #tpu.memory_space<vmem>>
      %gather3A_1644 = tpu.memref_squeeze %gather3A_1643 : memref<1x128x16xi32, #tpu.memory_space<vmem>> -> memref<128x16xi32, #tpu.memory_space<vmem>>
      %gather3A_1645 = tpu.vector_load_idx %gather3A_1644[%add3A_17, %broadcast_in_dim3A_1592] : memref<128x16xi32, #tpu.memory_space<vmem>>[vector<16xi32>, vector<16xi32>], vector<16xi32>,
      %swap3A_1646 = arith.constant 3 : i32
      %swap3A_1647 = arith.constant 1 : i32
      %swap3A_1648 = arith.index_cast %select_n3A_316 : i32 to index
      %swap3A_1649 = arith.index_cast %swap3A_1646 : i32 to index
      %swap3A_1650 = arith.index_cast %swap3A_1647 : i32 to index
      %swap3A_1651 = arith.constant 64 : index
      %swap3A_1652 = tpu.vector_load %arg8[%swap3A_1648, %swap3A_1649, %swap3A_1650, %swap3A_1651] {strides = array<i32>} : memref<2x4x4x128xi32, #tpu.memory_space<vmem>>, vector<16xi32>,
      tpu.vector_store %arg8[%swap3A_1648, %swap3A_1649, %swap3A_1650, %swap3A_1651], %gather3A_1645 {strides = array<i32>} : memref<2x4x4x128xi32, #tpu.memory_space<vmem>>, vector<16xi32>,
      %gather3A_1653 = arith.constant 0 : i32
      %gather3A_1654 = arith.constant 0 : i32
      %gather3A_1655 = tpu.memref_slice %arg7[%select_n3A_316, %gather3A_1653, %gather3A_1654] : memref<2x128x16xi32, #tpu.memory_space<vmem>> -> memref<1x128x16xi32, #tpu.memory_space<vmem>>
      %gather3A_1656 = tpu.memref_squeeze %gather3A_1655 : memref<1x128x16xi32, #tpu.memory_space<vmem>> -> memref<128x16xi32, #tpu.memory_space<vmem>>
      %gather3A_1657 = tpu.vector_load_idx %gather3A_1656[%add3A_20, %broadcast_in_dim3A_1592] : memref<128x16xi32, #tpu.memory_space<vmem>>[vector<16xi32>, vector<16xi32>], vector<16xi32>,
      %swap3A_1658 = arith.constant 3 : i32
      %swap3A_1659 = arith.constant 1 : i32
      %swap3A_1660 = arith.index_cast %select_n3A_316 : i32 to index
      %swap3A_1661 = arith.index_cast %swap3A_1658 : i32 to index
      %swap3A_1662 = arith.index_cast %swap3A_1659 : i32 to index
      %swap3A_1663 = arith.constant 80 : index
      %swap3A_1664 = tpu.vector_load %arg8[%swap3A_1660, %swap3A_1661, %swap3A_1662, %swap3A_1663] {strides = array<i32>} : memref<2x4x4x128xi32, #tpu.memory_space<vmem>>, vector<16xi32>,
      tpu.vector_store %arg8[%swap3A_1660, %swap3A_1661, %swap3A_1662, %swap3A_1663], %gather3A_1657 {strides = array<i32>} : memref<2x4x4x128xi32, #tpu.memory_space<vmem>>, vector<16xi32>,
      %gather3A_1665 = arith.constant 0 : i32
      %gather3A_1666 = arith.constant 0 : i32
      %gather3A_1667 = tpu.memref_slice %arg7[%select_n3A_316, %gather3A_1665, %gather3A_1666] : memref<2x128x16xi32, #tpu.memory_space<vmem>> -> memref<1x128x16xi32, #tpu.memory_space<vmem>>
      %gather3A_1668 = tpu.memref_squeeze %gather3A_1667 : memref<1x128x16xi32, #tpu.memory_space<vmem>> -> memref<128x16xi32, #tpu.memory_space<vmem>>
      %gather3A_1669 = tpu.vector_load_idx %gather3A_1668[%add3A_23, %broadcast_in_dim3A_1592] : memref<128x16xi32, #tpu.memory_space<vmem>>[vector<16xi32>, vector<16xi32>], vector<16xi32>,
      %swap3A_1670 = arith.constant 3 : i32
      %swap3A_1671 = arith.constant 1 : i32
      %swap3A_1672 = arith.index_cast %select_n3A_316 : i32 to index
      %swap3A_1673 = arith.index_cast %swap3A_1670 : i32 to index
      %swap3A_1674 = arith.index_cast %swap3A_1671 : i32 to index
      %swap3A_1675 = arith.constant 96 : index
      %swap3A_1676 = tpu.vector_load %arg8[%swap3A_1672, %swap3A_1673, %swap3A_1674, %swap3A_1675] {strides = array<i32>} : memref<2x4x4x128xi32, #tpu.memory_space<vmem>>, vector<16xi32>,
      tpu.vector_store %arg8[%swap3A_1672, %swap3A_1673, %swap3A_1674, %swap3A_1675], %gather3A_1669 {strides = array<i32>} : memref<2x4x4x128xi32, #tpu.memory_space<vmem>>, vector<16xi32>,
      %gather3A_1677 = arith.constant 0 : i32
      %gather3A_1678 = arith.constant 0 : i32
      %gather3A_1679 = tpu.memref_slice %arg7[%select_n3A_316, %gather3A_1677, %gather3A_1678] : memref<2x128x16xi32, #tpu.memory_space<vmem>> -> memref<1x128x16xi32, #tpu.memory_space<vmem>>
      %gather3A_1680 = tpu.memref_squeeze %gather3A_1679 : memref<1x128x16xi32, #tpu.memory_space<vmem>> -> memref<128x16xi32, #tpu.memory_space<vmem>>
      %gather3A_1681 = tpu.vector_load_idx %gather3A_1680[%add3A_26, %broadcast_in_dim3A_1592] : memref<128x16xi32, #tpu.memory_space<vmem>>[vector<16xi32>, vector<16xi32>], vector<16xi32>,
      %swap3A_1682 = arith.constant 3 : i32
      %swap3A_1683 = arith.constant 1 : i32
      %swap3A_1684 = arith.index_cast %select_n3A_316 : i32 to index
      %swap3A_1685 = arith.index_cast %swap3A_1682 : i32 to index
      %swap3A_1686 = arith.index_cast %swap3A_1683 : i32 to index
      %swap3A_1687 = arith.constant 112 : index
      %swap3A_1688 = tpu.vector_load %arg8[%swap3A_1684, %swap3A_1685, %swap3A_1686, %swap3A_1687] {strides = array<i32>} : memref<2x4x4x128xi32, #tpu.memory_space<vmem>>, vector<16xi32>,
      tpu.vector_store %arg8[%swap3A_1684, %swap3A_1685, %swap3A_1686, %swap3A_1687], %gather3A_1681 {strides = array<i32>} : memref<2x4x4x128xi32, #tpu.memory_space<vmem>>, vector<16xi32>,
      %broadcast_in_dim3A_1689 = arith.constant 14 : i32
      %broadcast_in_dim3A_1690 = vector.broadcast %broadcast_in_dim3A_1689 : i32 to vector<16xi32>
      %gather3A_1691 = arith.constant 0 : i32
      %gather3A_1692 = arith.constant 0 : i32
      %gather3A_1693 = tpu.memref_slice %arg7[%select_n3A_316, %gather3A_1691, %gather3A_1692] : memref<2x128x16xi32, #tpu.memory_space<vmem>> -> memref<1x128x16xi32, #tpu.memory_space<vmem>>
      %gather3A_1694 = tpu.memref_squeeze %gather3A_1693 : memref<1x128x16xi32, #tpu.memory_space<vmem>> -> memref<128x16xi32, #tpu.memory_space<vmem>>
      %gather3A_1695 = tpu.vector_load_idx %gather3A_1694[%add3A_5, %broadcast_in_dim3A_1690] : memref<128x16xi32, #tpu.memory_space<vmem>>[vector<16xi32>, vector<16xi32>], vector<16xi32>,
      %swap3A_1696 = arith.constant 3 : i32
      %swap3A_1697 = arith.constant 2 : i32
      %swap3A_1698 = arith.index_cast %select_n3A_316 : i32 to index
      %swap3A_1699 = arith.index_cast %swap3A_1696 : i32 to index
      %swap3A_1700 = arith.index_cast %swap3A_1697 : i32 to index
      %swap3A_1701 = arith.constant 0 : index
      %swap3A_1702 = tpu.vector_load %arg8[%swap3A_1698, %swap3A_1699, %swap3A_1700, %swap3A_1701] {strides = array<i32>} : memref<2x4x4x128xi32, #tpu.memory_space<vmem>>, vector<16xi32>,
      tpu.vector_store %arg8[%swap3A_1698, %swap3A_1699, %swap3A_1700, %swap3A_1701], %gather3A_1695 {strides = array<i32>} : memref<2x4x4x128xi32, #tpu.memory_space<vmem>>, vector<16xi32>,
      %gather3A_1703 = arith.constant 0 : i32
      %gather3A_1704 = arith.constant 0 : i32
      %gather3A_1705 = tpu.memref_slice %arg7[%select_n3A_316, %gather3A_1703, %gather3A_1704] : memref<2x128x16xi32, #tpu.memory_space<vmem>> -> memref<1x128x16xi32, #tpu.memory_space<vmem>>
      %gather3A_1706 = tpu.memref_squeeze %gather3A_1705 : memref<1x128x16xi32, #tpu.memory_space<vmem>> -> memref<128x16xi32, #tpu.memory_space<vmem>>
      %gather3A_1707 = tpu.vector_load_idx %gather3A_1706[%add3A_8, %broadcast_in_dim3A_1690] : memref<128x16xi32, #tpu.memory_space<vmem>>[vector<16xi32>, vector<16xi32>], vector<16xi32>,
      %swap3A_1708 = arith.constant 3 : i32
      %swap3A_1709 = arith.constant 2 : i32
      %swap3A_1710 = arith.index_cast %select_n3A_316 : i32 to index
      %swap3A_1711 = arith.index_cast %swap3A_1708 : i32 to index
      %swap3A_1712 = arith.index_cast %swap3A_1709 : i32 to index
      %swap3A_1713 = arith.constant 16 : index
      %swap3A_1714 = tpu.vector_load %arg8[%swap3A_1710, %swap3A_1711, %swap3A_1712, %swap3A_1713] {strides = array<i32>} : memref<2x4x4x128xi32, #tpu.memory_space<vmem>>, vector<16xi32>,
      tpu.vector_store %arg8[%swap3A_1710, %swap3A_1711, %swap3A_1712, %swap3A_1713], %gather3A_1707 {strides = array<i32>} : memref<2x4x4x128xi32, #tpu.memory_space<vmem>>, vector<16xi32>,
      %gather3A_1715 = arith.constant 0 : i32
      %gather3A_1716 = arith.constant 0 : i32
      %gather3A_1717 = tpu.memref_slice %arg7[%select_n3A_316, %gather3A_1715, %gather3A_1716] : memref<2x128x16xi32, #tpu.memory_space<vmem>> -> memref<1x128x16xi32, #tpu.memory_space<vmem>>
      %gather3A_1718 = tpu.memref_squeeze %gather3A_1717 : memref<1x128x16xi32, #tpu.memory_space<vmem>> -> memref<128x16xi32, #tpu.memory_space<vmem>>
      %gather3A_1719 = tpu.vector_load_idx %gather3A_1718[%add3A_11, %broadcast_in_dim3A_1690] : memref<128x16xi32, #tpu.memory_space<vmem>>[vector<16xi32>, vector<16xi32>], vector<16xi32>,
      %swap3A_1720 = arith.constant 3 : i32
      %swap3A_1721 = arith.constant 2 : i32
      %swap3A_1722 = arith.index_cast %select_n3A_316 : i32 to index
      %swap3A_1723 = arith.index_cast %swap3A_1720 : i32 to index
      %swap3A_1724 = arith.index_cast %swap3A_1721 : i32 to index
      %swap3A_1725 = arith.constant 32 : index
      %swap3A_1726 = tpu.vector_load %arg8[%swap3A_1722, %swap3A_1723, %swap3A_1724, %swap3A_1725] {strides = array<i32>} : memref<2x4x4x128xi32, #tpu.memory_space<vmem>>, vector<16xi32>,
      tpu.vector_store %arg8[%swap3A_1722, %swap3A_1723, %swap3A_1724, %swap3A_1725], %gather3A_1719 {strides = array<i32>} : memref<2x4x4x128xi32, #tpu.memory_space<vmem>>, vector<16xi32>,
      %gather3A_1727 = arith.constant 0 : i32
      %gather3A_1728 = arith.constant 0 : i32
      %gather3A_1729 = tpu.memref_slice %arg7[%select_n3A_316, %gather3A_1727, %gather3A_1728] : memref<2x128x16xi32, #tpu.memory_space<vmem>> -> memref<1x128x16xi32, #tpu.memory_space<vmem>>
      %gather3A_1730 = tpu.memref_squeeze %gather3A_1729 : memref<1x128x16xi32, #tpu.memory_space<vmem>> -> memref<128x16xi32, #tpu.memory_space<vmem>>
      %gather3A_1731 = tpu.vector_load_idx %gather3A_1730[%add3A_14, %broadcast_in_dim3A_1690] : memref<128x16xi32, #tpu.memory_space<vmem>>[vector<16xi32>, vector<16xi32>], vector<16xi32>,
      %swap3A_1732 = arith.constant 3 : i32
      %swap3A_1733 = arith.constant 2 : i32
      %swap3A_1734 = arith.index_cast %select_n3A_316 : i32 to index
      %swap3A_1735 = arith.index_cast %swap3A_1732 : i32 to index
      %swap3A_1736 = arith.index_cast %swap3A_1733 : i32 to index
      %swap3A_1737 = arith.constant 48 : index
      %swap3A_1738 = tpu.vector_load %arg8[%swap3A_1734, %swap3A_1735, %swap3A_1736, %swap3A_1737] {strides = array<i32>} : memref<2x4x4x128xi32, #tpu.memory_space<vmem>>, vector<16xi32>,
      tpu.vector_store %arg8[%swap3A_1734, %swap3A_1735, %swap3A_1736, %swap3A_1737], %gather3A_1731 {strides = array<i32>} : memref<2x4x4x128xi32, #tpu.memory_space<vmem>>, vector<16xi32>,
      %gather3A_1739 = arith.constant 0 : i32
      %gather3A_1740 = arith.constant 0 : i32
      %gather3A_1741 = tpu.memref_slice %arg7[%select_n3A_316, %gather3A_1739, %gather3A_1740] : memref<2x128x16xi32, #tpu.memory_space<vmem>> -> memref<1x128x16xi32, #tpu.memory_space<vmem>>
      %gather3A_1742 = tpu.memref_squeeze %gather3A_1741 : memref<1x128x16xi32, #tpu.memory_space<vmem>> -> memref<128x16xi32, #tpu.memory_space<vmem>>
      %gather3A_1743 = tpu.vector_load_idx %gather3A_1742[%add3A_17, %broadcast_in_dim3A_1690] : memref<128x16xi32, #tpu.memory_space<vmem>>[vector<16xi32>, vector<16xi32>], vector<16xi32>,
      %swap3A_1744 = arith.constant 3 : i32
      %swap3A_1745 = arith.constant 2 : i32
      %swap3A_1746 = arith.index_cast %select_n3A_316 : i32 to index
      %swap3A_1747 = arith.index_cast %swap3A_1744 : i32 to index
      %swap3A_1748 = arith.index_cast %swap3A_1745 : i32 to index
      %swap3A_1749 = arith.constant 64 : index
      %swap3A_1750 = tpu.vector_load %arg8[%swap3A_1746, %swap3A_1747, %swap3A_1748, %swap3A_1749] {strides = array<i32>} : memref<2x4x4x128xi32, #tpu.memory_space<vmem>>, vector<16xi32>,
      tpu.vector_store %arg8[%swap3A_1746, %swap3A_1747, %swap3A_1748, %swap3A_1749], %gather3A_1743 {strides = array<i32>} : memref<2x4x4x128xi32, #tpu.memory_space<vmem>>, vector<16xi32>,
      %gather3A_1751 = arith.constant 0 : i32
      %gather3A_1752 = arith.constant 0 : i32
      %gather3A_1753 = tpu.memref_slice %arg7[%select_n3A_316, %gather3A_1751, %gather3A_1752] : memref<2x128x16xi32, #tpu.memory_space<vmem>> -> memref<1x128x16xi32, #tpu.memory_space<vmem>>
      %gather3A_1754 = tpu.memref_squeeze %gather3A_1753 : memref<1x128x16xi32, #tpu.memory_space<vmem>> -> memref<128x16xi32, #tpu.memory_space<vmem>>
      %gather3A_1755 = tpu.vector_load_idx %gather3A_1754[%add3A_20, %broadcast_in_dim3A_1690] : memref<128x16xi32, #tpu.memory_space<vmem>>[vector<16xi32>, vector<16xi32>], vector<16xi32>,
      %swap3A_1756 = arith.constant 3 : i32
      %swap3A_1757 = arith.constant 2 : i32
      %swap3A_1758 = arith.index_cast %select_n3A_316 : i32 to index
      %swap3A_1759 = arith.index_cast %swap3A_1756 : i32 to index
      %swap3A_1760 = arith.index_cast %swap3A_1757 : i32 to index
      %swap3A_1761 = arith.constant 80 : index
      %swap3A_1762 = tpu.vector_load %arg8[%swap3A_1758, %swap3A_1759, %swap3A_1760, %swap3A_1761] {strides = array<i32>} : memref<2x4x4x128xi32, #tpu.memory_space<vmem>>, vector<16xi32>,
      tpu.vector_store %arg8[%swap3A_1758, %swap3A_1759, %swap3A_1760, %swap3A_1761], %gather3A_1755 {strides = array<i32>} : memref<2x4x4x128xi32, #tpu.memory_space<vmem>>, vector<16xi32>,
      %gather3A_1763 = arith.constant 0 : i32
      %gather3A_1764 = arith.constant 0 : i32
      %gather3A_1765 = tpu.memref_slice %arg7[%select_n3A_316, %gather3A_1763, %gather3A_1764] : memref<2x128x16xi32, #tpu.memory_space<vmem>> -> memref<1x128x16xi32, #tpu.memory_space<vmem>>
      %gather3A_1766 = tpu.memref_squeeze %gather3A_1765 : memref<1x128x16xi32, #tpu.memory_space<vmem>> -> memref<128x16xi32, #tpu.memory_space<vmem>>
      %gather3A_1767 = tpu.vector_load_idx %gather3A_1766[%add3A_23, %broadcast_in_dim3A_1690] : memref<128x16xi32, #tpu.memory_space<vmem>>[vector<16xi32>, vector<16xi32>], vector<16xi32>,
      %swap3A_1768 = arith.constant 3 : i32
      %swap3A_1769 = arith.constant 2 : i32
      %swap3A_1770 = arith.index_cast %select_n3A_316 : i32 to index
      %swap3A_1771 = arith.index_cast %swap3A_1768 : i32 to index
      %swap3A_1772 = arith.index_cast %swap3A_1769 : i32 to index
      %swap3A_1773 = arith.constant 96 : index
      %swap3A_1774 = tpu.vector_load %arg8[%swap3A_1770, %swap3A_1771, %swap3A_1772, %swap3A_1773] {strides = array<i32>} : memref<2x4x4x128xi32, #tpu.memory_space<vmem>>, vector<16xi32>,
      tpu.vector_store %arg8[%swap3A_1770, %swap3A_1771, %swap3A_1772, %swap3A_1773], %gather3A_1767 {strides = array<i32>} : memref<2x4x4x128xi32, #tpu.memory_space<vmem>>, vector<16xi32>,
      %gather3A_1775 = arith.constant 0 : i32
      %gather3A_1776 = arith.constant 0 : i32
      %gather3A_1777 = tpu.memref_slice %arg7[%select_n3A_316, %gather3A_1775, %gather3A_1776] : memref<2x128x16xi32, #tpu.memory_space<vmem>> -> memref<1x128x16xi32, #tpu.memory_space<vmem>>
      %gather3A_1778 = tpu.memref_squeeze %gather3A_1777 : memref<1x128x16xi32, #tpu.memory_space<vmem>> -> memref<128x16xi32, #tpu.memory_space<vmem>>
      %gather3A_1779 = tpu.vector_load_idx %gather3A_1778[%add3A_26, %broadcast_in_dim3A_1690] : memref<128x16xi32, #tpu.memory_space<vmem>>[vector<16xi32>, vector<16xi32>], vector<16xi32>,
      %swap3A_1780 = arith.constant 3 : i32
      %swap3A_1781 = arith.constant 2 : i32
      %swap3A_1782 = arith.index_cast %select_n3A_316 : i32 to index
      %swap3A_1783 = arith.index_cast %swap3A_1780 : i32 to index
      %swap3A_1784 = arith.index_cast %swap3A_1781 : i32 to index
      %swap3A_1785 = arith.constant 112 : index
      %swap3A_1786 = tpu.vector_load %arg8[%swap3A_1782, %swap3A_1783, %swap3A_1784, %swap3A_1785] {strides = array<i32>} : memref<2x4x4x128xi32, #tpu.memory_space<vmem>>, vector<16xi32>,
      tpu.vector_store %arg8[%swap3A_1782, %swap3A_1783, %swap3A_1784, %swap3A_1785], %gather3A_1779 {strides = array<i32>} : memref<2x4x4x128xi32, #tpu.memory_space<vmem>>, vector<16xi32>,
      %broadcast_in_dim3A_1787 = arith.constant 15 : i32
      %broadcast_in_dim3A_1788 = vector.broadcast %broadcast_in_dim3A_1787 : i32 to vector<16xi32>
      %gather3A_1789 = arith.constant 0 : i32
      %gather3A_1790 = arith.constant 0 : i32
      %gather3A_1791 = tpu.memref_slice %arg7[%select_n3A_316, %gather3A_1789, %gather3A_1790] : memref<2x128x16xi32, #tpu.memory_space<vmem>> -> memref<1x128x16xi32, #tpu.memory_space<vmem>>
      %gather3A_1792 = tpu.memref_squeeze %gather3A_1791 : memref<1x128x16xi32, #tpu.memory_space<vmem>> -> memref<128x16xi32, #tpu.memory_space<vmem>>
      %gather3A_1793 = tpu.vector_load_idx %gather3A_1792[%add3A_5, %broadcast_in_dim3A_1788] : memref<128x16xi32, #tpu.memory_space<vmem>>[vector<16xi32>, vector<16xi32>], vector<16xi32>,
      %swap3A_1794 = arith.constant 3 : i32
      %swap3A_1795 = arith.constant 3 : i32
      %swap3A_1796 = arith.index_cast %select_n3A_316 : i32 to index
      %swap3A_1797 = arith.index_cast %swap3A_1794 : i32 to index
      %swap3A_1798 = arith.index_cast %swap3A_1795 : i32 to index
      %swap3A_1799 = arith.constant 0 : index
      %swap3A_1800 = tpu.vector_load %arg8[%swap3A_1796, %swap3A_1797, %swap3A_1798, %swap3A_1799] {strides = array<i32>} : memref<2x4x4x128xi32, #tpu.memory_space<vmem>>, vector<16xi32>,
      tpu.vector_store %arg8[%swap3A_1796, %swap3A_1797, %swap3A_1798, %swap3A_1799], %gather3A_1793 {strides = array<i32>} : memref<2x4x4x128xi32, #tpu.memory_space<vmem>>, vector<16xi32>,
      %gather3A_1801 = arith.constant 0 : i32
      %gather3A_1802 = arith.constant 0 : i32
      %gather3A_1803 = tpu.memref_slice %arg7[%select_n3A_316, %gather3A_1801, %gather3A_1802] : memref<2x128x16xi32, #tpu.memory_space<vmem>> -> memref<1x128x16xi32, #tpu.memory_space<vmem>>
      %gather3A_1804 = tpu.memref_squeeze %gather3A_1803 : memref<1x128x16xi32, #tpu.memory_space<vmem>> -> memref<128x16xi32, #tpu.memory_space<vmem>>
      %gather3A_1805 = tpu.vector_load_idx %gather3A_1804[%add3A_8, %broadcast_in_dim3A_1788] : memref<128x16xi32, #tpu.memory_space<vmem>>[vector<16xi32>, vector<16xi32>], vector<16xi32>,
      %swap3A_1806 = arith.constant 3 : i32
      %swap3A_1807 = arith.constant 3 : i32
      %swap3A_1808 = arith.index_cast %select_n3A_316 : i32 to index
      %swap3A_1809 = arith.index_cast %swap3A_1806 : i32 to index
      %swap3A_1810 = arith.index_cast %swap3A_1807 : i32 to index
      %swap3A_1811 = arith.constant 16 : index
      %swap3A_1812 = tpu.vector_load %arg8[%swap3A_1808, %swap3A_1809, %swap3A_1810, %swap3A_1811] {strides = array<i32>} : memref<2x4x4x128xi32, #tpu.memory_space<vmem>>, vector<16xi32>,
      tpu.vector_store %arg8[%swap3A_1808, %swap3A_1809, %swap3A_1810, %swap3A_1811], %gather3A_1805 {strides = array<i32>} : memref<2x4x4x128xi32, #tpu.memory_space<vmem>>, vector<16xi32>,
      %gather3A_1813 = arith.constant 0 : i32
      %gather3A_1814 = arith.constant 0 : i32
      %gather3A_1815 = tpu.memref_slice %arg7[%select_n3A_316, %gather3A_1813, %gather3A_1814] : memref<2x128x16xi32, #tpu.memory_space<vmem>> -> memref<1x128x16xi32, #tpu.memory_space<vmem>>
      %gather3A_1816 = tpu.memref_squeeze %gather3A_1815 : memref<1x128x16xi32, #tpu.memory_space<vmem>> -> memref<128x16xi32, #tpu.memory_space<vmem>>
      %gather3A_1817 = tpu.vector_load_idx %gather3A_1816[%add3A_11, %broadcast_in_dim3A_1788] : memref<128x16xi32, #tpu.memory_space<vmem>>[vector<16xi32>, vector<16xi32>], vector<16xi32>,
      %swap3A_1818 = arith.constant 3 : i32
      %swap3A_1819 = arith.constant 3 : i32
      %swap3A_1820 = arith.index_cast %select_n3A_316 : i32 to index
      %swap3A_1821 = arith.index_cast %swap3A_1818 : i32 to index
      %swap3A_1822 = arith.index_cast %swap3A_1819 : i32 to index
      %swap3A_1823 = arith.constant 32 : index
      %swap3A_1824 = tpu.vector_load %arg8[%swap3A_1820, %swap3A_1821, %swap3A_1822, %swap3A_1823] {strides = array<i32>} : memref<2x4x4x128xi32, #tpu.memory_space<vmem>>, vector<16xi32>,
      tpu.vector_store %arg8[%swap3A_1820, %swap3A_1821, %swap3A_1822, %swap3A_1823], %gather3A_1817 {strides = array<i32>} : memref<2x4x4x128xi32, #tpu.memory_space<vmem>>, vector<16xi32>,
      %gather3A_1825 = arith.constant 0 : i32
      %gather3A_1826 = arith.constant 0 : i32
      %gather3A_1827 = tpu.memref_slice %arg7[%select_n3A_316, %gather3A_1825, %gather3A_1826] : memref<2x128x16xi32, #tpu.memory_space<vmem>> -> memref<1x128x16xi32, #tpu.memory_space<vmem>>
      %gather3A_1828 = tpu.memref_squeeze %gather3A_1827 : memref<1x128x16xi32, #tpu.memory_space<vmem>> -> memref<128x16xi32, #tpu.memory_space<vmem>>
      %gather3A_1829 = tpu.vector_load_idx %gather3A_1828[%add3A_14, %broadcast_in_dim3A_1788] : memref<128x16xi32, #tpu.memory_space<vmem>>[vector<16xi32>, vector<16xi32>], vector<16xi32>,
      %swap3A_1830 = arith.constant 3 : i32
      %swap3A_1831 = arith.constant 3 : i32
      %swap3A_1832 = arith.index_cast %select_n3A_316 : i32 to index
      %swap3A_1833 = arith.index_cast %swap3A_1830 : i32 to index
      %swap3A_1834 = arith.index_cast %swap3A_1831 : i32 to index
      %swap3A_1835 = arith.constant 48 : index
      %swap3A_1836 = tpu.vector_load %arg8[%swap3A_1832, %swap3A_1833, %swap3A_1834, %swap3A_1835] {strides = array<i32>} : memref<2x4x4x128xi32, #tpu.memory_space<vmem>>, vector<16xi32>,
      tpu.vector_store %arg8[%swap3A_1832, %swap3A_1833, %swap3A_1834, %swap3A_1835], %gather3A_1829 {strides = array<i32>} : memref<2x4x4x128xi32, #tpu.memory_space<vmem>>, vector<16xi32>,
      %gather3A_1837 = arith.constant 0 : i32
      %gather3A_1838 = arith.constant 0 : i32
      %gather3A_1839 = tpu.memref_slice %arg7[%select_n3A_316, %gather3A_1837, %gather3A_1838] : memref<2x128x16xi32, #tpu.memory_space<vmem>> -> memref<1x128x16xi32, #tpu.memory_space<vmem>>
      %gather3A_1840 = tpu.memref_squeeze %gather3A_1839 : memref<1x128x16xi32, #tpu.memory_space<vmem>> -> memref<128x16xi32, #tpu.memory_space<vmem>>
      %gather3A_1841 = tpu.vector_load_idx %gather3A_1840[%add3A_17, %broadcast_in_dim3A_1788] : memref<128x16xi32, #tpu.memory_space<vmem>>[vector<16xi32>, vector<16xi32>], vector<16xi32>,
      %swap3A_1842 = arith.constant 3 : i32
      %swap3A_1843 = arith.constant 3 : i32
      %swap3A_1844 = arith.index_cast %select_n3A_316 : i32 to index
      %swap3A_1845 = arith.index_cast %swap3A_1842 : i32 to index
      %swap3A_1846 = arith.index_cast %swap3A_1843 : i32 to index
      %swap3A_1847 = arith.constant 64 : index
      %swap3A_1848 = tpu.vector_load %arg8[%swap3A_1844, %swap3A_1845, %swap3A_1846, %swap3A_1847] {strides = array<i32>} : memref<2x4x4x128xi32, #tpu.memory_space<vmem>>, vector<16xi32>,
      tpu.vector_store %arg8[%swap3A_1844, %swap3A_1845, %swap3A_1846, %swap3A_1847], %gather3A_1841 {strides = array<i32>} : memref<2x4x4x128xi32, #tpu.memory_space<vmem>>, vector<16xi32>,
      %gather3A_1849 = arith.constant 0 : i32
      %gather3A_1850 = arith.constant 0 : i32
      %gather3A_1851 = tpu.memref_slice %arg7[%select_n3A_316, %gather3A_1849, %gather3A_1850] : memref<2x128x16xi32, #tpu.memory_space<vmem>> -> memref<1x128x16xi32, #tpu.memory_space<vmem>>
      %gather3A_1852 = tpu.memref_squeeze %gather3A_1851 : memref<1x128x16xi32, #tpu.memory_space<vmem>> -> memref<128x16xi32, #tpu.memory_space<vmem>>
      %gather3A_1853 = tpu.vector_load_idx %gather3A_1852[%add3A_20, %broadcast_in_dim3A_1788] : memref<128x16xi32, #tpu.memory_space<vmem>>[vector<16xi32>, vector<16xi32>], vector<16xi32>,
      %swap3A_1854 = arith.constant 3 : i32
      %swap3A_1855 = arith.constant 3 : i32
      %swap3A_1856 = arith.index_cast %select_n3A_316 : i32 to index
      %swap3A_1857 = arith.index_cast %swap3A_1854 : i32 to index
      %swap3A_1858 = arith.index_cast %swap3A_1855 : i32 to index
      %swap3A_1859 = arith.constant 80 : index
      %swap3A_1860 = tpu.vector_load %arg8[%swap3A_1856, %swap3A_1857, %swap3A_1858, %swap3A_1859] {strides = array<i32>} : memref<2x4x4x128xi32, #tpu.memory_space<vmem>>, vector<16xi32>,
      tpu.vector_store %arg8[%swap3A_1856, %swap3A_1857, %swap3A_1858, %swap3A_1859], %gather3A_1853 {strides = array<i32>} : memref<2x4x4x128xi32, #tpu.memory_space<vmem>>, vector<16xi32>,
      %gather3A_1861 = arith.constant 0 : i32
      %gather3A_1862 = arith.constant 0 : i32
      %gather3A_1863 = tpu.memref_slice %arg7[%select_n3A_316, %gather3A_1861, %gather3A_1862] : memref<2x128x16xi32, #tpu.memory_space<vmem>> -> memref<1x128x16xi32, #tpu.memory_space<vmem>>
      %gather3A_1864 = tpu.memref_squeeze %gather3A_1863 : memref<1x128x16xi32, #tpu.memory_space<vmem>> -> memref<128x16xi32, #tpu.memory_space<vmem>>
      %gather3A_1865 = tpu.vector_load_idx %gather3A_1864[%add3A_23, %broadcast_in_dim3A_1788] : memref<128x16xi32, #tpu.memory_space<vmem>>[vector<16xi32>, vector<16xi32>], vector<16xi32>,
      %swap3A_1866 = arith.constant 3 : i32
      %swap3A_1867 = arith.constant 3 : i32
      %swap3A_1868 = arith.index_cast %select_n3A_316 : i32 to index
      %swap3A_1869 = arith.index_cast %swap3A_1866 : i32 to index
      %swap3A_1870 = arith.index_cast %swap3A_1867 : i32 to index
      %swap3A_1871 = arith.constant 96 : index
      %swap3A_1872 = tpu.vector_load %arg8[%swap3A_1868, %swap3A_1869, %swap3A_1870, %swap3A_1871] {strides = array<i32>} : memref<2x4x4x128xi32, #tpu.memory_space<vmem>>, vector<16xi32>,
      tpu.vector_store %arg8[%swap3A_1868, %swap3A_1869, %swap3A_1870, %swap3A_1871], %gather3A_1865 {strides = array<i32>} : memref<2x4x4x128xi32, #tpu.memory_space<vmem>>, vector<16xi32>,
      %gather3A_1873 = arith.constant 0 : i32
      %gather3A_1874 = arith.constant 0 : i32
      %gather3A_1875 = tpu.memref_slice %arg7[%select_n3A_316, %gather3A_1873, %gather3A_1874] : memref<2x128x16xi32, #tpu.memory_space<vmem>> -> memref<1x128x16xi32, #tpu.memory_space<vmem>>
      %gather3A_1876 = tpu.memref_squeeze %gather3A_1875 : memref<1x128x16xi32, #tpu.memory_space<vmem>> -> memref<128x16xi32, #tpu.memory_space<vmem>>
      %gather3A_1877 = tpu.vector_load_idx %gather3A_1876[%add3A_26, %broadcast_in_dim3A_1788] : memref<128x16xi32, #tpu.memory_space<vmem>>[vector<16xi32>, vector<16xi32>], vector<16xi32>,
      %swap3A_1878 = arith.constant 3 : i32
      %swap3A_1879 = arith.constant 3 : i32
      %swap3A_1880 = arith.index_cast %select_n3A_316 : i32 to index
      %swap3A_1881 = arith.index_cast %swap3A_1878 : i32 to index
      %swap3A_1882 = arith.index_cast %swap3A_1879 : i32 to index
      %swap3A_1883 = arith.constant 112 : index
      %swap3A_1884 = tpu.vector_load %arg8[%swap3A_1880, %swap3A_1881, %swap3A_1882, %swap3A_1883] {strides = array<i32>} : memref<2x4x4x128xi32, #tpu.memory_space<vmem>>, vector<16xi32>,
      tpu.vector_store %arg8[%swap3A_1880, %swap3A_1881, %swap3A_1882, %swap3A_1883], %gather3A_1877 {strides = array<i32>} : memref<2x4x4x128xi32, #tpu.memory_space<vmem>>, vector<16xi32>,
      %jit3A_1885 = arith.constant 2 : i32
      %eq3A_1886 = arith.constant 0 : i32
      %eq3A_1887 = arith.cmpi eq, %jit3A_1885, %eq3A_1886 : i32
      %jit3A_1888 = arith.constant 1 : i32
      %select_n3A_1889 = arith.select %eq3A_1887, %jit3A_1888, %jit3A_1885 : i32
      %rem3A_1890 = arith.remsi %scan3A_269, %select_n3A_1889 : i32
      %ne3A_1891 = arith.constant 0 : i32
      %ne3A_1892 = arith.cmpi ne, %rem3A_1890, %ne3A_1891 : i32
      %lt3A_1893 = arith.constant 0 : i32
      %lt3A_1894 = arith.cmpi slt, %rem3A_1890, %lt3A_1893 : i32
      %lt3A_1895 = arith.constant 0 : i32
      %lt3A_1896 = arith.cmpi slt, %select_n3A_1889, %lt3A_1895 : i32
      %ne3A_1897 = arith.xori %lt3A_1894, %lt3A_1896 : i1
      %and3A_1898 = arith.andi %ne3A_1897, %ne3A_1892 : i1
      %add3A_1899 = arith.addi %rem3A_1890, %select_n3A_1889 : i32
      %select_n3A_1900 = arith.select %and3A_1898, %add3A_1899, %rem3A_1890 : i32
      %dma_start3A_1901 = arith.constant 0 : i32
      %dma_start3A_1902 = arith.constant 0 : i32
      %dma_start3A_1903 = arith.constant 0 : i32
      %dma_start3A_1904 = arith.constant 0 : i32
      %dma_start3A_1905 = tpu.memref_slice %arg8[%select_n3A_1900, %dma_start3A_1901, %dma_start3A_1903, %dma_start3A_1904] : memref<2x4x4x128xi32, #tpu.memory_space<vmem>> -> memref<1x1x4x128xi32, #tpu.memory_space<vmem>>
      %dma_start3A_1906 = tpu.memref_squeeze %dma_start3A_1905 : memref<1x1x4x128xi32, #tpu.memory_space<vmem>> -> memref<4x128xi32, #tpu.memory_space<vmem>>
      %dma_start3A_1907 = arith.constant 0 : i32
      %dma_start3A_1908 = arith.constant 0 : i32
      %dma_start3A_1909 = tpu.memref_slice %arg4[%scan3A_269, %dma_start3A_1902, %add3A, %dma_start3A_1907, %dma_start3A_1908] : memref<200x4x32x4x128xi32, #tpu.memory_space<hbm>> -> memref<1x1x1x4x128xi32, #tpu.memory_space<hbm>>
      %dma_start3A_1910 = tpu.memref_squeeze %dma_start3A_1909 : memref<1x1x1x4x128xi32, #tpu.memory_space<hbm>> -> memref<4x128xi32, #tpu.memory_space<hbm>>
      %dma_start3A_1911 = tpu.memref_slice %arg10[%select_n3A_1900] : memref<2x!tpu.dma_semaphore, #tpu.memory_space<semaphore_mem>> -> memref<1x!tpu.dma_semaphore, #tpu.memory_space<semaphore_mem>>
      %dma_start3A_1912 = tpu.memref_squeeze %dma_start3A_1911 : memref<1x!tpu.dma_semaphore, #tpu.memory_space<semaphore_mem>> -> memref<!tpu.dma_semaphore, #tpu.memory_space<semaphore_mem>>
      %dma_start3A_1913 = arith.constant 0 : i32
      %dma_start3A_1914 = arith.constant 0 : i32
      %dma_start3A_1915 = tpu.memref_slice %arg4[%scan3A_269, %dma_start3A_1902, %add3A, %dma_start3A_1913, %dma_start3A_1914] : memref<200x4x32x4x128xi32, #tpu.memory_space<hbm>> -> memref<1x1x1x4x128xi32, #tpu.memory_space<hbm>>
      %dma_start3A_1916 = tpu.memref_squeeze %dma_start3A_1915 : memref<1x1x1x4x128xi32, #tpu.memory_space<hbm>> -> memref<4x128xi32, #tpu.memory_space<hbm>>
      %dma_start3A_1917 = arith.constant 0 : i32
      %dma_start3A_1918 = arith.constant 0 : i32
      %dma_start3A_1919 = tpu.memref_slice %arg8[%select_n3A_1900, %dma_start3A_1901, %dma_start3A_1917, %dma_start3A_1918] : memref<2x4x4x128xi32, #tpu.memory_space<vmem>> -> memref<1x1x4x128xi32, #tpu.memory_space<vmem>>
      %dma_start3A_1920 = tpu.memref_squeeze %dma_start3A_1919 : memref<1x1x4x128xi32, #tpu.memory_space<vmem>> -> memref<4x128xi32, #tpu.memory_space<vmem>>
      tpu.enqueue_dma source(%dma_start3A_1920 : memref<4x128xi32, #tpu.memory_space<vmem>>) target(%dma_start3A_1916 : memref<4x128xi32, #tpu.memory_space<hbm>>) target_semaphore(%dma_start3A_1912 : memref<!tpu.dma_semaphore, #tpu.memory_space<semaphore_mem>>)
      %dma_start3A_1921 = arith.constant 1 : i32
      %dma_start3A_1922 = arith.constant 1 : i32
      %dma_start3A_1923 = arith.constant 0 : i32
      %dma_start3A_1924 = arith.constant 0 : i32
      %dma_start3A_1925 = tpu.memref_slice %arg8[%select_n3A_1900, %dma_start3A_1921, %dma_start3A_1923, %dma_start3A_1924] : memref<2x4x4x128xi32, #tpu.memory_space<vmem>> -> memref<1x1x4x128xi32, #tpu.memory_space<vmem>>
      %dma_start3A_1926 = tpu.memref_squeeze %dma_start3A_1925 : memref<1x1x4x128xi32, #tpu.memory_space<vmem>> -> memref<4x128xi32, #tpu.memory_space<vmem>>
      %dma_start3A_1927 = arith.constant 0 : i32
      %dma_start3A_1928 = arith.constant 0 : i32
      %dma_start3A_1929 = tpu.memref_slice %arg4[%scan3A_269, %dma_start3A_1922, %add3A, %dma_start3A_1927, %dma_start3A_1928] : memref<200x4x32x4x128xi32, #tpu.memory_space<hbm>> -> memref<1x1x1x4x128xi32, #tpu.memory_space<hbm>>
      %dma_start3A_1930 = tpu.memref_squeeze %dma_start3A_1929 : memref<1x1x1x4x128xi32, #tpu.memory_space<hbm>> -> memref<4x128xi32, #tpu.memory_space<hbm>>
      %dma_start3A_1931 = tpu.memref_slice %arg10[%select_n3A_1900] : memref<2x!tpu.dma_semaphore, #tpu.memory_space<semaphore_mem>> -> memref<1x!tpu.dma_semaphore, #tpu.memory_space<semaphore_mem>>
      %dma_start3A_1932 = tpu.memref_squeeze %dma_start3A_1931 : memref<1x!tpu.dma_semaphore, #tpu.memory_space<semaphore_mem>> -> memref<!tpu.dma_semaphore, #tpu.memory_space<semaphore_mem>>
      %dma_start3A_1933 = arith.constant 0 : i32
      %dma_start3A_1934 = arith.constant 0 : i32
      %dma_start3A_1935 = tpu.memref_slice %arg4[%scan3A_269, %dma_start3A_1922, %add3A, %dma_start3A_1933, %dma_start3A_1934] : memref<200x4x32x4x128xi32, #tpu.memory_space<hbm>> -> memref<1x1x1x4x128xi32, #tpu.memory_space<hbm>>
      %dma_start3A_1936 = tpu.memref_squeeze %dma_start3A_1935 : memref<1x1x1x4x128xi32, #tpu.memory_space<hbm>> -> memref<4x128xi32, #tpu.memory_space<hbm>>
      %dma_start3A_1937 = arith.constant 0 : i32
      %dma_start3A_1938 = arith.constant 0 : i32
      %dma_start3A_1939 = tpu.memref_slice %arg8[%select_n3A_1900, %dma_start3A_1921, %dma_start3A_1937, %dma_start3A_1938] : memref<2x4x4x128xi32, #tpu.memory_space<vmem>> -> memref<1x1x4x128xi32, #tpu.memory_space<vmem>>
      %dma_start3A_1940 = tpu.memref_squeeze %dma_start3A_1939 : memref<1x1x4x128xi32, #tpu.memory_space<vmem>> -> memref<4x128xi32, #tpu.memory_space<vmem>>
      tpu.enqueue_dma source(%dma_start3A_1940 : memref<4x128xi32, #tpu.memory_space<vmem>>) target(%dma_start3A_1936 : memref<4x128xi32, #tpu.memory_space<hbm>>) target_semaphore(%dma_start3A_1932 : memref<!tpu.dma_semaphore, #tpu.memory_space<semaphore_mem>>)
      %dma_start3A_1941 = arith.constant 2 : i32
      %dma_start3A_1942 = arith.constant 2 : i32
      %dma_start3A_1943 = arith.constant 0 : i32
      %dma_start3A_1944 = arith.constant 0 : i32
      %dma_start3A_1945 = tpu.memref_slice %arg8[%select_n3A_1900, %dma_start3A_1941, %dma_start3A_1943, %dma_start3A_1944] : memref<2x4x4x128xi32, #tpu.memory_space<vmem>> -> memref<1x1x4x128xi32, #tpu.memory_space<vmem>>
      %dma_start3A_1946 = tpu.memref_squeeze %dma_start3A_1945 : memref<1x1x4x128xi32, #tpu.memory_space<vmem>> -> memref<4x128xi32, #tpu.memory_space<vmem>>
      %dma_start3A_1947 = arith.constant 0 : i32
      %dma_start3A_1948 = arith.constant 0 : i32
      %dma_start3A_1949 = tpu.memref_slice %arg4[%scan3A_269, %dma_start3A_1942, %add3A, %dma_start3A_1947, %dma_start3A_1948] : memref<200x4x32x4x128xi32, #tpu.memory_space<hbm>> -> memref<1x1x1x4x128xi32, #tpu.memory_space<hbm>>
      %dma_start3A_1950 = tpu.memref_squeeze %dma_start3A_1949 : memref<1x1x1x4x128xi32, #tpu.memory_space<hbm>> -> memref<4x128xi32, #tpu.memory_space<hbm>>
      %dma_start3A_1951 = tpu.memref_slice %arg10[%select_n3A_1900] : memref<2x!tpu.dma_semaphore, #tpu.memory_space<semaphore_mem>> -> memref<1x!tpu.dma_semaphore, #tpu.memory_space<semaphore_mem>>
      %dma_start3A_1952 = tpu.memref_squeeze %dma_start3A_1951 : memref<1x!tpu.dma_semaphore, #tpu.memory_space<semaphore_mem>> -> memref<!tpu.dma_semaphore, #tpu.memory_space<semaphore_mem>>
      %dma_start3A_1953 = arith.constant 0 : i32
      %dma_start3A_1954 = arith.constant 0 : i32
      %dma_start3A_1955 = tpu.memref_slice %arg4[%scan3A_269, %dma_start3A_1942, %add3A, %dma_start3A_1953, %dma_start3A_1954] : memref<200x4x32x4x128xi32, #tpu.memory_space<hbm>> -> memref<1x1x1x4x128xi32, #tpu.memory_space<hbm>>
      %dma_start3A_1956 = tpu.memref_squeeze %dma_start3A_1955 : memref<1x1x1x4x128xi32, #tpu.memory_space<hbm>> -> memref<4x128xi32, #tpu.memory_space<hbm>>
      %dma_start3A_1957 = arith.constant 0 : i32
      %dma_start3A_1958 = arith.constant 0 : i32
      %dma_start3A_1959 = tpu.memref_slice %arg8[%select_n3A_1900, %dma_start3A_1941, %dma_start3A_1957, %dma_start3A_1958] : memref<2x4x4x128xi32, #tpu.memory_space<vmem>> -> memref<1x1x4x128xi32, #tpu.memory_space<vmem>>
      %dma_start3A_1960 = tpu.memref_squeeze %dma_start3A_1959 : memref<1x1x4x128xi32, #tpu.memory_space<vmem>> -> memref<4x128xi32, #tpu.memory_space<vmem>>
      tpu.enqueue_dma source(%dma_start3A_1960 : memref<4x128xi32, #tpu.memory_space<vmem>>) target(%dma_start3A_1956 : memref<4x128xi32, #tpu.memory_space<hbm>>) target_semaphore(%dma_start3A_1952 : memref<!tpu.dma_semaphore, #tpu.memory_space<semaphore_mem>>)
      %dma_start3A_1961 = arith.constant 3 : i32
      %dma_start3A_1962 = arith.constant 3 : i32
      %dma_start3A_1963 = arith.constant 0 : i32
      %dma_start3A_1964 = arith.constant 0 : i32
      %dma_start3A_1965 = tpu.memref_slice %arg8[%select_n3A_1900, %dma_start3A_1961, %dma_start3A_1963, %dma_start3A_1964] : memref<2x4x4x128xi32, #tpu.memory_space<vmem>> -> memref<1x1x4x128xi32, #tpu.memory_space<vmem>>
      %dma_start3A_1966 = tpu.memref_squeeze %dma_start3A_1965 : memref<1x1x4x128xi32, #tpu.memory_space<vmem>> -> memref<4x128xi32, #tpu.memory_space<vmem>>
      %dma_start3A_1967 = arith.constant 0 : i32
      %dma_start3A_1968 = arith.constant 0 : i32
      %dma_start3A_1969 = tpu.memref_slice %arg4[%scan3A_269, %dma_start3A_1962, %add3A, %dma_start3A_1967, %dma_start3A_1968] : memref<200x4x32x4x128xi32, #tpu.memory_space<hbm>> -> memref<1x1x1x4x128xi32, #tpu.memory_space<hbm>>
      %dma_start3A_1970 = tpu.memref_squeeze %dma_start3A_1969 : memref<1x1x1x4x128xi32, #tpu.memory_space<hbm>> -> memref<4x128xi32, #tpu.memory_space<hbm>>
      %dma_start3A_1971 = tpu.memref_slice %arg10[%select_n3A_1900] : memref<2x!tpu.dma_semaphore, #tpu.memory_space<semaphore_mem>> -> memref<1x!tpu.dma_semaphore, #tpu.memory_space<semaphore_mem>>
      %dma_start3A_1972 = tpu.memref_squeeze %dma_start3A_1971 : memref<1x!tpu.dma_semaphore, #tpu.memory_space<semaphore_mem>> -> memref<!tpu.dma_semaphore, #tpu.memory_space<semaphore_mem>>
      %dma_start3A_1973 = arith.constant 0 : i32
      %dma_start3A_1974 = arith.constant 0 : i32
      %dma_start3A_1975 = tpu.memref_slice %arg4[%scan3A_269, %dma_start3A_1962, %add3A, %dma_start3A_1973, %dma_start3A_1974] : memref<200x4x32x4x128xi32, #tpu.memory_space<hbm>> -> memref<1x1x1x4x128xi32, #tpu.memory_space<hbm>>
      %dma_start3A_1976 = tpu.memref_squeeze %dma_start3A_1975 : memref<1x1x1x4x128xi32, #tpu.memory_space<hbm>> -> memref<4x128xi32, #tpu.memory_space<hbm>>
      %dma_start3A_1977 = arith.constant 0 : i32
      %dma_start3A_1978 = arith.constant 0 : i32
      %dma_start3A_1979 = tpu.memref_slice %arg8[%select_n3A_1900, %dma_start3A_1961, %dma_start3A_1977, %dma_start3A_1978] : memref<2x4x4x128xi32, #tpu.memory_space<vmem>> -> memref<1x1x4x128xi32, #tpu.memory_space<vmem>>
      %dma_start3A_1980 = tpu.memref_squeeze %dma_start3A_1979 : memref<1x1x4x128xi32, #tpu.memory_space<vmem>> -> memref<4x128xi32, #tpu.memory_space<vmem>>
      tpu.enqueue_dma source(%dma_start3A_1980 : memref<4x128xi32, #tpu.memory_space<vmem>>) target(%dma_start3A_1976 : memref<4x128xi32, #tpu.memory_space<hbm>>) target_semaphore(%dma_start3A_1972 : memref<!tpu.dma_semaphore, #tpu.memory_space<semaphore_mem>>)
      %scan3A_1981 = arith.constant 0 : i32
      scf.yield %scan3A_1981 : i32
    }
    %scan3A_85 = arith.constant 200 : i32
    %dma_wait3A = arith.constant 0 : i32
    %dma_wait3A_86 = arith.constant 0 : i32
    %dma_wait3A_87 = arith.constant 198 : i32
    %dma_wait3A_88 = arith.constant 0 : i32
    %dma_wait3A_89 = arith.constant 0 : i32
    %dma_wait3A_90 = arith.constant 0 : i32
    %dma_wait3A_91 = arith.constant 0 : i32
    %dma_wait3A_92 = tpu.memref_slice %arg8[%dma_wait3A, %dma_wait3A_86, %dma_wait3A_90, %dma_wait3A_91] : memref<2x4x4x128xi32, #tpu.memory_space<vmem>> -> memref<1x1x4x128xi32, #tpu.memory_space<vmem>>
    %dma_wait3A_93 = tpu.memref_squeeze %dma_wait3A_92 : memref<1x1x4x128xi32, #tpu.memory_space<vmem>> -> memref<4x128xi32, #tpu.memory_space<vmem>>
    %dma_wait3A_94 = arith.constant 0 : i32
    %dma_wait3A_95 = arith.constant 0 : i32
    %dma_wait3A_96 = tpu.memref_slice %arg4[%dma_wait3A_87, %dma_wait3A_88, %add3A, %dma_wait3A_94, %dma_wait3A_95] : memref<200x4x32x4x128xi32, #tpu.memory_space<hbm>> -> memref<1x1x1x4x128xi32, #tpu.memory_space<hbm>>
    %dma_wait3A_97 = tpu.memref_squeeze %dma_wait3A_96 : memref<1x1x1x4x128xi32, #tpu.memory_space<hbm>> -> memref<4x128xi32, #tpu.memory_space<hbm>>
    %dma_wait3A_98 = tpu.memref_slice %arg10[%dma_wait3A_89] : memref<2x!tpu.dma_semaphore, #tpu.memory_space<semaphore_mem>> -> memref<1x!tpu.dma_semaphore, #tpu.memory_space<semaphore_mem>>
    %dma_wait3A_99 = tpu.memref_squeeze %dma_wait3A_98 : memref<1x!tpu.dma_semaphore, #tpu.memory_space<semaphore_mem>> -> memref<!tpu.dma_semaphore, #tpu.memory_space<semaphore_mem>>
    %dma_wait3A_100 = arith.constant 0 : i32
    %dma_wait3A_101 = arith.constant 0 : i32
    %dma_wait3A_102 = tpu.memref_slice %arg4[%dma_wait3A_87, %dma_wait3A_88, %add3A, %dma_wait3A_100, %dma_wait3A_101] : memref<200x4x32x4x128xi32, #tpu.memory_space<hbm>> -> memref<1x1x1x4x128xi32, #tpu.memory_space<hbm>>
    %dma_wait3A_103 = tpu.memref_squeeze %dma_wait3A_102 : memref<1x1x1x4x128xi32, #tpu.memory_space<hbm>> -> memref<4x128xi32, #tpu.memory_space<hbm>>
    %dma_wait3A_104 = arith.constant 0 : i32
    %dma_wait3A_105 = arith.constant 0 : i32
    %dma_wait3A_106 = tpu.memref_slice %arg8[%dma_wait3A, %dma_wait3A_86, %dma_wait3A_104, %dma_wait3A_105] : memref<2x4x4x128xi32, #tpu.memory_space<vmem>> -> memref<1x1x4x128xi32, #tpu.memory_space<vmem>>
    %dma_wait3A_107 = tpu.memref_squeeze %dma_wait3A_106 : memref<1x1x4x128xi32, #tpu.memory_space<vmem>> -> memref<4x128xi32, #tpu.memory_space<vmem>>
    tpu.wait_dma2 semaphore(%dma_wait3A_99 : memref<!tpu.dma_semaphore, #tpu.memory_space<semaphore_mem>>) src(%dma_wait3A_107 : memref<4x128xi32, #tpu.memory_space<vmem>>) dst(%dma_wait3A_103 : memref<4x128xi32, #tpu.memory_space<hbm>>)
    %dma_wait3A_108 = arith.constant 0 : i32
    %dma_wait3A_109 = arith.constant 1 : i32
    %dma_wait3A_110 = arith.constant 198 : i32
    %dma_wait3A_111 = arith.constant 1 : i32
    %dma_wait3A_112 = arith.constant 0 : i32
    %dma_wait3A_113 = arith.constant 0 : i32
    %dma_wait3A_114 = arith.constant 0 : i32
    %dma_wait3A_115 = tpu.memref_slice %arg8[%dma_wait3A_108, %dma_wait3A_109, %dma_wait3A_113, %dma_wait3A_114] : memref<2x4x4x128xi32, #tpu.memory_space<vmem>> -> memref<1x1x4x128xi32, #tpu.memory_space<vmem>>
    %dma_wait3A_116 = tpu.memref_squeeze %dma_wait3A_115 : memref<1x1x4x128xi32, #tpu.memory_space<vmem>> -> memref<4x128xi32, #tpu.memory_space<vmem>>
    %dma_wait3A_117 = arith.constant 0 : i32
    %dma_wait3A_118 = arith.constant 0 : i32
    %dma_wait3A_119 = tpu.memref_slice %arg4[%dma_wait3A_110, %dma_wait3A_111, %add3A, %dma_wait3A_117, %dma_wait3A_118] : memref<200x4x32x4x128xi32, #tpu.memory_space<hbm>> -> memref<1x1x1x4x128xi32, #tpu.memory_space<hbm>>
    %dma_wait3A_120 = tpu.memref_squeeze %dma_wait3A_119 : memref<1x1x1x4x128xi32, #tpu.memory_space<hbm>> -> memref<4x128xi32, #tpu.memory_space<hbm>>
    %dma_wait3A_121 = tpu.memref_slice %arg10[%dma_wait3A_112] : memref<2x!tpu.dma_semaphore, #tpu.memory_space<semaphore_mem>> -> memref<1x!tpu.dma_semaphore, #tpu.memory_space<semaphore_mem>>
    %dma_wait3A_122 = tpu.memref_squeeze %dma_wait3A_121 : memref<1x!tpu.dma_semaphore, #tpu.memory_space<semaphore_mem>> -> memref<!tpu.dma_semaphore, #tpu.memory_space<semaphore_mem>>
    %dma_wait3A_123 = arith.constant 0 : i32
    %dma_wait3A_124 = arith.constant 0 : i32
    %dma_wait3A_125 = tpu.memref_slice %arg4[%dma_wait3A_110, %dma_wait3A_111, %add3A, %dma_wait3A_123, %dma_wait3A_124] : memref<200x4x32x4x128xi32, #tpu.memory_space<hbm>> -> memref<1x1x1x4x128xi32, #tpu.memory_space<hbm>>
    %dma_wait3A_126 = tpu.memref_squeeze %dma_wait3A_125 : memref<1x1x1x4x128xi32, #tpu.memory_space<hbm>> -> memref<4x128xi32, #tpu.memory_space<hbm>>
    %dma_wait3A_127 = arith.constant 0 : i32
    %dma_wait3A_128 = arith.constant 0 : i32
    %dma_wait3A_129 = tpu.memref_slice %arg8[%dma_wait3A_108, %dma_wait3A_109, %dma_wait3A_127, %dma_wait3A_128] : memref<2x4x4x128xi32, #tpu.memory_space<vmem>> -> memref<1x1x4x128xi32, #tpu.memory_space<vmem>>
    %dma_wait3A_130 = tpu.memref_squeeze %dma_wait3A_129 : memref<1x1x4x128xi32, #tpu.memory_space<vmem>> -> memref<4x128xi32, #tpu.memory_space<vmem>>
    tpu.wait_dma2 semaphore(%dma_wait3A_122 : memref<!tpu.dma_semaphore, #tpu.memory_space<semaphore_mem>>) src(%dma_wait3A_130 : memref<4x128xi32, #tpu.memory_space<vmem>>) dst(%dma_wait3A_126 : memref<4x128xi32, #tpu.memory_space<hbm>>)
    %dma_wait3A_131 = arith.constant 0 : i32
    %dma_wait3A_132 = arith.constant 2 : i32
    %dma_wait3A_133 = arith.constant 198 : i32
    %dma_wait3A_134 = arith.constant 2 : i32
    %dma_wait3A_135 = arith.constant 0 : i32
    %dma_wait3A_136 = arith.constant 0 : i32
    %dma_wait3A_137 = arith.constant 0 : i32
    %dma_wait3A_138 = tpu.memref_slice %arg8[%dma_wait3A_131, %dma_wait3A_132, %dma_wait3A_136, %dma_wait3A_137] : memref<2x4x4x128xi32, #tpu.memory_space<vmem>> -> memref<1x1x4x128xi32, #tpu.memory_space<vmem>>
    %dma_wait3A_139 = tpu.memref_squeeze %dma_wait3A_138 : memref<1x1x4x128xi32, #tpu.memory_space<vmem>> -> memref<4x128xi32, #tpu.memory_space<vmem>>
    %dma_wait3A_140 = arith.constant 0 : i32
    %dma_wait3A_141 = arith.constant 0 : i32
    %dma_wait3A_142 = tpu.memref_slice %arg4[%dma_wait3A_133, %dma_wait3A_134, %add3A, %dma_wait3A_140, %dma_wait3A_141] : memref<200x4x32x4x128xi32, #tpu.memory_space<hbm>> -> memref<1x1x1x4x128xi32, #tpu.memory_space<hbm>>
    %dma_wait3A_143 = tpu.memref_squeeze %dma_wait3A_142 : memref<1x1x1x4x128xi32, #tpu.memory_space<hbm>> -> memref<4x128xi32, #tpu.memory_space<hbm>>
    %dma_wait3A_144 = tpu.memref_slice %arg10[%dma_wait3A_135] : memref<2x!tpu.dma_semaphore, #tpu.memory_space<semaphore_mem>> -> memref<1x!tpu.dma_semaphore, #tpu.memory_space<semaphore_mem>>
    %dma_wait3A_145 = tpu.memref_squeeze %dma_wait3A_144 : memref<1x!tpu.dma_semaphore, #tpu.memory_space<semaphore_mem>> -> memref<!tpu.dma_semaphore, #tpu.memory_space<semaphore_mem>>
    %dma_wait3A_146 = arith.constant 0 : i32
    %dma_wait3A_147 = arith.constant 0 : i32
    %dma_wait3A_148 = tpu.memref_slice %arg4[%dma_wait3A_133, %dma_wait3A_134, %add3A, %dma_wait3A_146, %dma_wait3A_147] : memref<200x4x32x4x128xi32, #tpu.memory_space<hbm>> -> memref<1x1x1x4x128xi32, #tpu.memory_space<hbm>>
    %dma_wait3A_149 = tpu.memref_squeeze %dma_wait3A_148 : memref<1x1x1x4x128xi32, #tpu.memory_space<hbm>> -> memref<4x128xi32, #tpu.memory_space<hbm>>
    %dma_wait3A_150 = arith.constant 0 : i32
    %dma_wait3A_151 = arith.constant 0 : i32
    %dma_wait3A_152 = tpu.memref_slice %arg8[%dma_wait3A_131, %dma_wait3A_132, %dma_wait3A_150, %dma_wait3A_151] : memref<2x4x4x128xi32, #tpu.memory_space<vmem>> -> memref<1x1x4x128xi32, #tpu.memory_space<vmem>>
    %dma_wait3A_153 = tpu.memref_squeeze %dma_wait3A_152 : memref<1x1x4x128xi32, #tpu.memory_space<vmem>> -> memref<4x128xi32, #tpu.memory_space<vmem>>
    tpu.wait_dma2 semaphore(%dma_wait3A_145 : memref<!tpu.dma_semaphore, #tpu.memory_space<semaphore_mem>>) src(%dma_wait3A_153 : memref<4x128xi32, #tpu.memory_space<vmem>>) dst(%dma_wait3A_149 : memref<4x128xi32, #tpu.memory_space<hbm>>)
    %dma_wait3A_154 = arith.constant 0 : i32
    %dma_wait3A_155 = arith.constant 3 : i32
    %dma_wait3A_156 = arith.constant 198 : i32
    %dma_wait3A_157 = arith.constant 3 : i32
    %dma_wait3A_158 = arith.constant 0 : i32
    %dma_wait3A_159 = arith.constant 0 : i32
    %dma_wait3A_160 = arith.constant 0 : i32
    %dma_wait3A_161 = tpu.memref_slice %arg8[%dma_wait3A_154, %dma_wait3A_155, %dma_wait3A_159, %dma_wait3A_160] : memref<2x4x4x128xi32, #tpu.memory_space<vmem>> -> memref<1x1x4x128xi32, #tpu.memory_space<vmem>>
    %dma_wait3A_162 = tpu.memref_squeeze %dma_wait3A_161 : memref<1x1x4x128xi32, #tpu.memory_space<vmem>> -> memref<4x128xi32, #tpu.memory_space<vmem>>
    %dma_wait3A_163 = arith.constant 0 : i32
    %dma_wait3A_164 = arith.constant 0 : i32
    %dma_wait3A_165 = tpu.memref_slice %arg4[%dma_wait3A_156, %dma_wait3A_157, %add3A, %dma_wait3A_163, %dma_wait3A_164] : memref<200x4x32x4x128xi32, #tpu.memory_space<hbm>> -> memref<1x1x1x4x128xi32, #tpu.memory_space<hbm>>
    %dma_wait3A_166 = tpu.memref_squeeze %dma_wait3A_165 : memref<1x1x1x4x128xi32, #tpu.memory_space<hbm>> -> memref<4x128xi32, #tpu.memory_space<hbm>>
    %dma_wait3A_167 = tpu.memref_slice %arg10[%dma_wait3A_158] : memref<2x!tpu.dma_semaphore, #tpu.memory_space<semaphore_mem>> -> memref<1x!tpu.dma_semaphore, #tpu.memory_space<semaphore_mem>>
    %dma_wait3A_168 = tpu.memref_squeeze %dma_wait3A_167 : memref<1x!tpu.dma_semaphore, #tpu.memory_space<semaphore_mem>> -> memref<!tpu.dma_semaphore, #tpu.memory_space<semaphore_mem>>
    %dma_wait3A_169 = arith.constant 0 : i32
    %dma_wait3A_170 = arith.constant 0 : i32
    %dma_wait3A_171 = tpu.memref_slice %arg4[%dma_wait3A_156, %dma_wait3A_157, %add3A, %dma_wait3A_169, %dma_wait3A_170] : memref<200x4x32x4x128xi32, #tpu.memory_space<hbm>> -> memref<1x1x1x4x128xi32, #tpu.memory_space<hbm>>
    %dma_wait3A_172 = tpu.memref_squeeze %dma_wait3A_171 : memref<1x1x1x4x128xi32, #tpu.memory_space<hbm>> -> memref<4x128xi32, #tpu.memory_space<hbm>>
    %dma_wait3A_173 = arith.constant 0 : i32
    %dma_wait3A_174 = arith.constant 0 : i32
    %dma_wait3A_175 = tpu.memref_slice %arg8[%dma_wait3A_154, %dma_wait3A_155, %dma_wait3A_173, %dma_wait3A_174] : memref<2x4x4x128xi32, #tpu.memory_space<vmem>> -> memref<1x1x4x128xi32, #tpu.memory_space<vmem>>
    %dma_wait3A_176 = tpu.memref_squeeze %dma_wait3A_175 : memref<1x1x4x128xi32, #tpu.memory_space<vmem>> -> memref<4x128xi32, #tpu.memory_space<vmem>>
    tpu.wait_dma2 semaphore(%dma_wait3A_168 : memref<!tpu.dma_semaphore, #tpu.memory_space<semaphore_mem>>) src(%dma_wait3A_176 : memref<4x128xi32, #tpu.memory_space<vmem>>) dst(%dma_wait3A_172 : memref<4x128xi32, #tpu.memory_space<hbm>>)
    %dma_wait3A_177 = arith.constant 1 : i32
    %dma_wait3A_178 = arith.constant 0 : i32
    %dma_wait3A_179 = arith.constant 199 : i32
    %dma_wait3A_180 = arith.constant 0 : i32
    %dma_wait3A_181 = arith.constant 1 : i32
    %dma_wait3A_182 = arith.constant 0 : i32
    %dma_wait3A_183 = arith.constant 0 : i32
    %dma_wait3A_184 = tpu.memref_slice %arg8[%dma_wait3A_177, %dma_wait3A_178, %dma_wait3A_182, %dma_wait3A_183] : memref<2x4x4x128xi32, #tpu.memory_space<vmem>> -> memref<1x1x4x128xi32, #tpu.memory_space<vmem>>
    %dma_wait3A_185 = tpu.memref_squeeze %dma_wait3A_184 : memref<1x1x4x128xi32, #tpu.memory_space<vmem>> -> memref<4x128xi32, #tpu.memory_space<vmem>>
    %dma_wait3A_186 = arith.constant 0 : i32
    %dma_wait3A_187 = arith.constant 0 : i32
    %dma_wait3A_188 = tpu.memref_slice %arg4[%dma_wait3A_179, %dma_wait3A_180, %add3A, %dma_wait3A_186, %dma_wait3A_187] : memref<200x4x32x4x128xi32, #tpu.memory_space<hbm>> -> memref<1x1x1x4x128xi32, #tpu.memory_space<hbm>>
    %dma_wait3A_189 = tpu.memref_squeeze %dma_wait3A_188 : memref<1x1x1x4x128xi32, #tpu.memory_space<hbm>> -> memref<4x128xi32, #tpu.memory_space<hbm>>
    %dma_wait3A_190 = tpu.memref_slice %arg10[%dma_wait3A_181] : memref<2x!tpu.dma_semaphore, #tpu.memory_space<semaphore_mem>> -> memref<1x!tpu.dma_semaphore, #tpu.memory_space<semaphore_mem>>
    %dma_wait3A_191 = tpu.memref_squeeze %dma_wait3A_190 : memref<1x!tpu.dma_semaphore, #tpu.memory_space<semaphore_mem>> -> memref<!tpu.dma_semaphore, #tpu.memory_space<semaphore_mem>>
    %dma_wait3A_192 = arith.constant 0 : i32
    %dma_wait3A_193 = arith.constant 0 : i32
    %dma_wait3A_194 = tpu.memref_slice %arg4[%dma_wait3A_179, %dma_wait3A_180, %add3A, %dma_wait3A_192, %dma_wait3A_193] : memref<200x4x32x4x128xi32, #tpu.memory_space<hbm>> -> memref<1x1x1x4x128xi32, #tpu.memory_space<hbm>>
    %dma_wait3A_195 = tpu.memref_squeeze %dma_wait3A_194 : memref<1x1x1x4x128xi32, #tpu.memory_space<hbm>> -> memref<4x128xi32, #tpu.memory_space<hbm>>
    %dma_wait3A_196 = arith.constant 0 : i32
    %dma_wait3A_197 = arith.constant 0 : i32
    %dma_wait3A_198 = tpu.memref_slice %arg8[%dma_wait3A_177, %dma_wait3A_178, %dma_wait3A_196, %dma_wait3A_197] : memref<2x4x4x128xi32, #tpu.memory_space<vmem>> -> memref<1x1x4x128xi32, #tpu.memory_space<vmem>>
    %dma_wait3A_199 = tpu.memref_squeeze %dma_wait3A_198 : memref<1x1x4x128xi32, #tpu.memory_space<vmem>> -> memref<4x128xi32, #tpu.memory_space<vmem>>
    tpu.wait_dma2 semaphore(%dma_wait3A_191 : memref<!tpu.dma_semaphore, #tpu.memory_space<semaphore_mem>>) src(%dma_wait3A_199 : memref<4x128xi32, #tpu.memory_space<vmem>>) dst(%dma_wait3A_195 : memref<4x128xi32, #tpu.memory_space<hbm>>)
    %dma_wait3A_200 = arith.constant 1 : i32
    %dma_wait3A_201 = arith.constant 1 : i32
    %dma_wait3A_202 = arith.constant 199 : i32
    %dma_wait3A_203 = arith.constant 1 : i32
    %dma_wait3A_204 = arith.constant 1 : i32
    %dma_wait3A_205 = arith.constant 0 : i32
    %dma_wait3A_206 = arith.constant 0 : i32
    %dma_wait3A_207 = tpu.memref_slice %arg8[%dma_wait3A_200, %dma_wait3A_201, %dma_wait3A_205, %dma_wait3A_206] : memref<2x4x4x128xi32, #tpu.memory_space<vmem>> -> memref<1x1x4x128xi32, #tpu.memory_space<vmem>>
    %dma_wait3A_208 = tpu.memref_squeeze %dma_wait3A_207 : memref<1x1x4x128xi32, #tpu.memory_space<vmem>> -> memref<4x128xi32, #tpu.memory_space<vmem>>
    %dma_wait3A_209 = arith.constant 0 : i32
    %dma_wait3A_210 = arith.constant 0 : i32
    %dma_wait3A_211 = tpu.memref_slice %arg4[%dma_wait3A_202, %dma_wait3A_203, %add3A, %dma_wait3A_209, %dma_wait3A_210] : memref<200x4x32x4x128xi32, #tpu.memory_space<hbm>> -> memref<1x1x1x4x128xi32, #tpu.memory_space<hbm>>
    %dma_wait3A_212 = tpu.memref_squeeze %dma_wait3A_211 : memref<1x1x1x4x128xi32, #tpu.memory_space<hbm>> -> memref<4x128xi32, #tpu.memory_space<hbm>>
    %dma_wait3A_213 = tpu.memref_slice %arg10[%dma_wait3A_204] : memref<2x!tpu.dma_semaphore, #tpu.memory_space<semaphore_mem>> -> memref<1x!tpu.dma_semaphore, #tpu.memory_space<semaphore_mem>>
    %dma_wait3A_214 = tpu.memref_squeeze %dma_wait3A_213 : memref<1x!tpu.dma_semaphore, #tpu.memory_space<semaphore_mem>> -> memref<!tpu.dma_semaphore, #tpu.memory_space<semaphore_mem>>
    %dma_wait3A_215 = arith.constant 0 : i32
    %dma_wait3A_216 = arith.constant 0 : i32
    %dma_wait3A_217 = tpu.memref_slice %arg4[%dma_wait3A_202, %dma_wait3A_203, %add3A, %dma_wait3A_215, %dma_wait3A_216] : memref<200x4x32x4x128xi32, #tpu.memory_space<hbm>> -> memref<1x1x1x4x128xi32, #tpu.memory_space<hbm>>
    %dma_wait3A_218 = tpu.memref_squeeze %dma_wait3A_217 : memref<1x1x1x4x128xi32, #tpu.memory_space<hbm>> -> memref<4x128xi32, #tpu.memory_space<hbm>>
    %dma_wait3A_219 = arith.constant 0 : i32
    %dma_wait3A_220 = arith.constant 0 : i32
    %dma_wait3A_221 = tpu.memref_slice %arg8[%dma_wait3A_200, %dma_wait3A_201, %dma_wait3A_219, %dma_wait3A_220] : memref<2x4x4x128xi32, #tpu.memory_space<vmem>> -> memref<1x1x4x128xi32, #tpu.memory_space<vmem>>
    %dma_wait3A_222 = tpu.memref_squeeze %dma_wait3A_221 : memref<1x1x4x128xi32, #tpu.memory_space<vmem>> -> memref<4x128xi32, #tpu.memory_space<vmem>>
    tpu.wait_dma2 semaphore(%dma_wait3A_214 : memref<!tpu.dma_semaphore, #tpu.memory_space<semaphore_mem>>) src(%dma_wait3A_222 : memref<4x128xi32, #tpu.memory_space<vmem>>) dst(%dma_wait3A_218 : memref<4x128xi32, #tpu.memory_space<hbm>>)
    %dma_wait3A_223 = arith.constant 1 : i32
    %dma_wait3A_224 = arith.constant 2 : i32
    %dma_wait3A_225 = arith.constant 199 : i32
    %dma_wait3A_226 = arith.constant 2 : i32
    %dma_wait3A_227 = arith.constant 1 : i32
    %dma_wait3A_228 = arith.constant 0 : i32
    %dma_wait3A_229 = arith.constant 0 : i32
    %dma_wait3A_230 = tpu.memref_slice %arg8[%dma_wait3A_223, %dma_wait3A_224, %dma_wait3A_228, %dma_wait3A_229] : memref<2x4x4x128xi32, #tpu.memory_space<vmem>> -> memref<1x1x4x128xi32, #tpu.memory_space<vmem>>
    %dma_wait3A_231 = tpu.memref_squeeze %dma_wait3A_230 : memref<1x1x4x128xi32, #tpu.memory_space<vmem>> -> memref<4x128xi32, #tpu.memory_space<vmem>>
    %dma_wait3A_232 = arith.constant 0 : i32
    %dma_wait3A_233 = arith.constant 0 : i32
    %dma_wait3A_234 = tpu.memref_slice %arg4[%dma_wait3A_225, %dma_wait3A_226, %add3A, %dma_wait3A_232, %dma_wait3A_233] : memref<200x4x32x4x128xi32, #tpu.memory_space<hbm>> -> memref<1x1x1x4x128xi32, #tpu.memory_space<hbm>>
    %dma_wait3A_235 = tpu.memref_squeeze %dma_wait3A_234 : memref<1x1x1x4x128xi32, #tpu.memory_space<hbm>> -> memref<4x128xi32, #tpu.memory_space<hbm>>
    %dma_wait3A_236 = tpu.memref_slice %arg10[%dma_wait3A_227] : memref<2x!tpu.dma_semaphore, #tpu.memory_space<semaphore_mem>> -> memref<1x!tpu.dma_semaphore, #tpu.memory_space<semaphore_mem>>
    %dma_wait3A_237 = tpu.memref_squeeze %dma_wait3A_236 : memref<1x!tpu.dma_semaphore, #tpu.memory_space<semaphore_mem>> -> memref<!tpu.dma_semaphore, #tpu.memory_space<semaphore_mem>>
    %dma_wait3A_238 = arith.constant 0 : i32
    %dma_wait3A_239 = arith.constant 0 : i32
    %dma_wait3A_240 = tpu.memref_slice %arg4[%dma_wait3A_225, %dma_wait3A_226, %add3A, %dma_wait3A_238, %dma_wait3A_239] : memref<200x4x32x4x128xi32, #tpu.memory_space<hbm>> -> memref<1x1x1x4x128xi32, #tpu.memory_space<hbm>>
    %dma_wait3A_241 = tpu.memref_squeeze %dma_wait3A_240 : memref<1x1x1x4x128xi32, #tpu.memory_space<hbm>> -> memref<4x128xi32, #tpu.memory_space<hbm>>
    %dma_wait3A_242 = arith.constant 0 : i32
    %dma_wait3A_243 = arith.constant 0 : i32
    %dma_wait3A_244 = tpu.memref_slice %arg8[%dma_wait3A_223, %dma_wait3A_224, %dma_wait3A_242, %dma_wait3A_243] : memref<2x4x4x128xi32, #tpu.memory_space<vmem>> -> memref<1x1x4x128xi32, #tpu.memory_space<vmem>>
    %dma_wait3A_245 = tpu.memref_squeeze %dma_wait3A_244 : memref<1x1x4x128xi32, #tpu.memory_space<vmem>> -> memref<4x128xi32, #tpu.memory_space<vmem>>
    tpu.wait_dma2 semaphore(%dma_wait3A_237 : memref<!tpu.dma_semaphore, #tpu.memory_space<semaphore_mem>>) src(%dma_wait3A_245 : memref<4x128xi32, #tpu.memory_space<vmem>>) dst(%dma_wait3A_241 : memref<4x128xi32, #tpu.memory_space<hbm>>)
    %dma_wait3A_246 = arith.constant 1 : i32
    %dma_wait3A_247 = arith.constant 3 : i32
    %dma_wait3A_248 = arith.constant 199 : i32
    %dma_wait3A_249 = arith.constant 3 : i32
    %dma_wait3A_250 = arith.constant 1 : i32
    %dma_wait3A_251 = arith.constant 0 : i32
    %dma_wait3A_252 = arith.constant 0 : i32
    %dma_wait3A_253 = tpu.memref_slice %arg8[%dma_wait3A_246, %dma_wait3A_247, %dma_wait3A_251, %dma_wait3A_252] : memref<2x4x4x128xi32, #tpu.memory_space<vmem>> -> memref<1x1x4x128xi32, #tpu.memory_space<vmem>>
    %dma_wait3A_254 = tpu.memref_squeeze %dma_wait3A_253 : memref<1x1x4x128xi32, #tpu.memory_space<vmem>> -> memref<4x128xi32, #tpu.memory_space<vmem>>
    %dma_wait3A_255 = arith.constant 0 : i32
    %dma_wait3A_256 = arith.constant 0 : i32
    %dma_wait3A_257 = tpu.memref_slice %arg4[%dma_wait3A_248, %dma_wait3A_249, %add3A, %dma_wait3A_255, %dma_wait3A_256] : memref<200x4x32x4x128xi32, #tpu.memory_space<hbm>> -> memref<1x1x1x4x128xi32, #tpu.memory_space<hbm>>
    %dma_wait3A_258 = tpu.memref_squeeze %dma_wait3A_257 : memref<1x1x1x4x128xi32, #tpu.memory_space<hbm>> -> memref<4x128xi32, #tpu.memory_space<hbm>>
    %dma_wait3A_259 = tpu.memref_slice %arg10[%dma_wait3A_250] : memref<2x!tpu.dma_semaphore, #tpu.memory_space<semaphore_mem>> -> memref<1x!tpu.dma_semaphore, #tpu.memory_space<semaphore_mem>>
    %dma_wait3A_260 = tpu.memref_squeeze %dma_wait3A_259 : memref<1x!tpu.dma_semaphore, #tpu.memory_space<semaphore_mem>> -> memref<!tpu.dma_semaphore, #tpu.memory_space<semaphore_mem>>
    %dma_wait3A_261 = arith.constant 0 : i32
    %dma_wait3A_262 = arith.constant 0 : i32
    %dma_wait3A_263 = tpu.memref_slice %arg4[%dma_wait3A_248, %dma_wait3A_249, %add3A, %dma_wait3A_261, %dma_wait3A_262] : memref<200x4x32x4x128xi32, #tpu.memory_space<hbm>> -> memref<1x1x1x4x128xi32, #tpu.memory_space<hbm>>
    %dma_wait3A_264 = tpu.memref_squeeze %dma_wait3A_263 : memref<1x1x1x4x128xi32, #tpu.memory_space<hbm>> -> memref<4x128xi32, #tpu.memory_space<hbm>>
    %dma_wait3A_265 = arith.constant 0 : i32
    %dma_wait3A_266 = arith.constant 0 : i32
    %dma_wait3A_267 = tpu.memref_slice %arg8[%dma_wait3A_246, %dma_wait3A_247, %dma_wait3A_265, %dma_wait3A_266] : memref<2x4x4x128xi32, #tpu.memory_space<vmem>> -> memref<1x1x4x128xi32, #tpu.memory_space<vmem>>
    %dma_wait3A_268 = tpu.memref_squeeze %dma_wait3A_267 : memref<1x1x4x128xi32, #tpu.memory_space<vmem>> -> memref<4x128xi32, #tpu.memory_space<vmem>>
    tpu.wait_dma2 semaphore(%dma_wait3A_260 : memref<!tpu.dma_semaphore, #tpu.memory_space<semaphore_mem>>) src(%dma_wait3A_268 : memref<4x128xi32, #tpu.memory_space<vmem>>) dst(%dma_wait3A_264 : memref<4x128xi32, #tpu.memory_space<hbm>>)
    return
  }
}

</mosaic_0001>

<sc_bundles>
// kernel: _impl.4.cloned.1.call-start
scs
__scs_entry_jumppad:
0x0: {  	(pc) =	sbr.rel $0x88, $3  }
0x1: {  	(tag) =	ssettag $0x0;
	lr =	simm.s32 $0x1  }
0x2: {  	[smem:$0x3F9F] =	sst lr;
	_ =	strace $0xD0000000  }
0x3: {  	_ = 	snop  }
0x4: {  	_ = 	snop  }
0x5: {  	_ = 	snop  }
0x6: {  	_ = 	snop  }
0x7: {  	_ = 	snop  }
__scs_overlays_trampoline_lowered:
0x8: {  	[smem:$0x3FAE] =	sst s0  }
0x9: {  	[smem:$0x3FAF] =	sst s1  }
0xa: {  	[smem:$0x3FB0] =	sst s2  }
0xb: {  	[smem:$0x3FB1] =	sst s3  }
0xc: {  	[smem:$0x3FB2] =	sst s4  }
0xd: {  	[smem:$0x3FB3] =	sst s5  }
0xe: {  	[smem:$0x3FB4] =	sst s6  }
0xf: {  	[smem:$0x3FB5] =	sst s7  }
0x10: {  	[smem:$0x3FB6] =	sst s8  }
0x11: {  	[smem:$0x3FB7] =	sst s9;
	s0 =	simm.s32 @!p0 $0x0  }
0x12: {  	s1 =	sld [smem:$0x3F9D];
	s0 =	simm.s32 @p0 $0x1  }
0x13: {  	[smem:$0x3FB8] =	sst s0;
	s0 =	simm.s32 @!p1 $0x0  }
0x14: {  	s2 =	sld [smem:$0x3F9C];
	s0 =	simm.s32 @p1 $0x1  }
0x15: {  	[smem:$0x3FB9] =	sst s0;
	s0 =	simm.s32 @!p2 $0x0  }
0x16: {  	s3 =	sld [smem:$0x3FDB];
	s0 =	simm.s32 @p2 $0x1  }
0x17: {  	s4 =	simm.s32 $0x1BF5;
	[smem:$0x3FBB] =	sst s0  }
0x18: {  	s0 =	sld [smem:$0x3F9E];
	_ =	swait.ge [sflag:s4], $0x0  }
0x19: {  	s7 =	sld [smem:$0x3F9F]  }
0x1a: {  	s8 =	sadd.s32 $0xFFFFE003, lr  }
0x1b: {  	s9 =	sadd.s32 $0xFFFFFEF7, lr;
	s5 =	simm.s32 $0xFFFFFFFF;
	p2 =	slt.u32 s8, $0xFFFFF086  }
0x1c: {  	p1 =	slt.u32 s9, $0xF7A;
	s5 =	simm.s32 @!p2 $0x0  }
0x1d: {  	s5 =	simm.s32 @p1 $0x1;
	p0 =	seq.s32 s7, s2  }
0x1e: {  	s7 =	smul.u32 @!p0 $0xF7A, s2;
	p2 =	seq.s32 @!p0 s5, $0x0  }
0x1f: {  	s9 =	smul.u32 $0xF7A, s1;
	s8 =	simm.s32 @!p0 $0x1BF5;
	p2 =	por !p2, p0  }
0x20: {  	[sflag:s8] =	ssyncset.s32 @!p0 $0xFFFFF086;
	s6 =	sadd.s32 @!p0 s3, s7;
	s7 =	simm.s32 @!p0 $0x108  }
0x21: {  	s3 =	sadd.s32 s3, s9;
	s6 =	sadd.s32 @!p0 $0x88, s6;
	s7 =	simm.s32 @p2 $0x1082  }
0x22: {  	[simem:s7], [sflag:s8] =	dma.local @!p0 [hbm:s6], $0xF7A  }
0x23: {  	s9 =	sor.u32 $0xD0000000, s2;
	s6 =	simm.s32 $0x108;
	_ =	swait.ge @!p0 [sflag:s8], $0x0  }
0x24: {  	s3 =	sadd.s32 $0x88, s3;
	s6 =	simm.s32 @!p1 $0x1082;
	[sflag:s4] =	ssyncset.s32 $0xFFFFF086  }
0x25: {  	[simem:s6], [sflag:s4] =	dma.local [hbm:s3], $0xF7A  }
0x26: {  	[smem:$0x3F9F] =	sst s1;
	(tag) =	ssettag s2;
	_ =	strace s9  }
0x27: {  	s1 =	sld [smem:$0x3FAF]  }
0x28: {  	s2 =	sld [smem:$0x3FB0]  }
0x29: {  	s4 =	sld [smem:$0x3FB2]  }
0x2a: {  	p0 =	seq.s32 s5, $0x0;
	s5 =	sld [smem:$0x3FB3]  }
0x2b: {  	s6 =	sld [smem:$0x3FB4]  }
0x2c: {  	s7 =	sld [smem:$0x3FB5]  }
0x2d: {  	s3 =	simm.s32 $0x108;
	s8 =	sld [smem:$0x3FB6]  }
0x2e: {  	s3 =	simm.s32 @!p0 $0x1082;
	s9 =	sld [smem:$0x3FB7]  }
0x2f: {  	lr =	sadd.s32 s0, s3;
	s0 =	sld [smem:$0x3FAE]  }
0x30: {  	s3 =	sld [smem:$0x3FB1]  }
0x31: {  	[smem:$0x3FBA] =	sst s10  }
0x32: {  	s10 =	sld [smem:$0x3FB8];
	_ =	sdelay $0x3  }
0x33: {  	p0 =	seq.s32 s10, $0x1;
	s10 =	sld [smem:$0x3FBA];
	_ =	sdelay $0x3  }
0x34: {  	[smem:$0x3FBA] =	sst s10  }
0x35: {  	s10 =	sld [smem:$0x3FB9];
	_ =	sdelay $0x3  }
0x36: {  	p1 =	seq.s32 s10, $0x1;
	s10 =	sld [smem:$0x3FBA];
	_ =	sdelay $0x3  }
0x37: {  	[smem:$0x3FBA] =	sst s10  }
0x38: {  	s10 =	sld [smem:$0x3FBB]  }
0x39: {  	_ = 	snop;
	(pc) =	sbr.ind lr, $3  }
0x3a: {  	_ = 	snop  }
0x3b: {  	_ = 	snop  }
0x3c: {  	p2 =	seq.s32 s10, $0x1;
	s10 =	sld [smem:$0x3FBA]  }
0x3d: {  	_ =	shalt  }
0x3e: {  	_ =	shalt  }
0x3f: {  	_ =	shalt  }
0x40: {  	_ =	shalt  }
0x41: {  	_ =	shalt  }
0x42: {  	_ =	shalt  }
0x43: {  	_ =	shalt  }
0x44: {  	_ =	shalt  }
0x45: {  	_ =	shalt  }
0x46: {  	_ =	shalt  }
0x47: {  	_ =	shalt  }
0x48: {  	_ =	shalt  }
0x49: {  	_ =	shalt  }
0x4a: {  	_ =	shalt  }
0x4b: {  	_ =	shalt  }
0x4c: {  	_ =	shalt  }
0x4d: {  	_ =	shalt  }
0x4e: {  	_ =	shalt  }
0x4f: {  	_ =	shalt  }
0x50: {  	_ =	shalt  }
0x51: {  	_ =	shalt  }
0x52: {  	_ =	shalt  }
0x53: {  	_ =	shalt  }
0x54: {  	_ =	shalt  }
0x55: {  	_ =	shalt  }
0x56: {  	_ =	shalt  }
0x57: {  	_ =	shalt  }
0x58: {  	_ =	shalt  }
0x59: {  	_ =	shalt  }
0x5a: {  	_ =	shalt  }
0x5b: {  	_ =	shalt  }
0x5c: {  	_ =	shalt  }
0x5d: {  	_ =	shalt  }
0x5e: {  	_ =	shalt  }
0x5f: {  	_ =	shalt  }
0x60: {  	_ =	shalt  }
0x61: {  	_ =	shalt  }
0x62: {  	_ =	shalt  }
0x63: {  	_ =	shalt  }
0x64: {  	_ =	shalt  }
0x65: {  	_ =	shalt  }
0x66: {  	_ =	shalt  }
0x67: {  	_ =	shalt  }
0x68: {  	_ =	shalt  }
0x69: {  	_ =	shalt  }
0x6a: {  	_ =	shalt  }
0x6b: {  	_ =	shalt  }
0x6c: {  	_ =	shalt  }
0x6d: {  	_ =	shalt  }
0x6e: {  	_ =	shalt  }
0x6f: {  	_ =	shalt  }
0x70: {  	_ =	shalt  }
0x71: {  	_ =	shalt  }
0x72: {  	_ =	shalt  }
0x73: {  	_ =	shalt  }
0x74: {  	_ =	shalt  }
0x75: {  	_ =	shalt  }
0x76: {  	_ =	shalt  }
0x77: {  	_ =	shalt  }
0x78: {  	_ =	shalt  }
0x79: {  	_ =	shalt  }
0x7a: {  	_ =	shalt  }
0x7b: {  	_ =	shalt  }
0x7c: {  	_ =	shalt  }
0x7d: {  	_ =	shalt  }
0x7e: {  	_ =	shalt  }
0x7f: {  	_ =	shalt  }
0x80: {  	_ =	shalt  }
0x81: {  	_ =	shalt  }
0x82: {  	_ =	shalt  }
0x83: {  	_ =	shalt  }
0x84: {  	_ =	shalt  }
0x85: {  	_ =	shalt  }
0x86: {  	_ =	shalt  }
0x87: {  	_ =	shalt  }
.Lfunc_end0:
.L_simem_size_0:
called_computation.1_lowered:
.L_overlay_start_0:
0x88: {  	s2 =	sld [smem:$0x3FD9]  }
0x89: {  	s3 =	sld [smem:$0x3FFE];
	_ =	sdelay $0x1  }
0x8a: {  	s1 =	srdreg.scid  }
0x8b: {  	s0 =	sand.u32 $0x1, s1  }
0x8c: {  	s17 =	sshll.u32 s0, $0xA;
	s2 =	sadd.s32 s3, s2  }
0x8d: {  	s2 =	sadd.s32 s2, s17  }
0x8e: {  	[smem:$0x3FC6] =	sst s2  }
0x8f: {  	_ = 	snop  }
0x90: {  	s2 =	sld [smem:$0x3FC8]  }
0x91: {  	s18 =	sld [smem:$0x3FD0];
	(tm) =	ssettm $0x1  }
0x92: {  	s4 =	sld [smem:$0x3FFB];
	_ =	sdelay $0x3  }
0x93: {  	_ =	strace s4  }
0x94: {  	s4 =	sld [smem:$0x3FFC];
	_ =	sdelay $0x3  }
0x95: {  	_ =	strace s4  }
0x96: {  	s4 =	sld [smem:$0x3FFD];
	_ =	sdelay $0x3  }
0x97: {  	_ =	strace s4  }
0x98: {  	_ =	strace $0x8FFFFFFF  }
0x99: {  	s19 =	sld [smem:$0x3FDB];
	_ =	sdelay $0x1  }
0x9a: {  	s5 =	simm.s32 $_scs_section_size  }
0x9b: {  	s6 =	simm.s32 $_size__tile_overlayer_lowered;
	s7 =	simm.s32 $_tile_overlayer_lowered  }
0x9c: {  	s22 =	simm.s32 $0x1BFF;
	s21 =	sshll.u32 s7, $0x1;
	s4 =	sadd.s32 s5, s19  }
0x9d: {  	s8 =	simm.s32 $0x0;
	s20 =	sshll.u32 s6, $0x1;
	s6 =	sadd.s32 s21, s4  }
0x9e: {  	[timem:s8], [sflag:s22] =	dma.local [hbm:s6], s20  }
0x9f: {  	_ =	swait.ge [sflag:s22], s20  }
0xa0: {  	s5 =	ssub.s32 $0x0, s20;
	[sflag:s22] =	ssyncset.done $0x0  }
0xa1: {  	[sflag:s22] =	ssyncadd.s32 s5;
	_ =	sdelay $0x1  }
0xa2: {  	s23 =	simm.s32 $0x1B8B  }
0xa3: {  	_ =	swait.ge [sflag:s23], $0x1  }
0xa4: {  	[sflag:s23] =	ssyncset.done $0x0  }
0xa5: {  	s25 =	simm.s32 $0x1B8E;
	s24 =	sld [smem:$0x3FFE];
	[sflag:s23] =	ssyncadd.s32 $0xFFFFFFFF  }
0xa6: {  	s26 =	simm.s32 $execute0_lowered;
	[smem:$0x3FD2] =	sst s25  }
0xa7: {  	s6 =	sshll.u32 s26, $0x1;
	_ =	strace $0x80000046;
	[dreg:$0x1] =	wrdreg $0xFFFFFFFF  }
0xa8: {  	s28 =	simm.s32 $_size_execute0_lowered;
	s4 =	sadd.s32 s4, s6;
	[dreg:$0x0] =	wrdreg $0x0  }
0xa9: {  	s6 =	sshll.u32 s28, $0x1;
	[dreg:$0x2] =	wrdreg s4  }
0xaa: {  	[dreg:$0x3] =	wrdreg s6  }
0xab: {  	[dreg:$0x4] =	wrdreg $0xC0  }
0xac: {  	_ =	task [dreg:s8], $0x5FFFF  }
0xad: {  	[dreg:$0x1] =	wrdreg $0xFFFFFFFF  }
0xae: {  	[dreg:$0x0] =	wrdreg $0x60  }
0xaf: {  	[dreg:$0x2] =	wrdreg s2  }
0xb0: {  	[dreg:$0x3] =	wrdreg s18  }
0xb1: {  	[dreg:$0x4] =	wrdreg s24  }
0xb2: {  	[dreg:$0x5] =	wrdreg $0x9  }
0xb3: {  	_ =	task.clear_ibuf [dreg:s8], $0x6FFFF;
	_ =	strace $0x90000046  }
0xb4: {  	s29 =	simm.s32 $0x9;
	_ =	strace $0x80000048  }
0xb5: {  	_ =	swait.ge [sflag:s29], $0x1  }
0xb6: {  	[sflag:s29] =	ssyncadd.s32 $0xFFFFFFFF  }
0xb7: {  	_ =	strace $0x90000048  }
0xb8: {  	_ =	sfence  }
0xb9: {  	s30 =	sld [smem:$0x0];
	_ =	sdelay $0x2  }
0xba: {  	s31 =	sshll.u32 s1, $0xD;
	s1 =	sshrl.u32 s1, $0x2  }
0xbb: {  	s3 =	sand.u32 $0x4000, s31;
	s1 =	sadd.s32 s1, s30  }
0xbc: {  	s0 =	sor.u32 s3, s0;
	s1 =	sshll.u32 s1, $0x11  }
0xbd: {  	s0 =	sor.u32 s1, s0  }
0xbe: {  	s0 =	sadd.s32 $0x8F2B, s0  }
0xbf: {  	[sflag:s0] =	ssyncadd.remote.s32 $0x1  }
0xc0: {  	_ =	sfence.sel $0xFFFF  }
0xc1: {  	[dreg:$0x0] =	wrdreg $0xFFFFFFFF;
	(pc) =	sbr.abs _section_cstart, $3  }
0xc2: {  	[dreg:$0x1] =	wrdreg $0xFFFFFFFF  }
0xc3: {  	_ =	task.clear_ibuf [dreg:s8], $0x2FFFF;
	_ =	strace $0x9FFFFFFF  }
0xc4: {  	(tm) =	ssettm $0x7FFFFFFF  }
0xc5: {  	_ =	shalt  }
tec
execute0_lowered:
.L_overlay_start_1:
0x0: {  	(tag) =	ssettag $0x1  }
0x1: {  	s1 =	rddreg [dreg:$0x0]  }
0x2: {  	s2 =	rddreg [dreg:$0x1]  }
0x3: {  	s8 =	rddreg [dreg:$0x2];
	v0 =	vlaneseq.u32  }
0x4: {  	s0 =	rddreg [dreg:$0x3];
	s5 =	srdreg.scid;
	s4 =	simm.s32 $0x0;
	v1 =	vand.u32 $0x7, v0  }
0x5: {  	s3 =	stileid.u32;
	s10 =	simm.s32 $0x400;
	s11 =	simm.s32 $0x7A1400;
	v2 =	vshrl.u32 v0, $0x3;
	v0 =	vmul.u32 $0x10, v1  }
0x6: {  	s12 =	simm.s32 $0x4;
	s13 =	simm.s32 $0x0;
	s5 =	sand.u32 $0x1, s5;
	v1 =	vmul.u32 $0x80, v2  }
.Ltmp0:
0x7: {  	[smem:$0x7FF] =	sst s4;
	s6 =	sshll.u32 s3, $0x1;
	v2 =	vor.u32 $0x1, v0;
	v3 =	vor.u32 $0x2, v0;
	v4 =	vor.u32 $0x3, v0;
	(pc) =	sbr.rel .LBB2_1-.Ltmp0, $4  }
0x8: {  	p0 =	sgt.u32 s3, $0x1;
	s7 =	ssub.s32 $0x2, s5;
	_ =	strace $0x80000047;
	v5 =	vor.u32 $0x4, v0;
	v6 =	vor.u32 $0x5, v0;
	v7 =	vor.u32 $0x6, v0  }
0x9: {  	s5 =	sor.u32 s5, s6;
	s6 =	sadd.s32 $0xA00, s8;
	s9 =	sshrl.u32 s7, $0x1;
	v8 =	vor.u32 $0x7, v0;
	v9 =	vor.u32 $0x8, v0;
	v10 =	vor.u32 $0x9, v0  }
0xa: {  	s8 =	sadd.s32 $0x1E8E00, s8;
	s31 =	sshll.u32 s5, $0x7;
	s9 =	ssub.s32 s7, s9;
	v11 =	vor.u32 $0xA, v0;
	v12 =	vor.u32 $0xB, v0;
	v13 =	vor.u32 $0xC, v0  }
0xb: {  	p1 =	sne.s32 s5, $0x4;
	s7 =	sadd.s32 s1, s31;
	v14 =	vor.u32 $0xD, v0;
	v15 =	vor.u32 $0xE, v0;
	v16 =	vor.u32 $0xF, v0;
	s9 =	smax.u32 s9, $0x1  }
.LBB2_7:
0xc: {  	_ =	swait.ge [sflag:s12], $0x800  }
0xd: {  	[sflag:s12] =	ssyncset.done $0x0  }
0xe: {  	s14 =	simm.s32 @!p0 $0x3;
	[sflag:s12] =	ssyncadd.s32 $0xFFFFF800  }
0xf: {  	_ =	swait.ge @!p0 [sflag:s14], $0x800  }
0x10: {  	s15 =	simm.s32 @!p1 $0x2000;
	[sflag:s14] =	ssyncset.done @!p0 $0x0  }
0x11: {  	s16 =	simm.s32 @!p1 $0x5;
	[sflag:s14] =	ssyncadd.s32 @!p0 $0xFFFFF800;
	s14 =	simm.s32 @!p1 $0x0  }
0x12: {  	[tilespmem:s15], [sflag:$0x5] =	stream.linear.gather @!p1 [hbm4b:s2+s14], $0x400, $0x38;
	[tilespmem:$0x3000] =	vst v63  }
0x13: {  	s13 =	sadd.s32 $0x1, s13;
	_ =	swait.ge @!p1 [sflag:s16], $0x400  }
0x14: {  	p2 =	sne.s32 s13, s9;
	[sflag:s16] =	ssyncset.done @!p1 $0x0  }
.Ltmp1:
0x15: {  	[sflag:s16] =	ssyncadd.s32 @!p1 $0xFFFFFC00;
	(pc) =	sbr.rel @!p2 .LBB2_8-.Ltmp1, $4  }
0x16: {  	[hbm4b:s8+s14] =	stream.linear.scatter @!p1 [tilespmem:s15], [sflag:$0x5], $0x400, $0x38;
	[tilespmem:$0x3000] =	vst v63  }
0x17: {  	_ =	swait.ge @!p1 [sflag:s16], $0x400  }
0x18: {  	[sflag:s16] =	ssyncset.done @!p1 $0x0  }
0x19: {  	[sflag:s16] =	ssyncadd.s32 @!p1 $0xFFFFFC00  }
.LBB2_1:
.Ltmp2:
0x1a: {  	(pc) =	sbr.rel .LBB2_2-.Ltmp2, $3  }
0x1b: {  	_ =	sdelay $0x1  }
0x1c: {  	[tilespmem:s4], [sflag:$0x1] =	stream.strided.gather [hbm4b:s7+s10], $0x1000, s11, s10, $0x38;
	[tilespmem:$0x3000] =	vst v63  }
0x1d: {  	p2 =	por $0x0, $0x0;
	s14 =	simm.s32 $0x0  }
.LBB2_6:
0x1e: {  	p3 =	sne.s32 s14, $0xF5  }
.Ltmp3:
0x1f: {  	_ = 	snop;
	(pc) =	sbr.rel @!p3 .LBB2_7-.Ltmp3, $2  }
0x20: {  	_ =	sdelay $0x2  }
0x21: {  	p2 =	por !p2, !p2  }
.LBB2_2:
0x22: {  	s17 =	smov.u32 s14;
	s14 =	sadd.s32 $0x1, s14  }
0x23: {  	s15 =	sshll.u32 s14, $0x5  }
0x24: {  	s15 =	sor.u32 s5, s15  }
0x25: {  	p3 =	sgt.u32 s15, $0x1E83  }
0x26: {  	s31 =	sshll.u32 s17, $0x5;
	s16 =	sand.u32 @!p3 $0x1, s14  }
0x27: {  	s15 =	sshll.u32 @!p3 s15, $0x7;
	s19 =	simm.s32 @!p3 $0x400;
	s20 =	simm.s32 @!p3 $0x7A1400  }
0x28: {  	s18 =	sshll.u32 @!p3 s16, $0xC;
	s16 =	sadd.s32 @!p3 $0x1, s16;
	s15 =	sadd.s32 @!p3 s1, s15  }
0x29: {  	[tilespmem:s18], [sflag:s16] =	stream.strided.gather @!p3 [hbm4b:s15+s19], $0x1000, s20, s19, $0x38;
	[tilespmem:$0x3000] =	vst v63  }
0x2a: {  	s16 =	sor.u32 s5, s31  }
0x2b: {  	s15 =	sand.u32 $0x1, s17;
	p3 =	sgt.u32 s16, $0x1E83  }
0x2c: {  	s18 =	sadd.s32 @!p3 $0x1, s15  }
0x2d: {  	_ =	swait.ge @!p3 [sflag:s18], $0x1000  }
.Ltmp4:
0x2e: {  	p4 =	slt.u32 s17, $0x2;
	[sflag:s18] =	ssyncset.done @!p3 $0x0;
	(pc) =	sbr.rel @p3 .LBB2_6-.Ltmp4, $4  }
0x2f: {  	s17 =	sadd.s32 @!p4 $0x3, s15;
	[sflag:s18] =	ssyncadd.s32 @!p3 $0xFFFFF000  }
0x30: {  	_ =	swait.ge @!p4 [sflag:s17], $0x800  }
0x31: {  	[sflag:s17] =	ssyncset.done @!p4 $0x0  }
0x32: {  	[sflag:s17] =	ssyncadd.s32 @!p4 $0xFFFFF800  }
0x33: {  	s17 =	simm.s32 $0x1  }
0x34: {  	s17 =	simm.s32 @!p2 $0x0  }
0x35: {  	s18 =	simm.s32 $0x0;
	s17 =	sshll.u32 s17, $0xC  }
0x36: {  	v17 =	vmov s18;
	s17 =	sor.u32 $0x800, s17  }
0x37: {  	v17 =	vshll.u32 v17, $0x7;
	v18 =	vld [tilespmem:s17+$0xFFFFF880]  }
0x38: {  	v17 =	vor.u32 v1, v17;
	v19 =	vld [tilespmem:s17+$0xFFFFF800]  }
0x39: {  	v20 =	vor.u32 v0, v17;
	_ =	sdelay $0x2  }
0x3a: {  	s31 =	sshll.u32 s15, $0xB  }
0x3b: {  	s18 =	sor.u32 $0x2000, s31;
	v18 =	vpack.i.f32.bf16 v18, v19  }
0x3c: {  	[tilespmem:v20+s18+$0x0] =	vst.idx.msk $0xffff, v18  }
0x3d: {  	v18 =	vld [tilespmem:s17+$0xFFFFF900]  }
0x3e: {  	v19 =	vld [tilespmem:s17+$0xFFFFF980]  }
0x3f: {  	v20 =	vor.u32 v2, v17;
	_ =	sdelay $0x3  }
0x40: {  	v18 =	vpack.i.f32.bf16 v19, v18  }
0x41: {  	[tilespmem:v20+s18+$0x0] =	vst.idx.msk $0xffff, v18  }
0x42: {  	v18 =	vld [tilespmem:s17+$0xFFFFFA00]  }
0x43: {  	v19 =	vld [tilespmem:s17+$0xFFFFFA80]  }
0x44: {  	v20 =	vor.u32 v3, v17;
	_ =	sdelay $0x3  }
0x45: {  	v18 =	vpack.i.f32.bf16 v19, v18  }
0x46: {  	[tilespmem:v20+s18+$0x0] =	vst.idx.msk $0xffff, v18  }
0x47: {  	v18 =	vld [tilespmem:s17+$0xFFFFFB00]  }
0x48: {  	v19 =	vld [tilespmem:s17+$0xFFFFFB80]  }
0x49: {  	v20 =	vor.u32 v4, v17;
	_ =	sdelay $0x3  }
0x4a: {  	v18 =	vpack.i.f32.bf16 v19, v18  }
0x4b: {  	[tilespmem:v20+s18+$0x0] =	vst.idx.msk $0xffff, v18  }
0x4c: {  	v18 =	vld [tilespmem:s17+$0xFFFFFC00]  }
0x4d: {  	v19 =	vld [tilespmem:s17+$0xFFFFFC80]  }
0x4e: {  	v20 =	vor.u32 v5, v17;
	_ =	sdelay $0x3  }
0x4f: {  	v18 =	vpack.i.f32.bf16 v19, v18  }
0x50: {  	[tilespmem:v20+s18+$0x0] =	vst.idx.msk $0xffff, v18  }
0x51: {  	v18 =	vld [tilespmem:s17+$0xFFFFFD00]  }
0x52: {  	v19 =	vld [tilespmem:s17+$0xFFFFFD80]  }
0x53: {  	v20 =	vor.u32 v6, v17;
	_ =	sdelay $0x3  }
0x54: {  	v18 =	vpack.i.f32.bf16 v19, v18  }
0x55: {  	[tilespmem:v20+s18+$0x0] =	vst.idx.msk $0xffff, v18  }
0x56: {  	v18 =	vld [tilespmem:s17+$0xFFFFFE00]  }
0x57: {  	v19 =	vld [tilespmem:s17+$0xFFFFFE80]  }
0x58: {  	v20 =	vor.u32 v7, v17;
	_ =	sdelay $0x3  }
0x59: {  	v18 =	vpack.i.f32.bf16 v19, v18  }
0x5a: {  	[tilespmem:v20+s18+$0x0] =	vst.idx.msk $0xffff, v18  }
0x5b: {  	v18 =	vld [tilespmem:s17+$0xFFFFFF00]  }
0x5c: {  	v19 =	vld [tilespmem:s17+$0xFFFFFF80]  }
0x5d: {  	v20 =	vor.u32 v8, v17;
	_ =	sdelay $0x3  }
0x5e: {  	v18 =	vpack.i.f32.bf16 v19, v18  }
0x5f: {  	[tilespmem:v20+s18+$0x0] =	vst.idx.msk $0xffff, v18  }
0x60: {  	v18 =	vld [tilespmem:s17+$0x0]  }
0x61: {  	v19 =	vld [tilespmem:s17+$0x80]  }
0x62: {  	v20 =	vor.u32 v9, v17;
	_ =	sdelay $0x3  }
0x63: {  	v18 =	vpack.i.f32.bf16 v19, v18  }
0x64: {  	[tilespmem:v20+s18+$0x0] =	vst.idx.msk $0xffff, v18  }
0x65: {  	v18 =	vld [tilespmem:s17+$0x100]  }
0x66: {  	v19 =	vld [tilespmem:s17+$0x180]  }
0x67: {  	v20 =	vor.u32 v10, v17;
	_ =	sdelay $0x3  }
0x68: {  	v18 =	vpack.i.f32.bf16 v19, v18  }
0x69: {  	[tilespmem:v20+s18+$0x0] =	vst.idx.msk $0xffff, v18  }
0x6a: {  	v18 =	vld [tilespmem:s17+$0x200]  }
0x6b: {  	v19 =	vld [tilespmem:s17+$0x280]  }
0x6c: {  	v20 =	vor.u32 v11, v17;
	_ =	sdelay $0x3  }
0x6d: {  	v18 =	vpack.i.f32.bf16 v19, v18  }
0x6e: {  	[tilespmem:v20+s18+$0x0] =	vst.idx.msk $0xffff, v18  }
0x6f: {  	v18 =	vld [tilespmem:s17+$0x300]  }
0x70: {  	v19 =	vld [tilespmem:s17+$0x380]  }
0x71: {  	v20 =	vor.u32 v12, v17;
	_ =	sdelay $0x3  }
0x72: {  	v18 =	vpack.i.f32.bf16 v19, v18  }
0x73: {  	[tilespmem:v20+s18+$0x0] =	vst.idx.msk $0xffff, v18  }
0x74: {  	v18 =	vld [tilespmem:s17+$0x400]  }
0x75: {  	v19 =	vld [tilespmem:s17+$0x480]  }
0x76: {  	v20 =	vor.u32 v13, v17;
	_ =	sdelay $0x3  }
0x77: {  	v18 =	vpack.i.f32.bf16 v19, v18  }
0x78: {  	[tilespmem:v20+s18+$0x0] =	vst.idx.msk $0xffff, v18  }
0x79: {  	v18 =	vld [tilespmem:s17+$0x500]  }
0x7a: {  	v19 =	vld [tilespmem:s17+$0x580]  }
0x7b: {  	v20 =	vor.u32 v14, v17;
	_ =	sdelay $0x3  }
0x7c: {  	v19 =	vpack.i.f32.bf16 v19, v18  }
0x7d: {  	s19 =	simm.s32 $0x2;
	s20 =	smov.u32 s17;
	v18 =	vor.u32 v15, v17;
	v17 =	vor.u32 v16, v17;
	[tilespmem:v20+s18+$0x0] =	vst.idx.msk $0xffff, v19  }
.LBB2_4:
0x7e: {  	p3 =	sne.s32 s19, $0xE  }
0x7f: {  	v19 =	vld [tilespmem:s17+$0x600];
	s20 =	sadd.s32 $0x10, s20;
	s21 =	smov.u32 s19;
	s19 =	sadd.s32 $0x2, s19  }
0x80: {  	v20 =	vld [tilespmem:s17+$0x680];
	_ =	sdelay $0x4  }
0x81: {  	v19 =	vpack.i.f32.bf16 v20, v19  }
0x82: {  	[tilespmem:v18+s18+$0x0] =	vst.idx.msk $0xffff, v19  }
0x83: {  	v18 =	vld [tilespmem:s17+$0x700]  }
0x84: {  	v19 =	vld [tilespmem:s17+$0x780];
	s17 =	smov.u32 s20;
	_ =	sdelay $0x4  }
0x85: {  	v18 =	vpack.i.f32.bf16 v19, v18  }
0x86: {  	v19 =	vmov s21;
	[tilespmem:v17+s18+$0x0] =	vst.idx.msk $0xffff, v18  }
0x87: {  	v17 =	vshll.u32 v19, $0x7;
	v18 =	vld [tilespmem:s20+$0xFFFFF880]  }
0x88: {  	v17 =	vor.u32 v1, v17;
	v19 =	vld [tilespmem:s20+$0xFFFFF800]  }
0x89: {  	v20 =	vor.u32 v0, v17;
	_ =	sdelay $0x3  }
0x8a: {  	v18 =	vpack.i.f32.bf16 v18, v19  }
0x8b: {  	[tilespmem:v20+s18+$0x0] =	vst.idx.msk $0xffff, v18  }
0x8c: {  	v18 =	vld [tilespmem:s20+$0xFFFFF900]  }
0x8d: {  	v20 =	vor.u32 v2, v17;
	v19 =	vld [tilespmem:s20+$0xFFFFF980];
	_ =	sdelay $0x4  }
0x8e: {  	v18 =	vpack.i.f32.bf16 v19, v18  }
0x8f: {  	[tilespmem:v20+s18+$0x0] =	vst.idx.msk $0xffff, v18  }
0x90: {  	v19 =	vor.u32 v3, v17;
	v18 =	vld [tilespmem:s20+$0xFFFFFA00]  }
0x91: {  	v20 =	vld [tilespmem:s20+$0xFFFFFA80];
	_ =	sdelay $0x4  }
0x92: {  	v18 =	vpack.i.f32.bf16 v20, v18  }
0x93: {  	[tilespmem:v19+s18+$0x0] =	vst.idx.msk $0xffff, v18;
	v18 =	vor.u32 v4, v17  }
0x94: {  	v19 =	vld [tilespmem:s20+$0xFFFFFB00]  }
0x95: {  	v20 =	vld [tilespmem:s20+$0xFFFFFB80];
	_ =	sdelay $0x4  }
0x96: {  	v19 =	vpack.i.f32.bf16 v20, v19;
	v20 =	vor.u32 v5, v17  }
0x97: {  	[tilespmem:v18+s18+$0x0] =	vst.idx.msk $0xffff, v19  }
0x98: {  	v18 =	vld [tilespmem:s20+$0xFFFFFC00]  }
0x99: {  	v19 =	vld [tilespmem:s20+$0xFFFFFC80];
	_ =	sdelay $0x3  }
0x9a: {  	v21 =	vor.u32 v6, v17  }
0x9b: {  	v18 =	vpack.i.f32.bf16 v19, v18  }
0x9c: {  	[tilespmem:v20+s18+$0x0] =	vst.idx.msk $0xffff, v18  }
0x9d: {  	v18 =	vld [tilespmem:s20+$0xFFFFFD00]  }
0x9e: {  	v19 =	vld [tilespmem:s20+$0xFFFFFD80];
	_ =	sdelay $0x2  }
0x9f: {  	v20 =	vor.u32 v7, v17;
	_ =	sdelay $0x1  }
0xa0: {  	v18 =	vpack.i.f32.bf16 v19, v18  }
0xa1: {  	[tilespmem:v21+s18+$0x0] =	vst.idx.msk $0xffff, v18  }
0xa2: {  	v18 =	vld [tilespmem:s20+$0xFFFFFE00]  }
0xa3: {  	v19 =	vld [tilespmem:s20+$0xFFFFFE80];
	_ =	sdelay $0x1  }
0xa4: {  	v21 =	vor.u32 v8, v17;
	_ =	sdelay $0x2  }
0xa5: {  	v18 =	vpack.i.f32.bf16 v19, v18  }
0xa6: {  	[tilespmem:v20+s18+$0x0] =	vst.idx.msk $0xffff, v18  }
0xa7: {  	v18 =	vld [tilespmem:s20+$0xFFFFFF00]  }
0xa8: {  	v19 =	vld [tilespmem:s20+$0xFFFFFF80]  }
0xa9: {  	v20 =	vor.u32 v9, v17;
	_ =	sdelay $0x3  }
0xaa: {  	v18 =	vpack.i.f32.bf16 v19, v18  }
0xab: {  	[tilespmem:v21+s18+$0x0] =	vst.idx.msk $0xffff, v18  }
0xac: {  	v18 =	vld [tilespmem:s20+$0x0]  }
0xad: {  	v21 =	vor.u32 v10, v17;
	v19 =	vld [tilespmem:s20+$0x80];
	_ =	sdelay $0x4  }
0xae: {  	v18 =	vpack.i.f32.bf16 v19, v18  }
0xaf: {  	[tilespmem:v20+s18+$0x0] =	vst.idx.msk $0xffff, v18  }
0xb0: {  	v19 =	vor.u32 v11, v17;
	v18 =	vld [tilespmem:s20+$0x100]  }
0xb1: {  	v20 =	vld [tilespmem:s20+$0x180];
	_ =	sdelay $0x4  }
0xb2: {  	v18 =	vpack.i.f32.bf16 v20, v18  }
0xb3: {  	[tilespmem:v21+s18+$0x0] =	vst.idx.msk $0xffff, v18;
	v18 =	vor.u32 v12, v17  }
0xb4: {  	v20 =	vld [tilespmem:s20+$0x200]  }
0xb5: {  	v21 =	vld [tilespmem:s20+$0x280];
	_ =	sdelay $0x4  }
0xb6: {  	v20 =	vpack.i.f32.bf16 v21, v20;
	v21 =	vor.u32 v13, v17  }
0xb7: {  	[tilespmem:v19+s18+$0x0] =	vst.idx.msk $0xffff, v20  }
0xb8: {  	v19 =	vld [tilespmem:s20+$0x300]  }
0xb9: {  	v20 =	vld [tilespmem:s20+$0x380];
	_ =	sdelay $0x3  }
0xba: {  	v22 =	vor.u32 v14, v17  }
0xbb: {  	v19 =	vpack.i.f32.bf16 v20, v19  }
0xbc: {  	[tilespmem:v18+s18+$0x0] =	vst.idx.msk $0xffff, v19  }
0xbd: {  	v19 =	vld [tilespmem:s20+$0x400]  }
0xbe: {  	v20 =	vld [tilespmem:s20+$0x480];
	_ =	sdelay $0x2  }
0xbf: {  	v18 =	vor.u32 v15, v17;
	_ =	sdelay $0x1  }
0xc0: {  	v19 =	vpack.i.f32.bf16 v20, v19  }
0xc1: {  	[tilespmem:v21+s18+$0x0] =	vst.idx.msk $0xffff, v19  }
0xc2: {  	v19 =	vld [tilespmem:s20+$0x500]  }
0xc3: {  	v20 =	vld [tilespmem:s20+$0x580];
	_ =	sdelay $0x1  }
.Ltmp5:
0xc4: {  	v17 =	vor.u32 v16, v17;
	(pc) =	sbr.rel @p3 .LBB2_4-.Ltmp5, $3  }
0xc5: {  	_ =	sdelay $0x1  }
0xc6: {  	v19 =	vpack.i.f32.bf16 v20, v19  }
0xc7: {  	[tilespmem:v22+s18+$0x0] =	vst.idx.msk $0xffff, v19  }
0xc8: {  	v19 =	vld [tilespmem:s17+$0x600]  }
0xc9: {  	v20 =	vld [tilespmem:s17+$0x680];
	_ =	sdelay $0x4  }
0xca: {  	v19 =	vpack.i.f32.bf16 v20, v19  }
0xcb: {  	[tilespmem:v18+s18+$0x0] =	vst.idx.msk $0xffff, v19  }
0xcc: {  	v18 =	vld [tilespmem:s17+$0x700]  }
0xcd: {  	v19 =	vld [tilespmem:s17+$0x780];
	_ =	sdelay $0x2  }
.Ltmp6:
0xce: {  	_ = 	snop;
	(pc) =	sbr.rel .LBB2_6-.Ltmp6, $4  }
0xcf: {  	_ = 	snop  }
0xd0: {  	s16 =	sshll.u32 s16, $0x8;
	v18 =	vpack.i.f32.bf16 v19, v18  }
0xd1: {  	s15 =	sadd.s32 $0x3, s15;
	s16 =	sadd.s32 s6, s16;
	[tilespmem:v17+s18+$0x0] =	vst.idx.msk $0xffff, v18  }
0xd2: {  	[hbm4b:s16+s4] =	stream.linear.scatter [tilespmem:s18], [sflag:s15], $0x800, $0x38;
	[tilespmem:$0x3000] =	vst v63  }
.LBB2_8:
0xd3: {  	_ =	sfence.sel $0x180000  }
0xd4: {  	[bflag:$0x0] =	sbarrier.arrive $0xFFFF  }
0xd5: {  	p0 =	sne.s32 s3, $0x0;
	_ =	strace $0x90000047  }
0xd6: {  	s0 =	sadd.s32 @!p0 $0x100000, s0;
	[bflag:$0x2] =	sbarrier.arrive $0xFFFF  }
0xd7: {  	[sflag:s0] =	ssyncadd.tile.s32 @!p0 $0x1;
	_ =	shalt  }
.Lfunc_end2:
_tile_overlayer_lowered:
.L_overlay_start_2:
0xd8: {  	(tag) =	ssettag $0x2  }
0xd9: {  	s0 =	rddreg [dreg:$0x0];
	s2 =	stileid.u32  }
0xda: {  	s1 =	rddreg [dreg:$0x1];
	p0 =	sne.s32 s2, $0x0  }
0xdb: {  	s3 =	rddreg [dreg:$0x2];
	[bflag:$0x3] =	sbarrier.arrive $0xFFFF;
	s2 =	simm.s32 @!p0 $0x1C05  }
0xdc: {  	[timem:s3], [sflag:s2] =	dma.local @!p0 [hbm:s0], s1  }
0xdd: {  	s0 =	simm.s32 @!p0 $0x5  }
0xde: {  	_ =	swait.ge @!p0 [sflag:s0], s1  }
0xdf: {  	s1 =	ssub.s32 @!p0 $0x0, s1;
	[sflag:s0] =	ssyncset.done @!p0 $0x0  }
0xe0: {  	[sflag:s0] =	ssyncadd.s32 @!p0 s1  }
0xe1: {  	[bflag:$0x3] =	sbarrier.arrive $0xFFFF  }
0xe2: {  	_ =	shalt  }

// kernel: _impl.7.cloned.1.call-start
scs
__scs_entry_jumppad:
0x0: {  	(pc) =	sbr.rel $0x88, $3  }
0x1: {  	(tag) =	ssettag $0x0;
	lr =	simm.s32 $0x1  }
0x2: {  	[smem:$0x3F9F] =	sst lr;
	_ =	strace $0xD0000000  }
0x3: {  	_ = 	snop  }
0x4: {  	_ = 	snop  }
0x5: {  	_ = 	snop  }
0x6: {  	_ = 	snop  }
0x7: {  	_ = 	snop  }
__scs_overlays_trampoline_lowered:
0x8: {  	[smem:$0x3FAE] =	sst s0  }
0x9: {  	[smem:$0x3FAF] =	sst s1  }
0xa: {  	[smem:$0x3FB0] =	sst s2  }
0xb: {  	[smem:$0x3FB1] =	sst s3  }
0xc: {  	[smem:$0x3FB2] =	sst s4  }
0xd: {  	[smem:$0x3FB3] =	sst s5  }
0xe: {  	[smem:$0x3FB4] =	sst s6  }
0xf: {  	[smem:$0x3FB5] =	sst s7  }
0x10: {  	[smem:$0x3FB6] =	sst s8  }
0x11: {  	[smem:$0x3FB7] =	sst s9;
	s0 =	simm.s32 @!p0 $0x0  }
0x12: {  	s1 =	sld [smem:$0x3F9D];
	s0 =	simm.s32 @p0 $0x1  }
0x13: {  	[smem:$0x3FB8] =	sst s0;
	s0 =	simm.s32 @!p1 $0x0  }
0x14: {  	s2 =	sld [smem:$0x3F9C];
	s0 =	simm.s32 @p1 $0x1  }
0x15: {  	[smem:$0x3FB9] =	sst s0;
	s0 =	simm.s32 @!p2 $0x0  }
0x16: {  	s3 =	sld [smem:$0x3FDB];
	s0 =	simm.s32 @p2 $0x1  }
0x17: {  	s4 =	simm.s32 $0x1BF5;
	[smem:$0x3FBB] =	sst s0  }
0x18: {  	s0 =	sld [smem:$0x3F9E];
	_ =	swait.ge [sflag:s4], $0x0  }
0x19: {  	s7 =	sld [smem:$0x3F9F]  }
0x1a: {  	s8 =	sadd.s32 $0xFFFFE003, lr  }
0x1b: {  	s9 =	sadd.s32 $0xFFFFFEF7, lr;
	s5 =	simm.s32 $0xFFFFFFFF;
	p2 =	slt.u32 s8, $0xFFFFF086  }
0x1c: {  	p1 =	slt.u32 s9, $0xF7A;
	s5 =	simm.s32 @!p2 $0x0  }
0x1d: {  	s5 =	simm.s32 @p1 $0x1;
	p0 =	seq.s32 s7, s2  }
0x1e: {  	s7 =	smul.u32 @!p0 $0xF7A, s2;
	p2 =	seq.s32 @!p0 s5, $0x0  }
0x1f: {  	s9 =	smul.u32 $0xF7A, s1;
	s8 =	simm.s32 @!p0 $0x1BF5;
	p2 =	por !p2, p0  }
0x20: {  	[sflag:s8] =	ssyncset.s32 @!p0 $0xFFFFF086;
	s6 =	sadd.s32 @!p0 s3, s7;
	s7 =	simm.s32 @!p0 $0x108  }
0x21: {  	s3 =	sadd.s32 s3, s9;
	s6 =	sadd.s32 @!p0 $0x88, s6;
	s7 =	simm.s32 @p2 $0x1082  }
0x22: {  	[simem:s7], [sflag:s8] =	dma.local @!p0 [hbm:s6], $0xF7A  }
0x23: {  	s9 =	sor.u32 $0xD0000000, s2;
	s6 =	simm.s32 $0x108;
	_ =	swait.ge @!p0 [sflag:s8], $0x0  }
0x24: {  	s3 =	sadd.s32 $0x88, s3;
	s6 =	simm.s32 @!p1 $0x1082;
	[sflag:s4] =	ssyncset.s32 $0xFFFFF086  }
0x25: {  	[simem:s6], [sflag:s4] =	dma.local [hbm:s3], $0xF7A  }
0x26: {  	[smem:$0x3F9F] =	sst s1;
	(tag) =	ssettag s2;
	_ =	strace s9  }
0x27: {  	s1 =	sld [smem:$0x3FAF]  }
0x28: {  	s2 =	sld [smem:$0x3FB0]  }
0x29: {  	s4 =	sld [smem:$0x3FB2]  }
0x2a: {  	p0 =	seq.s32 s5, $0x0;
	s5 =	sld [smem:$0x3FB3]  }
0x2b: {  	s6 =	sld [smem:$0x3FB4]  }
0x2c: {  	s7 =	sld [smem:$0x3FB5]  }
0x2d: {  	s3 =	simm.s32 $0x108;
	s8 =	sld [smem:$0x3FB6]  }
0x2e: {  	s3 =	simm.s32 @!p0 $0x1082;
	s9 =	sld [smem:$0x3FB7]  }
0x2f: {  	lr =	sadd.s32 s0, s3;
	s0 =	sld [smem:$0x3FAE]  }
0x30: {  	s3 =	sld [smem:$0x3FB1]  }
0x31: {  	[smem:$0x3FBA] =	sst s10  }
0x32: {  	s10 =	sld [smem:$0x3FB8];
	_ =	sdelay $0x3  }
0x33: {  	p0 =	seq.s32 s10, $0x1;
	s10 =	sld [smem:$0x3FBA];
	_ =	sdelay $0x3  }
0x34: {  	[smem:$0x3FBA] =	sst s10  }
0x35: {  	s10 =	sld [smem:$0x3FB9];
	_ =	sdelay $0x3  }
0x36: {  	p1 =	seq.s32 s10, $0x1;
	s10 =	sld [smem:$0x3FBA];
	_ =	sdelay $0x3  }
0x37: {  	[smem:$0x3FBA] =	sst s10  }
0x38: {  	s10 =	sld [smem:$0x3FBB]  }
0x39: {  	_ = 	snop;
	(pc) =	sbr.ind lr, $3  }
0x3a: {  	_ = 	snop  }
0x3b: {  	_ = 	snop  }
0x3c: {  	p2 =	seq.s32 s10, $0x1;
	s10 =	sld [smem:$0x3FBA]  }
0x3d: {  	_ =	shalt  }
0x3e: {  	_ =	shalt  }
0x3f: {  	_ =	shalt  }
0x40: {  	_ =	shalt  }
0x41: {  	_ =	shalt  }
0x42: {  	_ =	shalt  }
0x43: {  	_ =	shalt  }
0x44: {  	_ =	shalt  }
0x45: {  	_ =	shalt  }
0x46: {  	_ =	shalt  }
0x47: {  	_ =	shalt  }
0x48: {  	_ =	shalt  }
0x49: {  	_ =	shalt  }
0x4a: {  	_ =	shalt  }
0x4b: {  	_ =	shalt  }
0x4c: {  	_ =	shalt  }
0x4d: {  	_ =	shalt  }
0x4e: {  	_ =	shalt  }
0x4f: {  	_ =	shalt  }
0x50: {  	_ =	shalt  }
0x51: {  	_ =	shalt  }
0x52: {  	_ =	shalt  }
0x53: {  	_ =	shalt  }
0x54: {  	_ =	shalt  }
0x55: {  	_ =	shalt  }
0x56: {  	_ =	shalt  }
0x57: {  	_ =	shalt  }
0x58: {  	_ =	shalt  }
0x59: {  	_ =	shalt  }
0x5a: {  	_ =	shalt  }
0x5b: {  	_ =	shalt  }
0x5c: {  	_ =	shalt  }
0x5d: {  	_ =	shalt  }
0x5e: {  	_ =	shalt  }
0x5f: {  	_ =	shalt  }
0x60: {  	_ =	shalt  }
0x61: {  	_ =	shalt  }
0x62: {  	_ =	shalt  }
0x63: {  	_ =	shalt  }
0x64: {  	_ =	shalt  }
0x65: {  	_ =	shalt  }
0x66: {  	_ =	shalt  }
0x67: {  	_ =	shalt  }
0x68: {  	_ =	shalt  }
0x69: {  	_ =	shalt  }
0x6a: {  	_ =	shalt  }
0x6b: {  	_ =	shalt  }
0x6c: {  	_ =	shalt  }
0x6d: {  	_ =	shalt  }
0x6e: {  	_ =	shalt  }
0x6f: {  	_ =	shalt  }
0x70: {  	_ =	shalt  }
0x71: {  	_ =	shalt  }
0x72: {  	_ =	shalt  }
0x73: {  	_ =	shalt  }
0x74: {  	_ =	shalt  }
0x75: {  	_ =	shalt  }
0x76: {  	_ =	shalt  }
0x77: {  	_ =	shalt  }
0x78: {  	_ =	shalt  }
0x79: {  	_ =	shalt  }
0x7a: {  	_ =	shalt  }
0x7b: {  	_ =	shalt  }
0x7c: {  	_ =	shalt  }
0x7d: {  	_ =	shalt  }
0x7e: {  	_ =	shalt  }
0x7f: {  	_ =	shalt  }
0x80: {  	_ =	shalt  }
0x81: {  	_ =	shalt  }
0x82: {  	_ =	shalt  }
0x83: {  	_ =	shalt  }
0x84: {  	_ =	shalt  }
0x85: {  	_ =	shalt  }
0x86: {  	_ =	shalt  }
0x87: {  	_ =	shalt  }
.Lfunc_end0:
.L_simem_size_0:
called_computation.2_lowered:
.L_overlay_start_0:
0x88: {  	s2 =	sld [smem:$0x3FD9]  }
0x89: {  	s3 =	sld [smem:$0x3FFE];
	_ =	sdelay $0x1  }
0x8a: {  	s1 =	srdreg.scid  }
0x8b: {  	s0 =	sand.u32 $0x1, s1  }
0x8c: {  	s17 =	sshll.u32 s0, $0xA;
	s2 =	sadd.s32 s3, s2  }
0x8d: {  	s2 =	sadd.s32 s2, s17  }
0x8e: {  	[smem:$0x3FC6] =	sst s2  }
0x8f: {  	_ = 	snop  }
0x90: {  	s2 =	sld [smem:$0x3FD0];
	(tm) =	ssettm $0x1  }
0x91: {  	s18 =	sld [smem:$0x3FFB];
	_ =	sdelay $0x3  }
0x92: {  	_ =	strace s18  }
0x93: {  	s3 =	sld [smem:$0x3FFC];
	_ =	sdelay $0x3  }
0x94: {  	_ =	strace s3  }
0x95: {  	s3 =	sld [smem:$0x3FFD];
	_ =	sdelay $0x3  }
0x96: {  	_ =	strace s3  }
0x97: {  	_ =	strace $0x8FFFFFFF  }
0x98: {  	s19 =	sld [smem:$0x3FDB];
	_ =	sdelay $0x1  }
0x99: {  	s4 =	simm.s32 $_scs_section_size  }
0x9a: {  	s5 =	simm.s32 $_size__tile_overlayer_lowered;
	s6 =	simm.s32 $_tile_overlayer_lowered  }
0x9b: {  	s22 =	simm.s32 $0x1BFF;
	s21 =	sshll.u32 s6, $0x1;
	s3 =	sadd.s32 s4, s19  }
0x9c: {  	s7 =	simm.s32 $0x0;
	s20 =	sshll.u32 s5, $0x1;
	s5 =	sadd.s32 s21, s3  }
0x9d: {  	[timem:s7], [sflag:s22] =	dma.local [hbm:s5], s20  }
0x9e: {  	_ =	swait.ge [sflag:s22], s20  }
0x9f: {  	s4 =	ssub.s32 $0x0, s20;
	[sflag:s22] =	ssyncset.done $0x0  }
0xa0: {  	[sflag:s22] =	ssyncadd.s32 s4;
	_ =	sdelay $0x1  }
0xa1: {  	s23 =	simm.s32 $0x1B8B  }
0xa2: {  	_ =	swait.ge [sflag:s23], $0x1  }
0xa3: {  	[sflag:s23] =	ssyncset.done $0x0  }
0xa4: {  	s25 =	simm.s32 $0x1B8E;
	s24 =	sld [smem:$0x3FFE];
	[sflag:s23] =	ssyncadd.s32 $0xFFFFFFFF  }
0xa5: {  	s26 =	simm.s32 $execute0_lowered;
	[smem:$0x3FD2] =	sst s25  }
0xa6: {  	s5 =	sshll.u32 s26, $0x1;
	_ =	strace $0x80000049;
	[dreg:$0x1] =	wrdreg $0xFFFFFFFF  }
0xa7: {  	s28 =	simm.s32 $_size_execute0_lowered;
	s3 =	sadd.s32 s3, s5;
	[dreg:$0x0] =	wrdreg $0x0  }
0xa8: {  	s5 =	sshll.u32 s28, $0x1;
	[dreg:$0x2] =	wrdreg s3  }
0xa9: {  	[dreg:$0x3] =	wrdreg s5  }
0xaa: {  	[dreg:$0x4] =	wrdreg $0xC0  }
0xab: {  	_ =	task [dreg:s7], $0x5FFFF  }
0xac: {  	[dreg:$0x1] =	wrdreg $0xFFFFFFFF  }
0xad: {  	[dreg:$0x0] =	wrdreg $0x60  }
0xae: {  	[dreg:$0x2] =	wrdreg s24  }
0xaf: {  	[dreg:$0x3] =	wrdreg s2  }
0xb0: {  	[dreg:$0x4] =	wrdreg $0x9  }
0xb1: {  	_ =	task.clear_ibuf [dreg:s7], $0x5FFFF;
	_ =	strace $0x90000049  }
0xb2: {  	s29 =	simm.s32 $0x9;
	_ =	strace $0x8000004B  }
0xb3: {  	_ =	swait.ge [sflag:s29], $0x1  }
0xb4: {  	[sflag:s29] =	ssyncadd.s32 $0xFFFFFFFF  }
0xb5: {  	_ =	strace $0x9000004B  }
0xb6: {  	_ =	sfence  }
0xb7: {  	s30 =	sld [smem:$0x0];
	_ =	sdelay $0x2  }
0xb8: {  	s31 =	sshll.u32 s1, $0xD;
	s1 =	sshrl.u32 s1, $0x2  }
0xb9: {  	s3 =	sand.u32 $0x4000, s31;
	s1 =	sadd.s32 s1, s30  }
0xba: {  	s0 =	sor.u32 s3, s0;
	s1 =	sshll.u32 s1, $0x11  }
0xbb: {  	s0 =	sor.u32 s1, s0  }
0xbc: {  	s0 =	sadd.s32 $0x8F2B, s0  }
0xbd: {  	[sflag:s0] =	ssyncadd.remote.s32 $0x1  }
0xbe: {  	_ =	sfence.sel $0xFFFF  }
0xbf: {  	[dreg:$0x0] =	wrdreg $0xFFFFFFFF;
	(pc) =	sbr.abs _section_cstart, $3  }
0xc0: {  	[dreg:$0x1] =	wrdreg $0xFFFFFFFF  }
0xc1: {  	_ =	task.clear_ibuf [dreg:s7], $0x2FFFF;
	_ =	strace $0x9FFFFFFF  }
0xc2: {  	(tm) =	ssettm $0x7FFFFFFF  }
0xc3: {  	_ =	shalt  }
tec
execute0_lowered:
.L_overlay_start_1:
0x0: {  	(tag) =	ssettag $0x1  }
0x1: {  	v3 =	vlaneseq.u32  }
0x2: {  	v0 =	vmul.u32 $0xC8, v3  }
0x3: {  	v3 =	vmul.u32 $0x10, v3  }
0x4: {  	v1 =	vadd.s32 $0xC80, v0;
	v6 =	vadd.s32 $0x3E80, v0  }
0x5: {  	v7 =	vadd.s32 $0x4B00, v0;
	v8 =	vadd.s32 $0x5780, v0;
	v9 =	vor.u32 $0x100, v3  }
0x6: {  	v10 =	vor.u32 $0x200, v3;
	v11 =	vor.u32 $0x300, v3;
	v12 =	vor.u32 $0x400, v3  }
0x7: {  	v13 =	vor.u32 $0x500, v3;
	v14 =	vor.u32 $0x600, v3;
	v15 =	vor.u32 $0x700, v3  }
0x8: {  	v16 =	vor.u32 $0x1, v3;
	v17 =	vor.u32 $0x101, v3;
	v18 =	vor.u32 $0x201, v3  }
0x9: {  	v19 =	vor.u32 $0x301, v3;
	v20 =	vor.u32 $0x401, v3;
	v21 =	vor.u32 $0x501, v3  }
0xa: {  	v22 =	vor.u32 $0x601, v3;
	v23 =	vor.u32 $0x701, v3;
	v24 =	vor.u32 $0x2, v3  }
0xb: {  	v25 =	vor.u32 $0x102, v3;
	v26 =	vor.u32 $0x202, v3;
	v27 =	vor.u32 $0x302, v3  }
0xc: {  	v28 =	vor.u32 $0x402, v3;
	v29 =	vor.u32 $0x502, v3;
	v30 =	vor.u32 $0x602, v3  }
0xd: {  	v31 =	vor.u32 $0x702, v3;
	v32 =	vor.u32 $0x3, v3;
	v33 =	vor.u32 $0x103, v3  }
0xe: {  	s1 =	srdreg.scid;
	v34 =	vor.u32 $0x203, v3;
	v35 =	vor.u32 $0x303, v3;
	v36 =	vor.u32 $0x403, v3  }
0xf: {  	s0 =	stileid.u32;
	s3 =	rddreg [dreg:$0x0];
	v37 =	vor.u32 $0x503, v3;
	v38 =	vor.u32 $0x603, v3;
	v39 =	vor.u32 $0x703, v3  }
0x10: {  	s6 =	rddreg [dreg:$0x1];
	s2 =	simm.s32 $0x0;
	s9 =	simm.s32 $0x6400;
	v40 =	vor.u32 $0x4, v3;
	v41 =	vor.u32 $0x104, v3;
	v42 =	vor.u32 $0x204, v3  }
0x11: {  	s10 =	simm.s32 $0x6500;
	s11 =	simm.s32 $0x3;
	s12 =	simm.s32 $0x4;
	v43 =	vor.u32 $0x304, v3;
	v44 =	vor.u32 $0x404, v3;
	v45 =	vor.u32 $0x504, v3  }
0x12: {  	s13 =	simm.s32 $0x0;
	s5 =	sand.u32 $0x1, s1;
	s1 =	rddreg [dreg:$0x2];
	v46 =	vor.u32 $0x604, v3;
	v47 =	vor.u32 $0x704, v3;
	v48 =	vor.u32 $0x5, v3  }
0x13: {  	s29 =	sshll.u32 s0, $0x1;
	[smem:$0x7FF] =	sst s2;
	s30 =	sshll.u32 s0, $0x7;
	v49 =	vor.u32 $0x105, v3;
	v50 =	vor.u32 $0x205, v3;
	v51 =	vor.u32 $0x305, v3  }
0x14: {  	s4 =	sor.u32 s5, s29;
	s7 =	ssub.s32 $0x2, s5;
	s6 =	sadd.s32 s30, s6;
	v52 =	vor.u32 $0x405, v3;
	v53 =	vor.u32 $0x505, v3;
	[tilespmem:$0x1FFC0] =	vst v1;
	v1 =	vadd.s32 $0x1900, v0  }
0x15: {  	s31 =	sshll.u32 s5, $0x6;
	s4 =	smul.u32 $0xC80, s4;
	s8 =	sshrl.u32 s7, $0x1;
	v54 =	vor.u32 $0x605, v3;
	v55 =	vor.u32 $0x705, v3;
	[tilespmem:$0x1FFD0] =	vst v1;
	v1 =	vadd.s32 $0x2580, v0  }
0x16: {  	s6 =	sadd.s32 s31, s6;
	v56 =	vor.u32 $0x6, v3;
	v57 =	vor.u32 $0x106, v3;
	s7 =	ssub.s32 s7, s8;
	s8 =	simm.s32 $0x80;
	[tilespmem:$0x1FFE0] =	vst v1;
	v1 =	vadd.s32 $0x3200, v0  }
0x17: {  	v58 =	vor.u32 $0x206, v3;
	v59 =	vor.u32 $0x306, v3;
	v60 =	vor.u32 $0x406, v3;
	s4 =	sadd.s32 s4, s3;
	s3 =	sadd.s32 $0xA00, s3;
	s5 =	smax.u32 s7, $0x1;
	[tilespmem:$0x1FFF0] =	vst v1  }
0x18: {  	v61 =	vor.u32 $0x506, v3;
	v62 =	vor.u32 $0x606, v3;
	v63 =	vor.u32 $0x706, v3;
	s7 =	simm.s32 $0x5;
	s4 =	sadd.s32 $0x1E9000, s4;
	_ =	strace $0x8000004A  }
.LBB2_1:
0x19: {  	[tilespmem:s2], [sflag:$0x5] =	stream.linear.gather [hbm4b:s4+s2], $0x6400, $0x38;
	[tilespmem:$0x8500] =	vst v63  }
0x1a: {  	_ =	swait.ge [sflag:s7], $0x6400  }
0x1b: {  	[sflag:s7] =	ssyncset.done $0x0  }
0x1c: {  	[sflag:s7] =	ssyncadd.s32 $0xFFFF9C00  }
0x1d: {  	v1 =	vld.idx.msk [tilespmem:v0+s2+$0x0], $0xffff;
	_ =	sdelay $0x4  }
0x1e: {  	[tilespmem:$0x6400] =	vst v1;
	v1 =	vld [tilespmem:$0x1FFC0];
	_ =	sdelay $0x7  }
0x1f: {  	v1 =	vld.idx.msk [tilespmem:v1+s2+$0x0], $0xffff;
	_ =	sdelay $0x4  }
0x20: {  	[tilespmem:$0x6410] =	vst v1;
	v1 =	vld [tilespmem:$0x1FFD0];
	_ =	sdelay $0x7  }
0x21: {  	v1 =	vld.idx.msk [tilespmem:v1+s2+$0x0], $0xffff;
	_ =	sdelay $0x4  }
0x22: {  	[tilespmem:$0x6420] =	vst v1;
	v1 =	vld [tilespmem:$0x1FFE0];
	_ =	sdelay $0x7  }
0x23: {  	v1 =	vld.idx.msk [tilespmem:v1+s2+$0x0], $0xffff;
	_ =	sdelay $0x4  }
0x24: {  	[tilespmem:$0x6430] =	vst v1;
	v1 =	vld [tilespmem:$0x1FFF0];
	_ =	sdelay $0x7  }
0x25: {  	v1 =	vld.idx.msk [tilespmem:v1+s2+$0x0], $0xffff;
	_ =	sdelay $0x4  }
0x26: {  	[tilespmem:$0x6440] =	vst v1  }
0x27: {  	v1 =	vld.idx.msk [tilespmem:v6+s2+$0x0], $0xffff;
	_ =	sdelay $0x4  }
0x28: {  	[tilespmem:$0x6450] =	vst v1  }
0x29: {  	v1 =	vld.idx.msk [tilespmem:v7+s2+$0x0], $0xffff;
	_ =	sdelay $0x4  }
0x2a: {  	[tilespmem:$0x6460] =	vst v1  }
0x2b: {  	v1 =	vld.idx.msk [tilespmem:v8+s2+$0x0], $0xffff;
	_ =	sdelay $0x4  }
0x2c: {  	s14 =	simm.s32 $0x0;
	s17 =	simm.s32 $0x0;
	[tilespmem:$0x6470] =	vst v1  }
0x2d: {  	[tilespmem:s10], [sflag:$0x1] =	stream.indirect.gather [hbm4b:s3+s8], $0x10, s9, s8, $0xb8;
	[tilespmem:$0x8500] =	vst v63  }
.LBB2_2:
0x2e: {  	p0 =	seq.s32 s14, $0x18E000  }
0x2f: {  	s15 =	sadd.s32 $0x1, s17;
	v1 =	vlaneseq.u32 @!p0  }
0x30: {  	v2 =	vmov @!p0 s15;
	v1 =	vmul.u32 @!p0 $0xC8, v1  }
0x31: {  	v2 =	vand.u32 @!p0 $0x1FF, v2  }
0x32: {  	v4 =	vadd.s32 @!p0 v1, v2;
	_ =	sdelay $0x3  }
0x33: {  	s16 =	simm.s32 @!p0 $0x0  }
0x34: {  	v5 =	vadd.s32 @!p0 $0xC80, v1;
	v4 =	vld.idx.msk @!p0 [tilespmem:v4+s16+$0x0], $0xffff  }
0x35: {  	v5 =	vadd.s32 @!p0 v5, v2;
	_ =	sdelay $0x1  }
0x36: {  	s18 =	sand.u32 @!p0 $0x1, s15  }
0x37: {  	s19 =	sshll.u32 @!p0 s18, $0x7  }
0x38: {  	[tilespmem:s19+$0x6400] =	vst @!p0 v4  }
0x39: {  	v4 =	vld.idx.msk @!p0 [tilespmem:v5+s16+$0x0], $0xffff;
	v5 =	vadd.s32 @!p0 $0x1900, v1  }
0x3a: {  	v5 =	vadd.s32 @!p0 v5, v2;
	_ =	sdelay $0x3  }
0x3b: {  	[tilespmem:s19+$0x6410] =	vst @!p0 v4  }
0x3c: {  	v4 =	vld.idx.msk @!p0 [tilespmem:v5+s16+$0x0], $0xffff;
	v5 =	vadd.s32 @!p0 $0x2580, v1  }
0x3d: {  	v5 =	vadd.s32 @!p0 v5, v2;
	_ =	sdelay $0x3  }
0x3e: {  	[tilespmem:s19+$0x6420] =	vst @!p0 v4  }
0x3f: {  	v4 =	vld.idx.msk @!p0 [tilespmem:v5+s16+$0x0], $0xffff;
	v5 =	vadd.s32 @!p0 $0x3200, v1  }
0x40: {  	v5 =	vadd.s32 @!p0 v5, v2;
	_ =	sdelay $0x3  }
0x41: {  	[tilespmem:s19+$0x6430] =	vst @!p0 v4  }
0x42: {  	v4 =	vld.idx.msk @!p0 [tilespmem:v5+s16+$0x0], $0xffff;
	v5 =	vadd.s32 @!p0 $0x3E80, v1  }
0x43: {  	v5 =	vadd.s32 @!p0 v5, v2;
	_ =	sdelay $0x3  }
0x44: {  	[tilespmem:s19+$0x6440] =	vst @!p0 v4  }
0x45: {  	v4 =	vld.idx.msk @!p0 [tilespmem:v5+s16+$0x0], $0xffff;
	v5 =	vadd.s32 @!p0 $0x4B00, v1  }
0x46: {  	v5 =	vadd.s32 @!p0 v5, v2;
	_ =	sdelay $0x3  }
0x47: {  	[tilespmem:s19+$0x6450] =	vst @!p0 v4  }
0x48: {  	v1 =	vadd.s32 @!p0 $0x5780, v1;
	v4 =	vld.idx.msk @!p0 [tilespmem:v5+s16+$0x0], $0xffff  }
0x49: {  	v1 =	vadd.s32 @!p0 v1, v2;
	_ =	sdelay $0x3  }
0x4a: {  	[tilespmem:s19+$0x6460] =	vst @!p0 v4  }
0x4b: {  	v1 =	vld.idx.msk @!p0 [tilespmem:v1+s16+$0x0], $0xffff;
	_ =	sdelay $0x3  }
0x4c: {  	s20 =	sshll.u32 @!p0 s18, $0xB;
	s18 =	sadd.s32 @!p0 $0x1, s18  }
0x4d: {  	s16 =	sor.u32 @!p0 $0x6400, s19;
	[tilespmem:s19+$0x6470] =	vst @!p0 v1;
	s19 =	sor.u32 @!p0 $0x6500, s20;
	s20 =	simm.s32 @!p0 $0x80  }
0x4e: {  	[tilespmem:s19], [sflag:s18] =	stream.indirect.gather @!p0 [hbm4b:s3+s20], $0x10, s16, s20, $0xb8;
	[tilespmem:$0x8500] =	vst v63  }
0x4f: {  	s16 =	sand.u32 $0x1, s17  }
0x50: {  	s21 =	sadd.s32 $0x1, s16  }
0x51: {  	_ =	swait.ge [sflag:s21], $0x800  }
0x52: {  	p0 =	slt.u32 s17, $0x2;
	[sflag:s21] =	ssyncset.done $0x0  }
0x53: {  	s18 =	sadd.s32 @!p0 $0x3, s16;
	[sflag:s21] =	ssyncadd.s32 $0xFFFFF800  }
0x54: {  	_ =	swait.ge @!p0 [sflag:s18], $0x200  }
0x55: {  	[sflag:s18] =	ssyncset.done @!p0 $0x0  }
0x56: {  	[sflag:s18] =	ssyncadd.s32 @!p0 $0xFFFFFE00  }
0x57: {  	_ =	swait.ge @!p0 [sflag:s18], $0x200  }
0x58: {  	[sflag:s18] =	ssyncset.done @!p0 $0x0  }
0x59: {  	[sflag:s18] =	ssyncadd.s32 @!p0 $0xFFFFFE00  }
0x5a: {  	_ =	swait.ge @!p0 [sflag:s18], $0x200  }
0x5b: {  	[sflag:s18] =	ssyncset.done @!p0 $0x0  }
0x5c: {  	[sflag:s18] =	ssyncadd.s32 @!p0 $0xFFFFFE00  }
0x5d: {  	_ =	swait.ge @!p0 [sflag:s18], $0x200  }
0x5e: {  	s22 =	sshll.u32 s16, $0xB;
	[sflag:s18] =	ssyncset.done @!p0 $0x0  }
0x5f: {  	s23 =	sor.u32 $0x6500, s22;
	[sflag:s18] =	ssyncadd.s32 @!p0 $0xFFFFFE00  }
0x60: {  	v1 =	vld.idx.msk [tilespmem:v3+s23+$0x0], $0xffff;
	_ =	sdelay $0x4  }
0x61: {  	[tilespmem:s22+$0x7500] =	vst v1  }
0x62: {  	v1 =	vld.idx.msk [tilespmem:v9+s23+$0x0], $0xffff;
	_ =	sdelay $0x4  }
0x63: {  	[tilespmem:s22+$0x7510] =	vst v1  }
0x64: {  	v1 =	vld.idx.msk [tilespmem:v10+s23+$0x0], $0xffff;
	_ =	sdelay $0x4  }
0x65: {  	[tilespmem:s22+$0x7520] =	vst v1  }
0x66: {  	v1 =	vld.idx.msk [tilespmem:v11+s23+$0x0], $0xffff;
	_ =	sdelay $0x4  }
0x67: {  	[tilespmem:s22+$0x7530] =	vst v1  }
0x68: {  	v1 =	vld.idx.msk [tilespmem:v12+s23+$0x0], $0xffff;
	_ =	sdelay $0x4  }
0x69: {  	[tilespmem:s22+$0x7540] =	vst v1  }
0x6a: {  	v1 =	vld.idx.msk [tilespmem:v13+s23+$0x0], $0xffff;
	_ =	sdelay $0x4  }
0x6b: {  	[tilespmem:s22+$0x7550] =	vst v1  }
0x6c: {  	v1 =	vld.idx.msk [tilespmem:v14+s23+$0x0], $0xffff;
	_ =	sdelay $0x4  }
0x6d: {  	[tilespmem:s22+$0x7560] =	vst v1  }
0x6e: {  	v1 =	vld.idx.msk [tilespmem:v15+s23+$0x0], $0xffff;
	_ =	sdelay $0x4  }
0x6f: {  	[tilespmem:s22+$0x7570] =	vst v1  }
0x70: {  	v1 =	vld.idx.msk [tilespmem:v16+s23+$0x0], $0xffff;
	_ =	sdelay $0x4  }
0x71: {  	[tilespmem:s22+$0x7580] =	vst v1  }
0x72: {  	v1 =	vld.idx.msk [tilespmem:v17+s23+$0x0], $0xffff;
	_ =	sdelay $0x4  }
0x73: {  	[tilespmem:s22+$0x7590] =	vst v1  }
0x74: {  	v1 =	vld.idx.msk [tilespmem:v18+s23+$0x0], $0xffff;
	_ =	sdelay $0x4  }
0x75: {  	[tilespmem:s22+$0x75A0] =	vst v1  }
0x76: {  	v1 =	vld.idx.msk [tilespmem:v19+s23+$0x0], $0xffff;
	_ =	sdelay $0x4  }
0x77: {  	[tilespmem:s22+$0x75B0] =	vst v1  }
0x78: {  	v1 =	vld.idx.msk [tilespmem:v20+s23+$0x0], $0xffff;
	_ =	sdelay $0x4  }
0x79: {  	[tilespmem:s22+$0x75C0] =	vst v1  }
0x7a: {  	v1 =	vld.idx.msk [tilespmem:v21+s23+$0x0], $0xffff;
	_ =	sdelay $0x4  }
0x7b: {  	[tilespmem:s22+$0x75D0] =	vst v1  }
0x7c: {  	v1 =	vld.idx.msk [tilespmem:v22+s23+$0x0], $0xffff;
	_ =	sdelay $0x4  }
0x7d: {  	[tilespmem:s22+$0x75E0] =	vst v1  }
0x7e: {  	v1 =	vld.idx.msk [tilespmem:v23+s23+$0x0], $0xffff;
	_ =	sdelay $0x4  }
0x7f: {  	[tilespmem:s22+$0x75F0] =	vst v1  }
0x80: {  	v1 =	vld.idx.msk [tilespmem:v24+s23+$0x0], $0xffff;
	_ =	sdelay $0x4  }
0x81: {  	[tilespmem:s22+$0x7600] =	vst v1  }
0x82: {  	v1 =	vld.idx.msk [tilespmem:v25+s23+$0x0], $0xffff;
	_ =	sdelay $0x4  }
0x83: {  	[tilespmem:s22+$0x7610] =	vst v1  }
0x84: {  	v1 =	vld.idx.msk [tilespmem:v26+s23+$0x0], $0xffff;
	_ =	sdelay $0x4  }
0x85: {  	[tilespmem:s22+$0x7620] =	vst v1  }
0x86: {  	v1 =	vld.idx.msk [tilespmem:v27+s23+$0x0], $0xffff;
	_ =	sdelay $0x4  }
0x87: {  	[tilespmem:s22+$0x7630] =	vst v1  }
0x88: {  	v1 =	vld.idx.msk [tilespmem:v28+s23+$0x0], $0xffff;
	_ =	sdelay $0x4  }
0x89: {  	[tilespmem:s22+$0x7640] =	vst v1  }
0x8a: {  	v1 =	vld.idx.msk [tilespmem:v29+s23+$0x0], $0xffff;
	_ =	sdelay $0x4  }
0x8b: {  	[tilespmem:s22+$0x7650] =	vst v1  }
0x8c: {  	v1 =	vld.idx.msk [tilespmem:v30+s23+$0x0], $0xffff;
	_ =	sdelay $0x4  }
0x8d: {  	[tilespmem:s22+$0x7660] =	vst v1  }
0x8e: {  	v1 =	vld.idx.msk [tilespmem:v31+s23+$0x0], $0xffff;
	_ =	sdelay $0x4  }
0x8f: {  	[tilespmem:s22+$0x7670] =	vst v1  }
0x90: {  	v1 =	vld.idx.msk [tilespmem:v32+s23+$0x0], $0xffff;
	_ =	sdelay $0x4  }
0x91: {  	[tilespmem:s22+$0x7680] =	vst v1  }
0x92: {  	v1 =	vld.idx.msk [tilespmem:v33+s23+$0x0], $0xffff;
	_ =	sdelay $0x4  }
0x93: {  	[tilespmem:s22+$0x7690] =	vst v1  }
0x94: {  	v1 =	vld.idx.msk [tilespmem:v34+s23+$0x0], $0xffff;
	_ =	sdelay $0x4  }
0x95: {  	[tilespmem:s22+$0x76A0] =	vst v1  }
0x96: {  	v1 =	vld.idx.msk [tilespmem:v35+s23+$0x0], $0xffff;
	_ =	sdelay $0x4  }
0x97: {  	[tilespmem:s22+$0x76B0] =	vst v1  }
0x98: {  	v1 =	vld.idx.msk [tilespmem:v36+s23+$0x0], $0xffff;
	_ =	sdelay $0x4  }
0x99: {  	[tilespmem:s22+$0x76C0] =	vst v1  }
0x9a: {  	v1 =	vld.idx.msk [tilespmem:v37+s23+$0x0], $0xffff;
	_ =	sdelay $0x4  }
0x9b: {  	[tilespmem:s22+$0x76D0] =	vst v1  }
0x9c: {  	v1 =	vld.idx.msk [tilespmem:v38+s23+$0x0], $0xffff;
	_ =	sdelay $0x4  }
0x9d: {  	[tilespmem:s22+$0x76E0] =	vst v1  }
0x9e: {  	v1 =	vld.idx.msk [tilespmem:v39+s23+$0x0], $0xffff;
	_ =	sdelay $0x4  }
0x9f: {  	[tilespmem:s22+$0x76F0] =	vst v1  }
0xa0: {  	v1 =	vld.idx.msk [tilespmem:v40+s23+$0x0], $0xffff;
	_ =	sdelay $0x4  }
0xa1: {  	[tilespmem:s22+$0x7700] =	vst v1  }
0xa2: {  	v1 =	vld.idx.msk [tilespmem:v41+s23+$0x0], $0xffff;
	_ =	sdelay $0x4  }
0xa3: {  	[tilespmem:s22+$0x7710] =	vst v1  }
0xa4: {  	v1 =	vld.idx.msk [tilespmem:v42+s23+$0x0], $0xffff;
	_ =	sdelay $0x4  }
0xa5: {  	[tilespmem:s22+$0x7720] =	vst v1  }
0xa6: {  	v1 =	vld.idx.msk [tilespmem:v43+s23+$0x0], $0xffff;
	_ =	sdelay $0x4  }
0xa7: {  	[tilespmem:s22+$0x7730] =	vst v1  }
0xa8: {  	v1 =	vld.idx.msk [tilespmem:v44+s23+$0x0], $0xffff;
	_ =	sdelay $0x4  }
0xa9: {  	[tilespmem:s22+$0x7740] =	vst v1  }
0xaa: {  	v1 =	vld.idx.msk [tilespmem:v45+s23+$0x0], $0xffff;
	_ =	sdelay $0x4  }
0xab: {  	[tilespmem:s22+$0x7750] =	vst v1  }
0xac: {  	v1 =	vld.idx.msk [tilespmem:v46+s23+$0x0], $0xffff;
	_ =	sdelay $0x4  }
0xad: {  	[tilespmem:s22+$0x7760] =	vst v1  }
0xae: {  	v1 =	vld.idx.msk [tilespmem:v47+s23+$0x0], $0xffff;
	_ =	sdelay $0x4  }
0xaf: {  	[tilespmem:s22+$0x7770] =	vst v1  }
0xb0: {  	v1 =	vld.idx.msk [tilespmem:v48+s23+$0x0], $0xffff;
	_ =	sdelay $0x4  }
0xb1: {  	[tilespmem:s22+$0x7780] =	vst v1  }
0xb2: {  	v1 =	vld.idx.msk [tilespmem:v49+s23+$0x0], $0xffff;
	_ =	sdelay $0x4  }
0xb3: {  	[tilespmem:s22+$0x7790] =	vst v1  }
0xb4: {  	v1 =	vld.idx.msk [tilespmem:v50+s23+$0x0], $0xffff;
	_ =	sdelay $0x4  }
0xb5: {  	[tilespmem:s22+$0x77A0] =	vst v1  }
0xb6: {  	v1 =	vld.idx.msk [tilespmem:v51+s23+$0x0], $0xffff;
	_ =	sdelay $0x4  }
0xb7: {  	[tilespmem:s22+$0x77B0] =	vst v1  }
0xb8: {  	v1 =	vld.idx.msk [tilespmem:v52+s23+$0x0], $0xffff;
	_ =	sdelay $0x4  }
0xb9: {  	[tilespmem:s22+$0x77C0] =	vst v1  }
0xba: {  	v1 =	vld.idx.msk [tilespmem:v53+s23+$0x0], $0xffff;
	_ =	sdelay $0x4  }
0xbb: {  	[tilespmem:s22+$0x77D0] =	vst v1  }
0xbc: {  	v1 =	vld.idx.msk [tilespmem:v54+s23+$0x0], $0xffff;
	_ =	sdelay $0x4  }
0xbd: {  	[tilespmem:s22+$0x77E0] =	vst v1  }
0xbe: {  	v1 =	vld.idx.msk [tilespmem:v55+s23+$0x0], $0xffff;
	_ =	sdelay $0x4  }
0xbf: {  	[tilespmem:s22+$0x77F0] =	vst v1  }
0xc0: {  	v1 =	vld.idx.msk [tilespmem:v56+s23+$0x0], $0xffff;
	_ =	sdelay $0x4  }
0xc1: {  	[tilespmem:s22+$0x7800] =	vst v1  }
0xc2: {  	v1 =	vld.idx.msk [tilespmem:v57+s23+$0x0], $0xffff;
	_ =	sdelay $0x4  }
0xc3: {  	[tilespmem:s22+$0x7810] =	vst v1  }
0xc4: {  	v1 =	vld.idx.msk [tilespmem:v58+s23+$0x0], $0xffff;
	_ =	sdelay $0x4  }
0xc5: {  	[tilespmem:s22+$0x7820] =	vst v1  }
0xc6: {  	v1 =	vld.idx.msk [tilespmem:v59+s23+$0x0], $0xffff;
	_ =	sdelay $0x4  }
0xc7: {  	[tilespmem:s22+$0x7830] =	vst v1  }
0xc8: {  	v1 =	vld.idx.msk [tilespmem:v60+s23+$0x0], $0xffff;
	_ =	sdelay $0x4  }
0xc9: {  	[tilespmem:s22+$0x7840] =	vst v1  }
0xca: {  	v1 =	vld.idx.msk [tilespmem:v61+s23+$0x0], $0xffff;
	_ =	sdelay $0x4  }
0xcb: {  	[tilespmem:s22+$0x7850] =	vst v1  }
0xcc: {  	v1 =	vld.idx.msk [tilespmem:v62+s23+$0x0], $0xffff;
	_ =	sdelay $0x4  }
0xcd: {  	[tilespmem:s22+$0x7860] =	vst v1  }
0xce: {  	v1 =	vld.idx.msk [tilespmem:v63+s23+$0x0], $0xffff  }
0xcf: {  	v2 =	vor.u32 $0x7, v3;
	_ =	sdelay $0x3  }
0xd0: {  	[tilespmem:s22+$0x7870] =	vst v1  }
0xd1: {  	v1 =	vld.idx.msk [tilespmem:v2+s23+$0x0], $0xffff  }
0xd2: {  	v2 =	vor.u32 $0x107, v3;
	_ =	sdelay $0x3  }
0xd3: {  	[tilespmem:s22+$0x7880] =	vst v1  }
0xd4: {  	v1 =	vld.idx.msk [tilespmem:v2+s23+$0x0], $0xffff  }
0xd5: {  	v2 =	vor.u32 $0x207, v3;
	_ =	sdelay $0x3  }
0xd6: {  	[tilespmem:s22+$0x7890] =	vst v1  }
0xd7: {  	v1 =	vld.idx.msk [tilespmem:v2+s23+$0x0], $0xffff  }
0xd8: {  	v2 =	vor.u32 $0x307, v3;
	_ =	sdelay $0x3  }
0xd9: {  	[tilespmem:s22+$0x78A0] =	vst v1  }
0xda: {  	v1 =	vld.idx.msk [tilespmem:v2+s23+$0x0], $0xffff  }
0xdb: {  	v2 =	vor.u32 $0x407, v3;
	_ =	sdelay $0x3  }
0xdc: {  	[tilespmem:s22+$0x78B0] =	vst v1  }
0xdd: {  	v1 =	vld.idx.msk [tilespmem:v2+s23+$0x0], $0xffff  }
0xde: {  	v2 =	vor.u32 $0x507, v3;
	_ =	sdelay $0x3  }
0xdf: {  	[tilespmem:s22+$0x78C0] =	vst v1  }
0xe0: {  	v1 =	vld.idx.msk [tilespmem:v2+s23+$0x0], $0xffff  }
0xe1: {  	v2 =	vor.u32 $0x607, v3;
	_ =	sdelay $0x3  }
0xe2: {  	[tilespmem:s22+$0x78D0] =	vst v1  }
0xe3: {  	v1 =	vld.idx.msk [tilespmem:v2+s23+$0x0], $0xffff  }
0xe4: {  	v2 =	vor.u32 $0x707, v3;
	_ =	sdelay $0x3  }
0xe5: {  	[tilespmem:s22+$0x78E0] =	vst v1  }
0xe6: {  	v1 =	vld.idx.msk [tilespmem:v2+s23+$0x0], $0xffff  }
0xe7: {  	v2 =	vor.u32 $0x8, v3;
	_ =	sdelay $0x3  }
0xe8: {  	[tilespmem:s22+$0x78F0] =	vst v1  }
0xe9: {  	v1 =	vld.idx.msk [tilespmem:v2+s23+$0x0], $0xffff  }
0xea: {  	v2 =	vor.u32 $0x108, v3;
	_ =	sdelay $0x3  }
0xeb: {  	[tilespmem:s22+$0x7900] =	vst v1  }
0xec: {  	v1 =	vld.idx.msk [tilespmem:v2+s23+$0x0], $0xffff  }
0xed: {  	v2 =	vor.u32 $0x208, v3;
	_ =	sdelay $0x3  }
0xee: {  	[tilespmem:s22+$0x7910] =	vst v1  }
0xef: {  	v1 =	vld.idx.msk [tilespmem:v2+s23+$0x0], $0xffff  }
0xf0: {  	v2 =	vor.u32 $0x308, v3;
	_ =	sdelay $0x3  }
0xf1: {  	[tilespmem:s22+$0x7920] =	vst v1  }
0xf2: {  	v1 =	vld.idx.msk [tilespmem:v2+s23+$0x0], $0xffff  }
0xf3: {  	v2 =	vor.u32 $0x408, v3;
	_ =	sdelay $0x3  }
0xf4: {  	[tilespmem:s22+$0x7930] =	vst v1  }
0xf5: {  	v1 =	vld.idx.msk [tilespmem:v2+s23+$0x0], $0xffff  }
0xf6: {  	v2 =	vor.u32 $0x508, v3;
	_ =	sdelay $0x3  }
0xf7: {  	[tilespmem:s22+$0x7940] =	vst v1  }
0xf8: {  	v1 =	vld.idx.msk [tilespmem:v2+s23+$0x0], $0xffff  }
0xf9: {  	v2 =	vor.u32 $0x608, v3;
	_ =	sdelay $0x3  }
0xfa: {  	[tilespmem:s22+$0x7950] =	vst v1  }
0xfb: {  	v1 =	vld.idx.msk [tilespmem:v2+s23+$0x0], $0xffff  }
0xfc: {  	v2 =	vor.u32 $0x708, v3;
	_ =	sdelay $0x3  }
0xfd: {  	[tilespmem:s22+$0x7960] =	vst v1  }
0xfe: {  	v1 =	vld.idx.msk [tilespmem:v2+s23+$0x0], $0xffff  }
0xff: {  	v2 =	vor.u32 $0x9, v3;
	_ =	sdelay $0x3  }
0x100: {  	[tilespmem:s22+$0x7970] =	vst v1  }
0x101: {  	v1 =	vld.idx.msk [tilespmem:v2+s23+$0x0], $0xffff  }
0x102: {  	v2 =	vor.u32 $0x109, v3;
	_ =	sdelay $0x3  }
0x103: {  	[tilespmem:s22+$0x7980] =	vst v1  }
0x104: {  	v1 =	vld.idx.msk [tilespmem:v2+s23+$0x0], $0xffff  }
0x105: {  	v2 =	vor.u32 $0x209, v3;
	_ =	sdelay $0x3  }
0x106: {  	[tilespmem:s22+$0x7990] =	vst v1  }
0x107: {  	v1 =	vld.idx.msk [tilespmem:v2+s23+$0x0], $0xffff  }
0x108: {  	v2 =	vor.u32 $0x309, v3;
	_ =	sdelay $0x3  }
0x109: {  	[tilespmem:s22+$0x79A0] =	vst v1  }
0x10a: {  	v1 =	vld.idx.msk [tilespmem:v2+s23+$0x0], $0xffff  }
0x10b: {  	v2 =	vor.u32 $0x409, v3;
	_ =	sdelay $0x3  }
0x10c: {  	[tilespmem:s22+$0x79B0] =	vst v1  }
0x10d: {  	v1 =	vld.idx.msk [tilespmem:v2+s23+$0x0], $0xffff  }
0x10e: {  	v2 =	vor.u32 $0x509, v3;
	_ =	sdelay $0x3  }
0x10f: {  	[tilespmem:s22+$0x79C0] =	vst v1  }
0x110: {  	v1 =	vld.idx.msk [tilespmem:v2+s23+$0x0], $0xffff  }
0x111: {  	v2 =	vor.u32 $0x609, v3;
	_ =	sdelay $0x3  }
0x112: {  	[tilespmem:s22+$0x79D0] =	vst v1  }
0x113: {  	v1 =	vld.idx.msk [tilespmem:v2+s23+$0x0], $0xffff  }
0x114: {  	v2 =	vor.u32 $0x709, v3;
	_ =	sdelay $0x3  }
0x115: {  	[tilespmem:s22+$0x79E0] =	vst v1  }
0x116: {  	v1 =	vld.idx.msk [tilespmem:v2+s23+$0x0], $0xffff  }
0x117: {  	v2 =	vor.u32 $0xA, v3;
	_ =	sdelay $0x3  }
0x118: {  	[tilespmem:s22+$0x79F0] =	vst v1  }
0x119: {  	v1 =	vld.idx.msk [tilespmem:v2+s23+$0x0], $0xffff  }
0x11a: {  	v2 =	vor.u32 $0x10A, v3;
	_ =	sdelay $0x3  }
0x11b: {  	[tilespmem:s22+$0x7A00] =	vst v1  }
0x11c: {  	v1 =	vld.idx.msk [tilespmem:v2+s23+$0x0], $0xffff  }
0x11d: {  	v2 =	vor.u32 $0x20A, v3;
	_ =	sdelay $0x3  }
0x11e: {  	[tilespmem:s22+$0x7A10] =	vst v1  }
0x11f: {  	v1 =	vld.idx.msk [tilespmem:v2+s23+$0x0], $0xffff  }
0x120: {  	v2 =	vor.u32 $0x30A, v3;
	_ =	sdelay $0x3  }
0x121: {  	[tilespmem:s22+$0x7A20] =	vst v1  }
0x122: {  	v1 =	vld.idx.msk [tilespmem:v2+s23+$0x0], $0xffff  }
0x123: {  	v2 =	vor.u32 $0x40A, v3;
	_ =	sdelay $0x3  }
0x124: {  	[tilespmem:s22+$0x7A30] =	vst v1  }
0x125: {  	v1 =	vld.idx.msk [tilespmem:v2+s23+$0x0], $0xffff  }
0x126: {  	v2 =	vor.u32 $0x50A, v3;
	_ =	sdelay $0x3  }
0x127: {  	[tilespmem:s22+$0x7A40] =	vst v1  }
0x128: {  	v1 =	vld.idx.msk [tilespmem:v2+s23+$0x0], $0xffff  }
0x129: {  	v2 =	vor.u32 $0x60A, v3;
	_ =	sdelay $0x3  }
0x12a: {  	[tilespmem:s22+$0x7A50] =	vst v1  }
0x12b: {  	v1 =	vld.idx.msk [tilespmem:v2+s23+$0x0], $0xffff  }
0x12c: {  	v2 =	vor.u32 $0x70A, v3;
	_ =	sdelay $0x3  }
0x12d: {  	[tilespmem:s22+$0x7A60] =	vst v1  }
0x12e: {  	v1 =	vld.idx.msk [tilespmem:v2+s23+$0x0], $0xffff  }
0x12f: {  	v2 =	vor.u32 $0xB, v3;
	_ =	sdelay $0x3  }
0x130: {  	[tilespmem:s22+$0x7A70] =	vst v1  }
0x131: {  	v1 =	vld.idx.msk [tilespmem:v2+s23+$0x0], $0xffff  }
0x132: {  	v2 =	vor.u32 $0x10B, v3;
	_ =	sdelay $0x3  }
0x133: {  	[tilespmem:s22+$0x7A80] =	vst v1  }
0x134: {  	v1 =	vld.idx.msk [tilespmem:v2+s23+$0x0], $0xffff  }
0x135: {  	v2 =	vor.u32 $0x20B, v3;
	_ =	sdelay $0x3  }
0x136: {  	[tilespmem:s22+$0x7A90] =	vst v1  }
0x137: {  	v1 =	vld.idx.msk [tilespmem:v2+s23+$0x0], $0xffff  }
0x138: {  	v2 =	vor.u32 $0x30B, v3;
	_ =	sdelay $0x3  }
0x139: {  	[tilespmem:s22+$0x7AA0] =	vst v1  }
0x13a: {  	v1 =	vld.idx.msk [tilespmem:v2+s23+$0x0], $0xffff  }
0x13b: {  	v2 =	vor.u32 $0x40B, v3;
	_ =	sdelay $0x3  }
0x13c: {  	[tilespmem:s22+$0x7AB0] =	vst v1  }
0x13d: {  	v1 =	vld.idx.msk [tilespmem:v2+s23+$0x0], $0xffff  }
0x13e: {  	v2 =	vor.u32 $0x50B, v3;
	_ =	sdelay $0x3  }
0x13f: {  	[tilespmem:s22+$0x7AC0] =	vst v1  }
0x140: {  	v1 =	vld.idx.msk [tilespmem:v2+s23+$0x0], $0xffff  }
0x141: {  	v2 =	vor.u32 $0x60B, v3;
	_ =	sdelay $0x3  }
0x142: {  	[tilespmem:s22+$0x7AD0] =	vst v1  }
0x143: {  	v1 =	vld.idx.msk [tilespmem:v2+s23+$0x0], $0xffff  }
0x144: {  	v2 =	vor.u32 $0x70B, v3;
	_ =	sdelay $0x3  }
0x145: {  	[tilespmem:s22+$0x7AE0] =	vst v1  }
0x146: {  	v1 =	vld.idx.msk [tilespmem:v2+s23+$0x0], $0xffff  }
0x147: {  	v2 =	vor.u32 $0xC, v3;
	_ =	sdelay $0x3  }
0x148: {  	[tilespmem:s22+$0x7AF0] =	vst v1  }
0x149: {  	v1 =	vld.idx.msk [tilespmem:v2+s23+$0x0], $0xffff  }
0x14a: {  	v2 =	vor.u32 $0x10C, v3;
	_ =	sdelay $0x3  }
0x14b: {  	[tilespmem:s22+$0x7B00] =	vst v1  }
0x14c: {  	v1 =	vld.idx.msk [tilespmem:v2+s23+$0x0], $0xffff  }
0x14d: {  	v2 =	vor.u32 $0x20C, v3;
	_ =	sdelay $0x3  }
0x14e: {  	[tilespmem:s22+$0x7B10] =	vst v1  }
0x14f: {  	v1 =	vld.idx.msk [tilespmem:v2+s23+$0x0], $0xffff  }
0x150: {  	v2 =	vor.u32 $0x30C, v3;
	_ =	sdelay $0x3  }
0x151: {  	[tilespmem:s22+$0x7B20] =	vst v1  }
0x152: {  	v1 =	vld.idx.msk [tilespmem:v2+s23+$0x0], $0xffff  }
0x153: {  	v2 =	vor.u32 $0x40C, v3;
	_ =	sdelay $0x3  }
0x154: {  	[tilespmem:s22+$0x7B30] =	vst v1  }
0x155: {  	v1 =	vld.idx.msk [tilespmem:v2+s23+$0x0], $0xffff  }
0x156: {  	v2 =	vor.u32 $0x50C, v3;
	_ =	sdelay $0x3  }
0x157: {  	[tilespmem:s22+$0x7B40] =	vst v1  }
0x158: {  	v1 =	vld.idx.msk [tilespmem:v2+s23+$0x0], $0xffff  }
0x159: {  	v2 =	vor.u32 $0x60C, v3;
	_ =	sdelay $0x3  }
0x15a: {  	[tilespmem:s22+$0x7B50] =	vst v1  }
0x15b: {  	v1 =	vld.idx.msk [tilespmem:v2+s23+$0x0], $0xffff  }
0x15c: {  	v2 =	vor.u32 $0x70C, v3;
	_ =	sdelay $0x3  }
0x15d: {  	[tilespmem:s22+$0x7B60] =	vst v1  }
0x15e: {  	v1 =	vld.idx.msk [tilespmem:v2+s23+$0x0], $0xffff  }
0x15f: {  	v2 =	vor.u32 $0xD, v3;
	_ =	sdelay $0x3  }
0x160: {  	[tilespmem:s22+$0x7B70] =	vst v1  }
0x161: {  	v1 =	vld.idx.msk [tilespmem:v2+s23+$0x0], $0xffff  }
0x162: {  	v2 =	vor.u32 $0x10D, v3;
	_ =	sdelay $0x3  }
0x163: {  	[tilespmem:s22+$0x7B80] =	vst v1  }
0x164: {  	v1 =	vld.idx.msk [tilespmem:v2+s23+$0x0], $0xffff  }
0x165: {  	v2 =	vor.u32 $0x20D, v3;
	_ =	sdelay $0x3  }
0x166: {  	[tilespmem:s22+$0x7B90] =	vst v1  }
0x167: {  	v1 =	vld.idx.msk [tilespmem:v2+s23+$0x0], $0xffff  }
0x168: {  	v2 =	vor.u32 $0x30D, v3;
	_ =	sdelay $0x3  }
0x169: {  	[tilespmem:s22+$0x7BA0] =	vst v1  }
0x16a: {  	v1 =	vld.idx.msk [tilespmem:v2+s23+$0x0], $0xffff  }
0x16b: {  	v2 =	vor.u32 $0x40D, v3;
	_ =	sdelay $0x3  }
0x16c: {  	[tilespmem:s22+$0x7BB0] =	vst v1  }
0x16d: {  	v1 =	vld.idx.msk [tilespmem:v2+s23+$0x0], $0xffff  }
0x16e: {  	v2 =	vor.u32 $0x50D, v3;
	_ =	sdelay $0x3  }
0x16f: {  	[tilespmem:s22+$0x7BC0] =	vst v1  }
0x170: {  	v1 =	vld.idx.msk [tilespmem:v2+s23+$0x0], $0xffff  }
0x171: {  	v2 =	vor.u32 $0x60D, v3;
	_ =	sdelay $0x3  }
0x172: {  	[tilespmem:s22+$0x7BD0] =	vst v1  }
0x173: {  	v1 =	vld.idx.msk [tilespmem:v2+s23+$0x0], $0xffff  }
0x174: {  	v2 =	vor.u32 $0x70D, v3;
	_ =	sdelay $0x3  }
0x175: {  	[tilespmem:s22+$0x7BE0] =	vst v1  }
0x176: {  	v1 =	vld.idx.msk [tilespmem:v2+s23+$0x0], $0xffff  }
0x177: {  	v2 =	vor.u32 $0xE, v3;
	_ =	sdelay $0x3  }
0x178: {  	[tilespmem:s22+$0x7BF0] =	vst v1  }
0x179: {  	v1 =	vld.idx.msk [tilespmem:v2+s23+$0x0], $0xffff  }
0x17a: {  	v2 =	vor.u32 $0x10E, v3;
	_ =	sdelay $0x3  }
0x17b: {  	[tilespmem:s22+$0x7C00] =	vst v1  }
0x17c: {  	v1 =	vld.idx.msk [tilespmem:v2+s23+$0x0], $0xffff  }
0x17d: {  	v2 =	vor.u32 $0x20E, v3;
	_ =	sdelay $0x3  }
0x17e: {  	[tilespmem:s22+$0x7C10] =	vst v1  }
0x17f: {  	v1 =	vld.idx.msk [tilespmem:v2+s23+$0x0], $0xffff  }
0x180: {  	v2 =	vor.u32 $0x30E, v3;
	_ =	sdelay $0x3  }
0x181: {  	[tilespmem:s22+$0x7C20] =	vst v1  }
0x182: {  	v1 =	vld.idx.msk [tilespmem:v2+s23+$0x0], $0xffff  }
0x183: {  	v2 =	vor.u32 $0x40E, v3;
	_ =	sdelay $0x3  }
0x184: {  	[tilespmem:s22+$0x7C30] =	vst v1  }
0x185: {  	v1 =	vld.idx.msk [tilespmem:v2+s23+$0x0], $0xffff  }
0x186: {  	v2 =	vor.u32 $0x50E, v3;
	_ =	sdelay $0x3  }
0x187: {  	[tilespmem:s22+$0x7C40] =	vst v1  }
0x188: {  	v1 =	vld.idx.msk [tilespmem:v2+s23+$0x0], $0xffff  }
0x189: {  	v2 =	vor.u32 $0x60E, v3;
	_ =	sdelay $0x3  }
0x18a: {  	[tilespmem:s22+$0x7C50] =	vst v1  }
0x18b: {  	v1 =	vld.idx.msk [tilespmem:v2+s23+$0x0], $0xffff  }
0x18c: {  	v2 =	vor.u32 $0x70E, v3;
	_ =	sdelay $0x3  }
0x18d: {  	[tilespmem:s22+$0x7C60] =	vst v1  }
0x18e: {  	v1 =	vld.idx.msk [tilespmem:v2+s23+$0x0], $0xffff  }
0x18f: {  	v2 =	vor.u32 $0xF, v3;
	_ =	sdelay $0x3  }
0x190: {  	[tilespmem:s22+$0x7C70] =	vst v1  }
0x191: {  	v1 =	vld.idx.msk [tilespmem:v2+s23+$0x0], $0xffff  }
0x192: {  	v2 =	vor.u32 $0x10F, v3;
	_ =	sdelay $0x3  }
0x193: {  	[tilespmem:s22+$0x7C80] =	vst v1  }
0x194: {  	v1 =	vld.idx.msk [tilespmem:v2+s23+$0x0], $0xffff  }
0x195: {  	v2 =	vor.u32 $0x20F, v3;
	_ =	sdelay $0x3  }
0x196: {  	[tilespmem:s22+$0x7C90] =	vst v1  }
0x197: {  	v1 =	vld.idx.msk [tilespmem:v2+s23+$0x0], $0xffff  }
0x198: {  	v2 =	vor.u32 $0x30F, v3;
	_ =	sdelay $0x3  }
0x199: {  	[tilespmem:s22+$0x7CA0] =	vst v1  }
0x19a: {  	v1 =	vld.idx.msk [tilespmem:v2+s23+$0x0], $0xffff  }
0x19b: {  	v2 =	vor.u32 $0x40F, v3;
	_ =	sdelay $0x3  }
0x19c: {  	[tilespmem:s22+$0x7CB0] =	vst v1  }
0x19d: {  	v1 =	vld.idx.msk [tilespmem:v2+s23+$0x0], $0xffff  }
0x19e: {  	v2 =	vor.u32 $0x50F, v3;
	_ =	sdelay $0x3  }
0x19f: {  	[tilespmem:s22+$0x7CC0] =	vst v1  }
0x1a0: {  	v1 =	vld.idx.msk [tilespmem:v2+s23+$0x0], $0xffff  }
0x1a1: {  	v2 =	vor.u32 $0x60F, v3;
	_ =	sdelay $0x3  }
0x1a2: {  	[tilespmem:s22+$0x7CD0] =	vst v1  }
0x1a3: {  	v1 =	vld.idx.msk [tilespmem:v2+s23+$0x0], $0xffff  }
0x1a4: {  	v2 =	vor.u32 $0x70F, v3;
	_ =	sdelay $0x3  }
0x1a5: {  	[tilespmem:s22+$0x7CE0] =	vst v1  }
0x1a6: {  	v1 =	vld.idx.msk [tilespmem:v2+s23+$0x0], $0xffff;
	_ =	sdelay $0x3  }
0x1a7: {  	s25 =	sadd.s32 s14, s6  }
0x1a8: {  	s14 =	sadd.s32 $0x2000, s14;
	s16 =	sadd.s32 $0x3, s16;
	s24 =	sor.u32 $0x7500, s22;
	[tilespmem:s22+$0x7CF0] =	vst v1  }
0x1a9: {  	[hbm4b:s25+s2] =	stream.linear.scatter [tilespmem:s24], [sflag:s16], $0x200, $0x38;
	[tilespmem:$0x8500] =	vst v63  }
0x1aa: {  	s28 =	sadd.s32 $0x800, s25;
	s26 =	sor.u32 $0x7700, s22;
	p0 =	sne.s32 s14, $0x190000  }
0x1ab: {  	[hbm4b:s28+s2] =	stream.linear.scatter [tilespmem:s26], [sflag:s16], $0x200, $0x38;
	[tilespmem:$0x8500] =	vst v63  }
.Ltmp0:
0x1ac: {  	s30 =	sadd.s32 $0x1000, s25;
	s29 =	sadd.s32 $0x7900, s22;
	(pc) =	sbr.rel @p0 .LBB2_2-.Ltmp0, $4  }
0x1ad: {  	[hbm4b:s30+s2] =	stream.linear.scatter [tilespmem:s29], [sflag:s16], $0x200, $0x38;
	[tilespmem:$0x8500] =	vst v63  }
0x1ae: {  	s31 =	sadd.s32 $0x1800, s25;
	s17 =	sadd.s32 $0x7B00, s22  }
0x1af: {  	[hbm4b:s31+s2] =	stream.linear.scatter [tilespmem:s17], [sflag:s16], $0x200, $0x38;
	[tilespmem:$0x8500] =	vst v63  }
0x1b0: {  	s17 =	smov.u32 s15  }
0x1b1: {  	_ =	swait.ge [sflag:s11], $0x200  }
0x1b2: {  	[sflag:s11] =	ssyncset.done $0x0  }
0x1b3: {  	[sflag:s11] =	ssyncadd.s32 $0xFFFFFE00  }
0x1b4: {  	_ =	swait.ge [sflag:s11], $0x200  }
0x1b5: {  	[sflag:s11] =	ssyncset.done $0x0  }
0x1b6: {  	[sflag:s11] =	ssyncadd.s32 $0xFFFFFE00  }
0x1b7: {  	_ =	swait.ge [sflag:s11], $0x200  }
0x1b8: {  	[sflag:s11] =	ssyncset.done $0x0  }
0x1b9: {  	[sflag:s11] =	ssyncadd.s32 $0xFFFFFE00  }
0x1ba: {  	_ =	swait.ge [sflag:s11], $0x200  }
0x1bb: {  	[sflag:s11] =	ssyncset.done $0x0  }
0x1bc: {  	[sflag:s11] =	ssyncadd.s32 $0xFFFFFE00  }
0x1bd: {  	_ =	swait.ge [sflag:s12], $0x200  }
0x1be: {  	[sflag:s12] =	ssyncset.done $0x0  }
0x1bf: {  	[sflag:s12] =	ssyncadd.s32 $0xFFFFFE00  }
0x1c0: {  	_ =	swait.ge [sflag:s12], $0x200  }
0x1c1: {  	[sflag:s12] =	ssyncset.done $0x0  }
0x1c2: {  	s13 =	sadd.s32 $0x1, s13;
	[sflag:s12] =	ssyncadd.s32 $0xFFFFFE00  }
0x1c3: {  	p0 =	sne.s32 s13, s5;
	_ =	swait.ge [sflag:s12], $0x200  }
.Ltmp1:
0x1c4: {  	[sflag:s12] =	ssyncset.done $0x0;
	(pc) =	sbr.rel @p0 .LBB2_1-.Ltmp1, $4  }
0x1c5: {  	[sflag:s12] =	ssyncadd.s32 $0xFFFFFE00  }
0x1c6: {  	_ =	swait.ge [sflag:s12], $0x200  }
0x1c7: {  	[sflag:s12] =	ssyncset.done $0x0  }
0x1c8: {  	[sflag:s12] =	ssyncadd.s32 $0xFFFFFE00  }
0x1c9: {  	_ =	sfence.sel $0x180000  }
0x1ca: {  	[bflag:$0x0] =	sbarrier.arrive $0xFFFF  }
0x1cb: {  	p0 =	sne.s32 s0, $0x0;
	_ =	strace $0x9000004A  }
0x1cc: {  	s0 =	sadd.s32 @!p0 $0x100000, s1;
	[bflag:$0x2] =	sbarrier.arrive $0xFFFF  }
0x1cd: {  	[sflag:s0] =	ssyncadd.tile.s32 @!p0 $0x1;
	_ =	shalt  }
.Lfunc_end2:
_tile_overlayer_lowered:
.L_overlay_start_2:
0x1ce: {  	(tag) =	ssettag $0x2  }
0x1cf: {  	s0 =	rddreg [dreg:$0x0];
	s2 =	stileid.u32  }
0x1d0: {  	s1 =	rddreg [dreg:$0x1];
	p0 =	sne.s32 s2, $0x0  }
0x1d1: {  	s3 =	rddreg [dreg:$0x2];
	[bflag:$0x3] =	sbarrier.arrive $0xFFFF;
	s2 =	simm.s32 @!p0 $0x1C05  }
0x1d2: {  	[timem:s3], [sflag:s2] =	dma.local @!p0 [hbm:s0], s1  }
0x1d3: {  	s0 =	simm.s32 @!p0 $0x5  }
0x1d4: {  	_ =	swait.ge @!p0 [sflag:s0], s1  }
0x1d5: {  	s1 =	ssub.s32 @!p0 $0x0, s1;
	[sflag:s0] =	ssyncset.done @!p0 $0x0  }
0x1d6: {  	[sflag:s0] =	ssyncadd.s32 @!p0 s1  }
0x1d7: {  	[bflag:$0x3] =	sbarrier.arrive $0xFFFF  }
0x1d8: {  	_ =	shalt  }

// kernel: sparse-core-data-format-call.cloned.1.call-start
scs
called_computation_lowered:
.L_overlay_start_0:
0x0: {  	s2 =	sld [smem:$0x3FD9]  }
0x1: {  	s3 =	sld [smem:$0x3FFE];
	_ =	sdelay $0x1  }
0x2: {  	s1 =	srdreg.scid  }
0x3: {  	s0 =	sand.u32 $0x1, s1  }
0x4: {  	s18 =	sshll.u32 s0, $0xA;
	s2 =	sadd.s32 s3, s2  }
0x5: {  	s2 =	sadd.s32 s2, s18  }
0x6: {  	[smem:$0x3FC6] =	sst s2  }
0x7: {  	_ = 	snop  }
0x8: {  	s2 =	sld [smem:$0x3FD0];
	(tm) =	ssettm $0x1  }
0x9: {  	s19 =	sld [smem:$0x3FFB];
	_ =	sdelay $0x3  }
0xa: {  	_ =	strace s19  }
0xb: {  	s3 =	sld [smem:$0x3FFC];
	_ =	sdelay $0x3  }
0xc: {  	_ =	strace s3  }
0xd: {  	s3 =	sld [smem:$0x3FFD];
	_ =	sdelay $0x3  }
0xe: {  	_ =	strace s3  }
0xf: {  	_ =	strace $0x8FFFFFFF  }
0x10: {  	s20 =	sld [smem:$0x3FDB];
	_ =	sdelay $0x1  }
0x11: {  	s4 =	simm.s32 $_scs_section_size  }
0x12: {  	s5 =	simm.s32 $_size__tile_overlayer_lowered;
	s6 =	simm.s32 $_tile_overlayer_lowered  }
0x13: {  	s23 =	simm.s32 $0x1BFF;
	s22 =	sshll.u32 s6, $0x1;
	s3 =	sadd.s32 s4, s20  }
0x14: {  	s7 =	simm.s32 $0x0;
	s21 =	sshll.u32 s5, $0x1;
	s5 =	sadd.s32 s22, s3  }
0x15: {  	[timem:s7], [sflag:s23] =	dma.local [hbm:s5], s21  }
0x16: {  	_ =	swait.ge [sflag:s23], s21  }
0x17: {  	s4 =	ssub.s32 $0x0, s21;
	[sflag:s23] =	ssyncset.done $0x0  }
0x18: {  	[sflag:s23] =	ssyncadd.s32 s4;
	_ =	sdelay $0x1  }
0x19: {  	s24 =	simm.s32 $0x1B8B  }
0x1a: {  	_ =	swait.ge [sflag:s24], $0x1  }
0x1b: {  	[sflag:s24] =	ssyncset.done $0x0  }
0x1c: {  	s26 =	simm.s32 $0x1B8E;
	s25 =	sld [smem:$0x3FFE];
	[sflag:s24] =	ssyncadd.s32 $0xFFFFFFFF  }
0x1d: {  	s27 =	simm.s32 $execute0_lowered;
	[smem:$0x3FD2] =	sst s26  }
0x1e: {  	s5 =	sshll.u32 s27, $0x1;
	_ =	strace $0x8000004C;
	[dreg:$0x1] =	wrdreg $0xFFFFFFFF  }
0x1f: {  	s28 =	simm.s32 $_size_execute0_lowered;
	s3 =	sadd.s32 s3, s5;
	[dreg:$0x0] =	wrdreg $0x0  }
0x20: {  	s5 =	sshll.u32 s28, $0x1;
	[dreg:$0x2] =	wrdreg s3  }
0x21: {  	[dreg:$0x3] =	wrdreg s5  }
0x22: {  	[dreg:$0x4] =	wrdreg $0xC0  }
0x23: {  	_ =	task [dreg:s7], $0x5FFFF  }
0x24: {  	[dreg:$0x1] =	wrdreg $0xFFFFFFFF  }
0x25: {  	[dreg:$0x0] =	wrdreg $0x60  }
0x26: {  	[dreg:$0x2] =	wrdreg s2  }
0x27: {  	[dreg:$0x3] =	wrdreg s25  }
0x28: {  	[dreg:$0x4] =	wrdreg $0x9  }
0x29: {  	_ =	task.clear_ibuf [dreg:s7], $0x5FFFF;
	_ =	strace $0x9000004C  }
0x2a: {  	s29 =	simm.s32 $0x9;
	_ =	strace $0x8000004E  }
0x2b: {  	_ =	swait.ge [sflag:s29], $0x1  }
0x2c: {  	[sflag:s29] =	ssyncadd.s32 $0xFFFFFFFF  }
0x2d: {  	_ =	strace $0x9000004E  }
0x2e: {  	_ =	sfence  }
0x2f: {  	s30 =	sld [smem:$0x0];
	_ =	sdelay $0x2  }
0x30: {  	s31 =	sshll.u32 s1, $0xD;
	s1 =	sshrl.u32 s1, $0x2  }
0x31: {  	s3 =	sand.u32 $0x4000, s31;
	s1 =	sadd.s32 s1, s30  }
0x32: {  	s0 =	sor.u32 s3, s0;
	s1 =	sshll.u32 s1, $0x11  }
0x33: {  	s0 =	sor.u32 s1, s0  }
0x34: {  	s0 =	sadd.s32 $0x8F2B, s0  }
0x35: {  	[sflag:s0] =	ssyncadd.remote.s32 $0x1  }
0x36: {  	_ =	sfence.sel $0xFFFF  }
0x37: {  	[dreg:$0x0] =	wrdreg $0xFFFFFFFF;
	(pc) =	sbr.abs _section_cstart, $3  }
0x38: {  	[dreg:$0x1] =	wrdreg $0xFFFFFFFF  }
0x39: {  	_ =	task.clear_ibuf [dreg:s7], $0x2FFFF;
	_ =	strace $0x9FFFFFFF  }
0x3a: {  	(tm) =	ssettm $0x7FFFFFFF  }
0x3b: {  	_ =	shalt  }
tec
execute0_lowered:
.L_overlay_start_1:
0x0: {  	(tag) =	ssettag $0x1  }
0x1: {  	s6 =	rddreg [dreg:$0x0]  }
0x2: {  	s2 =	rddreg [dreg:$0x1]  }
0x3: {  	s1 =	srdreg.scid;
	s0 =	rddreg [dreg:$0x2]  }
0x4: {  	_ =	strace $0x8000004D;
	s7 =	simm.s32 $0x2;
	p0 =	por $0x0, $0x0  }
0x5: {  	s11 =	simm.s32 $0x0;
	s10 =	simm.s32 $0x0;
	s3 =	sshll.u32 s1, $0x4  }
.Ltmp0:
0x6: {  	s1 =	stileid.u32;
	s3 =	sand.u32 $0x10, s3;
	(pc) =	sbr.rel .LBB1_1-.Ltmp0, $4  }
0x7: {  	s8 =	simm.s32 $0x0;
	s2 =	sadd.s32 $0xA00, s2;
	s4 =	sor.u32 s1, s3  }
0x8: {  	s5 =	sand.u32 $0x7, s1;
	s3 =	simm.s32 $0x1;
	s4 =	sshrl.u32 s4, $0x3  }
0x9: {  	s9 =	smov.u32 s5;
	[sflag:s3] =	ssyncpa.u1 $0x0;
	s31 =	sshll.u32 s4, $0xB  }
0xa: {  	[sflag:s7] =	ssyncpa.u1 $0x0;
	s7 =	simm.s32 $0x0;
	s6 =	sadd.s32 s6, s31  }
.LBB1_7:
0xb: {  	s12 =	sadd.s32 $0x8, s9  }
0xc: {  	p1 =	slt.u32 s8, $0x2;
	s8 =	sadd.s32 $0x1, s8;
	p2 =	sgt.s32 s12, $0xC7  }
0xd: {  	s12 =	smov.u32 @p2 s5;
	p2 =	sne.s32 s8, $0x1B  }
.Ltmp1:
0xe: {  	_ = 	snop;
	(pc) =	sbr.rel @!p2 .LBB1_8-.Ltmp1, $4  }
0xf: {  	s11 =	simm.s32 @!p1 $0x2  }
0x10: {  	_ =	swait.ge @!p1 [sflag:s11], $0x4000  }
0x11: {  	s10 =	smov.u32 s9;
	p0 =	por !p0, !p0;
	[sflag:s11] =	ssyncset.done @!p1 $0x0  }
0x12: {  	s9 =	smov.u32 s12;
	[sflag:s11] =	ssyncadd.s32 @!p1 $0xFFFFC000;
	s11 =	smov.u32 s4  }
.LBB1_1:
0x13: {  	p1 =	sgt.u32 s8, $0x18  }
0x14: {  	s12 =	sxor.u32 @!p1 $0xFFFFFFFF, s8  }
0x15: {  	s13 =	sshll.u32 @!p1 s9, $0xD;
	s12 =	sshll.u32 @!p1 s12, $0xE  }
0x16: {  	s14 =	simm.s32 @!p1 $0x0;
	s13 =	sadd.s32 @!p1 s13, s6;
	s12 =	sand.u32 @!p1 $0x4000, s12  }
0x17: {  	[tilespmem:s12], [sflag:$0x1] =	stream.linear.gather @!p1 [hbm4b:s13+s14], $0x4000, $0x38;
	[tilespmem:$0x10000] =	vst v63  }
0x18: {  	p1 =	seq.s32 s8, $0x0  }
0x19: {  	p2 =	seq.s32 @!p1 s8, $0x1A  }
0x1a: {  	p1 =	por p1, p2  }
.Ltmp2:
0x1b: {  	_ = 	snop;
	(pc) =	sbr.rel @p1 .LBB1_7-.Ltmp2, $1  }
0x1c: {  	_ =	sdelay $0x3  }
0x1d: {  	s12 =	simm.s32 $0x1;
	_ =	swait.ge [sflag:s3], $0x4000;
	s15 =	sshll.u32 s8, $0xE  }
0x1e: {  	s12 =	simm.s32 @!p0 $0x0;
	[sflag:s3] =	ssyncset.done $0x0;
	s31 =	sand.u32 $0x4000, s15  }
0x1f: {  	s15 =	simm.s32 $0x0;
	s13 =	sshll.u32 s12, $0xE;
	[sflag:s3] =	ssyncadd.s32 $0xFFFFC000  }
0x20: {  	s12 =	sor.u32 $0x8040, s13;
	s14 =	sor.u32 $0x40, s13;
	s13 =	sor.u32 $0x8000, s31  }
.LBB1_3:
0x21: {  	v0 =	vmov s14;
	_ =	sdelay $0x3  }
0x22: {  	s17 =	simm.s32 $0x0  }
0x23: {  	v6 =	vld.idx.msk [tilespmem:v0+s17+$0x30 ss:$0x1], $0xffff  }
0x24: {  	v7 =	vld.idx.msk [tilespmem:v0+s17+$0xFFFFFFC0 ss:$0x1], $0xffff  }
0x25: {  	v5 =	vld.idx.msk [tilespmem:v0+s17+$0xFFFFFFD0 ss:$0x1], $0xffff  }
0x26: {  	v4 =	vld.idx.msk [tilespmem:v0+s17+$0xFFFFFFE0 ss:$0x1], $0xffff  }
0x27: {  	v3 =	vld.idx.msk [tilespmem:v0+s17+$0xFFFFFFF0 ss:$0x1], $0xffff  }
0x28: {  	v1 =	vld.idx.msk [tilespmem:v0+s17+$0x0 ss:$0x1], $0xffff  }
0x29: {  	v2 =	vld.idx.msk [tilespmem:v0+s17+$0x10 ss:$0x1], $0xffff;
	[tilespmem:s12+$0x30] =	vst v6  }
0x2a: {  	s16 =	simm.s32 $0x80;
	s18 =	simm.s32 $0x400;
	[tilespmem:s12+$0xFFFFFFC0] =	vst v7;
	v6 =	vld.idx.msk [tilespmem:v0+s17+$0x20 ss:$0x1], $0xffff;
	s17 =	smov.u32 s12  }
.LBB1_4:
0x2b: {  	p1 =	sne.s32 s18, $0x600;
	v7 =	vld.idx.msk [tilespmem:v0+s16+$0x30 ss:$0x1], $0xffff;
	[tilespmem:s17+$0xFFFFFFD0] =	vst v5  }
0x2c: {  	v8 =	vld.idx.msk [tilespmem:v0+s16+$0xFFFFFFC0 ss:$0x1], $0xffff;
	[tilespmem:s17+$0xFFFFFFE0] =	vst v4  }
0x2d: {  	v5 =	vld.idx.msk [tilespmem:v0+s16+$0xFFFFFFD0 ss:$0x1], $0xffff;
	[tilespmem:s17+$0xFFFFFFF0] =	vst v3  }
.Ltmp3:
0x2e: {  	v4 =	vld.idx.msk [tilespmem:v0+s16+$0xFFFFFFE0 ss:$0x1], $0xffff;
	[tilespmem:s17+$0x0] =	vst v1;
	(pc) =	sbr.rel @p1 .LBB1_4-.Ltmp3, $4  }
0x2f: {  	v3 =	vld.idx.msk [tilespmem:v0+s16+$0xFFFFFFF0 ss:$0x1], $0xffff;
	[tilespmem:s17+$0x10] =	vst v2  }
0x30: {  	v1 =	vld.idx.msk [tilespmem:v0+s16+$0x0 ss:$0x1], $0xffff;
	[tilespmem:s17+$0x20] =	vst v6;
	s17 =	sadd.s32 $0x1000, s17  }
0x31: {  	v2 =	vld.idx.msk [tilespmem:v0+s16+$0x10 ss:$0x1], $0xffff;
	[tilespmem:s17+$0x30] =	vst v7  }
0x32: {  	[tilespmem:s17+$0xFFFFFFC0] =	vst v8;
	v6 =	vld.idx.msk [tilespmem:v0+s16+$0x20 ss:$0x1], $0xffff;
	s16 =	sshra.s32 s18, $0x2;
	s18 =	sadd.s32 $0x200, s18  }
0x33: {  	_ =	sdelay $0x2  }
0x34: {  	[tilespmem:s17+$0xFFFFFFD0] =	vst v5  }
0x35: {  	v56 =	vld.idx.msk [tilespmem:v0+s16+$0x30 ss:$0x1], $0xffff;
	[tilespmem:s17+$0xFFFFFFE0] =	vst v4  }
0x36: {  	v57 =	vld.idx.msk [tilespmem:v0+s16+$0xFFFFFFC0 ss:$0x1], $0xffff;
	[tilespmem:s17+$0xFFFFFFF0] =	vst v3  }
0x37: {  	v58 =	vld.idx.msk [tilespmem:v0+s16+$0xFFFFFFD0 ss:$0x1], $0xffff;
	[tilespmem:s17+$0x0] =	vst v1  }
0x38: {  	v59 =	vld.idx.msk [tilespmem:v0+s16+$0xFFFFFFE0 ss:$0x1], $0xffff;
	[tilespmem:s17+$0x10] =	vst v2  }
0x39: {  	v60 =	vld.idx.msk [tilespmem:v0+s16+$0xFFFFFFF0 ss:$0x1], $0xffff;
	s31 =	sadd.s32 $0x1000, s17;
	[tilespmem:s17+$0x20] =	vst v6  }
0x3a: {  	v61 =	vld.idx.msk [tilespmem:v0+s16+$0x0 ss:$0x1], $0xffff;
	[tilespmem:s31+$0x30] =	vst v56  }
0x3b: {  	v62 =	vld.idx.msk [tilespmem:v0+s16+$0x10 ss:$0x1], $0xffff;
	s15 =	sadd.s32 $0x1, s15;
	[tilespmem:s31+$0xFFFFFFC0] =	vst v57  }
0x3c: {  	v63 =	vld.idx.msk [tilespmem:v0+s16+$0x20 ss:$0x1], $0xffff;
	p1 =	sne.s32 s15, $0x20;
	[tilespmem:s31+$0xFFFFFFD0] =	vst v58  }
.Ltmp4:
0x3d: {  	[tilespmem:s31+$0xFFFFFFE0] =	vst v59;
	(pc) =	sbr.rel @p1 .LBB1_3-.Ltmp4, $4  }
0x3e: {  	[tilespmem:s31+$0xFFFFFFF0] =	vst v60  }
0x3f: {  	[tilespmem:s31+$0x0] =	vst v61  }
0x40: {  	[tilespmem:s31+$0x10] =	vst v62  }
0x41: {  	s12 =	sadd.s32 $0x80, s12;
	s14 =	sadd.s32 $0x200, s14;
	[tilespmem:s31+$0x20] =	vst v63  }
.Ltmp5:
0x42: {  	(pc) =	sbr.rel .LBB1_7-.Ltmp5, $4  }
0x43: {  	s10 =	sshll.u32 s10, $0xD  }
0x44: {  	s11 =	sshll.u32 s11, $0xB;
	s10 =	sadd.s32 s2, s10  }
0x45: {  	s10 =	sadd.s32 s11, s10  }
0x46: {  	[hbm4b:s10+s7] =	stream.linear.scatter [tilespmem:s13], [sflag:$0x2], $0x4000, $0x38;
	[tilespmem:$0x10000] =	vst v63  }
.LBB1_8:
0x47: {  	_ =	sfence.sel $0x180000  }
0x48: {  	s2 =	simm.s32 $0x1;
	[bflag:$0x0] =	sbarrier.arrive $0xFFFF  }
0x49: {  	s31 =	simm.s32 $0x2;
	[sflag:s2] =	ssyncpa.u1 $0x1  }
0x4a: {  	[sflag:s31] =	ssyncpa.u1 $0x1  }
0x4b: {  	p0 =	sne.s32 s1, $0x0;
	_ =	strace $0x9000004D  }
0x4c: {  	s0 =	sadd.s32 @!p0 $0x100000, s0;
	[bflag:$0x2] =	sbarrier.arrive $0xFFFF  }
0x4d: {  	[sflag:s0] =	ssyncadd.tile.s32 @!p0 $0x1;
	_ =	shalt  }
.Lfunc_end1:
_tile_overlayer_lowered:
.L_overlay_start_2:
0x4e: {  	(tag) =	ssettag $0x2  }
0x4f: {  	s0 =	rddreg [dreg:$0x0];
	s2 =	stileid.u32  }
0x50: {  	s1 =	rddreg [dreg:$0x1];
	p0 =	sne.s32 s2, $0x0  }
0x51: {  	s3 =	rddreg [dreg:$0x2];
	[bflag:$0x3] =	sbarrier.arrive $0xFFFF;
	s2 =	simm.s32 @!p0 $0x1C01  }
0x52: {  	[timem:s3], [sflag:s2] =	dma.local @!p0 [hbm:s0], s1  }
0x53: {  	s0 =	simm.s32 @!p0 $0x1  }
0x54: {  	_ =	swait.ge @!p0 [sflag:s0], s1  }
0x55: {  	s1 =	ssub.s32 @!p0 $0x0, s1;
	[sflag:s0] =	ssyncset.done @!p0 $0x0  }
0x56: {  	[sflag:s0] =	ssyncadd.s32 @!p0 s1  }
0x57: {  	[bflag:$0x3] =	sbarrier.arrive $0xFFFF  }
0x58: {  	_ =	shalt  }

</sc_bundles>
